<compile_context>
chip_gen: v7x
topology: tpu7x:2x2x1
jax: 0.10.2.dev20260603
libtpu: 0.0.44.dev20260713+nightly
codegen_flags: <defaults>
</compile_context>

<pallas_src>
import functools

import jax
import jax.numpy as jnp
from jax import lax
from jax.experimental import pallas as pl
from jax.experimental.pallas import tpu as pltpu
from jax.experimental.pallas import tpu_sc as plsc

N = 10000
D = 128
E = 320000
OUT = 2

NC = 2
NS = 16
CN = 640
NP = NS * CN
EW1 = E // NS
EW3 = E // (NC * NS)
L = 16


def _sc_coeffs(edge_flat):
  mesh = plsc.VectorSubcoreMesh(
      core_axis_name="c", subcore_axis_name="s", num_cores=NC)

  @functools.partial(
      pl.kernel,
      out_type=jax.ShapeDtypeStruct((3 * NP,), jnp.float32),
      mesh=mesh,
      scratch_types=[
          pltpu.VMEM((EW1,), jnp.int32),
          pltpu.VMEM((EW3,), jnp.int32),
          pltpu.VMEM((EW3,), jnp.int32),
          pltpu.VMEM((EW1,), jnp.float32),
          pltpu.VMEM((EW3,), jnp.float32),
          pltpu.VMEM((CN,), jnp.float32),
          pltpu.VMEM((CN,), jnp.float32),
          pltpu.VMEM_SHARED((NP,), jnp.float32),
          pltpu.VMEM_SHARED((NP,), jnp.float32),
          pltpu.VMEM_SHARED((NP,), jnp.float32),
          pltpu.SemaphoreType.DMA,
          pltpu.SemaphoreType.DMA,
          pltpu.SemaphoreType.DMA,
      ],
  )
  def k(edge_hbm, out_hbm, dst1_v, dst3_v, src3_v, ones_v, val_v, loc_v,
        dinv_v, deg_sh, s_sh, dinv_sh, sem0, sem1, sem2):
    cid = lax.axis_index("c")
    wid = lax.axis_index("s")
    base_n = wid * CN
    base1 = wid * EW1
    base3 = (cid * NS + wid) * EW3

    cp1 = pltpu.async_copy(edge_hbm.at[pl.ds(E + base1, EW1)], dst1_v, sem0)
    cp3d = pltpu.async_copy(edge_hbm.at[pl.ds(E + base3, EW3)], dst3_v, sem1)
    cp3s = pltpu.async_copy(edge_hbm.at[pl.ds(base3, EW3)], src3_v, sem2)

    def fill_ones(i, carry):
      ones_v[pl.ds(i * L, L)] = jnp.full((L,), 1.0, jnp.float32)
      return carry
    lax.fori_loop(0, EW1 // L, fill_ones, 0, unroll=8)
    for j in range(CN // L):
      loc_v[pl.ds(j * L, L)] = jnp.zeros((L,), jnp.float32)

    pltpu.sync_copy(loc_v, deg_sh.at[pl.ds(base_n, CN)])
    pltpu.sync_copy(loc_v, s_sh.at[pl.ds(base_n, CN)])
    plsc.subcore_barrier()

    cp1.wait()
    pltpu.sync_copy(ones_v, deg_sh.at[dst1_v], add=True)
    plsc.subcore_barrier()

    pltpu.sync_copy(deg_sh.at[pl.ds(base_n, CN)], loc_v)
    for j in range(CN // L):
      dg = loc_v[pl.ds(j * L, L)] + 1.0
      y = jnp.full((L,), 0.5, jnp.float32)
      for kk in range(1, 10):
        y = jnp.where(dg >= float(4.0 ** kk), float(0.5 ** (kk + 1)), y)
      for _ in range(6):
        y = y * (1.5 - 0.5 * dg * y * y)
      dinv_v[pl.ds(j * L, L)] = y
    pltpu.sync_copy(dinv_v, dinv_sh.at[pl.ds(base_n, CN)])
    plsc.subcore_barrier()

    cp3d.wait()
    pltpu.sync_copy(dinv_sh.at[dst3_v], val_v)
    cp3s.wait()
    pltpu.sync_copy(val_v, s_sh.at[src3_v], add=True)
    plsc.subcore_barrier()

    pltpu.sync_copy(s_sh.at[pl.ds(base_n, CN)],
                    out_hbm.at[pl.ds(cid * NP + base_n, CN)])
    @pl.when(cid == 0)
    def _():
      pltpu.sync_copy(dinv_v, out_hbm.at[pl.ds(2 * NP + base_n, CN)])

  return k(edge_flat)


def _tc_body(x_ref, p_ref, w0_ref, wih_ref, whh_ref, bih_ref, bhh_ref,
             lw_ref, lb_ref, out_ref):
  w0 = w0_ref[...]
  gates = lax.dot_general(
      w0, wih_ref[...] + whh_ref[...], (((1,), (1,)), ((), ())),
      preferred_element_type=jnp.float32)
  gates = gates + bih_ref[...] + bhh_ref[...]
  ig = jax.nn.sigmoid(gates[:, 0:D])
  fg = jax.nn.sigmoid(gates[:, D:2 * D])
  gg = jnp.tanh(gates[:, 2 * D:3 * D])
  og = jax.nn.sigmoid(gates[:, 3 * D:4 * D])
  cell = fg * w0 + ig * gg
  w_ev = og * jnp.tanh(cell)
  sv = p_ref[0:1, :] + p_ref[1:2, :]
  dv = p_ref[2:3, :]
  c = dv * (sv + dv)
  v = lax.dot_general(c[:, 0:N], x_ref[...], (((1,), (0,)), ((), ())),
                      preferred_element_type=jnp.float32)
  g = lax.dot_general(v, w_ev, (((1,), (0,)), ((), ())),
                      preferred_element_type=jnp.float32) * (1.0 / N)
  out_ref[...] = lax.dot_general(g, lw_ref[...], (((1,), (1,)), ((), ())),
                                 preferred_element_type=jnp.float32) + lb_ref[...]


def kernel(x, edge_index, initial_weight, lstm_W_ih, lstm_W_hh,
           lstm_b_ih, lstm_b_hh, lin_W, lin_b):
  packed = _sc_coeffs(edge_index.reshape(2 * E)).reshape(3, NP)
  return pl.pallas_call(
      _tc_body,
      out_shape=jax.ShapeDtypeStruct((1, OUT), jnp.float32),
  )(x, packed, initial_weight, lstm_W_ih, lstm_W_hh,
    lstm_b_ih.reshape(1, 4 * D), lstm_b_hh.reshape(1, 4 * D),
    lin_W, lin_b.reshape(1, OUT))

# --- scband reference (transcript-rebuilt; emitter-appended) ---
"""Pipeline reference for scband-satellite-evolve-gcn-9088150799041 (READ-ONLY COPY).

The authoritative reference and input builder live on the scoring server;
editing this copy changes nothing except your own understanding.
"""

import jax, jax.numpy as jnp
import numpy as np

N = 10000
D = 128
E = 320000
OUT = 2


def setup_inputs(seed: int = 0) -> dict:
    key = jax.random.key(seed)
    ks = jax.random.split(key, 10)
    x = jax.random.normal(ks[0], (N, D), dtype=jnp.float32)
    edge_index = jax.random.randint(ks[1], (2, E), 0, N, dtype=jnp.int32)
    s = 1.0 / np.sqrt(D)
    initial_weight = jax.random.normal(ks[2], (D, D), dtype=jnp.float32) * s
    lstm_W_ih = jax.random.normal(ks[3], (4 * D, D), dtype=jnp.float32) * s
    lstm_W_hh = jax.random.normal(ks[4], (4 * D, D), dtype=jnp.float32) * s
    lstm_b_ih = jax.random.normal(ks[5], (4 * D,), dtype=jnp.float32) * s
    lstm_b_hh = jax.random.normal(ks[6], (4 * D,), dtype=jnp.float32) * s
    lin_W = jax.random.normal(ks[7], (OUT, D), dtype=jnp.float32) * s
    lin_b = jax.random.normal(ks[8], (OUT,), dtype=jnp.float32) * s
    return {"x": x, "edge_index": edge_index, "initial_weight": initial_weight,
            "lstm_W_ih": lstm_W_ih, "lstm_W_hh": lstm_W_hh,
            "lstm_b_ih": lstm_b_ih, "lstm_b_hh": lstm_b_hh,
            "lin_W": lin_W, "lin_b": lin_b}


def _evolve_weight(initial_weight, W_ih, W_hh, b_ih, b_hh):
    # EvolveGCN-O: one LSTM step where input = h0 = c0 = initial_weight
    # (rows of the GCN weight matrix are treated as the LSTM batch).
    xw = initial_weight
    h0 = initial_weight
    c0 = initial_weight
    gates = xw @ W_ih.T + b_ih + h0 @ W_hh.T + b_hh
    i, f, g, o = jnp.split(gates, 4, axis=-1)
    i = jax.nn.sigmoid(i)
    f = jax.nn.sigmoid(f)
    g = jnp.tanh(g)
    o = jax.nn.sigmoid(o)
    c = f * c0 + i * g
    h = o * jnp.tanh(c)
    return h  # evolved GCN weight [D, D]


def _gcn_fixed_w(W, x, edge_index):
    n = x.shape[0]
    src = edge_index[0]
    dst = edge_index[1]
    loop = jnp.arange(n, dtype=src.dtype)
    src2 = jnp.concatenate([src, loop])
    dst2 = jnp.concatenate([dst, loop])
    ew = jnp.ones(src2.shape[0], dtype=x.dtype)
    deg = jnp.zeros(n, dtype=x.dtype).at[dst2].add(ew)
    dinv = jnp.where(deg > 0, jax.lax.rsqrt(deg), 0.0)
    norm = dinv[src2] * ew * dinv[dst2]
    xw = x @ W
    msg = xw[src2] * norm[:, None]
    out = jnp.zeros((n, xw.shape[1]), dtype=x.dtype).at[dst2].add(msg)
    return out


def reference(x, edge_index, initial_weight, lstm_W_ih, lstm_W_hh, lstm_b_ih, lstm_b_hh, lin_W, lin_b):
    # Single-snapshot temporal sequence (data_list of length 1).
    W = _evolve_weight(initial_weight, lstm_W_ih, lstm_W_hh, lstm_b_ih, lstm_b_hh)
    h = _gcn_fixed_w(W, x, edge_index)
    # global mean pool (all nodes -> one graph)
    g = jnp.mean(h, axis=0, keepdims=True)
    logits = g @ lin_W.T + lin_b
    return logits

if __name__ == "__main__":
    import jax
    _d = setup_inputs()
    print(jax.jit(kernel)(*tuple(_d.values())))

</pallas_src>

<mosaic_0001>
#map = affine_map<(d0, d1) -> (0)>
module attributes {stable_mosaic.version = 14 : i64} {
  func.func @k(%arg0: i32, %arg1: i32, %arg2: memref<640000xi32, #tpu.memory_space<hbm>>, %arg3: memref<30720xf32, #tpu.memory_space<hbm>>, %arg4: memref<20000xi32, #tpu.memory_space<vmem>>, %arg5: memref<10000xi32, #tpu.memory_space<vmem>>, %arg6: memref<10000xi32, #tpu.memory_space<vmem>>, %arg7: memref<20000xf32, #tpu.memory_space<vmem>>, %arg8: memref<10000xf32, #tpu.memory_space<vmem>>, %arg9: memref<640xf32, #tpu.memory_space<vmem>>, %arg10: memref<640xf32, #tpu.memory_space<vmem>>, %arg11: memref<10240xf32, #tpu.memory_space<vmem_shared>>, %arg12: memref<10240xf32, #tpu.memory_space<vmem_shared>>, %arg13: memref<10240xf32, #tpu.memory_space<vmem_shared>>, %arg14: memref<!tpu.dma_semaphore, #tpu.memory_space<semaphore_mem>>, %arg15: memref<!tpu.dma_semaphore, #tpu.memory_space<semaphore_mem>>, %arg16: memref<!tpu.dma_semaphore, #tpu.memory_space<semaphore_mem>>) attributes {dimension_semantics = [#tpu.dimension_semantics<core_parallel>, #tpu.dimension_semantics<subcore_parallel>], iteration_bounds = array<i64: 2, 16>, scalar_prefetch = 0 : i64, scratch_operands = 13 : i64, tpu.core_type = #tpu.core_type<sc_vector_subcore>, window_params = [{transform_indices = #map}, {transform_indices = #map}]} {
    %mul3A = arith.constant 640 : i32
    %mul3A_0 = arith.muli %arg1, %mul3A : i32
    %mul3A_1 = arith.constant 20000 : i32
    %mul3A_2 = arith.muli %arg1, %mul3A_1 : i32
    %mul3A_3 = arith.constant 16 : i32
    %mul3A_4 = arith.muli %arg0, %mul3A_3 : i32
    %add3A = arith.addi %mul3A_4, %arg1 : i32
    %mul3A_5 = arith.constant 10000 : i32
    %mul3A_6 = arith.muli %add3A, %mul3A_5 : i32
    %add3A_7 = arith.constant 320000 : i32
    %add3A_8 = arith.addi %add3A_7, %mul3A_2 : i32
    %dma_start3A = tpu.memref_slice %arg2[%add3A_8] : memref<640000xi32, #tpu.memory_space<hbm>> -> memref<20000xi32, #tpu.memory_space<hbm>>
    %dma_start3A_9 = tpu.memref_slice %arg2[%add3A_8] : memref<640000xi32, #tpu.memory_space<hbm>> -> memref<20000xi32, #tpu.memory_space<hbm>>
    tpu.enqueue_dma source(%dma_start3A_9 : memref<20000xi32, #tpu.memory_space<hbm>>) target(%arg4 : memref<20000xi32, #tpu.memory_space<vmem>>) target_semaphore(%arg14 : memref<!tpu.dma_semaphore, #tpu.memory_space<semaphore_mem>>)
    %add3A_10 = arith.constant 320000 : i32
    %add3A_11 = arith.addi %add3A_10, %mul3A_6 : i32
    %dma_start3A_12 = tpu.memref_slice %arg2[%add3A_11] : memref<640000xi32, #tpu.memory_space<hbm>> -> memref<10000xi32, #tpu.memory_space<hbm>>
    %dma_start3A_13 = tpu.memref_slice %arg2[%add3A_11] : memref<640000xi32, #tpu.memory_space<hbm>> -> memref<10000xi32, #tpu.memory_space<hbm>>
    tpu.enqueue_dma source(%dma_start3A_13 : memref<10000xi32, #tpu.memory_space<hbm>>) target(%arg5 : memref<10000xi32, #tpu.memory_space<vmem>>) target_semaphore(%arg15 : memref<!tpu.dma_semaphore, #tpu.memory_space<semaphore_mem>>)
    %dma_start3A_14 = tpu.memref_slice %arg2[%mul3A_6] : memref<640000xi32, #tpu.memory_space<hbm>> -> memref<10000xi32, #tpu.memory_space<hbm>>
    %dma_start3A_15 = tpu.memref_slice %arg2[%mul3A_6] : memref<640000xi32, #tpu.memory_space<hbm>> -> memref<10000xi32, #tpu.memory_space<hbm>>
    tpu.enqueue_dma source(%dma_start3A_15 : memref<10000xi32, #tpu.memory_space<hbm>>) target(%arg6 : memref<10000xi32, #tpu.memory_space<vmem>>) target_semaphore(%arg16 : memref<!tpu.dma_semaphore, #tpu.memory_space<semaphore_mem>>)
    %scan3A = arith.constant 0 : i32
    %scan3A_16 = arith.constant 0 : i32
    %scan3A_17 = arith.constant 1248 : i32
    %scan3A_18 = arith.addi %scan3A_16, %scan3A_17 : i32
    %scan3A_19 = arith.constant 8 : i32
    scf.for %scan3A_5087 = %scan3A_16 to %scan3A_18 step %scan3A_19  : i32 {
      %broadcast_in_dim3A_5088 = arith.constant 1.000000e+00 : f32
      %broadcast_in_dim3A_5089 = vector.broadcast %broadcast_in_dim3A_5088 : f32 to vector<16xf32>
      %mul3A_5090 = arith.constant 16 : i32
      %mul3A_5091 = arith.muli %scan3A_5087, %mul3A_5090 : i32
      %swap3A_5092 = arith.index_cast %mul3A_5091 : i32 to index
      %swap3A_5093 = tpu.vector_load %arg7[%swap3A_5092] {strides = array<i32>} : memref<20000xf32, #tpu.memory_space<vmem>>, vector<16xf32>,
      %swap3A_5094 = vector.shape_cast %swap3A_5093 : vector<16xf32> to vector<16xf32>
      %swap3A_5095 = vector.shape_cast %broadcast_in_dim3A_5089 : vector<16xf32> to vector<16xf32>
      tpu.vector_store %arg7[%swap3A_5092], %swap3A_5095 {strides = array<i32>} : memref<20000xf32, #tpu.memory_space<vmem>>, vector<16xf32>,
      %scan3A_5096 = arith.constant 1 : i32
      %scan3A_5097 = arith.addi %scan3A_5087, %scan3A_5096 : i32
      %broadcast_in_dim3A_5098 = arith.constant 1.000000e+00 : f32
      %broadcast_in_dim3A_5099 = vector.broadcast %broadcast_in_dim3A_5098 : f32 to vector<16xf32>
      %mul3A_5100 = arith.constant 16 : i32
      %mul3A_5101 = arith.muli %scan3A_5097, %mul3A_5100 : i32
      %swap3A_5102 = arith.index_cast %mul3A_5101 : i32 to index
      %swap3A_5103 = tpu.vector_load %arg7[%swap3A_5102] {strides = array<i32>} : memref<20000xf32, #tpu.memory_space<vmem>>, vector<16xf32>,
      %swap3A_5104 = vector.shape_cast %swap3A_5103 : vector<16xf32> to vector<16xf32>
      %swap3A_5105 = vector.shape_cast %broadcast_in_dim3A_5099 : vector<16xf32> to vector<16xf32>
      tpu.vector_store %arg7[%swap3A_5102], %swap3A_5105 {strides = array<i32>} : memref<20000xf32, #tpu.memory_space<vmem>>, vector<16xf32>,
      %scan3A_5106 = arith.constant 2 : i32
      %scan3A_5107 = arith.addi %scan3A_5087, %scan3A_5106 : i32
      %broadcast_in_dim3A_5108 = arith.constant 1.000000e+00 : f32
      %broadcast_in_dim3A_5109 = vector.broadcast %broadcast_in_dim3A_5108 : f32 to vector<16xf32>
      %mul3A_5110 = arith.constant 16 : i32
      %mul3A_5111 = arith.muli %scan3A_5107, %mul3A_5110 : i32
      %swap3A_5112 = arith.index_cast %mul3A_5111 : i32 to index
      %swap3A_5113 = tpu.vector_load %arg7[%swap3A_5112] {strides = array<i32>} : memref<20000xf32, #tpu.memory_space<vmem>>, vector<16xf32>,
      %swap3A_5114 = vector.shape_cast %swap3A_5113 : vector<16xf32> to vector<16xf32>
      %swap3A_5115 = vector.shape_cast %broadcast_in_dim3A_5109 : vector<16xf32> to vector<16xf32>
      tpu.vector_store %arg7[%swap3A_5112], %swap3A_5115 {strides = array<i32>} : memref<20000xf32, #tpu.memory_space<vmem>>, vector<16xf32>,
      %scan3A_5116 = arith.constant 3 : i32
      %scan3A_5117 = arith.addi %scan3A_5087, %scan3A_5116 : i32
      %broadcast_in_dim3A_5118 = arith.constant 1.000000e+00 : f32
      %broadcast_in_dim3A_5119 = vector.broadcast %broadcast_in_dim3A_5118 : f32 to vector<16xf32>
      %mul3A_5120 = arith.constant 16 : i32
      %mul3A_5121 = arith.muli %scan3A_5117, %mul3A_5120 : i32
      %swap3A_5122 = arith.index_cast %mul3A_5121 : i32 to index
      %swap3A_5123 = tpu.vector_load %arg7[%swap3A_5122] {strides = array<i32>} : memref<20000xf32, #tpu.memory_space<vmem>>, vector<16xf32>,
      %swap3A_5124 = vector.shape_cast %swap3A_5123 : vector<16xf32> to vector<16xf32>
      %swap3A_5125 = vector.shape_cast %broadcast_in_dim3A_5119 : vector<16xf32> to vector<16xf32>
      tpu.vector_store %arg7[%swap3A_5122], %swap3A_5125 {strides = array<i32>} : memref<20000xf32, #tpu.memory_space<vmem>>, vector<16xf32>,
      %scan3A_5126 = arith.constant 4 : i32
      %scan3A_5127 = arith.addi %scan3A_5087, %scan3A_5126 : i32
      %broadcast_in_dim3A_5128 = arith.constant 1.000000e+00 : f32
      %broadcast_in_dim3A_5129 = vector.broadcast %broadcast_in_dim3A_5128 : f32 to vector<16xf32>
      %mul3A_5130 = arith.constant 16 : i32
      %mul3A_5131 = arith.muli %scan3A_5127, %mul3A_5130 : i32
      %swap3A_5132 = arith.index_cast %mul3A_5131 : i32 to index
      %swap3A_5133 = tpu.vector_load %arg7[%swap3A_5132] {strides = array<i32>} : memref<20000xf32, #tpu.memory_space<vmem>>, vector<16xf32>,
      %swap3A_5134 = vector.shape_cast %swap3A_5133 : vector<16xf32> to vector<16xf32>
      %swap3A_5135 = vector.shape_cast %broadcast_in_dim3A_5129 : vector<16xf32> to vector<16xf32>
      tpu.vector_store %arg7[%swap3A_5132], %swap3A_5135 {strides = array<i32>} : memref<20000xf32, #tpu.memory_space<vmem>>, vector<16xf32>,
      %scan3A_5136 = arith.constant 5 : i32
      %scan3A_5137 = arith.addi %scan3A_5087, %scan3A_5136 : i32
      %broadcast_in_dim3A_5138 = arith.constant 1.000000e+00 : f32
      %broadcast_in_dim3A_5139 = vector.broadcast %broadcast_in_dim3A_5138 : f32 to vector<16xf32>
      %mul3A_5140 = arith.constant 16 : i32
      %mul3A_5141 = arith.muli %scan3A_5137, %mul3A_5140 : i32
      %swap3A_5142 = arith.index_cast %mul3A_5141 : i32 to index
      %swap3A_5143 = tpu.vector_load %arg7[%swap3A_5142] {strides = array<i32>} : memref<20000xf32, #tpu.memory_space<vmem>>, vector<16xf32>,
      %swap3A_5144 = vector.shape_cast %swap3A_5143 : vector<16xf32> to vector<16xf32>
      %swap3A_5145 = vector.shape_cast %broadcast_in_dim3A_5139 : vector<16xf32> to vector<16xf32>
      tpu.vector_store %arg7[%swap3A_5142], %swap3A_5145 {strides = array<i32>} : memref<20000xf32, #tpu.memory_space<vmem>>, vector<16xf32>,
      %scan3A_5146 = arith.constant 6 : i32
      %scan3A_5147 = arith.addi %scan3A_5087, %scan3A_5146 : i32
      %broadcast_in_dim3A_5148 = arith.constant 1.000000e+00 : f32
      %broadcast_in_dim3A_5149 = vector.broadcast %broadcast_in_dim3A_5148 : f32 to vector<16xf32>
      %mul3A_5150 = arith.constant 16 : i32
      %mul3A_5151 = arith.muli %scan3A_5147, %mul3A_5150 : i32
      %swap3A_5152 = arith.index_cast %mul3A_5151 : i32 to index
      %swap3A_5153 = tpu.vector_load %arg7[%swap3A_5152] {strides = array<i32>} : memref<20000xf32, #tpu.memory_space<vmem>>, vector<16xf32>,
      %swap3A_5154 = vector.shape_cast %swap3A_5153 : vector<16xf32> to vector<16xf32>
      %swap3A_5155 = vector.shape_cast %broadcast_in_dim3A_5149 : vector<16xf32> to vector<16xf32>
      tpu.vector_store %arg7[%swap3A_5152], %swap3A_5155 {strides = array<i32>} : memref<20000xf32, #tpu.memory_space<vmem>>, vector<16xf32>,
      %scan3A_5156 = arith.constant 7 : i32
      %scan3A_5157 = arith.addi %scan3A_5087, %scan3A_5156 : i32
      %broadcast_in_dim3A_5158 = arith.constant 1.000000e+00 : f32
      %broadcast_in_dim3A_5159 = vector.broadcast %broadcast_in_dim3A_5158 : f32 to vector<16xf32>
      %mul3A_5160 = arith.constant 16 : i32
      %mul3A_5161 = arith.muli %scan3A_5157, %mul3A_5160 : i32
      %swap3A_5162 = arith.index_cast %mul3A_5161 : i32 to index
      %swap3A_5163 = tpu.vector_load %arg7[%swap3A_5162] {strides = array<i32>} : memref<20000xf32, #tpu.memory_space<vmem>>, vector<16xf32>,
      %swap3A_5164 = vector.shape_cast %swap3A_5163 : vector<16xf32> to vector<16xf32>
      %swap3A_5165 = vector.shape_cast %broadcast_in_dim3A_5159 : vector<16xf32> to vector<16xf32>
      tpu.vector_store %arg7[%swap3A_5162], %swap3A_5165 {strides = array<i32>} : memref<20000xf32, #tpu.memory_space<vmem>>, vector<16xf32>,
    }
    %scan3A_20 = arith.constant 1248 : i32
    %scan3A_21 = arith.addi %scan3A_16, %scan3A_20 : i32
    %broadcast_in_dim3A = arith.constant 1.000000e+00 : f32
    %broadcast_in_dim3A_22 = vector.broadcast %broadcast_in_dim3A : f32 to vector<16xf32>
    %mul3A_23 = arith.constant 16 : i32
    %mul3A_24 = arith.muli %scan3A_21, %mul3A_23 : i32
    %swap3A = arith.index_cast %mul3A_24 : i32 to index
    %swap3A_25 = tpu.vector_load %arg7[%swap3A] {strides = array<i32>} : memref<20000xf32, #tpu.memory_space<vmem>>, vector<16xf32>,
    %swap3A_26 = vector.shape_cast %swap3A_25 : vector<16xf32> to vector<16xf32>
    %swap3A_27 = vector.shape_cast %broadcast_in_dim3A_22 : vector<16xf32> to vector<16xf32>
    tpu.vector_store %arg7[%swap3A], %swap3A_27 {strides = array<i32>} : memref<20000xf32, #tpu.memory_space<vmem>>, vector<16xf32>,
    %scan3A_28 = arith.constant 1249 : i32
    %scan3A_29 = arith.addi %scan3A_16, %scan3A_28 : i32
    %broadcast_in_dim3A_30 = arith.constant 1.000000e+00 : f32
    %broadcast_in_dim3A_31 = vector.broadcast %broadcast_in_dim3A_30 : f32 to vector<16xf32>
    %mul3A_32 = arith.constant 16 : i32
    %mul3A_33 = arith.muli %scan3A_29, %mul3A_32 : i32
    %swap3A_34 = arith.index_cast %mul3A_33 : i32 to index
    %swap3A_35 = tpu.vector_load %arg7[%swap3A_34] {strides = array<i32>} : memref<20000xf32, #tpu.memory_space<vmem>>, vector<16xf32>,
    %swap3A_36 = vector.shape_cast %swap3A_35 : vector<16xf32> to vector<16xf32>
    %swap3A_37 = vector.shape_cast %broadcast_in_dim3A_31 : vector<16xf32> to vector<16xf32>
    tpu.vector_store %arg7[%swap3A_34], %swap3A_37 {strides = array<i32>} : memref<20000xf32, #tpu.memory_space<vmem>>, vector<16xf32>,
    %scan3A_38 = arith.constant 1250 : i32
    %broadcast_in_dim3A_39 = arith.constant 0.000000e+00 : f32
    %broadcast_in_dim3A_40 = vector.broadcast %broadcast_in_dim3A_39 : f32 to vector<16xf32>
    %swap3A_41 = arith.constant 0 : index
    %swap3A_42 = tpu.vector_load %arg9[%swap3A_41] {strides = array<i32>} : memref<640xf32, #tpu.memory_space<vmem>>, vector<16xf32>,
    %swap3A_43 = vector.shape_cast %swap3A_42 : vector<16xf32> to vector<16xf32>
    %swap3A_44 = vector.shape_cast %broadcast_in_dim3A_40 : vector<16xf32> to vector<16xf32>
    tpu.vector_store %arg9[%swap3A_41], %swap3A_44 {strides = array<i32>} : memref<640xf32, #tpu.memory_space<vmem>>, vector<16xf32>,
    %broadcast_in_dim3A_45 = arith.constant 0.000000e+00 : f32
    %broadcast_in_dim3A_46 = vector.broadcast %broadcast_in_dim3A_45 : f32 to vector<16xf32>
    %swap3A_47 = arith.constant 16 : index
    %swap3A_48 = tpu.vector_load %arg9[%swap3A_47] {strides = array<i32>} : memref<640xf32, #tpu.memory_space<vmem>>, vector<16xf32>,
    %swap3A_49 = vector.shape_cast %swap3A_48 : vector<16xf32> to vector<16xf32>
    %swap3A_50 = vector.shape_cast %broadcast_in_dim3A_46 : vector<16xf32> to vector<16xf32>
    tpu.vector_store %arg9[%swap3A_47], %swap3A_50 {strides = array<i32>} : memref<640xf32, #tpu.memory_space<vmem>>, vector<16xf32>,
    %broadcast_in_dim3A_51 = arith.constant 0.000000e+00 : f32
    %broadcast_in_dim3A_52 = vector.broadcast %broadcast_in_dim3A_51 : f32 to vector<16xf32>
    %swap3A_53 = arith.constant 32 : index
    %swap3A_54 = tpu.vector_load %arg9[%swap3A_53] {strides = array<i32>} : memref<640xf32, #tpu.memory_space<vmem>>, vector<16xf32>,
    %swap3A_55 = vector.shape_cast %swap3A_54 : vector<16xf32> to vector<16xf32>
    %swap3A_56 = vector.shape_cast %broadcast_in_dim3A_52 : vector<16xf32> to vector<16xf32>
    tpu.vector_store %arg9[%swap3A_53], %swap3A_56 {strides = array<i32>} : memref<640xf32, #tpu.memory_space<vmem>>, vector<16xf32>,
    %broadcast_in_dim3A_57 = arith.constant 0.000000e+00 : f32
    %broadcast_in_dim3A_58 = vector.broadcast %broadcast_in_dim3A_57 : f32 to vector<16xf32>
    %swap3A_59 = arith.constant 48 : index
    %swap3A_60 = tpu.vector_load %arg9[%swap3A_59] {strides = array<i32>} : memref<640xf32, #tpu.memory_space<vmem>>, vector<16xf32>,
    %swap3A_61 = vector.shape_cast %swap3A_60 : vector<16xf32> to vector<16xf32>
    %swap3A_62 = vector.shape_cast %broadcast_in_dim3A_58 : vector<16xf32> to vector<16xf32>
    tpu.vector_store %arg9[%swap3A_59], %swap3A_62 {strides = array<i32>} : memref<640xf32, #tpu.memory_space<vmem>>, vector<16xf32>,
    %broadcast_in_dim3A_63 = arith.constant 0.000000e+00 : f32
    %broadcast_in_dim3A_64 = vector.broadcast %broadcast_in_dim3A_63 : f32 to vector<16xf32>
    %swap3A_65 = arith.constant 64 : index
    %swap3A_66 = tpu.vector_load %arg9[%swap3A_65] {strides = array<i32>} : memref<640xf32, #tpu.memory_space<vmem>>, vector<16xf32>,
    %swap3A_67 = vector.shape_cast %swap3A_66 : vector<16xf32> to vector<16xf32>
    %swap3A_68 = vector.shape_cast %broadcast_in_dim3A_64 : vector<16xf32> to vector<16xf32>
    tpu.vector_store %arg9[%swap3A_65], %swap3A_68 {strides = array<i32>} : memref<640xf32, #tpu.memory_space<vmem>>, vector<16xf32>,
    %broadcast_in_dim3A_69 = arith.constant 0.000000e+00 : f32
    %broadcast_in_dim3A_70 = vector.broadcast %broadcast_in_dim3A_69 : f32 to vector<16xf32>
    %swap3A_71 = arith.constant 80 : index
    %swap3A_72 = tpu.vector_load %arg9[%swap3A_71] {strides = array<i32>} : memref<640xf32, #tpu.memory_space<vmem>>, vector<16xf32>,
    %swap3A_73 = vector.shape_cast %swap3A_72 : vector<16xf32> to vector<16xf32>
    %swap3A_74 = vector.shape_cast %broadcast_in_dim3A_70 : vector<16xf32> to vector<16xf32>
    tpu.vector_store %arg9[%swap3A_71], %swap3A_74 {strides = array<i32>} : memref<640xf32, #tpu.memory_space<vmem>>, vector<16xf32>,
    %broadcast_in_dim3A_75 = arith.constant 0.000000e+00 : f32
    %broadcast_in_dim3A_76 = vector.broadcast %broadcast_in_dim3A_75 : f32 to vector<16xf32>
    %swap3A_77 = arith.constant 96 : index
    %swap3A_78 = tpu.vector_load %arg9[%swap3A_77] {strides = array<i32>} : memref<640xf32, #tpu.memory_space<vmem>>, vector<16xf32>,
    %swap3A_79 = vector.shape_cast %swap3A_78 : vector<16xf32> to vector<16xf32>
    %swap3A_80 = vector.shape_cast %broadcast_in_dim3A_76 : vector<16xf32> to vector<16xf32>
    tpu.vector_store %arg9[%swap3A_77], %swap3A_80 {strides = array<i32>} : memref<640xf32, #tpu.memory_space<vmem>>, vector<16xf32>,
    %broadcast_in_dim3A_81 = arith.constant 0.000000e+00 : f32
    %broadcast_in_dim3A_82 = vector.broadcast %broadcast_in_dim3A_81 : f32 to vector<16xf32>
    %swap3A_83 = arith.constant 112 : index
    %swap3A_84 = tpu.vector_load %arg9[%swap3A_83] {strides = array<i32>} : memref<640xf32, #tpu.memory_space<vmem>>, vector<16xf32>,
    %swap3A_85 = vector.shape_cast %swap3A_84 : vector<16xf32> to vector<16xf32>
    %swap3A_86 = vector.shape_cast %broadcast_in_dim3A_82 : vector<16xf32> to vector<16xf32>
    tpu.vector_store %arg9[%swap3A_83], %swap3A_86 {strides = array<i32>} : memref<640xf32, #tpu.memory_space<vmem>>, vector<16xf32>,
    %broadcast_in_dim3A_87 = arith.constant 0.000000e+00 : f32
    %broadcast_in_dim3A_88 = vector.broadcast %broadcast_in_dim3A_87 : f32 to vector<16xf32>
    %swap3A_89 = arith.constant 128 : index
    %swap3A_90 = tpu.vector_load %arg9[%swap3A_89] {strides = array<i32>} : memref<640xf32, #tpu.memory_space<vmem>>, vector<16xf32>,
    %swap3A_91 = vector.shape_cast %swap3A_90 : vector<16xf32> to vector<16xf32>
    %swap3A_92 = vector.shape_cast %broadcast_in_dim3A_88 : vector<16xf32> to vector<16xf32>
    tpu.vector_store %arg9[%swap3A_89], %swap3A_92 {strides = array<i32>} : memref<640xf32, #tpu.memory_space<vmem>>, vector<16xf32>,
    %broadcast_in_dim3A_93 = arith.constant 0.000000e+00 : f32
    %broadcast_in_dim3A_94 = vector.broadcast %broadcast_in_dim3A_93 : f32 to vector<16xf32>
    %swap3A_95 = arith.constant 144 : index
    %swap3A_96 = tpu.vector_load %arg9[%swap3A_95] {strides = array<i32>} : memref<640xf32, #tpu.memory_space<vmem>>, vector<16xf32>,
    %swap3A_97 = vector.shape_cast %swap3A_96 : vector<16xf32> to vector<16xf32>
    %swap3A_98 = vector.shape_cast %broadcast_in_dim3A_94 : vector<16xf32> to vector<16xf32>
    tpu.vector_store %arg9[%swap3A_95], %swap3A_98 {strides = array<i32>} : memref<640xf32, #tpu.memory_space<vmem>>, vector<16xf32>,
    %broadcast_in_dim3A_99 = arith.constant 0.000000e+00 : f32
    %broadcast_in_dim3A_100 = vector.broadcast %broadcast_in_dim3A_99 : f32 to vector<16xf32>
    %swap3A_101 = arith.constant 160 : index
    %swap3A_102 = tpu.vector_load %arg9[%swap3A_101] {strides = array<i32>} : memref<640xf32, #tpu.memory_space<vmem>>, vector<16xf32>,
    %swap3A_103 = vector.shape_cast %swap3A_102 : vector<16xf32> to vector<16xf32>
    %swap3A_104 = vector.shape_cast %broadcast_in_dim3A_100 : vector<16xf32> to vector<16xf32>
    tpu.vector_store %arg9[%swap3A_101], %swap3A_104 {strides = array<i32>} : memref<640xf32, #tpu.memory_space<vmem>>, vector<16xf32>,
    %broadcast_in_dim3A_105 = arith.constant 0.000000e+00 : f32
    %broadcast_in_dim3A_106 = vector.broadcast %broadcast_in_dim3A_105 : f32 to vector<16xf32>
    %swap3A_107 = arith.constant 176 : index
    %swap3A_108 = tpu.vector_load %arg9[%swap3A_107] {strides = array<i32>} : memref<640xf32, #tpu.memory_space<vmem>>, vector<16xf32>,
    %swap3A_109 = vector.shape_cast %swap3A_108 : vector<16xf32> to vector<16xf32>
    %swap3A_110 = vector.shape_cast %broadcast_in_dim3A_106 : vector<16xf32> to vector<16xf32>
    tpu.vector_store %arg9[%swap3A_107], %swap3A_110 {strides = array<i32>} : memref<640xf32, #tpu.memory_space<vmem>>, vector<16xf32>,
    %broadcast_in_dim3A_111 = arith.constant 0.000000e+00 : f32
    %broadcast_in_dim3A_112 = vector.broadcast %broadcast_in_dim3A_111 : f32 to vector<16xf32>
    %swap3A_113 = arith.constant 192 : index
    %swap3A_114 = tpu.vector_load %arg9[%swap3A_113] {strides = array<i32>} : memref<640xf32, #tpu.memory_space<vmem>>, vector<16xf32>,
    %swap3A_115 = vector.shape_cast %swap3A_114 : vector<16xf32> to vector<16xf32>
    %swap3A_116 = vector.shape_cast %broadcast_in_dim3A_112 : vector<16xf32> to vector<16xf32>
    tpu.vector_store %arg9[%swap3A_113], %swap3A_116 {strides = array<i32>} : memref<640xf32, #tpu.memory_space<vmem>>, vector<16xf32>,
    %broadcast_in_dim3A_117 = arith.constant 0.000000e+00 : f32
    %broadcast_in_dim3A_118 = vector.broadcast %broadcast_in_dim3A_117 : f32 to vector<16xf32>
    %swap3A_119 = arith.constant 208 : index
    %swap3A_120 = tpu.vector_load %arg9[%swap3A_119] {strides = array<i32>} : memref<640xf32, #tpu.memory_space<vmem>>, vector<16xf32>,
    %swap3A_121 = vector.shape_cast %swap3A_120 : vector<16xf32> to vector<16xf32>
    %swap3A_122 = vector.shape_cast %broadcast_in_dim3A_118 : vector<16xf32> to vector<16xf32>
    tpu.vector_store %arg9[%swap3A_119], %swap3A_122 {strides = array<i32>} : memref<640xf32, #tpu.memory_space<vmem>>, vector<16xf32>,
    %broadcast_in_dim3A_123 = arith.constant 0.000000e+00 : f32
    %broadcast_in_dim3A_124 = vector.broadcast %broadcast_in_dim3A_123 : f32 to vector<16xf32>
    %swap3A_125 = arith.constant 224 : index
    %swap3A_126 = tpu.vector_load %arg9[%swap3A_125] {strides = array<i32>} : memref<640xf32, #tpu.memory_space<vmem>>, vector<16xf32>,
    %swap3A_127 = vector.shape_cast %swap3A_126 : vector<16xf32> to vector<16xf32>
    %swap3A_128 = vector.shape_cast %broadcast_in_dim3A_124 : vector<16xf32> to vector<16xf32>
    tpu.vector_store %arg9[%swap3A_125], %swap3A_128 {strides = array<i32>} : memref<640xf32, #tpu.memory_space<vmem>>, vector<16xf32>,
    %broadcast_in_dim3A_129 = arith.constant 0.000000e+00 : f32
    %broadcast_in_dim3A_130 = vector.broadcast %broadcast_in_dim3A_129 : f32 to vector<16xf32>
    %swap3A_131 = arith.constant 240 : index
    %swap3A_132 = tpu.vector_load %arg9[%swap3A_131] {strides = array<i32>} : memref<640xf32, #tpu.memory_space<vmem>>, vector<16xf32>,
    %swap3A_133 = vector.shape_cast %swap3A_132 : vector<16xf32> to vector<16xf32>
    %swap3A_134 = vector.shape_cast %broadcast_in_dim3A_130 : vector<16xf32> to vector<16xf32>
    tpu.vector_store %arg9[%swap3A_131], %swap3A_134 {strides = array<i32>} : memref<640xf32, #tpu.memory_space<vmem>>, vector<16xf32>,
    %broadcast_in_dim3A_135 = arith.constant 0.000000e+00 : f32
    %broadcast_in_dim3A_136 = vector.broadcast %broadcast_in_dim3A_135 : f32 to vector<16xf32>
    %swap3A_137 = arith.constant 256 : index
    %swap3A_138 = tpu.vector_load %arg9[%swap3A_137] {strides = array<i32>} : memref<640xf32, #tpu.memory_space<vmem>>, vector<16xf32>,
    %swap3A_139 = vector.shape_cast %swap3A_138 : vector<16xf32> to vector<16xf32>
    %swap3A_140 = vector.shape_cast %broadcast_in_dim3A_136 : vector<16xf32> to vector<16xf32>
    tpu.vector_store %arg9[%swap3A_137], %swap3A_140 {strides = array<i32>} : memref<640xf32, #tpu.memory_space<vmem>>, vector<16xf32>,
    %broadcast_in_dim3A_141 = arith.constant 0.000000e+00 : f32
    %broadcast_in_dim3A_142 = vector.broadcast %broadcast_in_dim3A_141 : f32 to vector<16xf32>
    %swap3A_143 = arith.constant 272 : index
    %swap3A_144 = tpu.vector_load %arg9[%swap3A_143] {strides = array<i32>} : memref<640xf32, #tpu.memory_space<vmem>>, vector<16xf32>,
    %swap3A_145 = vector.shape_cast %swap3A_144 : vector<16xf32> to vector<16xf32>
    %swap3A_146 = vector.shape_cast %broadcast_in_dim3A_142 : vector<16xf32> to vector<16xf32>
    tpu.vector_store %arg9[%swap3A_143], %swap3A_146 {strides = array<i32>} : memref<640xf32, #tpu.memory_space<vmem>>, vector<16xf32>,
    %broadcast_in_dim3A_147 = arith.constant 0.000000e+00 : f32
    %broadcast_in_dim3A_148 = vector.broadcast %broadcast_in_dim3A_147 : f32 to vector<16xf32>
    %swap3A_149 = arith.constant 288 : index
    %swap3A_150 = tpu.vector_load %arg9[%swap3A_149] {strides = array<i32>} : memref<640xf32, #tpu.memory_space<vmem>>, vector<16xf32>,
    %swap3A_151 = vector.shape_cast %swap3A_150 : vector<16xf32> to vector<16xf32>
    %swap3A_152 = vector.shape_cast %broadcast_in_dim3A_148 : vector<16xf32> to vector<16xf32>
    tpu.vector_store %arg9[%swap3A_149], %swap3A_152 {strides = array<i32>} : memref<640xf32, #tpu.memory_space<vmem>>, vector<16xf32>,
    %broadcast_in_dim3A_153 = arith.constant 0.000000e+00 : f32
    %broadcast_in_dim3A_154 = vector.broadcast %broadcast_in_dim3A_153 : f32 to vector<16xf32>
    %swap3A_155 = arith.constant 304 : index
    %swap3A_156 = tpu.vector_load %arg9[%swap3A_155] {strides = array<i32>} : memref<640xf32, #tpu.memory_space<vmem>>, vector<16xf32>,
    %swap3A_157 = vector.shape_cast %swap3A_156 : vector<16xf32> to vector<16xf32>
    %swap3A_158 = vector.shape_cast %broadcast_in_dim3A_154 : vector<16xf32> to vector<16xf32>
    tpu.vector_store %arg9[%swap3A_155], %swap3A_158 {strides = array<i32>} : memref<640xf32, #tpu.memory_space<vmem>>, vector<16xf32>,
    %broadcast_in_dim3A_159 = arith.constant 0.000000e+00 : f32
    %broadcast_in_dim3A_160 = vector.broadcast %broadcast_in_dim3A_159 : f32 to vector<16xf32>
    %swap3A_161 = arith.constant 320 : index
    %swap3A_162 = tpu.vector_load %arg9[%swap3A_161] {strides = array<i32>} : memref<640xf32, #tpu.memory_space<vmem>>, vector<16xf32>,
    %swap3A_163 = vector.shape_cast %swap3A_162 : vector<16xf32> to vector<16xf32>
    %swap3A_164 = vector.shape_cast %broadcast_in_dim3A_160 : vector<16xf32> to vector<16xf32>
    tpu.vector_store %arg9[%swap3A_161], %swap3A_164 {strides = array<i32>} : memref<640xf32, #tpu.memory_space<vmem>>, vector<16xf32>,
    %broadcast_in_dim3A_165 = arith.constant 0.000000e+00 : f32
    %broadcast_in_dim3A_166 = vector.broadcast %broadcast_in_dim3A_165 : f32 to vector<16xf32>
    %swap3A_167 = arith.constant 336 : index
    %swap3A_168 = tpu.vector_load %arg9[%swap3A_167] {strides = array<i32>} : memref<640xf32, #tpu.memory_space<vmem>>, vector<16xf32>,
    %swap3A_169 = vector.shape_cast %swap3A_168 : vector<16xf32> to vector<16xf32>
    %swap3A_170 = vector.shape_cast %broadcast_in_dim3A_166 : vector<16xf32> to vector<16xf32>
    tpu.vector_store %arg9[%swap3A_167], %swap3A_170 {strides = array<i32>} : memref<640xf32, #tpu.memory_space<vmem>>, vector<16xf32>,
    %broadcast_in_dim3A_171 = arith.constant 0.000000e+00 : f32
    %broadcast_in_dim3A_172 = vector.broadcast %broadcast_in_dim3A_171 : f32 to vector<16xf32>
    %swap3A_173 = arith.constant 352 : index
    %swap3A_174 = tpu.vector_load %arg9[%swap3A_173] {strides = array<i32>} : memref<640xf32, #tpu.memory_space<vmem>>, vector<16xf32>,
    %swap3A_175 = vector.shape_cast %swap3A_174 : vector<16xf32> to vector<16xf32>
    %swap3A_176 = vector.shape_cast %broadcast_in_dim3A_172 : vector<16xf32> to vector<16xf32>
    tpu.vector_store %arg9[%swap3A_173], %swap3A_176 {strides = array<i32>} : memref<640xf32, #tpu.memory_space<vmem>>, vector<16xf32>,
    %broadcast_in_dim3A_177 = arith.constant 0.000000e+00 : f32
    %broadcast_in_dim3A_178 = vector.broadcast %broadcast_in_dim3A_177 : f32 to vector<16xf32>
    %swap3A_179 = arith.constant 368 : index
    %swap3A_180 = tpu.vector_load %arg9[%swap3A_179] {strides = array<i32>} : memref<640xf32, #tpu.memory_space<vmem>>, vector<16xf32>,
    %swap3A_181 = vector.shape_cast %swap3A_180 : vector<16xf32> to vector<16xf32>
    %swap3A_182 = vector.shape_cast %broadcast_in_dim3A_178 : vector<16xf32> to vector<16xf32>
    tpu.vector_store %arg9[%swap3A_179], %swap3A_182 {strides = array<i32>} : memref<640xf32, #tpu.memory_space<vmem>>, vector<16xf32>,
    %broadcast_in_dim3A_183 = arith.constant 0.000000e+00 : f32
    %broadcast_in_dim3A_184 = vector.broadcast %broadcast_in_dim3A_183 : f32 to vector<16xf32>
    %swap3A_185 = arith.constant 384 : index
    %swap3A_186 = tpu.vector_load %arg9[%swap3A_185] {strides = array<i32>} : memref<640xf32, #tpu.memory_space<vmem>>, vector<16xf32>,
    %swap3A_187 = vector.shape_cast %swap3A_186 : vector<16xf32> to vector<16xf32>
    %swap3A_188 = vector.shape_cast %broadcast_in_dim3A_184 : vector<16xf32> to vector<16xf32>
    tpu.vector_store %arg9[%swap3A_185], %swap3A_188 {strides = array<i32>} : memref<640xf32, #tpu.memory_space<vmem>>, vector<16xf32>,
    %broadcast_in_dim3A_189 = arith.constant 0.000000e+00 : f32
    %broadcast_in_dim3A_190 = vector.broadcast %broadcast_in_dim3A_189 : f32 to vector<16xf32>
    %swap3A_191 = arith.constant 400 : index
    %swap3A_192 = tpu.vector_load %arg9[%swap3A_191] {strides = array<i32>} : memref<640xf32, #tpu.memory_space<vmem>>, vector<16xf32>,
    %swap3A_193 = vector.shape_cast %swap3A_192 : vector<16xf32> to vector<16xf32>
    %swap3A_194 = vector.shape_cast %broadcast_in_dim3A_190 : vector<16xf32> to vector<16xf32>
    tpu.vector_store %arg9[%swap3A_191], %swap3A_194 {strides = array<i32>} : memref<640xf32, #tpu.memory_space<vmem>>, vector<16xf32>,
    %broadcast_in_dim3A_195 = arith.constant 0.000000e+00 : f32
    %broadcast_in_dim3A_196 = vector.broadcast %broadcast_in_dim3A_195 : f32 to vector<16xf32>
    %swap3A_197 = arith.constant 416 : index
    %swap3A_198 = tpu.vector_load %arg9[%swap3A_197] {strides = array<i32>} : memref<640xf32, #tpu.memory_space<vmem>>, vector<16xf32>,
    %swap3A_199 = vector.shape_cast %swap3A_198 : vector<16xf32> to vector<16xf32>
    %swap3A_200 = vector.shape_cast %broadcast_in_dim3A_196 : vector<16xf32> to vector<16xf32>
    tpu.vector_store %arg9[%swap3A_197], %swap3A_200 {strides = array<i32>} : memref<640xf32, #tpu.memory_space<vmem>>, vector<16xf32>,
    %broadcast_in_dim3A_201 = arith.constant 0.000000e+00 : f32
    %broadcast_in_dim3A_202 = vector.broadcast %broadcast_in_dim3A_201 : f32 to vector<16xf32>
    %swap3A_203 = arith.constant 432 : index
    %swap3A_204 = tpu.vector_load %arg9[%swap3A_203] {strides = array<i32>} : memref<640xf32, #tpu.memory_space<vmem>>, vector<16xf32>,
    %swap3A_205 = vector.shape_cast %swap3A_204 : vector<16xf32> to vector<16xf32>
    %swap3A_206 = vector.shape_cast %broadcast_in_dim3A_202 : vector<16xf32> to vector<16xf32>
    tpu.vector_store %arg9[%swap3A_203], %swap3A_206 {strides = array<i32>} : memref<640xf32, #tpu.memory_space<vmem>>, vector<16xf32>,
    %broadcast_in_dim3A_207 = arith.constant 0.000000e+00 : f32
    %broadcast_in_dim3A_208 = vector.broadcast %broadcast_in_dim3A_207 : f32 to vector<16xf32>
    %swap3A_209 = arith.constant 448 : index
    %swap3A_210 = tpu.vector_load %arg9[%swap3A_209] {strides = array<i32>} : memref<640xf32, #tpu.memory_space<vmem>>, vector<16xf32>,
    %swap3A_211 = vector.shape_cast %swap3A_210 : vector<16xf32> to vector<16xf32>
    %swap3A_212 = vector.shape_cast %broadcast_in_dim3A_208 : vector<16xf32> to vector<16xf32>
    tpu.vector_store %arg9[%swap3A_209], %swap3A_212 {strides = array<i32>} : memref<640xf32, #tpu.memory_space<vmem>>, vector<16xf32>,
    %broadcast_in_dim3A_213 = arith.constant 0.000000e+00 : f32
    %broadcast_in_dim3A_214 = vector.broadcast %broadcast_in_dim3A_213 : f32 to vector<16xf32>
    %swap3A_215 = arith.constant 464 : index
    %swap3A_216 = tpu.vector_load %arg9[%swap3A_215] {strides = array<i32>} : memref<640xf32, #tpu.memory_space<vmem>>, vector<16xf32>,
    %swap3A_217 = vector.shape_cast %swap3A_216 : vector<16xf32> to vector<16xf32>
    %swap3A_218 = vector.shape_cast %broadcast_in_dim3A_214 : vector<16xf32> to vector<16xf32>
    tpu.vector_store %arg9[%swap3A_215], %swap3A_218 {strides = array<i32>} : memref<640xf32, #tpu.memory_space<vmem>>, vector<16xf32>,
    %broadcast_in_dim3A_219 = arith.constant 0.000000e+00 : f32
    %broadcast_in_dim3A_220 = vector.broadcast %broadcast_in_dim3A_219 : f32 to vector<16xf32>
    %swap3A_221 = arith.constant 480 : index
    %swap3A_222 = tpu.vector_load %arg9[%swap3A_221] {strides = array<i32>} : memref<640xf32, #tpu.memory_space<vmem>>, vector<16xf32>,
    %swap3A_223 = vector.shape_cast %swap3A_222 : vector<16xf32> to vector<16xf32>
    %swap3A_224 = vector.shape_cast %broadcast_in_dim3A_220 : vector<16xf32> to vector<16xf32>
    tpu.vector_store %arg9[%swap3A_221], %swap3A_224 {strides = array<i32>} : memref<640xf32, #tpu.memory_space<vmem>>, vector<16xf32>,
    %broadcast_in_dim3A_225 = arith.constant 0.000000e+00 : f32
    %broadcast_in_dim3A_226 = vector.broadcast %broadcast_in_dim3A_225 : f32 to vector<16xf32>
    %swap3A_227 = arith.constant 496 : index
    %swap3A_228 = tpu.vector_load %arg9[%swap3A_227] {strides = array<i32>} : memref<640xf32, #tpu.memory_space<vmem>>, vector<16xf32>,
    %swap3A_229 = vector.shape_cast %swap3A_228 : vector<16xf32> to vector<16xf32>
    %swap3A_230 = vector.shape_cast %broadcast_in_dim3A_226 : vector<16xf32> to vector<16xf32>
    tpu.vector_store %arg9[%swap3A_227], %swap3A_230 {strides = array<i32>} : memref<640xf32, #tpu.memory_space<vmem>>, vector<16xf32>,
    %broadcast_in_dim3A_231 = arith.constant 0.000000e+00 : f32
    %broadcast_in_dim3A_232 = vector.broadcast %broadcast_in_dim3A_231 : f32 to vector<16xf32>
    %swap3A_233 = arith.constant 512 : index
    %swap3A_234 = tpu.vector_load %arg9[%swap3A_233] {strides = array<i32>} : memref<640xf32, #tpu.memory_space<vmem>>, vector<16xf32>,
    %swap3A_235 = vector.shape_cast %swap3A_234 : vector<16xf32> to vector<16xf32>
    %swap3A_236 = vector.shape_cast %broadcast_in_dim3A_232 : vector<16xf32> to vector<16xf32>
    tpu.vector_store %arg9[%swap3A_233], %swap3A_236 {strides = array<i32>} : memref<640xf32, #tpu.memory_space<vmem>>, vector<16xf32>,
    %broadcast_in_dim3A_237 = arith.constant 0.000000e+00 : f32
    %broadcast_in_dim3A_238 = vector.broadcast %broadcast_in_dim3A_237 : f32 to vector<16xf32>
    %swap3A_239 = arith.constant 528 : index
    %swap3A_240 = tpu.vector_load %arg9[%swap3A_239] {strides = array<i32>} : memref<640xf32, #tpu.memory_space<vmem>>, vector<16xf32>,
    %swap3A_241 = vector.shape_cast %swap3A_240 : vector<16xf32> to vector<16xf32>
    %swap3A_242 = vector.shape_cast %broadcast_in_dim3A_238 : vector<16xf32> to vector<16xf32>
    tpu.vector_store %arg9[%swap3A_239], %swap3A_242 {strides = array<i32>} : memref<640xf32, #tpu.memory_space<vmem>>, vector<16xf32>,
    %broadcast_in_dim3A_243 = arith.constant 0.000000e+00 : f32
    %broadcast_in_dim3A_244 = vector.broadcast %broadcast_in_dim3A_243 : f32 to vector<16xf32>
    %swap3A_245 = arith.constant 544 : index
    %swap3A_246 = tpu.vector_load %arg9[%swap3A_245] {strides = array<i32>} : memref<640xf32, #tpu.memory_space<vmem>>, vector<16xf32>,
    %swap3A_247 = vector.shape_cast %swap3A_246 : vector<16xf32> to vector<16xf32>
    %swap3A_248 = vector.shape_cast %broadcast_in_dim3A_244 : vector<16xf32> to vector<16xf32>
    tpu.vector_store %arg9[%swap3A_245], %swap3A_248 {strides = array<i32>} : memref<640xf32, #tpu.memory_space<vmem>>, vector<16xf32>,
    %broadcast_in_dim3A_249 = arith.constant 0.000000e+00 : f32
    %broadcast_in_dim3A_250 = vector.broadcast %broadcast_in_dim3A_249 : f32 to vector<16xf32>
    %swap3A_251 = arith.constant 560 : index
    %swap3A_252 = tpu.vector_load %arg9[%swap3A_251] {strides = array<i32>} : memref<640xf32, #tpu.memory_space<vmem>>, vector<16xf32>,
    %swap3A_253 = vector.shape_cast %swap3A_252 : vector<16xf32> to vector<16xf32>
    %swap3A_254 = vector.shape_cast %broadcast_in_dim3A_250 : vector<16xf32> to vector<16xf32>
    tpu.vector_store %arg9[%swap3A_251], %swap3A_254 {strides = array<i32>} : memref<640xf32, #tpu.memory_space<vmem>>, vector<16xf32>,
    %broadcast_in_dim3A_255 = arith.constant 0.000000e+00 : f32
    %broadcast_in_dim3A_256 = vector.broadcast %broadcast_in_dim3A_255 : f32 to vector<16xf32>
    %swap3A_257 = arith.constant 576 : index
    %swap3A_258 = tpu.vector_load %arg9[%swap3A_257] {strides = array<i32>} : memref<640xf32, #tpu.memory_space<vmem>>, vector<16xf32>,
    %swap3A_259 = vector.shape_cast %swap3A_258 : vector<16xf32> to vector<16xf32>
    %swap3A_260 = vector.shape_cast %broadcast_in_dim3A_256 : vector<16xf32> to vector<16xf32>
    tpu.vector_store %arg9[%swap3A_257], %swap3A_260 {strides = array<i32>} : memref<640xf32, #tpu.memory_space<vmem>>, vector<16xf32>,
    %broadcast_in_dim3A_261 = arith.constant 0.000000e+00 : f32
    %broadcast_in_dim3A_262 = vector.broadcast %broadcast_in_dim3A_261 : f32 to vector<16xf32>
    %swap3A_263 = arith.constant 592 : index
    %swap3A_264 = tpu.vector_load %arg9[%swap3A_263] {strides = array<i32>} : memref<640xf32, #tpu.memory_space<vmem>>, vector<16xf32>,
    %swap3A_265 = vector.shape_cast %swap3A_264 : vector<16xf32> to vector<16xf32>
    %swap3A_266 = vector.shape_cast %broadcast_in_dim3A_262 : vector<16xf32> to vector<16xf32>
    tpu.vector_store %arg9[%swap3A_263], %swap3A_266 {strides = array<i32>} : memref<640xf32, #tpu.memory_space<vmem>>, vector<16xf32>,
    %broadcast_in_dim3A_267 = arith.constant 0.000000e+00 : f32
    %broadcast_in_dim3A_268 = vector.broadcast %broadcast_in_dim3A_267 : f32 to vector<16xf32>
    %swap3A_269 = arith.constant 608 : index
    %swap3A_270 = tpu.vector_load %arg9[%swap3A_269] {strides = array<i32>} : memref<640xf32, #tpu.memory_space<vmem>>, vector<16xf32>,
    %swap3A_271 = vector.shape_cast %swap3A_270 : vector<16xf32> to vector<16xf32>
    %swap3A_272 = vector.shape_cast %broadcast_in_dim3A_268 : vector<16xf32> to vector<16xf32>
    tpu.vector_store %arg9[%swap3A_269], %swap3A_272 {strides = array<i32>} : memref<640xf32, #tpu.memory_space<vmem>>, vector<16xf32>,
    %broadcast_in_dim3A_273 = arith.constant 0.000000e+00 : f32
    %broadcast_in_dim3A_274 = vector.broadcast %broadcast_in_dim3A_273 : f32 to vector<16xf32>
    %swap3A_275 = arith.constant 624 : index
    %swap3A_276 = tpu.vector_load %arg9[%swap3A_275] {strides = array<i32>} : memref<640xf32, #tpu.memory_space<vmem>>, vector<16xf32>,
    %swap3A_277 = vector.shape_cast %swap3A_276 : vector<16xf32> to vector<16xf32>
    %swap3A_278 = vector.shape_cast %broadcast_in_dim3A_274 : vector<16xf32> to vector<16xf32>
    tpu.vector_store %arg9[%swap3A_275], %swap3A_278 {strides = array<i32>} : memref<640xf32, #tpu.memory_space<vmem>>, vector<16xf32>,
    "tpu.region"() ({
      %run_scoped3A = tpu.sem_alloc : memref<!tpu.dma_semaphore, #tpu.memory_space<semaphore_mem>>
      %dma_start3A_5087 = tpu.memref_slice %arg11[%mul3A_0] : memref<10240xf32, #tpu.memory_space<vmem_shared>> -> memref<640xf32, #tpu.memory_space<vmem_shared>>
      %dma_start3A_5088 = tpu.memref_slice %arg11[%mul3A_0] : memref<10240xf32, #tpu.memory_space<vmem_shared>> -> memref<640xf32, #tpu.memory_space<vmem_shared>>
      tpu.enqueue_dma source(%arg9 : memref<640xf32, #tpu.memory_space<vmem>>) target(%dma_start3A_5088 : memref<640xf32, #tpu.memory_space<vmem_shared>>) target_semaphore(%run_scoped3A : memref<!tpu.dma_semaphore, #tpu.memory_space<semaphore_mem>>)
      %dma_wait3A_5089 = tpu.memref_slice %arg11[%mul3A_0] : memref<10240xf32, #tpu.memory_space<vmem_shared>> -> memref<640xf32, #tpu.memory_space<vmem_shared>>
      %dma_wait3A_5090 = tpu.memref_slice %arg11[%mul3A_0] : memref<10240xf32, #tpu.memory_space<vmem_shared>> -> memref<640xf32, #tpu.memory_space<vmem_shared>>
      tpu.wait_dma2 semaphore(%run_scoped3A : memref<!tpu.dma_semaphore, #tpu.memory_space<semaphore_mem>>) src(%arg9 : memref<640xf32, #tpu.memory_space<vmem>>) dst(%dma_wait3A_5090 : memref<640xf32, #tpu.memory_space<vmem_shared>>)
      tpu.yield
    }) : () -> ()
    "tpu.region"() ({
      %run_scoped3A = tpu.sem_alloc : memref<!tpu.dma_semaphore, #tpu.memory_space<semaphore_mem>>
      %dma_start3A_5087 = tpu.memref_slice %arg12[%mul3A_0] : memref<10240xf32, #tpu.memory_space<vmem_shared>> -> memref<640xf32, #tpu.memory_space<vmem_shared>>
      %dma_start3A_5088 = tpu.memref_slice %arg12[%mul3A_0] : memref<10240xf32, #tpu.memory_space<vmem_shared>> -> memref<640xf32, #tpu.memory_space<vmem_shared>>
      tpu.enqueue_dma source(%arg9 : memref<640xf32, #tpu.memory_space<vmem>>) target(%dma_start3A_5088 : memref<640xf32, #tpu.memory_space<vmem_shared>>) target_semaphore(%run_scoped3A : memref<!tpu.dma_semaphore, #tpu.memory_space<semaphore_mem>>)
      %dma_wait3A_5089 = tpu.memref_slice %arg12[%mul3A_0] : memref<10240xf32, #tpu.memory_space<vmem_shared>> -> memref<640xf32, #tpu.memory_space<vmem_shared>>
      %dma_wait3A_5090 = tpu.memref_slice %arg12[%mul3A_0] : memref<10240xf32, #tpu.memory_space<vmem_shared>> -> memref<640xf32, #tpu.memory_space<vmem_shared>>
      tpu.wait_dma2 semaphore(%run_scoped3A : memref<!tpu.dma_semaphore, #tpu.memory_space<semaphore_mem>>) src(%arg9 : memref<640xf32, #tpu.memory_space<vmem>>) dst(%dma_wait3A_5090 : memref<640xf32, #tpu.memory_space<vmem_shared>>)
      tpu.yield
    }) : () -> ()
    %barrier3A = arith.constant 0 : index
    tpu.barrier barrier_id(%barrier3A)
    %dma_wait3A = tpu.memref_slice %arg2[%add3A_8] : memref<640000xi32, #tpu.memory_space<hbm>> -> memref<20000xi32, #tpu.memory_space<hbm>>
    %dma_wait3A_279 = tpu.memref_slice %arg2[%add3A_8] : memref<640000xi32, #tpu.memory_space<hbm>> -> memref<20000xi32, #tpu.memory_space<hbm>>
    tpu.wait_dma2 semaphore(%arg14 : memref<!tpu.dma_semaphore, #tpu.memory_space<semaphore_mem>>) src(%dma_wait3A_279 : memref<20000xi32, #tpu.memory_space<hbm>>) dst(%arg4 : memref<20000xi32, #tpu.memory_space<vmem>>)
    "tpu.region"() ({
      %run_scoped3A = tpu.sem_alloc : memref<!tpu.dma_semaphore, #tpu.memory_space<semaphore_mem>>
      %dma_start3A_5087 = arith.constant 0 : i32
      %dma_start3A_5088 = tpu.memref_slice %arg11[%dma_start3A_5087] : memref<10240xf32, #tpu.memory_space<vmem_shared>> -> memref<10240xf32, #tpu.memory_space<vmem_shared>>
      tpu.enqueue_indirect_dma source(%arg7 : memref<20000xf32, #tpu.memory_space<vmem>>) target(%dma_start3A_5088 : memref<10240xf32, #tpu.memory_space<vmem_shared>>) offsets(%arg4 : memref<20000xi32, #tpu.memory_space<vmem>>) semaphore(%run_scoped3A : memref<!tpu.dma_semaphore, #tpu.memory_space<semaphore_mem>>) {add = true}
      %dma_wait3A_5089 = arith.constant 0 : i32
      %dma_wait3A_5090 = tpu.memref_slice %arg11[%dma_wait3A_5089] : memref<10240xf32, #tpu.memory_space<vmem_shared>> -> memref<10240xf32, #tpu.memory_space<vmem_shared>>
      tpu.wait_indirect_dma semaphore(%run_scoped3A : memref<!tpu.dma_semaphore, #tpu.memory_space<semaphore_mem>>) src(%arg7 : memref<20000xf32, #tpu.memory_space<vmem>>) dst(%dma_wait3A_5090 : memref<10240xf32, #tpu.memory_space<vmem_shared>>)
      tpu.yield
    }) : () -> ()
    %barrier3A_280 = arith.constant 0 : index
    tpu.barrier barrier_id(%barrier3A_280)
    "tpu.region"() ({
      %run_scoped3A = tpu.sem_alloc : memref<!tpu.dma_semaphore, #tpu.memory_space<semaphore_mem>>
      %dma_start3A_5087 = tpu.memref_slice %arg11[%mul3A_0] : memref<10240xf32, #tpu.memory_space<vmem_shared>> -> memref<640xf32, #tpu.memory_space<vmem_shared>>
      %dma_start3A_5088 = tpu.memref_slice %arg11[%mul3A_0] : memref<10240xf32, #tpu.memory_space<vmem_shared>> -> memref<640xf32, #tpu.memory_space<vmem_shared>>
      tpu.enqueue_dma source(%dma_start3A_5088 : memref<640xf32, #tpu.memory_space<vmem_shared>>) target(%arg9 : memref<640xf32, #tpu.memory_space<vmem>>) target_semaphore(%run_scoped3A : memref<!tpu.dma_semaphore, #tpu.memory_space<semaphore_mem>>)
      %dma_wait3A_5089 = tpu.memref_slice %arg11[%mul3A_0] : memref<10240xf32, #tpu.memory_space<vmem_shared>> -> memref<640xf32, #tpu.memory_space<vmem_shared>>
      %dma_wait3A_5090 = tpu.memref_slice %arg11[%mul3A_0] : memref<10240xf32, #tpu.memory_space<vmem_shared>> -> memref<640xf32, #tpu.memory_space<vmem_shared>>
      tpu.wait_dma2 semaphore(%run_scoped3A : memref<!tpu.dma_semaphore, #tpu.memory_space<semaphore_mem>>) src(%dma_wait3A_5090 : memref<640xf32, #tpu.memory_space<vmem_shared>>) dst(%arg9 : memref<640xf32, #tpu.memory_space<vmem>>)
      tpu.yield
    }) : () -> ()
    %get3A = arith.constant 0 : index
    %get3A_281 = tpu.vector_load %arg9[%get3A] {strides = array<i32>} : memref<640xf32, #tpu.memory_space<vmem>>, vector<16xf32>,
    %get3A_282 = vector.shape_cast %get3A_281 : vector<16xf32> to vector<16xf32>
    %add3A_283 = arith.constant 1.000000e+00 : f32
    %add3A_284 = vector.broadcast %add3A_283 : f32 to vector<16xf32>
    %add3A_285 = arith.addf %get3A_282, %add3A_284 : vector<16xf32>
    %broadcast_in_dim3A_286 = arith.constant 5.000000e-01 : f32
    %broadcast_in_dim3A_287 = vector.broadcast %broadcast_in_dim3A_286 : f32 to vector<16xf32>
    %ge3A = arith.constant 4.000000e+00 : f32
    %ge3A_288 = vector.broadcast %ge3A : f32 to vector<16xf32>
    %ge3A_289 = arith.cmpf oge, %add3A_285, %ge3A_288 : vector<16xf32>
    %jit3A = arith.constant 2.500000e-01 : f32
    %broadcast_in_dim3A_290 = vector.broadcast %jit3A : f32 to vector<16xf32>
    %select_n3A = arith.select %ge3A_289, %broadcast_in_dim3A_290, %broadcast_in_dim3A_287 : vector<16xi1>, vector<16xf32>
    %ge3A_291 = arith.constant 1.600000e+01 : f32
    %ge3A_292 = vector.broadcast %ge3A_291 : f32 to vector<16xf32>
    %ge3A_293 = arith.cmpf oge, %add3A_285, %ge3A_292 : vector<16xf32>
    %jit3A_294 = arith.constant 1.250000e-01 : f32
    %broadcast_in_dim3A_295 = vector.broadcast %jit3A_294 : f32 to vector<16xf32>
    %select_n3A_296 = arith.select %ge3A_293, %broadcast_in_dim3A_295, %select_n3A : vector<16xi1>, vector<16xf32>
    %ge3A_297 = arith.constant 6.400000e+01 : f32
    %ge3A_298 = vector.broadcast %ge3A_297 : f32 to vector<16xf32>
    %ge3A_299 = arith.cmpf oge, %add3A_285, %ge3A_298 : vector<16xf32>
    %jit3A_300 = arith.constant 6.250000e-02 : f32
    %broadcast_in_dim3A_301 = vector.broadcast %jit3A_300 : f32 to vector<16xf32>
    %select_n3A_302 = arith.select %ge3A_299, %broadcast_in_dim3A_301, %select_n3A_296 : vector<16xi1>, vector<16xf32>
    %ge3A_303 = arith.constant 2.560000e+02 : f32
    %ge3A_304 = vector.broadcast %ge3A_303 : f32 to vector<16xf32>
    %ge3A_305 = arith.cmpf oge, %add3A_285, %ge3A_304 : vector<16xf32>
    %jit3A_306 = arith.constant 3.125000e-02 : f32
    %broadcast_in_dim3A_307 = vector.broadcast %jit3A_306 : f32 to vector<16xf32>
    %select_n3A_308 = arith.select %ge3A_305, %broadcast_in_dim3A_307, %select_n3A_302 : vector<16xi1>, vector<16xf32>
    %ge3A_309 = arith.constant 1.024000e+03 : f32
    %ge3A_310 = vector.broadcast %ge3A_309 : f32 to vector<16xf32>
    %ge3A_311 = arith.cmpf oge, %add3A_285, %ge3A_310 : vector<16xf32>
    %jit3A_312 = arith.constant 1.562500e-02 : f32
    %broadcast_in_dim3A_313 = vector.broadcast %jit3A_312 : f32 to vector<16xf32>
    %select_n3A_314 = arith.select %ge3A_311, %broadcast_in_dim3A_313, %select_n3A_308 : vector<16xi1>, vector<16xf32>
    %ge3A_315 = arith.constant 4.096000e+03 : f32
    %ge3A_316 = vector.broadcast %ge3A_315 : f32 to vector<16xf32>
    %ge3A_317 = arith.cmpf oge, %add3A_285, %ge3A_316 : vector<16xf32>
    %jit3A_318 = arith.constant 7.812500e-03 : f32
    %broadcast_in_dim3A_319 = vector.broadcast %jit3A_318 : f32 to vector<16xf32>
    %select_n3A_320 = arith.select %ge3A_317, %broadcast_in_dim3A_319, %select_n3A_314 : vector<16xi1>, vector<16xf32>
    %ge3A_321 = arith.constant 1.638400e+04 : f32
    %ge3A_322 = vector.broadcast %ge3A_321 : f32 to vector<16xf32>
    %ge3A_323 = arith.cmpf oge, %add3A_285, %ge3A_322 : vector<16xf32>
    %jit3A_324 = arith.constant 3.906250e-03 : f32
    %broadcast_in_dim3A_325 = vector.broadcast %jit3A_324 : f32 to vector<16xf32>
    %select_n3A_326 = arith.select %ge3A_323, %broadcast_in_dim3A_325, %select_n3A_320 : vector<16xi1>, vector<16xf32>
    %ge3A_327 = arith.constant 6.553600e+04 : f32
    %ge3A_328 = vector.broadcast %ge3A_327 : f32 to vector<16xf32>
    %ge3A_329 = arith.cmpf oge, %add3A_285, %ge3A_328 : vector<16xf32>
    %jit3A_330 = arith.constant 0.001953125 : f32
    %broadcast_in_dim3A_331 = vector.broadcast %jit3A_330 : f32 to vector<16xf32>
    %select_n3A_332 = arith.select %ge3A_329, %broadcast_in_dim3A_331, %select_n3A_326 : vector<16xi1>, vector<16xf32>
    %ge3A_333 = arith.constant 2.621440e+05 : f32
    %ge3A_334 = vector.broadcast %ge3A_333 : f32 to vector<16xf32>
    %ge3A_335 = arith.cmpf oge, %add3A_285, %ge3A_334 : vector<16xf32>
    %jit3A_336 = arith.constant 9.765625E-4 : f32
    %broadcast_in_dim3A_337 = vector.broadcast %jit3A_336 : f32 to vector<16xf32>
    %select_n3A_338 = arith.select %ge3A_335, %broadcast_in_dim3A_337, %select_n3A_332 : vector<16xi1>, vector<16xf32>
    %mul3A_339 = arith.constant 5.000000e-01 : f32
    %mul3A_340 = vector.broadcast %mul3A_339 : f32 to vector<16xf32>
    %mul3A_341 = arith.mulf %mul3A_340, %add3A_285 : vector<16xf32>
    %mul3A_342 = arith.mulf %mul3A_341, %select_n3A_338 : vector<16xf32>
    %mul3A_343 = arith.mulf %mul3A_342, %select_n3A_338 : vector<16xf32>
    %sub3A = arith.constant 1.500000e+00 : f32
    %sub3A_344 = vector.broadcast %sub3A : f32 to vector<16xf32>
    %sub3A_345 = arith.subf %sub3A_344, %mul3A_343 : vector<16xf32>
    %mul3A_346 = arith.mulf %select_n3A_338, %sub3A_345 : vector<16xf32>
    %mul3A_347 = arith.constant 5.000000e-01 : f32
    %mul3A_348 = vector.broadcast %mul3A_347 : f32 to vector<16xf32>
    %mul3A_349 = arith.mulf %mul3A_348, %add3A_285 : vector<16xf32>
    %mul3A_350 = arith.mulf %mul3A_349, %mul3A_346 : vector<16xf32>
    %mul3A_351 = arith.mulf %mul3A_350, %mul3A_346 : vector<16xf32>
    %sub3A_352 = arith.constant 1.500000e+00 : f32
    %sub3A_353 = vector.broadcast %sub3A_352 : f32 to vector<16xf32>
    %sub3A_354 = arith.subf %sub3A_353, %mul3A_351 : vector<16xf32>
    %mul3A_355 = arith.mulf %mul3A_346, %sub3A_354 : vector<16xf32>
    %mul3A_356 = arith.constant 5.000000e-01 : f32
    %mul3A_357 = vector.broadcast %mul3A_356 : f32 to vector<16xf32>
    %mul3A_358 = arith.mulf %mul3A_357, %add3A_285 : vector<16xf32>
    %mul3A_359 = arith.mulf %mul3A_358, %mul3A_355 : vector<16xf32>
    %mul3A_360 = arith.mulf %mul3A_359, %mul3A_355 : vector<16xf32>
    %sub3A_361 = arith.constant 1.500000e+00 : f32
    %sub3A_362 = vector.broadcast %sub3A_361 : f32 to vector<16xf32>
    %sub3A_363 = arith.subf %sub3A_362, %mul3A_360 : vector<16xf32>
    %mul3A_364 = arith.mulf %mul3A_355, %sub3A_363 : vector<16xf32>
    %mul3A_365 = arith.constant 5.000000e-01 : f32
    %mul3A_366 = vector.broadcast %mul3A_365 : f32 to vector<16xf32>
    %mul3A_367 = arith.mulf %mul3A_366, %add3A_285 : vector<16xf32>
    %mul3A_368 = arith.mulf %mul3A_367, %mul3A_364 : vector<16xf32>
    %mul3A_369 = arith.mulf %mul3A_368, %mul3A_364 : vector<16xf32>
    %sub3A_370 = arith.constant 1.500000e+00 : f32
    %sub3A_371 = vector.broadcast %sub3A_370 : f32 to vector<16xf32>
    %sub3A_372 = arith.subf %sub3A_371, %mul3A_369 : vector<16xf32>
    %mul3A_373 = arith.mulf %mul3A_364, %sub3A_372 : vector<16xf32>
    %mul3A_374 = arith.constant 5.000000e-01 : f32
    %mul3A_375 = vector.broadcast %mul3A_374 : f32 to vector<16xf32>
    %mul3A_376 = arith.mulf %mul3A_375, %add3A_285 : vector<16xf32>
    %mul3A_377 = arith.mulf %mul3A_376, %mul3A_373 : vector<16xf32>
    %mul3A_378 = arith.mulf %mul3A_377, %mul3A_373 : vector<16xf32>
    %sub3A_379 = arith.constant 1.500000e+00 : f32
    %sub3A_380 = vector.broadcast %sub3A_379 : f32 to vector<16xf32>
    %sub3A_381 = arith.subf %sub3A_380, %mul3A_378 : vector<16xf32>
    %mul3A_382 = arith.mulf %mul3A_373, %sub3A_381 : vector<16xf32>
    %mul3A_383 = arith.constant 5.000000e-01 : f32
    %mul3A_384 = vector.broadcast %mul3A_383 : f32 to vector<16xf32>
    %mul3A_385 = arith.mulf %mul3A_384, %add3A_285 : vector<16xf32>
    %mul3A_386 = arith.mulf %mul3A_385, %mul3A_382 : vector<16xf32>
    %mul3A_387 = arith.mulf %mul3A_386, %mul3A_382 : vector<16xf32>
    %sub3A_388 = arith.constant 1.500000e+00 : f32
    %sub3A_389 = vector.broadcast %sub3A_388 : f32 to vector<16xf32>
    %sub3A_390 = arith.subf %sub3A_389, %mul3A_387 : vector<16xf32>
    %mul3A_391 = arith.mulf %mul3A_382, %sub3A_390 : vector<16xf32>
    %swap3A_392 = arith.constant 0 : index
    %swap3A_393 = tpu.vector_load %arg10[%swap3A_392] {strides = array<i32>} : memref<640xf32, #tpu.memory_space<vmem>>, vector<16xf32>,
    %swap3A_394 = vector.shape_cast %swap3A_393 : vector<16xf32> to vector<16xf32>
    %swap3A_395 = vector.shape_cast %mul3A_391 : vector<16xf32> to vector<16xf32>
    tpu.vector_store %arg10[%swap3A_392], %swap3A_395 {strides = array<i32>} : memref<640xf32, #tpu.memory_space<vmem>>, vector<16xf32>,
    %get3A_396 = arith.constant 16 : index
    %get3A_397 = tpu.vector_load %arg9[%get3A_396] {strides = array<i32>} : memref<640xf32, #tpu.memory_space<vmem>>, vector<16xf32>,
    %get3A_398 = vector.shape_cast %get3A_397 : vector<16xf32> to vector<16xf32>
    %add3A_399 = arith.constant 1.000000e+00 : f32
    %add3A_400 = vector.broadcast %add3A_399 : f32 to vector<16xf32>
    %add3A_401 = arith.addf %get3A_398, %add3A_400 : vector<16xf32>
    %broadcast_in_dim3A_402 = arith.constant 5.000000e-01 : f32
    %broadcast_in_dim3A_403 = vector.broadcast %broadcast_in_dim3A_402 : f32 to vector<16xf32>
    %ge3A_404 = arith.constant 4.000000e+00 : f32
    %ge3A_405 = vector.broadcast %ge3A_404 : f32 to vector<16xf32>
    %ge3A_406 = arith.cmpf oge, %add3A_401, %ge3A_405 : vector<16xf32>
    %jit3A_407 = arith.constant 2.500000e-01 : f32
    %broadcast_in_dim3A_408 = vector.broadcast %jit3A_407 : f32 to vector<16xf32>
    %select_n3A_409 = arith.select %ge3A_406, %broadcast_in_dim3A_408, %broadcast_in_dim3A_403 : vector<16xi1>, vector<16xf32>
    %ge3A_410 = arith.constant 1.600000e+01 : f32
    %ge3A_411 = vector.broadcast %ge3A_410 : f32 to vector<16xf32>
    %ge3A_412 = arith.cmpf oge, %add3A_401, %ge3A_411 : vector<16xf32>
    %jit3A_413 = arith.constant 1.250000e-01 : f32
    %broadcast_in_dim3A_414 = vector.broadcast %jit3A_413 : f32 to vector<16xf32>
    %select_n3A_415 = arith.select %ge3A_412, %broadcast_in_dim3A_414, %select_n3A_409 : vector<16xi1>, vector<16xf32>
    %ge3A_416 = arith.constant 6.400000e+01 : f32
    %ge3A_417 = vector.broadcast %ge3A_416 : f32 to vector<16xf32>
    %ge3A_418 = arith.cmpf oge, %add3A_401, %ge3A_417 : vector<16xf32>
    %jit3A_419 = arith.constant 6.250000e-02 : f32
    %broadcast_in_dim3A_420 = vector.broadcast %jit3A_419 : f32 to vector<16xf32>
    %select_n3A_421 = arith.select %ge3A_418, %broadcast_in_dim3A_420, %select_n3A_415 : vector<16xi1>, vector<16xf32>
    %ge3A_422 = arith.constant 2.560000e+02 : f32
    %ge3A_423 = vector.broadcast %ge3A_422 : f32 to vector<16xf32>
    %ge3A_424 = arith.cmpf oge, %add3A_401, %ge3A_423 : vector<16xf32>
    %jit3A_425 = arith.constant 3.125000e-02 : f32
    %broadcast_in_dim3A_426 = vector.broadcast %jit3A_425 : f32 to vector<16xf32>
    %select_n3A_427 = arith.select %ge3A_424, %broadcast_in_dim3A_426, %select_n3A_421 : vector<16xi1>, vector<16xf32>
    %ge3A_428 = arith.constant 1.024000e+03 : f32
    %ge3A_429 = vector.broadcast %ge3A_428 : f32 to vector<16xf32>
    %ge3A_430 = arith.cmpf oge, %add3A_401, %ge3A_429 : vector<16xf32>
    %jit3A_431 = arith.constant 1.562500e-02 : f32
    %broadcast_in_dim3A_432 = vector.broadcast %jit3A_431 : f32 to vector<16xf32>
    %select_n3A_433 = arith.select %ge3A_430, %broadcast_in_dim3A_432, %select_n3A_427 : vector<16xi1>, vector<16xf32>
    %ge3A_434 = arith.constant 4.096000e+03 : f32
    %ge3A_435 = vector.broadcast %ge3A_434 : f32 to vector<16xf32>
    %ge3A_436 = arith.cmpf oge, %add3A_401, %ge3A_435 : vector<16xf32>
    %jit3A_437 = arith.constant 7.812500e-03 : f32
    %broadcast_in_dim3A_438 = vector.broadcast %jit3A_437 : f32 to vector<16xf32>
    %select_n3A_439 = arith.select %ge3A_436, %broadcast_in_dim3A_438, %select_n3A_433 : vector<16xi1>, vector<16xf32>
    %ge3A_440 = arith.constant 1.638400e+04 : f32
    %ge3A_441 = vector.broadcast %ge3A_440 : f32 to vector<16xf32>
    %ge3A_442 = arith.cmpf oge, %add3A_401, %ge3A_441 : vector<16xf32>
    %jit3A_443 = arith.constant 3.906250e-03 : f32
    %broadcast_in_dim3A_444 = vector.broadcast %jit3A_443 : f32 to vector<16xf32>
    %select_n3A_445 = arith.select %ge3A_442, %broadcast_in_dim3A_444, %select_n3A_439 : vector<16xi1>, vector<16xf32>
    %ge3A_446 = arith.constant 6.553600e+04 : f32
    %ge3A_447 = vector.broadcast %ge3A_446 : f32 to vector<16xf32>
    %ge3A_448 = arith.cmpf oge, %add3A_401, %ge3A_447 : vector<16xf32>
    %jit3A_449 = arith.constant 0.001953125 : f32
    %broadcast_in_dim3A_450 = vector.broadcast %jit3A_449 : f32 to vector<16xf32>
    %select_n3A_451 = arith.select %ge3A_448, %broadcast_in_dim3A_450, %select_n3A_445 : vector<16xi1>, vector<16xf32>
    %ge3A_452 = arith.constant 2.621440e+05 : f32
    %ge3A_453 = vector.broadcast %ge3A_452 : f32 to vector<16xf32>
    %ge3A_454 = arith.cmpf oge, %add3A_401, %ge3A_453 : vector<16xf32>
    %jit3A_455 = arith.constant 9.765625E-4 : f32
    %broadcast_in_dim3A_456 = vector.broadcast %jit3A_455 : f32 to vector<16xf32>
    %select_n3A_457 = arith.select %ge3A_454, %broadcast_in_dim3A_456, %select_n3A_451 : vector<16xi1>, vector<16xf32>
    %mul3A_458 = arith.constant 5.000000e-01 : f32
    %mul3A_459 = vector.broadcast %mul3A_458 : f32 to vector<16xf32>
    %mul3A_460 = arith.mulf %mul3A_459, %add3A_401 : vector<16xf32>
    %mul3A_461 = arith.mulf %mul3A_460, %select_n3A_457 : vector<16xf32>
    %mul3A_462 = arith.mulf %mul3A_461, %select_n3A_457 : vector<16xf32>
    %sub3A_463 = arith.constant 1.500000e+00 : f32
    %sub3A_464 = vector.broadcast %sub3A_463 : f32 to vector<16xf32>
    %sub3A_465 = arith.subf %sub3A_464, %mul3A_462 : vector<16xf32>
    %mul3A_466 = arith.mulf %select_n3A_457, %sub3A_465 : vector<16xf32>
    %mul3A_467 = arith.constant 5.000000e-01 : f32
    %mul3A_468 = vector.broadcast %mul3A_467 : f32 to vector<16xf32>
    %mul3A_469 = arith.mulf %mul3A_468, %add3A_401 : vector<16xf32>
    %mul3A_470 = arith.mulf %mul3A_469, %mul3A_466 : vector<16xf32>
    %mul3A_471 = arith.mulf %mul3A_470, %mul3A_466 : vector<16xf32>
    %sub3A_472 = arith.constant 1.500000e+00 : f32
    %sub3A_473 = vector.broadcast %sub3A_472 : f32 to vector<16xf32>
    %sub3A_474 = arith.subf %sub3A_473, %mul3A_471 : vector<16xf32>
    %mul3A_475 = arith.mulf %mul3A_466, %sub3A_474 : vector<16xf32>
    %mul3A_476 = arith.constant 5.000000e-01 : f32
    %mul3A_477 = vector.broadcast %mul3A_476 : f32 to vector<16xf32>
    %mul3A_478 = arith.mulf %mul3A_477, %add3A_401 : vector<16xf32>
    %mul3A_479 = arith.mulf %mul3A_478, %mul3A_475 : vector<16xf32>
    %mul3A_480 = arith.mulf %mul3A_479, %mul3A_475 : vector<16xf32>
    %sub3A_481 = arith.constant 1.500000e+00 : f32
    %sub3A_482 = vector.broadcast %sub3A_481 : f32 to vector<16xf32>
    %sub3A_483 = arith.subf %sub3A_482, %mul3A_480 : vector<16xf32>
    %mul3A_484 = arith.mulf %mul3A_475, %sub3A_483 : vector<16xf32>
    %mul3A_485 = arith.constant 5.000000e-01 : f32
    %mul3A_486 = vector.broadcast %mul3A_485 : f32 to vector<16xf32>
    %mul3A_487 = arith.mulf %mul3A_486, %add3A_401 : vector<16xf32>
    %mul3A_488 = arith.mulf %mul3A_487, %mul3A_484 : vector<16xf32>
    %mul3A_489 = arith.mulf %mul3A_488, %mul3A_484 : vector<16xf32>
    %sub3A_490 = arith.constant 1.500000e+00 : f32
    %sub3A_491 = vector.broadcast %sub3A_490 : f32 to vector<16xf32>
    %sub3A_492 = arith.subf %sub3A_491, %mul3A_489 : vector<16xf32>
    %mul3A_493 = arith.mulf %mul3A_484, %sub3A_492 : vector<16xf32>
    %mul3A_494 = arith.constant 5.000000e-01 : f32
    %mul3A_495 = vector.broadcast %mul3A_494 : f32 to vector<16xf32>
    %mul3A_496 = arith.mulf %mul3A_495, %add3A_401 : vector<16xf32>
    %mul3A_497 = arith.mulf %mul3A_496, %mul3A_493 : vector<16xf32>
    %mul3A_498 = arith.mulf %mul3A_497, %mul3A_493 : vector<16xf32>
    %sub3A_499 = arith.constant 1.500000e+00 : f32
    %sub3A_500 = vector.broadcast %sub3A_499 : f32 to vector<16xf32>
    %sub3A_501 = arith.subf %sub3A_500, %mul3A_498 : vector<16xf32>
    %mul3A_502 = arith.mulf %mul3A_493, %sub3A_501 : vector<16xf32>
    %mul3A_503 = arith.constant 5.000000e-01 : f32
    %mul3A_504 = vector.broadcast %mul3A_503 : f32 to vector<16xf32>
    %mul3A_505 = arith.mulf %mul3A_504, %add3A_401 : vector<16xf32>
    %mul3A_506 = arith.mulf %mul3A_505, %mul3A_502 : vector<16xf32>
    %mul3A_507 = arith.mulf %mul3A_506, %mul3A_502 : vector<16xf32>
    %sub3A_508 = arith.constant 1.500000e+00 : f32
    %sub3A_509 = vector.broadcast %sub3A_508 : f32 to vector<16xf32>
    %sub3A_510 = arith.subf %sub3A_509, %mul3A_507 : vector<16xf32>
    %mul3A_511 = arith.mulf %mul3A_502, %sub3A_510 : vector<16xf32>
    %swap3A_512 = arith.constant 16 : index
    %swap3A_513 = tpu.vector_load %arg10[%swap3A_512] {strides = array<i32>} : memref<640xf32, #tpu.memory_space<vmem>>, vector<16xf32>,
    %swap3A_514 = vector.shape_cast %swap3A_513 : vector<16xf32> to vector<16xf32>
    %swap3A_515 = vector.shape_cast %mul3A_511 : vector<16xf32> to vector<16xf32>
    tpu.vector_store %arg10[%swap3A_512], %swap3A_515 {strides = array<i32>} : memref<640xf32, #tpu.memory_space<vmem>>, vector<16xf32>,
    %get3A_516 = arith.constant 32 : index
    %get3A_517 = tpu.vector_load %arg9[%get3A_516] {strides = array<i32>} : memref<640xf32, #tpu.memory_space<vmem>>, vector<16xf32>,
    %get3A_518 = vector.shape_cast %get3A_517 : vector<16xf32> to vector<16xf32>
    %add3A_519 = arith.constant 1.000000e+00 : f32
    %add3A_520 = vector.broadcast %add3A_519 : f32 to vector<16xf32>
    %add3A_521 = arith.addf %get3A_518, %add3A_520 : vector<16xf32>
    %broadcast_in_dim3A_522 = arith.constant 5.000000e-01 : f32
    %broadcast_in_dim3A_523 = vector.broadcast %broadcast_in_dim3A_522 : f32 to vector<16xf32>
    %ge3A_524 = arith.constant 4.000000e+00 : f32
    %ge3A_525 = vector.broadcast %ge3A_524 : f32 to vector<16xf32>
    %ge3A_526 = arith.cmpf oge, %add3A_521, %ge3A_525 : vector<16xf32>
    %jit3A_527 = arith.constant 2.500000e-01 : f32
    %broadcast_in_dim3A_528 = vector.broadcast %jit3A_527 : f32 to vector<16xf32>
    %select_n3A_529 = arith.select %ge3A_526, %broadcast_in_dim3A_528, %broadcast_in_dim3A_523 : vector<16xi1>, vector<16xf32>
    %ge3A_530 = arith.constant 1.600000e+01 : f32
    %ge3A_531 = vector.broadcast %ge3A_530 : f32 to vector<16xf32>
    %ge3A_532 = arith.cmpf oge, %add3A_521, %ge3A_531 : vector<16xf32>
    %jit3A_533 = arith.constant 1.250000e-01 : f32
    %broadcast_in_dim3A_534 = vector.broadcast %jit3A_533 : f32 to vector<16xf32>
    %select_n3A_535 = arith.select %ge3A_532, %broadcast_in_dim3A_534, %select_n3A_529 : vector<16xi1>, vector<16xf32>
    %ge3A_536 = arith.constant 6.400000e+01 : f32
    %ge3A_537 = vector.broadcast %ge3A_536 : f32 to vector<16xf32>
    %ge3A_538 = arith.cmpf oge, %add3A_521, %ge3A_537 : vector<16xf32>
    %jit3A_539 = arith.constant 6.250000e-02 : f32
    %broadcast_in_dim3A_540 = vector.broadcast %jit3A_539 : f32 to vector<16xf32>
    %select_n3A_541 = arith.select %ge3A_538, %broadcast_in_dim3A_540, %select_n3A_535 : vector<16xi1>, vector<16xf32>
    %ge3A_542 = arith.constant 2.560000e+02 : f32
    %ge3A_543 = vector.broadcast %ge3A_542 : f32 to vector<16xf32>
    %ge3A_544 = arith.cmpf oge, %add3A_521, %ge3A_543 : vector<16xf32>
    %jit3A_545 = arith.constant 3.125000e-02 : f32
    %broadcast_in_dim3A_546 = vector.broadcast %jit3A_545 : f32 to vector<16xf32>
    %select_n3A_547 = arith.select %ge3A_544, %broadcast_in_dim3A_546, %select_n3A_541 : vector<16xi1>, vector<16xf32>
    %ge3A_548 = arith.constant 1.024000e+03 : f32
    %ge3A_549 = vector.broadcast %ge3A_548 : f32 to vector<16xf32>
    %ge3A_550 = arith.cmpf oge, %add3A_521, %ge3A_549 : vector<16xf32>
    %jit3A_551 = arith.constant 1.562500e-02 : f32
    %broadcast_in_dim3A_552 = vector.broadcast %jit3A_551 : f32 to vector<16xf32>
    %select_n3A_553 = arith.select %ge3A_550, %broadcast_in_dim3A_552, %select_n3A_547 : vector<16xi1>, vector<16xf32>
    %ge3A_554 = arith.constant 4.096000e+03 : f32
    %ge3A_555 = vector.broadcast %ge3A_554 : f32 to vector<16xf32>
    %ge3A_556 = arith.cmpf oge, %add3A_521, %ge3A_555 : vector<16xf32>
    %jit3A_557 = arith.constant 7.812500e-03 : f32
    %broadcast_in_dim3A_558 = vector.broadcast %jit3A_557 : f32 to vector<16xf32>
    %select_n3A_559 = arith.select %ge3A_556, %broadcast_in_dim3A_558, %select_n3A_553 : vector<16xi1>, vector<16xf32>
    %ge3A_560 = arith.constant 1.638400e+04 : f32
    %ge3A_561 = vector.broadcast %ge3A_560 : f32 to vector<16xf32>
    %ge3A_562 = arith.cmpf oge, %add3A_521, %ge3A_561 : vector<16xf32>
    %jit3A_563 = arith.constant 3.906250e-03 : f32
    %broadcast_in_dim3A_564 = vector.broadcast %jit3A_563 : f32 to vector<16xf32>
    %select_n3A_565 = arith.select %ge3A_562, %broadcast_in_dim3A_564, %select_n3A_559 : vector<16xi1>, vector<16xf32>
    %ge3A_566 = arith.constant 6.553600e+04 : f32
    %ge3A_567 = vector.broadcast %ge3A_566 : f32 to vector<16xf32>
    %ge3A_568 = arith.cmpf oge, %add3A_521, %ge3A_567 : vector<16xf32>
    %jit3A_569 = arith.constant 0.001953125 : f32
    %broadcast_in_dim3A_570 = vector.broadcast %jit3A_569 : f32 to vector<16xf32>
    %select_n3A_571 = arith.select %ge3A_568, %broadcast_in_dim3A_570, %select_n3A_565 : vector<16xi1>, vector<16xf32>
    %ge3A_572 = arith.constant 2.621440e+05 : f32
    %ge3A_573 = vector.broadcast %ge3A_572 : f32 to vector<16xf32>
    %ge3A_574 = arith.cmpf oge, %add3A_521, %ge3A_573 : vector<16xf32>
    %jit3A_575 = arith.constant 9.765625E-4 : f32
    %broadcast_in_dim3A_576 = vector.broadcast %jit3A_575 : f32 to vector<16xf32>
    %select_n3A_577 = arith.select %ge3A_574, %broadcast_in_dim3A_576, %select_n3A_571 : vector<16xi1>, vector<16xf32>
    %mul3A_578 = arith.constant 5.000000e-01 : f32
    %mul3A_579 = vector.broadcast %mul3A_578 : f32 to vector<16xf32>
    %mul3A_580 = arith.mulf %mul3A_579, %add3A_521 : vector<16xf32>
    %mul3A_581 = arith.mulf %mul3A_580, %select_n3A_577 : vector<16xf32>
    %mul3A_582 = arith.mulf %mul3A_581, %select_n3A_577 : vector<16xf32>
    %sub3A_583 = arith.constant 1.500000e+00 : f32
    %sub3A_584 = vector.broadcast %sub3A_583 : f32 to vector<16xf32>
    %sub3A_585 = arith.subf %sub3A_584, %mul3A_582 : vector<16xf32>
    %mul3A_586 = arith.mulf %select_n3A_577, %sub3A_585 : vector<16xf32>
    %mul3A_587 = arith.constant 5.000000e-01 : f32
    %mul3A_588 = vector.broadcast %mul3A_587 : f32 to vector<16xf32>
    %mul3A_589 = arith.mulf %mul3A_588, %add3A_521 : vector<16xf32>
    %mul3A_590 = arith.mulf %mul3A_589, %mul3A_586 : vector<16xf32>
    %mul3A_591 = arith.mulf %mul3A_590, %mul3A_586 : vector<16xf32>
    %sub3A_592 = arith.constant 1.500000e+00 : f32
    %sub3A_593 = vector.broadcast %sub3A_592 : f32 to vector<16xf32>
    %sub3A_594 = arith.subf %sub3A_593, %mul3A_591 : vector<16xf32>
    %mul3A_595 = arith.mulf %mul3A_586, %sub3A_594 : vector<16xf32>
    %mul3A_596 = arith.constant 5.000000e-01 : f32
    %mul3A_597 = vector.broadcast %mul3A_596 : f32 to vector<16xf32>
    %mul3A_598 = arith.mulf %mul3A_597, %add3A_521 : vector<16xf32>
    %mul3A_599 = arith.mulf %mul3A_598, %mul3A_595 : vector<16xf32>
    %mul3A_600 = arith.mulf %mul3A_599, %mul3A_595 : vector<16xf32>
    %sub3A_601 = arith.constant 1.500000e+00 : f32
    %sub3A_602 = vector.broadcast %sub3A_601 : f32 to vector<16xf32>
    %sub3A_603 = arith.subf %sub3A_602, %mul3A_600 : vector<16xf32>
    %mul3A_604 = arith.mulf %mul3A_595, %sub3A_603 : vector<16xf32>
    %mul3A_605 = arith.constant 5.000000e-01 : f32
    %mul3A_606 = vector.broadcast %mul3A_605 : f32 to vector<16xf32>
    %mul3A_607 = arith.mulf %mul3A_606, %add3A_521 : vector<16xf32>
    %mul3A_608 = arith.mulf %mul3A_607, %mul3A_604 : vector<16xf32>
    %mul3A_609 = arith.mulf %mul3A_608, %mul3A_604 : vector<16xf32>
    %sub3A_610 = arith.constant 1.500000e+00 : f32
    %sub3A_611 = vector.broadcast %sub3A_610 : f32 to vector<16xf32>
    %sub3A_612 = arith.subf %sub3A_611, %mul3A_609 : vector<16xf32>
    %mul3A_613 = arith.mulf %mul3A_604, %sub3A_612 : vector<16xf32>
    %mul3A_614 = arith.constant 5.000000e-01 : f32
    %mul3A_615 = vector.broadcast %mul3A_614 : f32 to vector<16xf32>
    %mul3A_616 = arith.mulf %mul3A_615, %add3A_521 : vector<16xf32>
    %mul3A_617 = arith.mulf %mul3A_616, %mul3A_613 : vector<16xf32>
    %mul3A_618 = arith.mulf %mul3A_617, %mul3A_613 : vector<16xf32>
    %sub3A_619 = arith.constant 1.500000e+00 : f32
    %sub3A_620 = vector.broadcast %sub3A_619 : f32 to vector<16xf32>
    %sub3A_621 = arith.subf %sub3A_620, %mul3A_618 : vector<16xf32>
    %mul3A_622 = arith.mulf %mul3A_613, %sub3A_621 : vector<16xf32>
    %mul3A_623 = arith.constant 5.000000e-01 : f32
    %mul3A_624 = vector.broadcast %mul3A_623 : f32 to vector<16xf32>
    %mul3A_625 = arith.mulf %mul3A_624, %add3A_521 : vector<16xf32>
    %mul3A_626 = arith.mulf %mul3A_625, %mul3A_622 : vector<16xf32>
    %mul3A_627 = arith.mulf %mul3A_626, %mul3A_622 : vector<16xf32>
    %sub3A_628 = arith.constant 1.500000e+00 : f32
    %sub3A_629 = vector.broadcast %sub3A_628 : f32 to vector<16xf32>
    %sub3A_630 = arith.subf %sub3A_629, %mul3A_627 : vector<16xf32>
    %mul3A_631 = arith.mulf %mul3A_622, %sub3A_630 : vector<16xf32>
    %swap3A_632 = arith.constant 32 : index
    %swap3A_633 = tpu.vector_load %arg10[%swap3A_632] {strides = array<i32>} : memref<640xf32, #tpu.memory_space<vmem>>, vector<16xf32>,
    %swap3A_634 = vector.shape_cast %swap3A_633 : vector<16xf32> to vector<16xf32>
    %swap3A_635 = vector.shape_cast %mul3A_631 : vector<16xf32> to vector<16xf32>
    tpu.vector_store %arg10[%swap3A_632], %swap3A_635 {strides = array<i32>} : memref<640xf32, #tpu.memory_space<vmem>>, vector<16xf32>,
    %get3A_636 = arith.constant 48 : index
    %get3A_637 = tpu.vector_load %arg9[%get3A_636] {strides = array<i32>} : memref<640xf32, #tpu.memory_space<vmem>>, vector<16xf32>,
    %get3A_638 = vector.shape_cast %get3A_637 : vector<16xf32> to vector<16xf32>
    %add3A_639 = arith.constant 1.000000e+00 : f32
    %add3A_640 = vector.broadcast %add3A_639 : f32 to vector<16xf32>
    %add3A_641 = arith.addf %get3A_638, %add3A_640 : vector<16xf32>
    %broadcast_in_dim3A_642 = arith.constant 5.000000e-01 : f32
    %broadcast_in_dim3A_643 = vector.broadcast %broadcast_in_dim3A_642 : f32 to vector<16xf32>
    %ge3A_644 = arith.constant 4.000000e+00 : f32
    %ge3A_645 = vector.broadcast %ge3A_644 : f32 to vector<16xf32>
    %ge3A_646 = arith.cmpf oge, %add3A_641, %ge3A_645 : vector<16xf32>
    %jit3A_647 = arith.constant 2.500000e-01 : f32
    %broadcast_in_dim3A_648 = vector.broadcast %jit3A_647 : f32 to vector<16xf32>
    %select_n3A_649 = arith.select %ge3A_646, %broadcast_in_dim3A_648, %broadcast_in_dim3A_643 : vector<16xi1>, vector<16xf32>
    %ge3A_650 = arith.constant 1.600000e+01 : f32
    %ge3A_651 = vector.broadcast %ge3A_650 : f32 to vector<16xf32>
    %ge3A_652 = arith.cmpf oge, %add3A_641, %ge3A_651 : vector<16xf32>
    %jit3A_653 = arith.constant 1.250000e-01 : f32
    %broadcast_in_dim3A_654 = vector.broadcast %jit3A_653 : f32 to vector<16xf32>
    %select_n3A_655 = arith.select %ge3A_652, %broadcast_in_dim3A_654, %select_n3A_649 : vector<16xi1>, vector<16xf32>
    %ge3A_656 = arith.constant 6.400000e+01 : f32
    %ge3A_657 = vector.broadcast %ge3A_656 : f32 to vector<16xf32>
    %ge3A_658 = arith.cmpf oge, %add3A_641, %ge3A_657 : vector<16xf32>
    %jit3A_659 = arith.constant 6.250000e-02 : f32
    %broadcast_in_dim3A_660 = vector.broadcast %jit3A_659 : f32 to vector<16xf32>
    %select_n3A_661 = arith.select %ge3A_658, %broadcast_in_dim3A_660, %select_n3A_655 : vector<16xi1>, vector<16xf32>
    %ge3A_662 = arith.constant 2.560000e+02 : f32
    %ge3A_663 = vector.broadcast %ge3A_662 : f32 to vector<16xf32>
    %ge3A_664 = arith.cmpf oge, %add3A_641, %ge3A_663 : vector<16xf32>
    %jit3A_665 = arith.constant 3.125000e-02 : f32
    %broadcast_in_dim3A_666 = vector.broadcast %jit3A_665 : f32 to vector<16xf32>
    %select_n3A_667 = arith.select %ge3A_664, %broadcast_in_dim3A_666, %select_n3A_661 : vector<16xi1>, vector<16xf32>
    %ge3A_668 = arith.constant 1.024000e+03 : f32
    %ge3A_669 = vector.broadcast %ge3A_668 : f32 to vector<16xf32>
    %ge3A_670 = arith.cmpf oge, %add3A_641, %ge3A_669 : vector<16xf32>
    %jit3A_671 = arith.constant 1.562500e-02 : f32
    %broadcast_in_dim3A_672 = vector.broadcast %jit3A_671 : f32 to vector<16xf32>
    %select_n3A_673 = arith.select %ge3A_670, %broadcast_in_dim3A_672, %select_n3A_667 : vector<16xi1>, vector<16xf32>
    %ge3A_674 = arith.constant 4.096000e+03 : f32
    %ge3A_675 = vector.broadcast %ge3A_674 : f32 to vector<16xf32>
    %ge3A_676 = arith.cmpf oge, %add3A_641, %ge3A_675 : vector<16xf32>
    %jit3A_677 = arith.constant 7.812500e-03 : f32
    %broadcast_in_dim3A_678 = vector.broadcast %jit3A_677 : f32 to vector<16xf32>
    %select_n3A_679 = arith.select %ge3A_676, %broadcast_in_dim3A_678, %select_n3A_673 : vector<16xi1>, vector<16xf32>
    %ge3A_680 = arith.constant 1.638400e+04 : f32
    %ge3A_681 = vector.broadcast %ge3A_680 : f32 to vector<16xf32>
    %ge3A_682 = arith.cmpf oge, %add3A_641, %ge3A_681 : vector<16xf32>
    %jit3A_683 = arith.constant 3.906250e-03 : f32
    %broadcast_in_dim3A_684 = vector.broadcast %jit3A_683 : f32 to vector<16xf32>
    %select_n3A_685 = arith.select %ge3A_682, %broadcast_in_dim3A_684, %select_n3A_679 : vector<16xi1>, vector<16xf32>
    %ge3A_686 = arith.constant 6.553600e+04 : f32
    %ge3A_687 = vector.broadcast %ge3A_686 : f32 to vector<16xf32>
    %ge3A_688 = arith.cmpf oge, %add3A_641, %ge3A_687 : vector<16xf32>
    %jit3A_689 = arith.constant 0.001953125 : f32
    %broadcast_in_dim3A_690 = vector.broadcast %jit3A_689 : f32 to vector<16xf32>
    %select_n3A_691 = arith.select %ge3A_688, %broadcast_in_dim3A_690, %select_n3A_685 : vector<16xi1>, vector<16xf32>
    %ge3A_692 = arith.constant 2.621440e+05 : f32
    %ge3A_693 = vector.broadcast %ge3A_692 : f32 to vector<16xf32>
    %ge3A_694 = arith.cmpf oge, %add3A_641, %ge3A_693 : vector<16xf32>
    %jit3A_695 = arith.constant 9.765625E-4 : f32
    %broadcast_in_dim3A_696 = vector.broadcast %jit3A_695 : f32 to vector<16xf32>
    %select_n3A_697 = arith.select %ge3A_694, %broadcast_in_dim3A_696, %select_n3A_691 : vector<16xi1>, vector<16xf32>
    %mul3A_698 = arith.constant 5.000000e-01 : f32
    %mul3A_699 = vector.broadcast %mul3A_698 : f32 to vector<16xf32>
    %mul3A_700 = arith.mulf %mul3A_699, %add3A_641 : vector<16xf32>
    %mul3A_701 = arith.mulf %mul3A_700, %select_n3A_697 : vector<16xf32>
    %mul3A_702 = arith.mulf %mul3A_701, %select_n3A_697 : vector<16xf32>
    %sub3A_703 = arith.constant 1.500000e+00 : f32
    %sub3A_704 = vector.broadcast %sub3A_703 : f32 to vector<16xf32>
    %sub3A_705 = arith.subf %sub3A_704, %mul3A_702 : vector<16xf32>
    %mul3A_706 = arith.mulf %select_n3A_697, %sub3A_705 : vector<16xf32>
    %mul3A_707 = arith.constant 5.000000e-01 : f32
    %mul3A_708 = vector.broadcast %mul3A_707 : f32 to vector<16xf32>
    %mul3A_709 = arith.mulf %mul3A_708, %add3A_641 : vector<16xf32>
    %mul3A_710 = arith.mulf %mul3A_709, %mul3A_706 : vector<16xf32>
    %mul3A_711 = arith.mulf %mul3A_710, %mul3A_706 : vector<16xf32>
    %sub3A_712 = arith.constant 1.500000e+00 : f32
    %sub3A_713 = vector.broadcast %sub3A_712 : f32 to vector<16xf32>
    %sub3A_714 = arith.subf %sub3A_713, %mul3A_711 : vector<16xf32>
    %mul3A_715 = arith.mulf %mul3A_706, %sub3A_714 : vector<16xf32>
    %mul3A_716 = arith.constant 5.000000e-01 : f32
    %mul3A_717 = vector.broadcast %mul3A_716 : f32 to vector<16xf32>
    %mul3A_718 = arith.mulf %mul3A_717, %add3A_641 : vector<16xf32>
    %mul3A_719 = arith.mulf %mul3A_718, %mul3A_715 : vector<16xf32>
    %mul3A_720 = arith.mulf %mul3A_719, %mul3A_715 : vector<16xf32>
    %sub3A_721 = arith.constant 1.500000e+00 : f32
    %sub3A_722 = vector.broadcast %sub3A_721 : f32 to vector<16xf32>
    %sub3A_723 = arith.subf %sub3A_722, %mul3A_720 : vector<16xf32>
    %mul3A_724 = arith.mulf %mul3A_715, %sub3A_723 : vector<16xf32>
    %mul3A_725 = arith.constant 5.000000e-01 : f32
    %mul3A_726 = vector.broadcast %mul3A_725 : f32 to vector<16xf32>
    %mul3A_727 = arith.mulf %mul3A_726, %add3A_641 : vector<16xf32>
    %mul3A_728 = arith.mulf %mul3A_727, %mul3A_724 : vector<16xf32>
    %mul3A_729 = arith.mulf %mul3A_728, %mul3A_724 : vector<16xf32>
    %sub3A_730 = arith.constant 1.500000e+00 : f32
    %sub3A_731 = vector.broadcast %sub3A_730 : f32 to vector<16xf32>
    %sub3A_732 = arith.subf %sub3A_731, %mul3A_729 : vector<16xf32>
    %mul3A_733 = arith.mulf %mul3A_724, %sub3A_732 : vector<16xf32>
    %mul3A_734 = arith.constant 5.000000e-01 : f32
    %mul3A_735 = vector.broadcast %mul3A_734 : f32 to vector<16xf32>
    %mul3A_736 = arith.mulf %mul3A_735, %add3A_641 : vector<16xf32>
    %mul3A_737 = arith.mulf %mul3A_736, %mul3A_733 : vector<16xf32>
    %mul3A_738 = arith.mulf %mul3A_737, %mul3A_733 : vector<16xf32>
    %sub3A_739 = arith.constant 1.500000e+00 : f32
    %sub3A_740 = vector.broadcast %sub3A_739 : f32 to vector<16xf32>
    %sub3A_741 = arith.subf %sub3A_740, %mul3A_738 : vector<16xf32>
    %mul3A_742 = arith.mulf %mul3A_733, %sub3A_741 : vector<16xf32>
    %mul3A_743 = arith.constant 5.000000e-01 : f32
    %mul3A_744 = vector.broadcast %mul3A_743 : f32 to vector<16xf32>
    %mul3A_745 = arith.mulf %mul3A_744, %add3A_641 : vector<16xf32>
    %mul3A_746 = arith.mulf %mul3A_745, %mul3A_742 : vector<16xf32>
    %mul3A_747 = arith.mulf %mul3A_746, %mul3A_742 : vector<16xf32>
    %sub3A_748 = arith.constant 1.500000e+00 : f32
    %sub3A_749 = vector.broadcast %sub3A_748 : f32 to vector<16xf32>
    %sub3A_750 = arith.subf %sub3A_749, %mul3A_747 : vector<16xf32>
    %mul3A_751 = arith.mulf %mul3A_742, %sub3A_750 : vector<16xf32>
    %swap3A_752 = arith.constant 48 : index
    %swap3A_753 = tpu.vector_load %arg10[%swap3A_752] {strides = array<i32>} : memref<640xf32, #tpu.memory_space<vmem>>, vector<16xf32>,
    %swap3A_754 = vector.shape_cast %swap3A_753 : vector<16xf32> to vector<16xf32>
    %swap3A_755 = vector.shape_cast %mul3A_751 : vector<16xf32> to vector<16xf32>
    tpu.vector_store %arg10[%swap3A_752], %swap3A_755 {strides = array<i32>} : memref<640xf32, #tpu.memory_space<vmem>>, vector<16xf32>,
    %get3A_756 = arith.constant 64 : index
    %get3A_757 = tpu.vector_load %arg9[%get3A_756] {strides = array<i32>} : memref<640xf32, #tpu.memory_space<vmem>>, vector<16xf32>,
    %get3A_758 = vector.shape_cast %get3A_757 : vector<16xf32> to vector<16xf32>
    %add3A_759 = arith.constant 1.000000e+00 : f32
    %add3A_760 = vector.broadcast %add3A_759 : f32 to vector<16xf32>
    %add3A_761 = arith.addf %get3A_758, %add3A_760 : vector<16xf32>
    %broadcast_in_dim3A_762 = arith.constant 5.000000e-01 : f32
    %broadcast_in_dim3A_763 = vector.broadcast %broadcast_in_dim3A_762 : f32 to vector<16xf32>
    %ge3A_764 = arith.constant 4.000000e+00 : f32
    %ge3A_765 = vector.broadcast %ge3A_764 : f32 to vector<16xf32>
    %ge3A_766 = arith.cmpf oge, %add3A_761, %ge3A_765 : vector<16xf32>
    %jit3A_767 = arith.constant 2.500000e-01 : f32
    %broadcast_in_dim3A_768 = vector.broadcast %jit3A_767 : f32 to vector<16xf32>
    %select_n3A_769 = arith.select %ge3A_766, %broadcast_in_dim3A_768, %broadcast_in_dim3A_763 : vector<16xi1>, vector<16xf32>
    %ge3A_770 = arith.constant 1.600000e+01 : f32
    %ge3A_771 = vector.broadcast %ge3A_770 : f32 to vector<16xf32>
    %ge3A_772 = arith.cmpf oge, %add3A_761, %ge3A_771 : vector<16xf32>
    %jit3A_773 = arith.constant 1.250000e-01 : f32
    %broadcast_in_dim3A_774 = vector.broadcast %jit3A_773 : f32 to vector<16xf32>
    %select_n3A_775 = arith.select %ge3A_772, %broadcast_in_dim3A_774, %select_n3A_769 : vector<16xi1>, vector<16xf32>
    %ge3A_776 = arith.constant 6.400000e+01 : f32
    %ge3A_777 = vector.broadcast %ge3A_776 : f32 to vector<16xf32>
    %ge3A_778 = arith.cmpf oge, %add3A_761, %ge3A_777 : vector<16xf32>
    %jit3A_779 = arith.constant 6.250000e-02 : f32
    %broadcast_in_dim3A_780 = vector.broadcast %jit3A_779 : f32 to vector<16xf32>
    %select_n3A_781 = arith.select %ge3A_778, %broadcast_in_dim3A_780, %select_n3A_775 : vector<16xi1>, vector<16xf32>
    %ge3A_782 = arith.constant 2.560000e+02 : f32
    %ge3A_783 = vector.broadcast %ge3A_782 : f32 to vector<16xf32>
    %ge3A_784 = arith.cmpf oge, %add3A_761, %ge3A_783 : vector<16xf32>
    %jit3A_785 = arith.constant 3.125000e-02 : f32
    %broadcast_in_dim3A_786 = vector.broadcast %jit3A_785 : f32 to vector<16xf32>
    %select_n3A_787 = arith.select %ge3A_784, %broadcast_in_dim3A_786, %select_n3A_781 : vector<16xi1>, vector<16xf32>
    %ge3A_788 = arith.constant 1.024000e+03 : f32
    %ge3A_789 = vector.broadcast %ge3A_788 : f32 to vector<16xf32>
    %ge3A_790 = arith.cmpf oge, %add3A_761, %ge3A_789 : vector<16xf32>
    %jit3A_791 = arith.constant 1.562500e-02 : f32
    %broadcast_in_dim3A_792 = vector.broadcast %jit3A_791 : f32 to vector<16xf32>
    %select_n3A_793 = arith.select %ge3A_790, %broadcast_in_dim3A_792, %select_n3A_787 : vector<16xi1>, vector<16xf32>
    %ge3A_794 = arith.constant 4.096000e+03 : f32
    %ge3A_795 = vector.broadcast %ge3A_794 : f32 to vector<16xf32>
    %ge3A_796 = arith.cmpf oge, %add3A_761, %ge3A_795 : vector<16xf32>
    %jit3A_797 = arith.constant 7.812500e-03 : f32
    %broadcast_in_dim3A_798 = vector.broadcast %jit3A_797 : f32 to vector<16xf32>
    %select_n3A_799 = arith.select %ge3A_796, %broadcast_in_dim3A_798, %select_n3A_793 : vector<16xi1>, vector<16xf32>
    %ge3A_800 = arith.constant 1.638400e+04 : f32
    %ge3A_801 = vector.broadcast %ge3A_800 : f32 to vector<16xf32>
    %ge3A_802 = arith.cmpf oge, %add3A_761, %ge3A_801 : vector<16xf32>
    %jit3A_803 = arith.constant 3.906250e-03 : f32
    %broadcast_in_dim3A_804 = vector.broadcast %jit3A_803 : f32 to vector<16xf32>
    %select_n3A_805 = arith.select %ge3A_802, %broadcast_in_dim3A_804, %select_n3A_799 : vector<16xi1>, vector<16xf32>
    %ge3A_806 = arith.constant 6.553600e+04 : f32
    %ge3A_807 = vector.broadcast %ge3A_806 : f32 to vector<16xf32>
    %ge3A_808 = arith.cmpf oge, %add3A_761, %ge3A_807 : vector<16xf32>
    %jit3A_809 = arith.constant 0.001953125 : f32
    %broadcast_in_dim3A_810 = vector.broadcast %jit3A_809 : f32 to vector<16xf32>
    %select_n3A_811 = arith.select %ge3A_808, %broadcast_in_dim3A_810, %select_n3A_805 : vector<16xi1>, vector<16xf32>
    %ge3A_812 = arith.constant 2.621440e+05 : f32
    %ge3A_813 = vector.broadcast %ge3A_812 : f32 to vector<16xf32>
    %ge3A_814 = arith.cmpf oge, %add3A_761, %ge3A_813 : vector<16xf32>
    %jit3A_815 = arith.constant 9.765625E-4 : f32
    %broadcast_in_dim3A_816 = vector.broadcast %jit3A_815 : f32 to vector<16xf32>
    %select_n3A_817 = arith.select %ge3A_814, %broadcast_in_dim3A_816, %select_n3A_811 : vector<16xi1>, vector<16xf32>
    %mul3A_818 = arith.constant 5.000000e-01 : f32
    %mul3A_819 = vector.broadcast %mul3A_818 : f32 to vector<16xf32>
    %mul3A_820 = arith.mulf %mul3A_819, %add3A_761 : vector<16xf32>
    %mul3A_821 = arith.mulf %mul3A_820, %select_n3A_817 : vector<16xf32>
    %mul3A_822 = arith.mulf %mul3A_821, %select_n3A_817 : vector<16xf32>
    %sub3A_823 = arith.constant 1.500000e+00 : f32
    %sub3A_824 = vector.broadcast %sub3A_823 : f32 to vector<16xf32>
    %sub3A_825 = arith.subf %sub3A_824, %mul3A_822 : vector<16xf32>
    %mul3A_826 = arith.mulf %select_n3A_817, %sub3A_825 : vector<16xf32>
    %mul3A_827 = arith.constant 5.000000e-01 : f32
    %mul3A_828 = vector.broadcast %mul3A_827 : f32 to vector<16xf32>
    %mul3A_829 = arith.mulf %mul3A_828, %add3A_761 : vector<16xf32>
    %mul3A_830 = arith.mulf %mul3A_829, %mul3A_826 : vector<16xf32>
    %mul3A_831 = arith.mulf %mul3A_830, %mul3A_826 : vector<16xf32>
    %sub3A_832 = arith.constant 1.500000e+00 : f32
    %sub3A_833 = vector.broadcast %sub3A_832 : f32 to vector<16xf32>
    %sub3A_834 = arith.subf %sub3A_833, %mul3A_831 : vector<16xf32>
    %mul3A_835 = arith.mulf %mul3A_826, %sub3A_834 : vector<16xf32>
    %mul3A_836 = arith.constant 5.000000e-01 : f32
    %mul3A_837 = vector.broadcast %mul3A_836 : f32 to vector<16xf32>
    %mul3A_838 = arith.mulf %mul3A_837, %add3A_761 : vector<16xf32>
    %mul3A_839 = arith.mulf %mul3A_838, %mul3A_835 : vector<16xf32>
    %mul3A_840 = arith.mulf %mul3A_839, %mul3A_835 : vector<16xf32>
    %sub3A_841 = arith.constant 1.500000e+00 : f32
    %sub3A_842 = vector.broadcast %sub3A_841 : f32 to vector<16xf32>
    %sub3A_843 = arith.subf %sub3A_842, %mul3A_840 : vector<16xf32>
    %mul3A_844 = arith.mulf %mul3A_835, %sub3A_843 : vector<16xf32>
    %mul3A_845 = arith.constant 5.000000e-01 : f32
    %mul3A_846 = vector.broadcast %mul3A_845 : f32 to vector<16xf32>
    %mul3A_847 = arith.mulf %mul3A_846, %add3A_761 : vector<16xf32>
    %mul3A_848 = arith.mulf %mul3A_847, %mul3A_844 : vector<16xf32>
    %mul3A_849 = arith.mulf %mul3A_848, %mul3A_844 : vector<16xf32>
    %sub3A_850 = arith.constant 1.500000e+00 : f32
    %sub3A_851 = vector.broadcast %sub3A_850 : f32 to vector<16xf32>
    %sub3A_852 = arith.subf %sub3A_851, %mul3A_849 : vector<16xf32>
    %mul3A_853 = arith.mulf %mul3A_844, %sub3A_852 : vector<16xf32>
    %mul3A_854 = arith.constant 5.000000e-01 : f32
    %mul3A_855 = vector.broadcast %mul3A_854 : f32 to vector<16xf32>
    %mul3A_856 = arith.mulf %mul3A_855, %add3A_761 : vector<16xf32>
    %mul3A_857 = arith.mulf %mul3A_856, %mul3A_853 : vector<16xf32>
    %mul3A_858 = arith.mulf %mul3A_857, %mul3A_853 : vector<16xf32>
    %sub3A_859 = arith.constant 1.500000e+00 : f32
    %sub3A_860 = vector.broadcast %sub3A_859 : f32 to vector<16xf32>
    %sub3A_861 = arith.subf %sub3A_860, %mul3A_858 : vector<16xf32>
    %mul3A_862 = arith.mulf %mul3A_853, %sub3A_861 : vector<16xf32>
    %mul3A_863 = arith.constant 5.000000e-01 : f32
    %mul3A_864 = vector.broadcast %mul3A_863 : f32 to vector<16xf32>
    %mul3A_865 = arith.mulf %mul3A_864, %add3A_761 : vector<16xf32>
    %mul3A_866 = arith.mulf %mul3A_865, %mul3A_862 : vector<16xf32>
    %mul3A_867 = arith.mulf %mul3A_866, %mul3A_862 : vector<16xf32>
    %sub3A_868 = arith.constant 1.500000e+00 : f32
    %sub3A_869 = vector.broadcast %sub3A_868 : f32 to vector<16xf32>
    %sub3A_870 = arith.subf %sub3A_869, %mul3A_867 : vector<16xf32>
    %mul3A_871 = arith.mulf %mul3A_862, %sub3A_870 : vector<16xf32>
    %swap3A_872 = arith.constant 64 : index
    %swap3A_873 = tpu.vector_load %arg10[%swap3A_872] {strides = array<i32>} : memref<640xf32, #tpu.memory_space<vmem>>, vector<16xf32>,
    %swap3A_874 = vector.shape_cast %swap3A_873 : vector<16xf32> to vector<16xf32>
    %swap3A_875 = vector.shape_cast %mul3A_871 : vector<16xf32> to vector<16xf32>
    tpu.vector_store %arg10[%swap3A_872], %swap3A_875 {strides = array<i32>} : memref<640xf32, #tpu.memory_space<vmem>>, vector<16xf32>,
    %get3A_876 = arith.constant 80 : index
    %get3A_877 = tpu.vector_load %arg9[%get3A_876] {strides = array<i32>} : memref<640xf32, #tpu.memory_space<vmem>>, vector<16xf32>,
    %get3A_878 = vector.shape_cast %get3A_877 : vector<16xf32> to vector<16xf32>
    %add3A_879 = arith.constant 1.000000e+00 : f32
    %add3A_880 = vector.broadcast %add3A_879 : f32 to vector<16xf32>
    %add3A_881 = arith.addf %get3A_878, %add3A_880 : vector<16xf32>
    %broadcast_in_dim3A_882 = arith.constant 5.000000e-01 : f32
    %broadcast_in_dim3A_883 = vector.broadcast %broadcast_in_dim3A_882 : f32 to vector<16xf32>
    %ge3A_884 = arith.constant 4.000000e+00 : f32
    %ge3A_885 = vector.broadcast %ge3A_884 : f32 to vector<16xf32>
    %ge3A_886 = arith.cmpf oge, %add3A_881, %ge3A_885 : vector<16xf32>
    %jit3A_887 = arith.constant 2.500000e-01 : f32
    %broadcast_in_dim3A_888 = vector.broadcast %jit3A_887 : f32 to vector<16xf32>
    %select_n3A_889 = arith.select %ge3A_886, %broadcast_in_dim3A_888, %broadcast_in_dim3A_883 : vector<16xi1>, vector<16xf32>
    %ge3A_890 = arith.constant 1.600000e+01 : f32
    %ge3A_891 = vector.broadcast %ge3A_890 : f32 to vector<16xf32>
    %ge3A_892 = arith.cmpf oge, %add3A_881, %ge3A_891 : vector<16xf32>
    %jit3A_893 = arith.constant 1.250000e-01 : f32
    %broadcast_in_dim3A_894 = vector.broadcast %jit3A_893 : f32 to vector<16xf32>
    %select_n3A_895 = arith.select %ge3A_892, %broadcast_in_dim3A_894, %select_n3A_889 : vector<16xi1>, vector<16xf32>
    %ge3A_896 = arith.constant 6.400000e+01 : f32
    %ge3A_897 = vector.broadcast %ge3A_896 : f32 to vector<16xf32>
    %ge3A_898 = arith.cmpf oge, %add3A_881, %ge3A_897 : vector<16xf32>
    %jit3A_899 = arith.constant 6.250000e-02 : f32
    %broadcast_in_dim3A_900 = vector.broadcast %jit3A_899 : f32 to vector<16xf32>
    %select_n3A_901 = arith.select %ge3A_898, %broadcast_in_dim3A_900, %select_n3A_895 : vector<16xi1>, vector<16xf32>
    %ge3A_902 = arith.constant 2.560000e+02 : f32
    %ge3A_903 = vector.broadcast %ge3A_902 : f32 to vector<16xf32>
    %ge3A_904 = arith.cmpf oge, %add3A_881, %ge3A_903 : vector<16xf32>
    %jit3A_905 = arith.constant 3.125000e-02 : f32
    %broadcast_in_dim3A_906 = vector.broadcast %jit3A_905 : f32 to vector<16xf32>
    %select_n3A_907 = arith.select %ge3A_904, %broadcast_in_dim3A_906, %select_n3A_901 : vector<16xi1>, vector<16xf32>
    %ge3A_908 = arith.constant 1.024000e+03 : f32
    %ge3A_909 = vector.broadcast %ge3A_908 : f32 to vector<16xf32>
    %ge3A_910 = arith.cmpf oge, %add3A_881, %ge3A_909 : vector<16xf32>
    %jit3A_911 = arith.constant 1.562500e-02 : f32
    %broadcast_in_dim3A_912 = vector.broadcast %jit3A_911 : f32 to vector<16xf32>
    %select_n3A_913 = arith.select %ge3A_910, %broadcast_in_dim3A_912, %select_n3A_907 : vector<16xi1>, vector<16xf32>
    %ge3A_914 = arith.constant 4.096000e+03 : f32
    %ge3A_915 = vector.broadcast %ge3A_914 : f32 to vector<16xf32>
    %ge3A_916 = arith.cmpf oge, %add3A_881, %ge3A_915 : vector<16xf32>
    %jit3A_917 = arith.constant 7.812500e-03 : f32
    %broadcast_in_dim3A_918 = vector.broadcast %jit3A_917 : f32 to vector<16xf32>
    %select_n3A_919 = arith.select %ge3A_916, %broadcast_in_dim3A_918, %select_n3A_913 : vector<16xi1>, vector<16xf32>
    %ge3A_920 = arith.constant 1.638400e+04 : f32
    %ge3A_921 = vector.broadcast %ge3A_920 : f32 to vector<16xf32>
    %ge3A_922 = arith.cmpf oge, %add3A_881, %ge3A_921 : vector<16xf32>
    %jit3A_923 = arith.constant 3.906250e-03 : f32
    %broadcast_in_dim3A_924 = vector.broadcast %jit3A_923 : f32 to vector<16xf32>
    %select_n3A_925 = arith.select %ge3A_922, %broadcast_in_dim3A_924, %select_n3A_919 : vector<16xi1>, vector<16xf32>
    %ge3A_926 = arith.constant 6.553600e+04 : f32
    %ge3A_927 = vector.broadcast %ge3A_926 : f32 to vector<16xf32>
    %ge3A_928 = arith.cmpf oge, %add3A_881, %ge3A_927 : vector<16xf32>
    %jit3A_929 = arith.constant 0.001953125 : f32
    %broadcast_in_dim3A_930 = vector.broadcast %jit3A_929 : f32 to vector<16xf32>
    %select_n3A_931 = arith.select %ge3A_928, %broadcast_in_dim3A_930, %select_n3A_925 : vector<16xi1>, vector<16xf32>
    %ge3A_932 = arith.constant 2.621440e+05 : f32
    %ge3A_933 = vector.broadcast %ge3A_932 : f32 to vector<16xf32>
    %ge3A_934 = arith.cmpf oge, %add3A_881, %ge3A_933 : vector<16xf32>
    %jit3A_935 = arith.constant 9.765625E-4 : f32
    %broadcast_in_dim3A_936 = vector.broadcast %jit3A_935 : f32 to vector<16xf32>
    %select_n3A_937 = arith.select %ge3A_934, %broadcast_in_dim3A_936, %select_n3A_931 : vector<16xi1>, vector<16xf32>
    %mul3A_938 = arith.constant 5.000000e-01 : f32
    %mul3A_939 = vector.broadcast %mul3A_938 : f32 to vector<16xf32>
    %mul3A_940 = arith.mulf %mul3A_939, %add3A_881 : vector<16xf32>
    %mul3A_941 = arith.mulf %mul3A_940, %select_n3A_937 : vector<16xf32>
    %mul3A_942 = arith.mulf %mul3A_941, %select_n3A_937 : vector<16xf32>
    %sub3A_943 = arith.constant 1.500000e+00 : f32
    %sub3A_944 = vector.broadcast %sub3A_943 : f32 to vector<16xf32>
    %sub3A_945 = arith.subf %sub3A_944, %mul3A_942 : vector<16xf32>
    %mul3A_946 = arith.mulf %select_n3A_937, %sub3A_945 : vector<16xf32>
    %mul3A_947 = arith.constant 5.000000e-01 : f32
    %mul3A_948 = vector.broadcast %mul3A_947 : f32 to vector<16xf32>
    %mul3A_949 = arith.mulf %mul3A_948, %add3A_881 : vector<16xf32>
    %mul3A_950 = arith.mulf %mul3A_949, %mul3A_946 : vector<16xf32>
    %mul3A_951 = arith.mulf %mul3A_950, %mul3A_946 : vector<16xf32>
    %sub3A_952 = arith.constant 1.500000e+00 : f32
    %sub3A_953 = vector.broadcast %sub3A_952 : f32 to vector<16xf32>
    %sub3A_954 = arith.subf %sub3A_953, %mul3A_951 : vector<16xf32>
    %mul3A_955 = arith.mulf %mul3A_946, %sub3A_954 : vector<16xf32>
    %mul3A_956 = arith.constant 5.000000e-01 : f32
    %mul3A_957 = vector.broadcast %mul3A_956 : f32 to vector<16xf32>
    %mul3A_958 = arith.mulf %mul3A_957, %add3A_881 : vector<16xf32>
    %mul3A_959 = arith.mulf %mul3A_958, %mul3A_955 : vector<16xf32>
    %mul3A_960 = arith.mulf %mul3A_959, %mul3A_955 : vector<16xf32>
    %sub3A_961 = arith.constant 1.500000e+00 : f32
    %sub3A_962 = vector.broadcast %sub3A_961 : f32 to vector<16xf32>
    %sub3A_963 = arith.subf %sub3A_962, %mul3A_960 : vector<16xf32>
    %mul3A_964 = arith.mulf %mul3A_955, %sub3A_963 : vector<16xf32>
    %mul3A_965 = arith.constant 5.000000e-01 : f32
    %mul3A_966 = vector.broadcast %mul3A_965 : f32 to vector<16xf32>
    %mul3A_967 = arith.mulf %mul3A_966, %add3A_881 : vector<16xf32>
    %mul3A_968 = arith.mulf %mul3A_967, %mul3A_964 : vector<16xf32>
    %mul3A_969 = arith.mulf %mul3A_968, %mul3A_964 : vector<16xf32>
    %sub3A_970 = arith.constant 1.500000e+00 : f32
    %sub3A_971 = vector.broadcast %sub3A_970 : f32 to vector<16xf32>
    %sub3A_972 = arith.subf %sub3A_971, %mul3A_969 : vector<16xf32>
    %mul3A_973 = arith.mulf %mul3A_964, %sub3A_972 : vector<16xf32>
    %mul3A_974 = arith.constant 5.000000e-01 : f32
    %mul3A_975 = vector.broadcast %mul3A_974 : f32 to vector<16xf32>
    %mul3A_976 = arith.mulf %mul3A_975, %add3A_881 : vector<16xf32>
    %mul3A_977 = arith.mulf %mul3A_976, %mul3A_973 : vector<16xf32>
    %mul3A_978 = arith.mulf %mul3A_977, %mul3A_973 : vector<16xf32>
    %sub3A_979 = arith.constant 1.500000e+00 : f32
    %sub3A_980 = vector.broadcast %sub3A_979 : f32 to vector<16xf32>
    %sub3A_981 = arith.subf %sub3A_980, %mul3A_978 : vector<16xf32>
    %mul3A_982 = arith.mulf %mul3A_973, %sub3A_981 : vector<16xf32>
    %mul3A_983 = arith.constant 5.000000e-01 : f32
    %mul3A_984 = vector.broadcast %mul3A_983 : f32 to vector<16xf32>
    %mul3A_985 = arith.mulf %mul3A_984, %add3A_881 : vector<16xf32>
    %mul3A_986 = arith.mulf %mul3A_985, %mul3A_982 : vector<16xf32>
    %mul3A_987 = arith.mulf %mul3A_986, %mul3A_982 : vector<16xf32>
    %sub3A_988 = arith.constant 1.500000e+00 : f32
    %sub3A_989 = vector.broadcast %sub3A_988 : f32 to vector<16xf32>
    %sub3A_990 = arith.subf %sub3A_989, %mul3A_987 : vector<16xf32>
    %mul3A_991 = arith.mulf %mul3A_982, %sub3A_990 : vector<16xf32>
    %swap3A_992 = arith.constant 80 : index
    %swap3A_993 = tpu.vector_load %arg10[%swap3A_992] {strides = array<i32>} : memref<640xf32, #tpu.memory_space<vmem>>, vector<16xf32>,
    %swap3A_994 = vector.shape_cast %swap3A_993 : vector<16xf32> to vector<16xf32>
    %swap3A_995 = vector.shape_cast %mul3A_991 : vector<16xf32> to vector<16xf32>
    tpu.vector_store %arg10[%swap3A_992], %swap3A_995 {strides = array<i32>} : memref<640xf32, #tpu.memory_space<vmem>>, vector<16xf32>,
    %get3A_996 = arith.constant 96 : index
    %get3A_997 = tpu.vector_load %arg9[%get3A_996] {strides = array<i32>} : memref<640xf32, #tpu.memory_space<vmem>>, vector<16xf32>,
    %get3A_998 = vector.shape_cast %get3A_997 : vector<16xf32> to vector<16xf32>
    %add3A_999 = arith.constant 1.000000e+00 : f32
    %add3A_1000 = vector.broadcast %add3A_999 : f32 to vector<16xf32>
    %add3A_1001 = arith.addf %get3A_998, %add3A_1000 : vector<16xf32>
    %broadcast_in_dim3A_1002 = arith.constant 5.000000e-01 : f32
    %broadcast_in_dim3A_1003 = vector.broadcast %broadcast_in_dim3A_1002 : f32 to vector<16xf32>
    %ge3A_1004 = arith.constant 4.000000e+00 : f32
    %ge3A_1005 = vector.broadcast %ge3A_1004 : f32 to vector<16xf32>
    %ge3A_1006 = arith.cmpf oge, %add3A_1001, %ge3A_1005 : vector<16xf32>
    %jit3A_1007 = arith.constant 2.500000e-01 : f32
    %broadcast_in_dim3A_1008 = vector.broadcast %jit3A_1007 : f32 to vector<16xf32>
    %select_n3A_1009 = arith.select %ge3A_1006, %broadcast_in_dim3A_1008, %broadcast_in_dim3A_1003 : vector<16xi1>, vector<16xf32>
    %ge3A_1010 = arith.constant 1.600000e+01 : f32
    %ge3A_1011 = vector.broadcast %ge3A_1010 : f32 to vector<16xf32>
    %ge3A_1012 = arith.cmpf oge, %add3A_1001, %ge3A_1011 : vector<16xf32>
    %jit3A_1013 = arith.constant 1.250000e-01 : f32
    %broadcast_in_dim3A_1014 = vector.broadcast %jit3A_1013 : f32 to vector<16xf32>
    %select_n3A_1015 = arith.select %ge3A_1012, %broadcast_in_dim3A_1014, %select_n3A_1009 : vector<16xi1>, vector<16xf32>
    %ge3A_1016 = arith.constant 6.400000e+01 : f32
    %ge3A_1017 = vector.broadcast %ge3A_1016 : f32 to vector<16xf32>
    %ge3A_1018 = arith.cmpf oge, %add3A_1001, %ge3A_1017 : vector<16xf32>
    %jit3A_1019 = arith.constant 6.250000e-02 : f32
    %broadcast_in_dim3A_1020 = vector.broadcast %jit3A_1019 : f32 to vector<16xf32>
    %select_n3A_1021 = arith.select %ge3A_1018, %broadcast_in_dim3A_1020, %select_n3A_1015 : vector<16xi1>, vector<16xf32>
    %ge3A_1022 = arith.constant 2.560000e+02 : f32
    %ge3A_1023 = vector.broadcast %ge3A_1022 : f32 to vector<16xf32>
    %ge3A_1024 = arith.cmpf oge, %add3A_1001, %ge3A_1023 : vector<16xf32>
    %jit3A_1025 = arith.constant 3.125000e-02 : f32
    %broadcast_in_dim3A_1026 = vector.broadcast %jit3A_1025 : f32 to vector<16xf32>
    %select_n3A_1027 = arith.select %ge3A_1024, %broadcast_in_dim3A_1026, %select_n3A_1021 : vector<16xi1>, vector<16xf32>
    %ge3A_1028 = arith.constant 1.024000e+03 : f32
    %ge3A_1029 = vector.broadcast %ge3A_1028 : f32 to vector<16xf32>
    %ge3A_1030 = arith.cmpf oge, %add3A_1001, %ge3A_1029 : vector<16xf32>
    %jit3A_1031 = arith.constant 1.562500e-02 : f32
    %broadcast_in_dim3A_1032 = vector.broadcast %jit3A_1031 : f32 to vector<16xf32>
    %select_n3A_1033 = arith.select %ge3A_1030, %broadcast_in_dim3A_1032, %select_n3A_1027 : vector<16xi1>, vector<16xf32>
    %ge3A_1034 = arith.constant 4.096000e+03 : f32
    %ge3A_1035 = vector.broadcast %ge3A_1034 : f32 to vector<16xf32>
    %ge3A_1036 = arith.cmpf oge, %add3A_1001, %ge3A_1035 : vector<16xf32>
    %jit3A_1037 = arith.constant 7.812500e-03 : f32
    %broadcast_in_dim3A_1038 = vector.broadcast %jit3A_1037 : f32 to vector<16xf32>
    %select_n3A_1039 = arith.select %ge3A_1036, %broadcast_in_dim3A_1038, %select_n3A_1033 : vector<16xi1>, vector<16xf32>
    %ge3A_1040 = arith.constant 1.638400e+04 : f32
    %ge3A_1041 = vector.broadcast %ge3A_1040 : f32 to vector<16xf32>
    %ge3A_1042 = arith.cmpf oge, %add3A_1001, %ge3A_1041 : vector<16xf32>
    %jit3A_1043 = arith.constant 3.906250e-03 : f32
    %broadcast_in_dim3A_1044 = vector.broadcast %jit3A_1043 : f32 to vector<16xf32>
    %select_n3A_1045 = arith.select %ge3A_1042, %broadcast_in_dim3A_1044, %select_n3A_1039 : vector<16xi1>, vector<16xf32>
    %ge3A_1046 = arith.constant 6.553600e+04 : f32
    %ge3A_1047 = vector.broadcast %ge3A_1046 : f32 to vector<16xf32>
    %ge3A_1048 = arith.cmpf oge, %add3A_1001, %ge3A_1047 : vector<16xf32>
    %jit3A_1049 = arith.constant 0.001953125 : f32
    %broadcast_in_dim3A_1050 = vector.broadcast %jit3A_1049 : f32 to vector<16xf32>
    %select_n3A_1051 = arith.select %ge3A_1048, %broadcast_in_dim3A_1050, %select_n3A_1045 : vector<16xi1>, vector<16xf32>
    %ge3A_1052 = arith.constant 2.621440e+05 : f32
    %ge3A_1053 = vector.broadcast %ge3A_1052 : f32 to vector<16xf32>
    %ge3A_1054 = arith.cmpf oge, %add3A_1001, %ge3A_1053 : vector<16xf32>
    %jit3A_1055 = arith.constant 9.765625E-4 : f32
    %broadcast_in_dim3A_1056 = vector.broadcast %jit3A_1055 : f32 to vector<16xf32>
    %select_n3A_1057 = arith.select %ge3A_1054, %broadcast_in_dim3A_1056, %select_n3A_1051 : vector<16xi1>, vector<16xf32>
    %mul3A_1058 = arith.constant 5.000000e-01 : f32
    %mul3A_1059 = vector.broadcast %mul3A_1058 : f32 to vector<16xf32>
    %mul3A_1060 = arith.mulf %mul3A_1059, %add3A_1001 : vector<16xf32>
    %mul3A_1061 = arith.mulf %mul3A_1060, %select_n3A_1057 : vector<16xf32>
    %mul3A_1062 = arith.mulf %mul3A_1061, %select_n3A_1057 : vector<16xf32>
    %sub3A_1063 = arith.constant 1.500000e+00 : f32
    %sub3A_1064 = vector.broadcast %sub3A_1063 : f32 to vector<16xf32>
    %sub3A_1065 = arith.subf %sub3A_1064, %mul3A_1062 : vector<16xf32>
    %mul3A_1066 = arith.mulf %select_n3A_1057, %sub3A_1065 : vector<16xf32>
    %mul3A_1067 = arith.constant 5.000000e-01 : f32
    %mul3A_1068 = vector.broadcast %mul3A_1067 : f32 to vector<16xf32>
    %mul3A_1069 = arith.mulf %mul3A_1068, %add3A_1001 : vector<16xf32>
    %mul3A_1070 = arith.mulf %mul3A_1069, %mul3A_1066 : vector<16xf32>
    %mul3A_1071 = arith.mulf %mul3A_1070, %mul3A_1066 : vector<16xf32>
    %sub3A_1072 = arith.constant 1.500000e+00 : f32
    %sub3A_1073 = vector.broadcast %sub3A_1072 : f32 to vector<16xf32>
    %sub3A_1074 = arith.subf %sub3A_1073, %mul3A_1071 : vector<16xf32>
    %mul3A_1075 = arith.mulf %mul3A_1066, %sub3A_1074 : vector<16xf32>
    %mul3A_1076 = arith.constant 5.000000e-01 : f32
    %mul3A_1077 = vector.broadcast %mul3A_1076 : f32 to vector<16xf32>
    %mul3A_1078 = arith.mulf %mul3A_1077, %add3A_1001 : vector<16xf32>
    %mul3A_1079 = arith.mulf %mul3A_1078, %mul3A_1075 : vector<16xf32>
    %mul3A_1080 = arith.mulf %mul3A_1079, %mul3A_1075 : vector<16xf32>
    %sub3A_1081 = arith.constant 1.500000e+00 : f32
    %sub3A_1082 = vector.broadcast %sub3A_1081 : f32 to vector<16xf32>
    %sub3A_1083 = arith.subf %sub3A_1082, %mul3A_1080 : vector<16xf32>
    %mul3A_1084 = arith.mulf %mul3A_1075, %sub3A_1083 : vector<16xf32>
    %mul3A_1085 = arith.constant 5.000000e-01 : f32
    %mul3A_1086 = vector.broadcast %mul3A_1085 : f32 to vector<16xf32>
    %mul3A_1087 = arith.mulf %mul3A_1086, %add3A_1001 : vector<16xf32>
    %mul3A_1088 = arith.mulf %mul3A_1087, %mul3A_1084 : vector<16xf32>
    %mul3A_1089 = arith.mulf %mul3A_1088, %mul3A_1084 : vector<16xf32>
    %sub3A_1090 = arith.constant 1.500000e+00 : f32
    %sub3A_1091 = vector.broadcast %sub3A_1090 : f32 to vector<16xf32>
    %sub3A_1092 = arith.subf %sub3A_1091, %mul3A_1089 : vector<16xf32>
    %mul3A_1093 = arith.mulf %mul3A_1084, %sub3A_1092 : vector<16xf32>
    %mul3A_1094 = arith.constant 5.000000e-01 : f32
    %mul3A_1095 = vector.broadcast %mul3A_1094 : f32 to vector<16xf32>
    %mul3A_1096 = arith.mulf %mul3A_1095, %add3A_1001 : vector<16xf32>
    %mul3A_1097 = arith.mulf %mul3A_1096, %mul3A_1093 : vector<16xf32>
    %mul3A_1098 = arith.mulf %mul3A_1097, %mul3A_1093 : vector<16xf32>
    %sub3A_1099 = arith.constant 1.500000e+00 : f32
    %sub3A_1100 = vector.broadcast %sub3A_1099 : f32 to vector<16xf32>
    %sub3A_1101 = arith.subf %sub3A_1100, %mul3A_1098 : vector<16xf32>
    %mul3A_1102 = arith.mulf %mul3A_1093, %sub3A_1101 : vector<16xf32>
    %mul3A_1103 = arith.constant 5.000000e-01 : f32
    %mul3A_1104 = vector.broadcast %mul3A_1103 : f32 to vector<16xf32>
    %mul3A_1105 = arith.mulf %mul3A_1104, %add3A_1001 : vector<16xf32>
    %mul3A_1106 = arith.mulf %mul3A_1105, %mul3A_1102 : vector<16xf32>
    %mul3A_1107 = arith.mulf %mul3A_1106, %mul3A_1102 : vector<16xf32>
    %sub3A_1108 = arith.constant 1.500000e+00 : f32
    %sub3A_1109 = vector.broadcast %sub3A_1108 : f32 to vector<16xf32>
    %sub3A_1110 = arith.subf %sub3A_1109, %mul3A_1107 : vector<16xf32>
    %mul3A_1111 = arith.mulf %mul3A_1102, %sub3A_1110 : vector<16xf32>
    %swap3A_1112 = arith.constant 96 : index
    %swap3A_1113 = tpu.vector_load %arg10[%swap3A_1112] {strides = array<i32>} : memref<640xf32, #tpu.memory_space<vmem>>, vector<16xf32>,
    %swap3A_1114 = vector.shape_cast %swap3A_1113 : vector<16xf32> to vector<16xf32>
    %swap3A_1115 = vector.shape_cast %mul3A_1111 : vector<16xf32> to vector<16xf32>
    tpu.vector_store %arg10[%swap3A_1112], %swap3A_1115 {strides = array<i32>} : memref<640xf32, #tpu.memory_space<vmem>>, vector<16xf32>,
    %get3A_1116 = arith.constant 112 : index
    %get3A_1117 = tpu.vector_load %arg9[%get3A_1116] {strides = array<i32>} : memref<640xf32, #tpu.memory_space<vmem>>, vector<16xf32>,
    %get3A_1118 = vector.shape_cast %get3A_1117 : vector<16xf32> to vector<16xf32>
    %add3A_1119 = arith.constant 1.000000e+00 : f32
    %add3A_1120 = vector.broadcast %add3A_1119 : f32 to vector<16xf32>
    %add3A_1121 = arith.addf %get3A_1118, %add3A_1120 : vector<16xf32>
    %broadcast_in_dim3A_1122 = arith.constant 5.000000e-01 : f32
    %broadcast_in_dim3A_1123 = vector.broadcast %broadcast_in_dim3A_1122 : f32 to vector<16xf32>
    %ge3A_1124 = arith.constant 4.000000e+00 : f32
    %ge3A_1125 = vector.broadcast %ge3A_1124 : f32 to vector<16xf32>
    %ge3A_1126 = arith.cmpf oge, %add3A_1121, %ge3A_1125 : vector<16xf32>
    %jit3A_1127 = arith.constant 2.500000e-01 : f32
    %broadcast_in_dim3A_1128 = vector.broadcast %jit3A_1127 : f32 to vector<16xf32>
    %select_n3A_1129 = arith.select %ge3A_1126, %broadcast_in_dim3A_1128, %broadcast_in_dim3A_1123 : vector<16xi1>, vector<16xf32>
    %ge3A_1130 = arith.constant 1.600000e+01 : f32
    %ge3A_1131 = vector.broadcast %ge3A_1130 : f32 to vector<16xf32>
    %ge3A_1132 = arith.cmpf oge, %add3A_1121, %ge3A_1131 : vector<16xf32>
    %jit3A_1133 = arith.constant 1.250000e-01 : f32
    %broadcast_in_dim3A_1134 = vector.broadcast %jit3A_1133 : f32 to vector<16xf32>
    %select_n3A_1135 = arith.select %ge3A_1132, %broadcast_in_dim3A_1134, %select_n3A_1129 : vector<16xi1>, vector<16xf32>
    %ge3A_1136 = arith.constant 6.400000e+01 : f32
    %ge3A_1137 = vector.broadcast %ge3A_1136 : f32 to vector<16xf32>
    %ge3A_1138 = arith.cmpf oge, %add3A_1121, %ge3A_1137 : vector<16xf32>
    %jit3A_1139 = arith.constant 6.250000e-02 : f32
    %broadcast_in_dim3A_1140 = vector.broadcast %jit3A_1139 : f32 to vector<16xf32>
    %select_n3A_1141 = arith.select %ge3A_1138, %broadcast_in_dim3A_1140, %select_n3A_1135 : vector<16xi1>, vector<16xf32>
    %ge3A_1142 = arith.constant 2.560000e+02 : f32
    %ge3A_1143 = vector.broadcast %ge3A_1142 : f32 to vector<16xf32>
    %ge3A_1144 = arith.cmpf oge, %add3A_1121, %ge3A_1143 : vector<16xf32>
    %jit3A_1145 = arith.constant 3.125000e-02 : f32
    %broadcast_in_dim3A_1146 = vector.broadcast %jit3A_1145 : f32 to vector<16xf32>
    %select_n3A_1147 = arith.select %ge3A_1144, %broadcast_in_dim3A_1146, %select_n3A_1141 : vector<16xi1>, vector<16xf32>
    %ge3A_1148 = arith.constant 1.024000e+03 : f32
    %ge3A_1149 = vector.broadcast %ge3A_1148 : f32 to vector<16xf32>
    %ge3A_1150 = arith.cmpf oge, %add3A_1121, %ge3A_1149 : vector<16xf32>
    %jit3A_1151 = arith.constant 1.562500e-02 : f32
    %broadcast_in_dim3A_1152 = vector.broadcast %jit3A_1151 : f32 to vector<16xf32>
    %select_n3A_1153 = arith.select %ge3A_1150, %broadcast_in_dim3A_1152, %select_n3A_1147 : vector<16xi1>, vector<16xf32>
    %ge3A_1154 = arith.constant 4.096000e+03 : f32
    %ge3A_1155 = vector.broadcast %ge3A_1154 : f32 to vector<16xf32>
    %ge3A_1156 = arith.cmpf oge, %add3A_1121, %ge3A_1155 : vector<16xf32>
    %jit3A_1157 = arith.constant 7.812500e-03 : f32
    %broadcast_in_dim3A_1158 = vector.broadcast %jit3A_1157 : f32 to vector<16xf32>
    %select_n3A_1159 = arith.select %ge3A_1156, %broadcast_in_dim3A_1158, %select_n3A_1153 : vector<16xi1>, vector<16xf32>
    %ge3A_1160 = arith.constant 1.638400e+04 : f32
    %ge3A_1161 = vector.broadcast %ge3A_1160 : f32 to vector<16xf32>
    %ge3A_1162 = arith.cmpf oge, %add3A_1121, %ge3A_1161 : vector<16xf32>
    %jit3A_1163 = arith.constant 3.906250e-03 : f32
    %broadcast_in_dim3A_1164 = vector.broadcast %jit3A_1163 : f32 to vector<16xf32>
    %select_n3A_1165 = arith.select %ge3A_1162, %broadcast_in_dim3A_1164, %select_n3A_1159 : vector<16xi1>, vector<16xf32>
    %ge3A_1166 = arith.constant 6.553600e+04 : f32
    %ge3A_1167 = vector.broadcast %ge3A_1166 : f32 to vector<16xf32>
    %ge3A_1168 = arith.cmpf oge, %add3A_1121, %ge3A_1167 : vector<16xf32>
    %jit3A_1169 = arith.constant 0.001953125 : f32
    %broadcast_in_dim3A_1170 = vector.broadcast %jit3A_1169 : f32 to vector<16xf32>
    %select_n3A_1171 = arith.select %ge3A_1168, %broadcast_in_dim3A_1170, %select_n3A_1165 : vector<16xi1>, vector<16xf32>
    %ge3A_1172 = arith.constant 2.621440e+05 : f32
    %ge3A_1173 = vector.broadcast %ge3A_1172 : f32 to vector<16xf32>
    %ge3A_1174 = arith.cmpf oge, %add3A_1121, %ge3A_1173 : vector<16xf32>
    %jit3A_1175 = arith.constant 9.765625E-4 : f32
    %broadcast_in_dim3A_1176 = vector.broadcast %jit3A_1175 : f32 to vector<16xf32>
    %select_n3A_1177 = arith.select %ge3A_1174, %broadcast_in_dim3A_1176, %select_n3A_1171 : vector<16xi1>, vector<16xf32>
    %mul3A_1178 = arith.constant 5.000000e-01 : f32
    %mul3A_1179 = vector.broadcast %mul3A_1178 : f32 to vector<16xf32>
    %mul3A_1180 = arith.mulf %mul3A_1179, %add3A_1121 : vector<16xf32>
    %mul3A_1181 = arith.mulf %mul3A_1180, %select_n3A_1177 : vector<16xf32>
    %mul3A_1182 = arith.mulf %mul3A_1181, %select_n3A_1177 : vector<16xf32>
    %sub3A_1183 = arith.constant 1.500000e+00 : f32
    %sub3A_1184 = vector.broadcast %sub3A_1183 : f32 to vector<16xf32>
    %sub3A_1185 = arith.subf %sub3A_1184, %mul3A_1182 : vector<16xf32>
    %mul3A_1186 = arith.mulf %select_n3A_1177, %sub3A_1185 : vector<16xf32>
    %mul3A_1187 = arith.constant 5.000000e-01 : f32
    %mul3A_1188 = vector.broadcast %mul3A_1187 : f32 to vector<16xf32>
    %mul3A_1189 = arith.mulf %mul3A_1188, %add3A_1121 : vector<16xf32>
    %mul3A_1190 = arith.mulf %mul3A_1189, %mul3A_1186 : vector<16xf32>
    %mul3A_1191 = arith.mulf %mul3A_1190, %mul3A_1186 : vector<16xf32>
    %sub3A_1192 = arith.constant 1.500000e+00 : f32
    %sub3A_1193 = vector.broadcast %sub3A_1192 : f32 to vector<16xf32>
    %sub3A_1194 = arith.subf %sub3A_1193, %mul3A_1191 : vector<16xf32>
    %mul3A_1195 = arith.mulf %mul3A_1186, %sub3A_1194 : vector<16xf32>
    %mul3A_1196 = arith.constant 5.000000e-01 : f32
    %mul3A_1197 = vector.broadcast %mul3A_1196 : f32 to vector<16xf32>
    %mul3A_1198 = arith.mulf %mul3A_1197, %add3A_1121 : vector<16xf32>
    %mul3A_1199 = arith.mulf %mul3A_1198, %mul3A_1195 : vector<16xf32>
    %mul3A_1200 = arith.mulf %mul3A_1199, %mul3A_1195 : vector<16xf32>
    %sub3A_1201 = arith.constant 1.500000e+00 : f32
    %sub3A_1202 = vector.broadcast %sub3A_1201 : f32 to vector<16xf32>
    %sub3A_1203 = arith.subf %sub3A_1202, %mul3A_1200 : vector<16xf32>
    %mul3A_1204 = arith.mulf %mul3A_1195, %sub3A_1203 : vector<16xf32>
    %mul3A_1205 = arith.constant 5.000000e-01 : f32
    %mul3A_1206 = vector.broadcast %mul3A_1205 : f32 to vector<16xf32>
    %mul3A_1207 = arith.mulf %mul3A_1206, %add3A_1121 : vector<16xf32>
    %mul3A_1208 = arith.mulf %mul3A_1207, %mul3A_1204 : vector<16xf32>
    %mul3A_1209 = arith.mulf %mul3A_1208, %mul3A_1204 : vector<16xf32>
    %sub3A_1210 = arith.constant 1.500000e+00 : f32
    %sub3A_1211 = vector.broadcast %sub3A_1210 : f32 to vector<16xf32>
    %sub3A_1212 = arith.subf %sub3A_1211, %mul3A_1209 : vector<16xf32>
    %mul3A_1213 = arith.mulf %mul3A_1204, %sub3A_1212 : vector<16xf32>
    %mul3A_1214 = arith.constant 5.000000e-01 : f32
    %mul3A_1215 = vector.broadcast %mul3A_1214 : f32 to vector<16xf32>
    %mul3A_1216 = arith.mulf %mul3A_1215, %add3A_1121 : vector<16xf32>
    %mul3A_1217 = arith.mulf %mul3A_1216, %mul3A_1213 : vector<16xf32>
    %mul3A_1218 = arith.mulf %mul3A_1217, %mul3A_1213 : vector<16xf32>
    %sub3A_1219 = arith.constant 1.500000e+00 : f32
    %sub3A_1220 = vector.broadcast %sub3A_1219 : f32 to vector<16xf32>
    %sub3A_1221 = arith.subf %sub3A_1220, %mul3A_1218 : vector<16xf32>
    %mul3A_1222 = arith.mulf %mul3A_1213, %sub3A_1221 : vector<16xf32>
    %mul3A_1223 = arith.constant 5.000000e-01 : f32
    %mul3A_1224 = vector.broadcast %mul3A_1223 : f32 to vector<16xf32>
    %mul3A_1225 = arith.mulf %mul3A_1224, %add3A_1121 : vector<16xf32>
    %mul3A_1226 = arith.mulf %mul3A_1225, %mul3A_1222 : vector<16xf32>
    %mul3A_1227 = arith.mulf %mul3A_1226, %mul3A_1222 : vector<16xf32>
    %sub3A_1228 = arith.constant 1.500000e+00 : f32
    %sub3A_1229 = vector.broadcast %sub3A_1228 : f32 to vector<16xf32>
    %sub3A_1230 = arith.subf %sub3A_1229, %mul3A_1227 : vector<16xf32>
    %mul3A_1231 = arith.mulf %mul3A_1222, %sub3A_1230 : vector<16xf32>
    %swap3A_1232 = arith.constant 112 : index
    %swap3A_1233 = tpu.vector_load %arg10[%swap3A_1232] {strides = array<i32>} : memref<640xf32, #tpu.memory_space<vmem>>, vector<16xf32>,
    %swap3A_1234 = vector.shape_cast %swap3A_1233 : vector<16xf32> to vector<16xf32>
    %swap3A_1235 = vector.shape_cast %mul3A_1231 : vector<16xf32> to vector<16xf32>
    tpu.vector_store %arg10[%swap3A_1232], %swap3A_1235 {strides = array<i32>} : memref<640xf32, #tpu.memory_space<vmem>>, vector<16xf32>,
    %get3A_1236 = arith.constant 128 : index
    %get3A_1237 = tpu.vector_load %arg9[%get3A_1236] {strides = array<i32>} : memref<640xf32, #tpu.memory_space<vmem>>, vector<16xf32>,
    %get3A_1238 = vector.shape_cast %get3A_1237 : vector<16xf32> to vector<16xf32>
    %add3A_1239 = arith.constant 1.000000e+00 : f32
    %add3A_1240 = vector.broadcast %add3A_1239 : f32 to vector<16xf32>
    %add3A_1241 = arith.addf %get3A_1238, %add3A_1240 : vector<16xf32>
    %broadcast_in_dim3A_1242 = arith.constant 5.000000e-01 : f32
    %broadcast_in_dim3A_1243 = vector.broadcast %broadcast_in_dim3A_1242 : f32 to vector<16xf32>
    %ge3A_1244 = arith.constant 4.000000e+00 : f32
    %ge3A_1245 = vector.broadcast %ge3A_1244 : f32 to vector<16xf32>
    %ge3A_1246 = arith.cmpf oge, %add3A_1241, %ge3A_1245 : vector<16xf32>
    %jit3A_1247 = arith.constant 2.500000e-01 : f32
    %broadcast_in_dim3A_1248 = vector.broadcast %jit3A_1247 : f32 to vector<16xf32>
    %select_n3A_1249 = arith.select %ge3A_1246, %broadcast_in_dim3A_1248, %broadcast_in_dim3A_1243 : vector<16xi1>, vector<16xf32>
    %ge3A_1250 = arith.constant 1.600000e+01 : f32
    %ge3A_1251 = vector.broadcast %ge3A_1250 : f32 to vector<16xf32>
    %ge3A_1252 = arith.cmpf oge, %add3A_1241, %ge3A_1251 : vector<16xf32>
    %jit3A_1253 = arith.constant 1.250000e-01 : f32
    %broadcast_in_dim3A_1254 = vector.broadcast %jit3A_1253 : f32 to vector<16xf32>
    %select_n3A_1255 = arith.select %ge3A_1252, %broadcast_in_dim3A_1254, %select_n3A_1249 : vector<16xi1>, vector<16xf32>
    %ge3A_1256 = arith.constant 6.400000e+01 : f32
    %ge3A_1257 = vector.broadcast %ge3A_1256 : f32 to vector<16xf32>
    %ge3A_1258 = arith.cmpf oge, %add3A_1241, %ge3A_1257 : vector<16xf32>
    %jit3A_1259 = arith.constant 6.250000e-02 : f32
    %broadcast_in_dim3A_1260 = vector.broadcast %jit3A_1259 : f32 to vector<16xf32>
    %select_n3A_1261 = arith.select %ge3A_1258, %broadcast_in_dim3A_1260, %select_n3A_1255 : vector<16xi1>, vector<16xf32>
    %ge3A_1262 = arith.constant 2.560000e+02 : f32
    %ge3A_1263 = vector.broadcast %ge3A_1262 : f32 to vector<16xf32>
    %ge3A_1264 = arith.cmpf oge, %add3A_1241, %ge3A_1263 : vector<16xf32>
    %jit3A_1265 = arith.constant 3.125000e-02 : f32
    %broadcast_in_dim3A_1266 = vector.broadcast %jit3A_1265 : f32 to vector<16xf32>
    %select_n3A_1267 = arith.select %ge3A_1264, %broadcast_in_dim3A_1266, %select_n3A_1261 : vector<16xi1>, vector<16xf32>
    %ge3A_1268 = arith.constant 1.024000e+03 : f32
    %ge3A_1269 = vector.broadcast %ge3A_1268 : f32 to vector<16xf32>
    %ge3A_1270 = arith.cmpf oge, %add3A_1241, %ge3A_1269 : vector<16xf32>
    %jit3A_1271 = arith.constant 1.562500e-02 : f32
    %broadcast_in_dim3A_1272 = vector.broadcast %jit3A_1271 : f32 to vector<16xf32>
    %select_n3A_1273 = arith.select %ge3A_1270, %broadcast_in_dim3A_1272, %select_n3A_1267 : vector<16xi1>, vector<16xf32>
    %ge3A_1274 = arith.constant 4.096000e+03 : f32
    %ge3A_1275 = vector.broadcast %ge3A_1274 : f32 to vector<16xf32>
    %ge3A_1276 = arith.cmpf oge, %add3A_1241, %ge3A_1275 : vector<16xf32>
    %jit3A_1277 = arith.constant 7.812500e-03 : f32
    %broadcast_in_dim3A_1278 = vector.broadcast %jit3A_1277 : f32 to vector<16xf32>
    %select_n3A_1279 = arith.select %ge3A_1276, %broadcast_in_dim3A_1278, %select_n3A_1273 : vector<16xi1>, vector<16xf32>
    %ge3A_1280 = arith.constant 1.638400e+04 : f32
    %ge3A_1281 = vector.broadcast %ge3A_1280 : f32 to vector<16xf32>
    %ge3A_1282 = arith.cmpf oge, %add3A_1241, %ge3A_1281 : vector<16xf32>
    %jit3A_1283 = arith.constant 3.906250e-03 : f32
    %broadcast_in_dim3A_1284 = vector.broadcast %jit3A_1283 : f32 to vector<16xf32>
    %select_n3A_1285 = arith.select %ge3A_1282, %broadcast_in_dim3A_1284, %select_n3A_1279 : vector<16xi1>, vector<16xf32>
    %ge3A_1286 = arith.constant 6.553600e+04 : f32
    %ge3A_1287 = vector.broadcast %ge3A_1286 : f32 to vector<16xf32>
    %ge3A_1288 = arith.cmpf oge, %add3A_1241, %ge3A_1287 : vector<16xf32>
    %jit3A_1289 = arith.constant 0.001953125 : f32
    %broadcast_in_dim3A_1290 = vector.broadcast %jit3A_1289 : f32 to vector<16xf32>
    %select_n3A_1291 = arith.select %ge3A_1288, %broadcast_in_dim3A_1290, %select_n3A_1285 : vector<16xi1>, vector<16xf32>
    %ge3A_1292 = arith.constant 2.621440e+05 : f32
    %ge3A_1293 = vector.broadcast %ge3A_1292 : f32 to vector<16xf32>
    %ge3A_1294 = arith.cmpf oge, %add3A_1241, %ge3A_1293 : vector<16xf32>
    %jit3A_1295 = arith.constant 9.765625E-4 : f32
    %broadcast_in_dim3A_1296 = vector.broadcast %jit3A_1295 : f32 to vector<16xf32>
    %select_n3A_1297 = arith.select %ge3A_1294, %broadcast_in_dim3A_1296, %select_n3A_1291 : vector<16xi1>, vector<16xf32>
    %mul3A_1298 = arith.constant 5.000000e-01 : f32
    %mul3A_1299 = vector.broadcast %mul3A_1298 : f32 to vector<16xf32>
    %mul3A_1300 = arith.mulf %mul3A_1299, %add3A_1241 : vector<16xf32>
    %mul3A_1301 = arith.mulf %mul3A_1300, %select_n3A_1297 : vector<16xf32>
    %mul3A_1302 = arith.mulf %mul3A_1301, %select_n3A_1297 : vector<16xf32>
    %sub3A_1303 = arith.constant 1.500000e+00 : f32
    %sub3A_1304 = vector.broadcast %sub3A_1303 : f32 to vector<16xf32>
    %sub3A_1305 = arith.subf %sub3A_1304, %mul3A_1302 : vector<16xf32>
    %mul3A_1306 = arith.mulf %select_n3A_1297, %sub3A_1305 : vector<16xf32>
    %mul3A_1307 = arith.constant 5.000000e-01 : f32
    %mul3A_1308 = vector.broadcast %mul3A_1307 : f32 to vector<16xf32>
    %mul3A_1309 = arith.mulf %mul3A_1308, %add3A_1241 : vector<16xf32>
    %mul3A_1310 = arith.mulf %mul3A_1309, %mul3A_1306 : vector<16xf32>
    %mul3A_1311 = arith.mulf %mul3A_1310, %mul3A_1306 : vector<16xf32>
    %sub3A_1312 = arith.constant 1.500000e+00 : f32
    %sub3A_1313 = vector.broadcast %sub3A_1312 : f32 to vector<16xf32>
    %sub3A_1314 = arith.subf %sub3A_1313, %mul3A_1311 : vector<16xf32>
    %mul3A_1315 = arith.mulf %mul3A_1306, %sub3A_1314 : vector<16xf32>
    %mul3A_1316 = arith.constant 5.000000e-01 : f32
    %mul3A_1317 = vector.broadcast %mul3A_1316 : f32 to vector<16xf32>
    %mul3A_1318 = arith.mulf %mul3A_1317, %add3A_1241 : vector<16xf32>
    %mul3A_1319 = arith.mulf %mul3A_1318, %mul3A_1315 : vector<16xf32>
    %mul3A_1320 = arith.mulf %mul3A_1319, %mul3A_1315 : vector<16xf32>
    %sub3A_1321 = arith.constant 1.500000e+00 : f32
    %sub3A_1322 = vector.broadcast %sub3A_1321 : f32 to vector<16xf32>
    %sub3A_1323 = arith.subf %sub3A_1322, %mul3A_1320 : vector<16xf32>
    %mul3A_1324 = arith.mulf %mul3A_1315, %sub3A_1323 : vector<16xf32>
    %mul3A_1325 = arith.constant 5.000000e-01 : f32
    %mul3A_1326 = vector.broadcast %mul3A_1325 : f32 to vector<16xf32>
    %mul3A_1327 = arith.mulf %mul3A_1326, %add3A_1241 : vector<16xf32>
    %mul3A_1328 = arith.mulf %mul3A_1327, %mul3A_1324 : vector<16xf32>
    %mul3A_1329 = arith.mulf %mul3A_1328, %mul3A_1324 : vector<16xf32>
    %sub3A_1330 = arith.constant 1.500000e+00 : f32
    %sub3A_1331 = vector.broadcast %sub3A_1330 : f32 to vector<16xf32>
    %sub3A_1332 = arith.subf %sub3A_1331, %mul3A_1329 : vector<16xf32>
    %mul3A_1333 = arith.mulf %mul3A_1324, %sub3A_1332 : vector<16xf32>
    %mul3A_1334 = arith.constant 5.000000e-01 : f32
    %mul3A_1335 = vector.broadcast %mul3A_1334 : f32 to vector<16xf32>
    %mul3A_1336 = arith.mulf %mul3A_1335, %add3A_1241 : vector<16xf32>
    %mul3A_1337 = arith.mulf %mul3A_1336, %mul3A_1333 : vector<16xf32>
    %mul3A_1338 = arith.mulf %mul3A_1337, %mul3A_1333 : vector<16xf32>
    %sub3A_1339 = arith.constant 1.500000e+00 : f32
    %sub3A_1340 = vector.broadcast %sub3A_1339 : f32 to vector<16xf32>
    %sub3A_1341 = arith.subf %sub3A_1340, %mul3A_1338 : vector<16xf32>
    %mul3A_1342 = arith.mulf %mul3A_1333, %sub3A_1341 : vector<16xf32>
    %mul3A_1343 = arith.constant 5.000000e-01 : f32
    %mul3A_1344 = vector.broadcast %mul3A_1343 : f32 to vector<16xf32>
    %mul3A_1345 = arith.mulf %mul3A_1344, %add3A_1241 : vector<16xf32>
    %mul3A_1346 = arith.mulf %mul3A_1345, %mul3A_1342 : vector<16xf32>
    %mul3A_1347 = arith.mulf %mul3A_1346, %mul3A_1342 : vector<16xf32>
    %sub3A_1348 = arith.constant 1.500000e+00 : f32
    %sub3A_1349 = vector.broadcast %sub3A_1348 : f32 to vector<16xf32>
    %sub3A_1350 = arith.subf %sub3A_1349, %mul3A_1347 : vector<16xf32>
    %mul3A_1351 = arith.mulf %mul3A_1342, %sub3A_1350 : vector<16xf32>
    %swap3A_1352 = arith.constant 128 : index
    %swap3A_1353 = tpu.vector_load %arg10[%swap3A_1352] {strides = array<i32>} : memref<640xf32, #tpu.memory_space<vmem>>, vector<16xf32>,
    %swap3A_1354 = vector.shape_cast %swap3A_1353 : vector<16xf32> to vector<16xf32>
    %swap3A_1355 = vector.shape_cast %mul3A_1351 : vector<16xf32> to vector<16xf32>
    tpu.vector_store %arg10[%swap3A_1352], %swap3A_1355 {strides = array<i32>} : memref<640xf32, #tpu.memory_space<vmem>>, vector<16xf32>,
    %get3A_1356 = arith.constant 144 : index
    %get3A_1357 = tpu.vector_load %arg9[%get3A_1356] {strides = array<i32>} : memref<640xf32, #tpu.memory_space<vmem>>, vector<16xf32>,
    %get3A_1358 = vector.shape_cast %get3A_1357 : vector<16xf32> to vector<16xf32>
    %add3A_1359 = arith.constant 1.000000e+00 : f32
    %add3A_1360 = vector.broadcast %add3A_1359 : f32 to vector<16xf32>
    %add3A_1361 = arith.addf %get3A_1358, %add3A_1360 : vector<16xf32>
    %broadcast_in_dim3A_1362 = arith.constant 5.000000e-01 : f32
    %broadcast_in_dim3A_1363 = vector.broadcast %broadcast_in_dim3A_1362 : f32 to vector<16xf32>
    %ge3A_1364 = arith.constant 4.000000e+00 : f32
    %ge3A_1365 = vector.broadcast %ge3A_1364 : f32 to vector<16xf32>
    %ge3A_1366 = arith.cmpf oge, %add3A_1361, %ge3A_1365 : vector<16xf32>
    %jit3A_1367 = arith.constant 2.500000e-01 : f32
    %broadcast_in_dim3A_1368 = vector.broadcast %jit3A_1367 : f32 to vector<16xf32>
    %select_n3A_1369 = arith.select %ge3A_1366, %broadcast_in_dim3A_1368, %broadcast_in_dim3A_1363 : vector<16xi1>, vector<16xf32>
    %ge3A_1370 = arith.constant 1.600000e+01 : f32
    %ge3A_1371 = vector.broadcast %ge3A_1370 : f32 to vector<16xf32>
    %ge3A_1372 = arith.cmpf oge, %add3A_1361, %ge3A_1371 : vector<16xf32>
    %jit3A_1373 = arith.constant 1.250000e-01 : f32
    %broadcast_in_dim3A_1374 = vector.broadcast %jit3A_1373 : f32 to vector<16xf32>
    %select_n3A_1375 = arith.select %ge3A_1372, %broadcast_in_dim3A_1374, %select_n3A_1369 : vector<16xi1>, vector<16xf32>
    %ge3A_1376 = arith.constant 6.400000e+01 : f32
    %ge3A_1377 = vector.broadcast %ge3A_1376 : f32 to vector<16xf32>
    %ge3A_1378 = arith.cmpf oge, %add3A_1361, %ge3A_1377 : vector<16xf32>
    %jit3A_1379 = arith.constant 6.250000e-02 : f32
    %broadcast_in_dim3A_1380 = vector.broadcast %jit3A_1379 : f32 to vector<16xf32>
    %select_n3A_1381 = arith.select %ge3A_1378, %broadcast_in_dim3A_1380, %select_n3A_1375 : vector<16xi1>, vector<16xf32>
    %ge3A_1382 = arith.constant 2.560000e+02 : f32
    %ge3A_1383 = vector.broadcast %ge3A_1382 : f32 to vector<16xf32>
    %ge3A_1384 = arith.cmpf oge, %add3A_1361, %ge3A_1383 : vector<16xf32>
    %jit3A_1385 = arith.constant 3.125000e-02 : f32
    %broadcast_in_dim3A_1386 = vector.broadcast %jit3A_1385 : f32 to vector<16xf32>
    %select_n3A_1387 = arith.select %ge3A_1384, %broadcast_in_dim3A_1386, %select_n3A_1381 : vector<16xi1>, vector<16xf32>
    %ge3A_1388 = arith.constant 1.024000e+03 : f32
    %ge3A_1389 = vector.broadcast %ge3A_1388 : f32 to vector<16xf32>
    %ge3A_1390 = arith.cmpf oge, %add3A_1361, %ge3A_1389 : vector<16xf32>
    %jit3A_1391 = arith.constant 1.562500e-02 : f32
    %broadcast_in_dim3A_1392 = vector.broadcast %jit3A_1391 : f32 to vector<16xf32>
    %select_n3A_1393 = arith.select %ge3A_1390, %broadcast_in_dim3A_1392, %select_n3A_1387 : vector<16xi1>, vector<16xf32>
    %ge3A_1394 = arith.constant 4.096000e+03 : f32
    %ge3A_1395 = vector.broadcast %ge3A_1394 : f32 to vector<16xf32>
    %ge3A_1396 = arith.cmpf oge, %add3A_1361, %ge3A_1395 : vector<16xf32>
    %jit3A_1397 = arith.constant 7.812500e-03 : f32
    %broadcast_in_dim3A_1398 = vector.broadcast %jit3A_1397 : f32 to vector<16xf32>
    %select_n3A_1399 = arith.select %ge3A_1396, %broadcast_in_dim3A_1398, %select_n3A_1393 : vector<16xi1>, vector<16xf32>
    %ge3A_1400 = arith.constant 1.638400e+04 : f32
    %ge3A_1401 = vector.broadcast %ge3A_1400 : f32 to vector<16xf32>
    %ge3A_1402 = arith.cmpf oge, %add3A_1361, %ge3A_1401 : vector<16xf32>
    %jit3A_1403 = arith.constant 3.906250e-03 : f32
    %broadcast_in_dim3A_1404 = vector.broadcast %jit3A_1403 : f32 to vector<16xf32>
    %select_n3A_1405 = arith.select %ge3A_1402, %broadcast_in_dim3A_1404, %select_n3A_1399 : vector<16xi1>, vector<16xf32>
    %ge3A_1406 = arith.constant 6.553600e+04 : f32
    %ge3A_1407 = vector.broadcast %ge3A_1406 : f32 to vector<16xf32>
    %ge3A_1408 = arith.cmpf oge, %add3A_1361, %ge3A_1407 : vector<16xf32>
    %jit3A_1409 = arith.constant 0.001953125 : f32
    %broadcast_in_dim3A_1410 = vector.broadcast %jit3A_1409 : f32 to vector<16xf32>
    %select_n3A_1411 = arith.select %ge3A_1408, %broadcast_in_dim3A_1410, %select_n3A_1405 : vector<16xi1>, vector<16xf32>
    %ge3A_1412 = arith.constant 2.621440e+05 : f32
    %ge3A_1413 = vector.broadcast %ge3A_1412 : f32 to vector<16xf32>
    %ge3A_1414 = arith.cmpf oge, %add3A_1361, %ge3A_1413 : vector<16xf32>
    %jit3A_1415 = arith.constant 9.765625E-4 : f32
    %broadcast_in_dim3A_1416 = vector.broadcast %jit3A_1415 : f32 to vector<16xf32>
    %select_n3A_1417 = arith.select %ge3A_1414, %broadcast_in_dim3A_1416, %select_n3A_1411 : vector<16xi1>, vector<16xf32>
    %mul3A_1418 = arith.constant 5.000000e-01 : f32
    %mul3A_1419 = vector.broadcast %mul3A_1418 : f32 to vector<16xf32>
    %mul3A_1420 = arith.mulf %mul3A_1419, %add3A_1361 : vector<16xf32>
    %mul3A_1421 = arith.mulf %mul3A_1420, %select_n3A_1417 : vector<16xf32>
    %mul3A_1422 = arith.mulf %mul3A_1421, %select_n3A_1417 : vector<16xf32>
    %sub3A_1423 = arith.constant 1.500000e+00 : f32
    %sub3A_1424 = vector.broadcast %sub3A_1423 : f32 to vector<16xf32>
    %sub3A_1425 = arith.subf %sub3A_1424, %mul3A_1422 : vector<16xf32>
    %mul3A_1426 = arith.mulf %select_n3A_1417, %sub3A_1425 : vector<16xf32>
    %mul3A_1427 = arith.constant 5.000000e-01 : f32
    %mul3A_1428 = vector.broadcast %mul3A_1427 : f32 to vector<16xf32>
    %mul3A_1429 = arith.mulf %mul3A_1428, %add3A_1361 : vector<16xf32>
    %mul3A_1430 = arith.mulf %mul3A_1429, %mul3A_1426 : vector<16xf32>
    %mul3A_1431 = arith.mulf %mul3A_1430, %mul3A_1426 : vector<16xf32>
    %sub3A_1432 = arith.constant 1.500000e+00 : f32
    %sub3A_1433 = vector.broadcast %sub3A_1432 : f32 to vector<16xf32>
    %sub3A_1434 = arith.subf %sub3A_1433, %mul3A_1431 : vector<16xf32>
    %mul3A_1435 = arith.mulf %mul3A_1426, %sub3A_1434 : vector<16xf32>
    %mul3A_1436 = arith.constant 5.000000e-01 : f32
    %mul3A_1437 = vector.broadcast %mul3A_1436 : f32 to vector<16xf32>
    %mul3A_1438 = arith.mulf %mul3A_1437, %add3A_1361 : vector<16xf32>
    %mul3A_1439 = arith.mulf %mul3A_1438, %mul3A_1435 : vector<16xf32>
    %mul3A_1440 = arith.mulf %mul3A_1439, %mul3A_1435 : vector<16xf32>
    %sub3A_1441 = arith.constant 1.500000e+00 : f32
    %sub3A_1442 = vector.broadcast %sub3A_1441 : f32 to vector<16xf32>
    %sub3A_1443 = arith.subf %sub3A_1442, %mul3A_1440 : vector<16xf32>
    %mul3A_1444 = arith.mulf %mul3A_1435, %sub3A_1443 : vector<16xf32>
    %mul3A_1445 = arith.constant 5.000000e-01 : f32
    %mul3A_1446 = vector.broadcast %mul3A_1445 : f32 to vector<16xf32>
    %mul3A_1447 = arith.mulf %mul3A_1446, %add3A_1361 : vector<16xf32>
    %mul3A_1448 = arith.mulf %mul3A_1447, %mul3A_1444 : vector<16xf32>
    %mul3A_1449 = arith.mulf %mul3A_1448, %mul3A_1444 : vector<16xf32>
    %sub3A_1450 = arith.constant 1.500000e+00 : f32
    %sub3A_1451 = vector.broadcast %sub3A_1450 : f32 to vector<16xf32>
    %sub3A_1452 = arith.subf %sub3A_1451, %mul3A_1449 : vector<16xf32>
    %mul3A_1453 = arith.mulf %mul3A_1444, %sub3A_1452 : vector<16xf32>
    %mul3A_1454 = arith.constant 5.000000e-01 : f32
    %mul3A_1455 = vector.broadcast %mul3A_1454 : f32 to vector<16xf32>
    %mul3A_1456 = arith.mulf %mul3A_1455, %add3A_1361 : vector<16xf32>
    %mul3A_1457 = arith.mulf %mul3A_1456, %mul3A_1453 : vector<16xf32>
    %mul3A_1458 = arith.mulf %mul3A_1457, %mul3A_1453 : vector<16xf32>
    %sub3A_1459 = arith.constant 1.500000e+00 : f32
    %sub3A_1460 = vector.broadcast %sub3A_1459 : f32 to vector<16xf32>
    %sub3A_1461 = arith.subf %sub3A_1460, %mul3A_1458 : vector<16xf32>
    %mul3A_1462 = arith.mulf %mul3A_1453, %sub3A_1461 : vector<16xf32>
    %mul3A_1463 = arith.constant 5.000000e-01 : f32
    %mul3A_1464 = vector.broadcast %mul3A_1463 : f32 to vector<16xf32>
    %mul3A_1465 = arith.mulf %mul3A_1464, %add3A_1361 : vector<16xf32>
    %mul3A_1466 = arith.mulf %mul3A_1465, %mul3A_1462 : vector<16xf32>
    %mul3A_1467 = arith.mulf %mul3A_1466, %mul3A_1462 : vector<16xf32>
    %sub3A_1468 = arith.constant 1.500000e+00 : f32
    %sub3A_1469 = vector.broadcast %sub3A_1468 : f32 to vector<16xf32>
    %sub3A_1470 = arith.subf %sub3A_1469, %mul3A_1467 : vector<16xf32>
    %mul3A_1471 = arith.mulf %mul3A_1462, %sub3A_1470 : vector<16xf32>
    %swap3A_1472 = arith.constant 144 : index
    %swap3A_1473 = tpu.vector_load %arg10[%swap3A_1472] {strides = array<i32>} : memref<640xf32, #tpu.memory_space<vmem>>, vector<16xf32>,
    %swap3A_1474 = vector.shape_cast %swap3A_1473 : vector<16xf32> to vector<16xf32>
    %swap3A_1475 = vector.shape_cast %mul3A_1471 : vector<16xf32> to vector<16xf32>
    tpu.vector_store %arg10[%swap3A_1472], %swap3A_1475 {strides = array<i32>} : memref<640xf32, #tpu.memory_space<vmem>>, vector<16xf32>,
    %get3A_1476 = arith.constant 160 : index
    %get3A_1477 = tpu.vector_load %arg9[%get3A_1476] {strides = array<i32>} : memref<640xf32, #tpu.memory_space<vmem>>, vector<16xf32>,
    %get3A_1478 = vector.shape_cast %get3A_1477 : vector<16xf32> to vector<16xf32>
    %add3A_1479 = arith.constant 1.000000e+00 : f32
    %add3A_1480 = vector.broadcast %add3A_1479 : f32 to vector<16xf32>
    %add3A_1481 = arith.addf %get3A_1478, %add3A_1480 : vector<16xf32>
    %broadcast_in_dim3A_1482 = arith.constant 5.000000e-01 : f32
    %broadcast_in_dim3A_1483 = vector.broadcast %broadcast_in_dim3A_1482 : f32 to vector<16xf32>
    %ge3A_1484 = arith.constant 4.000000e+00 : f32
    %ge3A_1485 = vector.broadcast %ge3A_1484 : f32 to vector<16xf32>
    %ge3A_1486 = arith.cmpf oge, %add3A_1481, %ge3A_1485 : vector<16xf32>
    %jit3A_1487 = arith.constant 2.500000e-01 : f32
    %broadcast_in_dim3A_1488 = vector.broadcast %jit3A_1487 : f32 to vector<16xf32>
    %select_n3A_1489 = arith.select %ge3A_1486, %broadcast_in_dim3A_1488, %broadcast_in_dim3A_1483 : vector<16xi1>, vector<16xf32>
    %ge3A_1490 = arith.constant 1.600000e+01 : f32
    %ge3A_1491 = vector.broadcast %ge3A_1490 : f32 to vector<16xf32>
    %ge3A_1492 = arith.cmpf oge, %add3A_1481, %ge3A_1491 : vector<16xf32>
    %jit3A_1493 = arith.constant 1.250000e-01 : f32
    %broadcast_in_dim3A_1494 = vector.broadcast %jit3A_1493 : f32 to vector<16xf32>
    %select_n3A_1495 = arith.select %ge3A_1492, %broadcast_in_dim3A_1494, %select_n3A_1489 : vector<16xi1>, vector<16xf32>
    %ge3A_1496 = arith.constant 6.400000e+01 : f32
    %ge3A_1497 = vector.broadcast %ge3A_1496 : f32 to vector<16xf32>
    %ge3A_1498 = arith.cmpf oge, %add3A_1481, %ge3A_1497 : vector<16xf32>
    %jit3A_1499 = arith.constant 6.250000e-02 : f32
    %broadcast_in_dim3A_1500 = vector.broadcast %jit3A_1499 : f32 to vector<16xf32>
    %select_n3A_1501 = arith.select %ge3A_1498, %broadcast_in_dim3A_1500, %select_n3A_1495 : vector<16xi1>, vector<16xf32>
    %ge3A_1502 = arith.constant 2.560000e+02 : f32
    %ge3A_1503 = vector.broadcast %ge3A_1502 : f32 to vector<16xf32>
    %ge3A_1504 = arith.cmpf oge, %add3A_1481, %ge3A_1503 : vector<16xf32>
    %jit3A_1505 = arith.constant 3.125000e-02 : f32
    %broadcast_in_dim3A_1506 = vector.broadcast %jit3A_1505 : f32 to vector<16xf32>
    %select_n3A_1507 = arith.select %ge3A_1504, %broadcast_in_dim3A_1506, %select_n3A_1501 : vector<16xi1>, vector<16xf32>
    %ge3A_1508 = arith.constant 1.024000e+03 : f32
    %ge3A_1509 = vector.broadcast %ge3A_1508 : f32 to vector<16xf32>
    %ge3A_1510 = arith.cmpf oge, %add3A_1481, %ge3A_1509 : vector<16xf32>
    %jit3A_1511 = arith.constant 1.562500e-02 : f32
    %broadcast_in_dim3A_1512 = vector.broadcast %jit3A_1511 : f32 to vector<16xf32>
    %select_n3A_1513 = arith.select %ge3A_1510, %broadcast_in_dim3A_1512, %select_n3A_1507 : vector<16xi1>, vector<16xf32>
    %ge3A_1514 = arith.constant 4.096000e+03 : f32
    %ge3A_1515 = vector.broadcast %ge3A_1514 : f32 to vector<16xf32>
    %ge3A_1516 = arith.cmpf oge, %add3A_1481, %ge3A_1515 : vector<16xf32>
    %jit3A_1517 = arith.constant 7.812500e-03 : f32
    %broadcast_in_dim3A_1518 = vector.broadcast %jit3A_1517 : f32 to vector<16xf32>
    %select_n3A_1519 = arith.select %ge3A_1516, %broadcast_in_dim3A_1518, %select_n3A_1513 : vector<16xi1>, vector<16xf32>
    %ge3A_1520 = arith.constant 1.638400e+04 : f32
    %ge3A_1521 = vector.broadcast %ge3A_1520 : f32 to vector<16xf32>
    %ge3A_1522 = arith.cmpf oge, %add3A_1481, %ge3A_1521 : vector<16xf32>
    %jit3A_1523 = arith.constant 3.906250e-03 : f32
    %broadcast_in_dim3A_1524 = vector.broadcast %jit3A_1523 : f32 to vector<16xf32>
    %select_n3A_1525 = arith.select %ge3A_1522, %broadcast_in_dim3A_1524, %select_n3A_1519 : vector<16xi1>, vector<16xf32>
    %ge3A_1526 = arith.constant 6.553600e+04 : f32
    %ge3A_1527 = vector.broadcast %ge3A_1526 : f32 to vector<16xf32>
    %ge3A_1528 = arith.cmpf oge, %add3A_1481, %ge3A_1527 : vector<16xf32>
    %jit3A_1529 = arith.constant 0.001953125 : f32
    %broadcast_in_dim3A_1530 = vector.broadcast %jit3A_1529 : f32 to vector<16xf32>
    %select_n3A_1531 = arith.select %ge3A_1528, %broadcast_in_dim3A_1530, %select_n3A_1525 : vector<16xi1>, vector<16xf32>
    %ge3A_1532 = arith.constant 2.621440e+05 : f32
    %ge3A_1533 = vector.broadcast %ge3A_1532 : f32 to vector<16xf32>
    %ge3A_1534 = arith.cmpf oge, %add3A_1481, %ge3A_1533 : vector<16xf32>
    %jit3A_1535 = arith.constant 9.765625E-4 : f32
    %broadcast_in_dim3A_1536 = vector.broadcast %jit3A_1535 : f32 to vector<16xf32>
    %select_n3A_1537 = arith.select %ge3A_1534, %broadcast_in_dim3A_1536, %select_n3A_1531 : vector<16xi1>, vector<16xf32>
    %mul3A_1538 = arith.constant 5.000000e-01 : f32
    %mul3A_1539 = vector.broadcast %mul3A_1538 : f32 to vector<16xf32>
    %mul3A_1540 = arith.mulf %mul3A_1539, %add3A_1481 : vector<16xf32>
    %mul3A_1541 = arith.mulf %mul3A_1540, %select_n3A_1537 : vector<16xf32>
    %mul3A_1542 = arith.mulf %mul3A_1541, %select_n3A_1537 : vector<16xf32>
    %sub3A_1543 = arith.constant 1.500000e+00 : f32
    %sub3A_1544 = vector.broadcast %sub3A_1543 : f32 to vector<16xf32>
    %sub3A_1545 = arith.subf %sub3A_1544, %mul3A_1542 : vector<16xf32>
    %mul3A_1546 = arith.mulf %select_n3A_1537, %sub3A_1545 : vector<16xf32>
    %mul3A_1547 = arith.constant 5.000000e-01 : f32
    %mul3A_1548 = vector.broadcast %mul3A_1547 : f32 to vector<16xf32>
    %mul3A_1549 = arith.mulf %mul3A_1548, %add3A_1481 : vector<16xf32>
    %mul3A_1550 = arith.mulf %mul3A_1549, %mul3A_1546 : vector<16xf32>
    %mul3A_1551 = arith.mulf %mul3A_1550, %mul3A_1546 : vector<16xf32>
    %sub3A_1552 = arith.constant 1.500000e+00 : f32
    %sub3A_1553 = vector.broadcast %sub3A_1552 : f32 to vector<16xf32>
    %sub3A_1554 = arith.subf %sub3A_1553, %mul3A_1551 : vector<16xf32>
    %mul3A_1555 = arith.mulf %mul3A_1546, %sub3A_1554 : vector<16xf32>
    %mul3A_1556 = arith.constant 5.000000e-01 : f32
    %mul3A_1557 = vector.broadcast %mul3A_1556 : f32 to vector<16xf32>
    %mul3A_1558 = arith.mulf %mul3A_1557, %add3A_1481 : vector<16xf32>
    %mul3A_1559 = arith.mulf %mul3A_1558, %mul3A_1555 : vector<16xf32>
    %mul3A_1560 = arith.mulf %mul3A_1559, %mul3A_1555 : vector<16xf32>
    %sub3A_1561 = arith.constant 1.500000e+00 : f32
    %sub3A_1562 = vector.broadcast %sub3A_1561 : f32 to vector<16xf32>
    %sub3A_1563 = arith.subf %sub3A_1562, %mul3A_1560 : vector<16xf32>
    %mul3A_1564 = arith.mulf %mul3A_1555, %sub3A_1563 : vector<16xf32>
    %mul3A_1565 = arith.constant 5.000000e-01 : f32
    %mul3A_1566 = vector.broadcast %mul3A_1565 : f32 to vector<16xf32>
    %mul3A_1567 = arith.mulf %mul3A_1566, %add3A_1481 : vector<16xf32>
    %mul3A_1568 = arith.mulf %mul3A_1567, %mul3A_1564 : vector<16xf32>
    %mul3A_1569 = arith.mulf %mul3A_1568, %mul3A_1564 : vector<16xf32>
    %sub3A_1570 = arith.constant 1.500000e+00 : f32
    %sub3A_1571 = vector.broadcast %sub3A_1570 : f32 to vector<16xf32>
    %sub3A_1572 = arith.subf %sub3A_1571, %mul3A_1569 : vector<16xf32>
    %mul3A_1573 = arith.mulf %mul3A_1564, %sub3A_1572 : vector<16xf32>
    %mul3A_1574 = arith.constant 5.000000e-01 : f32
    %mul3A_1575 = vector.broadcast %mul3A_1574 : f32 to vector<16xf32>
    %mul3A_1576 = arith.mulf %mul3A_1575, %add3A_1481 : vector<16xf32>
    %mul3A_1577 = arith.mulf %mul3A_1576, %mul3A_1573 : vector<16xf32>
    %mul3A_1578 = arith.mulf %mul3A_1577, %mul3A_1573 : vector<16xf32>
    %sub3A_1579 = arith.constant 1.500000e+00 : f32
    %sub3A_1580 = vector.broadcast %sub3A_1579 : f32 to vector<16xf32>
    %sub3A_1581 = arith.subf %sub3A_1580, %mul3A_1578 : vector<16xf32>
    %mul3A_1582 = arith.mulf %mul3A_1573, %sub3A_1581 : vector<16xf32>
    %mul3A_1583 = arith.constant 5.000000e-01 : f32
    %mul3A_1584 = vector.broadcast %mul3A_1583 : f32 to vector<16xf32>
    %mul3A_1585 = arith.mulf %mul3A_1584, %add3A_1481 : vector<16xf32>
    %mul3A_1586 = arith.mulf %mul3A_1585, %mul3A_1582 : vector<16xf32>
    %mul3A_1587 = arith.mulf %mul3A_1586, %mul3A_1582 : vector<16xf32>
    %sub3A_1588 = arith.constant 1.500000e+00 : f32
    %sub3A_1589 = vector.broadcast %sub3A_1588 : f32 to vector<16xf32>
    %sub3A_1590 = arith.subf %sub3A_1589, %mul3A_1587 : vector<16xf32>
    %mul3A_1591 = arith.mulf %mul3A_1582, %sub3A_1590 : vector<16xf32>
    %swap3A_1592 = arith.constant 160 : index
    %swap3A_1593 = tpu.vector_load %arg10[%swap3A_1592] {strides = array<i32>} : memref<640xf32, #tpu.memory_space<vmem>>, vector<16xf32>,
    %swap3A_1594 = vector.shape_cast %swap3A_1593 : vector<16xf32> to vector<16xf32>
    %swap3A_1595 = vector.shape_cast %mul3A_1591 : vector<16xf32> to vector<16xf32>
    tpu.vector_store %arg10[%swap3A_1592], %swap3A_1595 {strides = array<i32>} : memref<640xf32, #tpu.memory_space<vmem>>, vector<16xf32>,
    %get3A_1596 = arith.constant 176 : index
    %get3A_1597 = tpu.vector_load %arg9[%get3A_1596] {strides = array<i32>} : memref<640xf32, #tpu.memory_space<vmem>>, vector<16xf32>,
    %get3A_1598 = vector.shape_cast %get3A_1597 : vector<16xf32> to vector<16xf32>
    %add3A_1599 = arith.constant 1.000000e+00 : f32
    %add3A_1600 = vector.broadcast %add3A_1599 : f32 to vector<16xf32>
    %add3A_1601 = arith.addf %get3A_1598, %add3A_1600 : vector<16xf32>
    %broadcast_in_dim3A_1602 = arith.constant 5.000000e-01 : f32
    %broadcast_in_dim3A_1603 = vector.broadcast %broadcast_in_dim3A_1602 : f32 to vector<16xf32>
    %ge3A_1604 = arith.constant 4.000000e+00 : f32
    %ge3A_1605 = vector.broadcast %ge3A_1604 : f32 to vector<16xf32>
    %ge3A_1606 = arith.cmpf oge, %add3A_1601, %ge3A_1605 : vector<16xf32>
    %jit3A_1607 = arith.constant 2.500000e-01 : f32
    %broadcast_in_dim3A_1608 = vector.broadcast %jit3A_1607 : f32 to vector<16xf32>
    %select_n3A_1609 = arith.select %ge3A_1606, %broadcast_in_dim3A_1608, %broadcast_in_dim3A_1603 : vector<16xi1>, vector<16xf32>
    %ge3A_1610 = arith.constant 1.600000e+01 : f32
    %ge3A_1611 = vector.broadcast %ge3A_1610 : f32 to vector<16xf32>
    %ge3A_1612 = arith.cmpf oge, %add3A_1601, %ge3A_1611 : vector<16xf32>
    %jit3A_1613 = arith.constant 1.250000e-01 : f32
    %broadcast_in_dim3A_1614 = vector.broadcast %jit3A_1613 : f32 to vector<16xf32>
    %select_n3A_1615 = arith.select %ge3A_1612, %broadcast_in_dim3A_1614, %select_n3A_1609 : vector<16xi1>, vector<16xf32>
    %ge3A_1616 = arith.constant 6.400000e+01 : f32
    %ge3A_1617 = vector.broadcast %ge3A_1616 : f32 to vector<16xf32>
    %ge3A_1618 = arith.cmpf oge, %add3A_1601, %ge3A_1617 : vector<16xf32>
    %jit3A_1619 = arith.constant 6.250000e-02 : f32
    %broadcast_in_dim3A_1620 = vector.broadcast %jit3A_1619 : f32 to vector<16xf32>
    %select_n3A_1621 = arith.select %ge3A_1618, %broadcast_in_dim3A_1620, %select_n3A_1615 : vector<16xi1>, vector<16xf32>
    %ge3A_1622 = arith.constant 2.560000e+02 : f32
    %ge3A_1623 = vector.broadcast %ge3A_1622 : f32 to vector<16xf32>
    %ge3A_1624 = arith.cmpf oge, %add3A_1601, %ge3A_1623 : vector<16xf32>
    %jit3A_1625 = arith.constant 3.125000e-02 : f32
    %broadcast_in_dim3A_1626 = vector.broadcast %jit3A_1625 : f32 to vector<16xf32>
    %select_n3A_1627 = arith.select %ge3A_1624, %broadcast_in_dim3A_1626, %select_n3A_1621 : vector<16xi1>, vector<16xf32>
    %ge3A_1628 = arith.constant 1.024000e+03 : f32
    %ge3A_1629 = vector.broadcast %ge3A_1628 : f32 to vector<16xf32>
    %ge3A_1630 = arith.cmpf oge, %add3A_1601, %ge3A_1629 : vector<16xf32>
    %jit3A_1631 = arith.constant 1.562500e-02 : f32
    %broadcast_in_dim3A_1632 = vector.broadcast %jit3A_1631 : f32 to vector<16xf32>
    %select_n3A_1633 = arith.select %ge3A_1630, %broadcast_in_dim3A_1632, %select_n3A_1627 : vector<16xi1>, vector<16xf32>
    %ge3A_1634 = arith.constant 4.096000e+03 : f32
    %ge3A_1635 = vector.broadcast %ge3A_1634 : f32 to vector<16xf32>
    %ge3A_1636 = arith.cmpf oge, %add3A_1601, %ge3A_1635 : vector<16xf32>
    %jit3A_1637 = arith.constant 7.812500e-03 : f32
    %broadcast_in_dim3A_1638 = vector.broadcast %jit3A_1637 : f32 to vector<16xf32>
    %select_n3A_1639 = arith.select %ge3A_1636, %broadcast_in_dim3A_1638, %select_n3A_1633 : vector<16xi1>, vector<16xf32>
    %ge3A_1640 = arith.constant 1.638400e+04 : f32
    %ge3A_1641 = vector.broadcast %ge3A_1640 : f32 to vector<16xf32>
    %ge3A_1642 = arith.cmpf oge, %add3A_1601, %ge3A_1641 : vector<16xf32>
    %jit3A_1643 = arith.constant 3.906250e-03 : f32
    %broadcast_in_dim3A_1644 = vector.broadcast %jit3A_1643 : f32 to vector<16xf32>
    %select_n3A_1645 = arith.select %ge3A_1642, %broadcast_in_dim3A_1644, %select_n3A_1639 : vector<16xi1>, vector<16xf32>
    %ge3A_1646 = arith.constant 6.553600e+04 : f32
    %ge3A_1647 = vector.broadcast %ge3A_1646 : f32 to vector<16xf32>
    %ge3A_1648 = arith.cmpf oge, %add3A_1601, %ge3A_1647 : vector<16xf32>
    %jit3A_1649 = arith.constant 0.001953125 : f32
    %broadcast_in_dim3A_1650 = vector.broadcast %jit3A_1649 : f32 to vector<16xf32>
    %select_n3A_1651 = arith.select %ge3A_1648, %broadcast_in_dim3A_1650, %select_n3A_1645 : vector<16xi1>, vector<16xf32>
    %ge3A_1652 = arith.constant 2.621440e+05 : f32
    %ge3A_1653 = vector.broadcast %ge3A_1652 : f32 to vector<16xf32>
    %ge3A_1654 = arith.cmpf oge, %add3A_1601, %ge3A_1653 : vector<16xf32>
    %jit3A_1655 = arith.constant 9.765625E-4 : f32
    %broadcast_in_dim3A_1656 = vector.broadcast %jit3A_1655 : f32 to vector<16xf32>
    %select_n3A_1657 = arith.select %ge3A_1654, %broadcast_in_dim3A_1656, %select_n3A_1651 : vector<16xi1>, vector<16xf32>
    %mul3A_1658 = arith.constant 5.000000e-01 : f32
    %mul3A_1659 = vector.broadcast %mul3A_1658 : f32 to vector<16xf32>
    %mul3A_1660 = arith.mulf %mul3A_1659, %add3A_1601 : vector<16xf32>
    %mul3A_1661 = arith.mulf %mul3A_1660, %select_n3A_1657 : vector<16xf32>
    %mul3A_1662 = arith.mulf %mul3A_1661, %select_n3A_1657 : vector<16xf32>
    %sub3A_1663 = arith.constant 1.500000e+00 : f32
    %sub3A_1664 = vector.broadcast %sub3A_1663 : f32 to vector<16xf32>
    %sub3A_1665 = arith.subf %sub3A_1664, %mul3A_1662 : vector<16xf32>
    %mul3A_1666 = arith.mulf %select_n3A_1657, %sub3A_1665 : vector<16xf32>
    %mul3A_1667 = arith.constant 5.000000e-01 : f32
    %mul3A_1668 = vector.broadcast %mul3A_1667 : f32 to vector<16xf32>
    %mul3A_1669 = arith.mulf %mul3A_1668, %add3A_1601 : vector<16xf32>
    %mul3A_1670 = arith.mulf %mul3A_1669, %mul3A_1666 : vector<16xf32>
    %mul3A_1671 = arith.mulf %mul3A_1670, %mul3A_1666 : vector<16xf32>
    %sub3A_1672 = arith.constant 1.500000e+00 : f32
    %sub3A_1673 = vector.broadcast %sub3A_1672 : f32 to vector<16xf32>
    %sub3A_1674 = arith.subf %sub3A_1673, %mul3A_1671 : vector<16xf32>
    %mul3A_1675 = arith.mulf %mul3A_1666, %sub3A_1674 : vector<16xf32>
    %mul3A_1676 = arith.constant 5.000000e-01 : f32
    %mul3A_1677 = vector.broadcast %mul3A_1676 : f32 to vector<16xf32>
    %mul3A_1678 = arith.mulf %mul3A_1677, %add3A_1601 : vector<16xf32>
    %mul3A_1679 = arith.mulf %mul3A_1678, %mul3A_1675 : vector<16xf32>
    %mul3A_1680 = arith.mulf %mul3A_1679, %mul3A_1675 : vector<16xf32>
    %sub3A_1681 = arith.constant 1.500000e+00 : f32
    %sub3A_1682 = vector.broadcast %sub3A_1681 : f32 to vector<16xf32>
    %sub3A_1683 = arith.subf %sub3A_1682, %mul3A_1680 : vector<16xf32>
    %mul3A_1684 = arith.mulf %mul3A_1675, %sub3A_1683 : vector<16xf32>
    %mul3A_1685 = arith.constant 5.000000e-01 : f32
    %mul3A_1686 = vector.broadcast %mul3A_1685 : f32 to vector<16xf32>
    %mul3A_1687 = arith.mulf %mul3A_1686, %add3A_1601 : vector<16xf32>
    %mul3A_1688 = arith.mulf %mul3A_1687, %mul3A_1684 : vector<16xf32>
    %mul3A_1689 = arith.mulf %mul3A_1688, %mul3A_1684 : vector<16xf32>
    %sub3A_1690 = arith.constant 1.500000e+00 : f32
    %sub3A_1691 = vector.broadcast %sub3A_1690 : f32 to vector<16xf32>
    %sub3A_1692 = arith.subf %sub3A_1691, %mul3A_1689 : vector<16xf32>
    %mul3A_1693 = arith.mulf %mul3A_1684, %sub3A_1692 : vector<16xf32>
    %mul3A_1694 = arith.constant 5.000000e-01 : f32
    %mul3A_1695 = vector.broadcast %mul3A_1694 : f32 to vector<16xf32>
    %mul3A_1696 = arith.mulf %mul3A_1695, %add3A_1601 : vector<16xf32>
    %mul3A_1697 = arith.mulf %mul3A_1696, %mul3A_1693 : vector<16xf32>
    %mul3A_1698 = arith.mulf %mul3A_1697, %mul3A_1693 : vector<16xf32>
    %sub3A_1699 = arith.constant 1.500000e+00 : f32
    %sub3A_1700 = vector.broadcast %sub3A_1699 : f32 to vector<16xf32>
    %sub3A_1701 = arith.subf %sub3A_1700, %mul3A_1698 : vector<16xf32>
    %mul3A_1702 = arith.mulf %mul3A_1693, %sub3A_1701 : vector<16xf32>
    %mul3A_1703 = arith.constant 5.000000e-01 : f32
    %mul3A_1704 = vector.broadcast %mul3A_1703 : f32 to vector<16xf32>
    %mul3A_1705 = arith.mulf %mul3A_1704, %add3A_1601 : vector<16xf32>
    %mul3A_1706 = arith.mulf %mul3A_1705, %mul3A_1702 : vector<16xf32>
    %mul3A_1707 = arith.mulf %mul3A_1706, %mul3A_1702 : vector<16xf32>
    %sub3A_1708 = arith.constant 1.500000e+00 : f32
    %sub3A_1709 = vector.broadcast %sub3A_1708 : f32 to vector<16xf32>
    %sub3A_1710 = arith.subf %sub3A_1709, %mul3A_1707 : vector<16xf32>
    %mul3A_1711 = arith.mulf %mul3A_1702, %sub3A_1710 : vector<16xf32>
    %swap3A_1712 = arith.constant 176 : index
    %swap3A_1713 = tpu.vector_load %arg10[%swap3A_1712] {strides = array<i32>} : memref<640xf32, #tpu.memory_space<vmem>>, vector<16xf32>,
    %swap3A_1714 = vector.shape_cast %swap3A_1713 : vector<16xf32> to vector<16xf32>
    %swap3A_1715 = vector.shape_cast %mul3A_1711 : vector<16xf32> to vector<16xf32>
    tpu.vector_store %arg10[%swap3A_1712], %swap3A_1715 {strides = array<i32>} : memref<640xf32, #tpu.memory_space<vmem>>, vector<16xf32>,
    %get3A_1716 = arith.constant 192 : index
    %get3A_1717 = tpu.vector_load %arg9[%get3A_1716] {strides = array<i32>} : memref<640xf32, #tpu.memory_space<vmem>>, vector<16xf32>,
    %get3A_1718 = vector.shape_cast %get3A_1717 : vector<16xf32> to vector<16xf32>
    %add3A_1719 = arith.constant 1.000000e+00 : f32
    %add3A_1720 = vector.broadcast %add3A_1719 : f32 to vector<16xf32>
    %add3A_1721 = arith.addf %get3A_1718, %add3A_1720 : vector<16xf32>
    %broadcast_in_dim3A_1722 = arith.constant 5.000000e-01 : f32
    %broadcast_in_dim3A_1723 = vector.broadcast %broadcast_in_dim3A_1722 : f32 to vector<16xf32>
    %ge3A_1724 = arith.constant 4.000000e+00 : f32
    %ge3A_1725 = vector.broadcast %ge3A_1724 : f32 to vector<16xf32>
    %ge3A_1726 = arith.cmpf oge, %add3A_1721, %ge3A_1725 : vector<16xf32>
    %jit3A_1727 = arith.constant 2.500000e-01 : f32
    %broadcast_in_dim3A_1728 = vector.broadcast %jit3A_1727 : f32 to vector<16xf32>
    %select_n3A_1729 = arith.select %ge3A_1726, %broadcast_in_dim3A_1728, %broadcast_in_dim3A_1723 : vector<16xi1>, vector<16xf32>
    %ge3A_1730 = arith.constant 1.600000e+01 : f32
    %ge3A_1731 = vector.broadcast %ge3A_1730 : f32 to vector<16xf32>
    %ge3A_1732 = arith.cmpf oge, %add3A_1721, %ge3A_1731 : vector<16xf32>
    %jit3A_1733 = arith.constant 1.250000e-01 : f32
    %broadcast_in_dim3A_1734 = vector.broadcast %jit3A_1733 : f32 to vector<16xf32>
    %select_n3A_1735 = arith.select %ge3A_1732, %broadcast_in_dim3A_1734, %select_n3A_1729 : vector<16xi1>, vector<16xf32>
    %ge3A_1736 = arith.constant 6.400000e+01 : f32
    %ge3A_1737 = vector.broadcast %ge3A_1736 : f32 to vector<16xf32>
    %ge3A_1738 = arith.cmpf oge, %add3A_1721, %ge3A_1737 : vector<16xf32>
    %jit3A_1739 = arith.constant 6.250000e-02 : f32
    %broadcast_in_dim3A_1740 = vector.broadcast %jit3A_1739 : f32 to vector<16xf32>
    %select_n3A_1741 = arith.select %ge3A_1738, %broadcast_in_dim3A_1740, %select_n3A_1735 : vector<16xi1>, vector<16xf32>
    %ge3A_1742 = arith.constant 2.560000e+02 : f32
    %ge3A_1743 = vector.broadcast %ge3A_1742 : f32 to vector<16xf32>
    %ge3A_1744 = arith.cmpf oge, %add3A_1721, %ge3A_1743 : vector<16xf32>
    %jit3A_1745 = arith.constant 3.125000e-02 : f32
    %broadcast_in_dim3A_1746 = vector.broadcast %jit3A_1745 : f32 to vector<16xf32>
    %select_n3A_1747 = arith.select %ge3A_1744, %broadcast_in_dim3A_1746, %select_n3A_1741 : vector<16xi1>, vector<16xf32>
    %ge3A_1748 = arith.constant 1.024000e+03 : f32
    %ge3A_1749 = vector.broadcast %ge3A_1748 : f32 to vector<16xf32>
    %ge3A_1750 = arith.cmpf oge, %add3A_1721, %ge3A_1749 : vector<16xf32>
    %jit3A_1751 = arith.constant 1.562500e-02 : f32
    %broadcast_in_dim3A_1752 = vector.broadcast %jit3A_1751 : f32 to vector<16xf32>
    %select_n3A_1753 = arith.select %ge3A_1750, %broadcast_in_dim3A_1752, %select_n3A_1747 : vector<16xi1>, vector<16xf32>
    %ge3A_1754 = arith.constant 4.096000e+03 : f32
    %ge3A_1755 = vector.broadcast %ge3A_1754 : f32 to vector<16xf32>
    %ge3A_1756 = arith.cmpf oge, %add3A_1721, %ge3A_1755 : vector<16xf32>
    %jit3A_1757 = arith.constant 7.812500e-03 : f32
    %broadcast_in_dim3A_1758 = vector.broadcast %jit3A_1757 : f32 to vector<16xf32>
    %select_n3A_1759 = arith.select %ge3A_1756, %broadcast_in_dim3A_1758, %select_n3A_1753 : vector<16xi1>, vector<16xf32>
    %ge3A_1760 = arith.constant 1.638400e+04 : f32
    %ge3A_1761 = vector.broadcast %ge3A_1760 : f32 to vector<16xf32>
    %ge3A_1762 = arith.cmpf oge, %add3A_1721, %ge3A_1761 : vector<16xf32>
    %jit3A_1763 = arith.constant 3.906250e-03 : f32
    %broadcast_in_dim3A_1764 = vector.broadcast %jit3A_1763 : f32 to vector<16xf32>
    %select_n3A_1765 = arith.select %ge3A_1762, %broadcast_in_dim3A_1764, %select_n3A_1759 : vector<16xi1>, vector<16xf32>
    %ge3A_1766 = arith.constant 6.553600e+04 : f32
    %ge3A_1767 = vector.broadcast %ge3A_1766 : f32 to vector<16xf32>
    %ge3A_1768 = arith.cmpf oge, %add3A_1721, %ge3A_1767 : vector<16xf32>
    %jit3A_1769 = arith.constant 0.001953125 : f32
    %broadcast_in_dim3A_1770 = vector.broadcast %jit3A_1769 : f32 to vector<16xf32>
    %select_n3A_1771 = arith.select %ge3A_1768, %broadcast_in_dim3A_1770, %select_n3A_1765 : vector<16xi1>, vector<16xf32>
    %ge3A_1772 = arith.constant 2.621440e+05 : f32
    %ge3A_1773 = vector.broadcast %ge3A_1772 : f32 to vector<16xf32>
    %ge3A_1774 = arith.cmpf oge, %add3A_1721, %ge3A_1773 : vector<16xf32>
    %jit3A_1775 = arith.constant 9.765625E-4 : f32
    %broadcast_in_dim3A_1776 = vector.broadcast %jit3A_1775 : f32 to vector<16xf32>
    %select_n3A_1777 = arith.select %ge3A_1774, %broadcast_in_dim3A_1776, %select_n3A_1771 : vector<16xi1>, vector<16xf32>
    %mul3A_1778 = arith.constant 5.000000e-01 : f32
    %mul3A_1779 = vector.broadcast %mul3A_1778 : f32 to vector<16xf32>
    %mul3A_1780 = arith.mulf %mul3A_1779, %add3A_1721 : vector<16xf32>
    %mul3A_1781 = arith.mulf %mul3A_1780, %select_n3A_1777 : vector<16xf32>
    %mul3A_1782 = arith.mulf %mul3A_1781, %select_n3A_1777 : vector<16xf32>
    %sub3A_1783 = arith.constant 1.500000e+00 : f32
    %sub3A_1784 = vector.broadcast %sub3A_1783 : f32 to vector<16xf32>
    %sub3A_1785 = arith.subf %sub3A_1784, %mul3A_1782 : vector<16xf32>
    %mul3A_1786 = arith.mulf %select_n3A_1777, %sub3A_1785 : vector<16xf32>
    %mul3A_1787 = arith.constant 5.000000e-01 : f32
    %mul3A_1788 = vector.broadcast %mul3A_1787 : f32 to vector<16xf32>
    %mul3A_1789 = arith.mulf %mul3A_1788, %add3A_1721 : vector<16xf32>
    %mul3A_1790 = arith.mulf %mul3A_1789, %mul3A_1786 : vector<16xf32>
    %mul3A_1791 = arith.mulf %mul3A_1790, %mul3A_1786 : vector<16xf32>
    %sub3A_1792 = arith.constant 1.500000e+00 : f32
    %sub3A_1793 = vector.broadcast %sub3A_1792 : f32 to vector<16xf32>
    %sub3A_1794 = arith.subf %sub3A_1793, %mul3A_1791 : vector<16xf32>
    %mul3A_1795 = arith.mulf %mul3A_1786, %sub3A_1794 : vector<16xf32>
    %mul3A_1796 = arith.constant 5.000000e-01 : f32
    %mul3A_1797 = vector.broadcast %mul3A_1796 : f32 to vector<16xf32>
    %mul3A_1798 = arith.mulf %mul3A_1797, %add3A_1721 : vector<16xf32>
    %mul3A_1799 = arith.mulf %mul3A_1798, %mul3A_1795 : vector<16xf32>
    %mul3A_1800 = arith.mulf %mul3A_1799, %mul3A_1795 : vector<16xf32>
    %sub3A_1801 = arith.constant 1.500000e+00 : f32
    %sub3A_1802 = vector.broadcast %sub3A_1801 : f32 to vector<16xf32>
    %sub3A_1803 = arith.subf %sub3A_1802, %mul3A_1800 : vector<16xf32>
    %mul3A_1804 = arith.mulf %mul3A_1795, %sub3A_1803 : vector<16xf32>
    %mul3A_1805 = arith.constant 5.000000e-01 : f32
    %mul3A_1806 = vector.broadcast %mul3A_1805 : f32 to vector<16xf32>
    %mul3A_1807 = arith.mulf %mul3A_1806, %add3A_1721 : vector<16xf32>
    %mul3A_1808 = arith.mulf %mul3A_1807, %mul3A_1804 : vector<16xf32>
    %mul3A_1809 = arith.mulf %mul3A_1808, %mul3A_1804 : vector<16xf32>
    %sub3A_1810 = arith.constant 1.500000e+00 : f32
    %sub3A_1811 = vector.broadcast %sub3A_1810 : f32 to vector<16xf32>
    %sub3A_1812 = arith.subf %sub3A_1811, %mul3A_1809 : vector<16xf32>
    %mul3A_1813 = arith.mulf %mul3A_1804, %sub3A_1812 : vector<16xf32>
    %mul3A_1814 = arith.constant 5.000000e-01 : f32
    %mul3A_1815 = vector.broadcast %mul3A_1814 : f32 to vector<16xf32>
    %mul3A_1816 = arith.mulf %mul3A_1815, %add3A_1721 : vector<16xf32>
    %mul3A_1817 = arith.mulf %mul3A_1816, %mul3A_1813 : vector<16xf32>
    %mul3A_1818 = arith.mulf %mul3A_1817, %mul3A_1813 : vector<16xf32>
    %sub3A_1819 = arith.constant 1.500000e+00 : f32
    %sub3A_1820 = vector.broadcast %sub3A_1819 : f32 to vector<16xf32>
    %sub3A_1821 = arith.subf %sub3A_1820, %mul3A_1818 : vector<16xf32>
    %mul3A_1822 = arith.mulf %mul3A_1813, %sub3A_1821 : vector<16xf32>
    %mul3A_1823 = arith.constant 5.000000e-01 : f32
    %mul3A_1824 = vector.broadcast %mul3A_1823 : f32 to vector<16xf32>
    %mul3A_1825 = arith.mulf %mul3A_1824, %add3A_1721 : vector<16xf32>
    %mul3A_1826 = arith.mulf %mul3A_1825, %mul3A_1822 : vector<16xf32>
    %mul3A_1827 = arith.mulf %mul3A_1826, %mul3A_1822 : vector<16xf32>
    %sub3A_1828 = arith.constant 1.500000e+00 : f32
    %sub3A_1829 = vector.broadcast %sub3A_1828 : f32 to vector<16xf32>
    %sub3A_1830 = arith.subf %sub3A_1829, %mul3A_1827 : vector<16xf32>
    %mul3A_1831 = arith.mulf %mul3A_1822, %sub3A_1830 : vector<16xf32>
    %swap3A_1832 = arith.constant 192 : index
    %swap3A_1833 = tpu.vector_load %arg10[%swap3A_1832] {strides = array<i32>} : memref<640xf32, #tpu.memory_space<vmem>>, vector<16xf32>,
    %swap3A_1834 = vector.shape_cast %swap3A_1833 : vector<16xf32> to vector<16xf32>
    %swap3A_1835 = vector.shape_cast %mul3A_1831 : vector<16xf32> to vector<16xf32>
    tpu.vector_store %arg10[%swap3A_1832], %swap3A_1835 {strides = array<i32>} : memref<640xf32, #tpu.memory_space<vmem>>, vector<16xf32>,
    %get3A_1836 = arith.constant 208 : index
    %get3A_1837 = tpu.vector_load %arg9[%get3A_1836] {strides = array<i32>} : memref<640xf32, #tpu.memory_space<vmem>>, vector<16xf32>,
    %get3A_1838 = vector.shape_cast %get3A_1837 : vector<16xf32> to vector<16xf32>
    %add3A_1839 = arith.constant 1.000000e+00 : f32
    %add3A_1840 = vector.broadcast %add3A_1839 : f32 to vector<16xf32>
    %add3A_1841 = arith.addf %get3A_1838, %add3A_1840 : vector<16xf32>
    %broadcast_in_dim3A_1842 = arith.constant 5.000000e-01 : f32
    %broadcast_in_dim3A_1843 = vector.broadcast %broadcast_in_dim3A_1842 : f32 to vector<16xf32>
    %ge3A_1844 = arith.constant 4.000000e+00 : f32
    %ge3A_1845 = vector.broadcast %ge3A_1844 : f32 to vector<16xf32>
    %ge3A_1846 = arith.cmpf oge, %add3A_1841, %ge3A_1845 : vector<16xf32>
    %jit3A_1847 = arith.constant 2.500000e-01 : f32
    %broadcast_in_dim3A_1848 = vector.broadcast %jit3A_1847 : f32 to vector<16xf32>
    %select_n3A_1849 = arith.select %ge3A_1846, %broadcast_in_dim3A_1848, %broadcast_in_dim3A_1843 : vector<16xi1>, vector<16xf32>
    %ge3A_1850 = arith.constant 1.600000e+01 : f32
    %ge3A_1851 = vector.broadcast %ge3A_1850 : f32 to vector<16xf32>
    %ge3A_1852 = arith.cmpf oge, %add3A_1841, %ge3A_1851 : vector<16xf32>
    %jit3A_1853 = arith.constant 1.250000e-01 : f32
    %broadcast_in_dim3A_1854 = vector.broadcast %jit3A_1853 : f32 to vector<16xf32>
    %select_n3A_1855 = arith.select %ge3A_1852, %broadcast_in_dim3A_1854, %select_n3A_1849 : vector<16xi1>, vector<16xf32>
    %ge3A_1856 = arith.constant 6.400000e+01 : f32
    %ge3A_1857 = vector.broadcast %ge3A_1856 : f32 to vector<16xf32>
    %ge3A_1858 = arith.cmpf oge, %add3A_1841, %ge3A_1857 : vector<16xf32>
    %jit3A_1859 = arith.constant 6.250000e-02 : f32
    %broadcast_in_dim3A_1860 = vector.broadcast %jit3A_1859 : f32 to vector<16xf32>
    %select_n3A_1861 = arith.select %ge3A_1858, %broadcast_in_dim3A_1860, %select_n3A_1855 : vector<16xi1>, vector<16xf32>
    %ge3A_1862 = arith.constant 2.560000e+02 : f32
    %ge3A_1863 = vector.broadcast %ge3A_1862 : f32 to vector<16xf32>
    %ge3A_1864 = arith.cmpf oge, %add3A_1841, %ge3A_1863 : vector<16xf32>
    %jit3A_1865 = arith.constant 3.125000e-02 : f32
    %broadcast_in_dim3A_1866 = vector.broadcast %jit3A_1865 : f32 to vector<16xf32>
    %select_n3A_1867 = arith.select %ge3A_1864, %broadcast_in_dim3A_1866, %select_n3A_1861 : vector<16xi1>, vector<16xf32>
    %ge3A_1868 = arith.constant 1.024000e+03 : f32
    %ge3A_1869 = vector.broadcast %ge3A_1868 : f32 to vector<16xf32>
    %ge3A_1870 = arith.cmpf oge, %add3A_1841, %ge3A_1869 : vector<16xf32>
    %jit3A_1871 = arith.constant 1.562500e-02 : f32
    %broadcast_in_dim3A_1872 = vector.broadcast %jit3A_1871 : f32 to vector<16xf32>
    %select_n3A_1873 = arith.select %ge3A_1870, %broadcast_in_dim3A_1872, %select_n3A_1867 : vector<16xi1>, vector<16xf32>
    %ge3A_1874 = arith.constant 4.096000e+03 : f32
    %ge3A_1875 = vector.broadcast %ge3A_1874 : f32 to vector<16xf32>
    %ge3A_1876 = arith.cmpf oge, %add3A_1841, %ge3A_1875 : vector<16xf32>
    %jit3A_1877 = arith.constant 7.812500e-03 : f32
    %broadcast_in_dim3A_1878 = vector.broadcast %jit3A_1877 : f32 to vector<16xf32>
    %select_n3A_1879 = arith.select %ge3A_1876, %broadcast_in_dim3A_1878, %select_n3A_1873 : vector<16xi1>, vector<16xf32>
    %ge3A_1880 = arith.constant 1.638400e+04 : f32
    %ge3A_1881 = vector.broadcast %ge3A_1880 : f32 to vector<16xf32>
    %ge3A_1882 = arith.cmpf oge, %add3A_1841, %ge3A_1881 : vector<16xf32>
    %jit3A_1883 = arith.constant 3.906250e-03 : f32
    %broadcast_in_dim3A_1884 = vector.broadcast %jit3A_1883 : f32 to vector<16xf32>
    %select_n3A_1885 = arith.select %ge3A_1882, %broadcast_in_dim3A_1884, %select_n3A_1879 : vector<16xi1>, vector<16xf32>
    %ge3A_1886 = arith.constant 6.553600e+04 : f32
    %ge3A_1887 = vector.broadcast %ge3A_1886 : f32 to vector<16xf32>
    %ge3A_1888 = arith.cmpf oge, %add3A_1841, %ge3A_1887 : vector<16xf32>
    %jit3A_1889 = arith.constant 0.001953125 : f32
    %broadcast_in_dim3A_1890 = vector.broadcast %jit3A_1889 : f32 to vector<16xf32>
    %select_n3A_1891 = arith.select %ge3A_1888, %broadcast_in_dim3A_1890, %select_n3A_1885 : vector<16xi1>, vector<16xf32>
    %ge3A_1892 = arith.constant 2.621440e+05 : f32
    %ge3A_1893 = vector.broadcast %ge3A_1892 : f32 to vector<16xf32>
    %ge3A_1894 = arith.cmpf oge, %add3A_1841, %ge3A_1893 : vector<16xf32>
    %jit3A_1895 = arith.constant 9.765625E-4 : f32
    %broadcast_in_dim3A_1896 = vector.broadcast %jit3A_1895 : f32 to vector<16xf32>
    %select_n3A_1897 = arith.select %ge3A_1894, %broadcast_in_dim3A_1896, %select_n3A_1891 : vector<16xi1>, vector<16xf32>
    %mul3A_1898 = arith.constant 5.000000e-01 : f32
    %mul3A_1899 = vector.broadcast %mul3A_1898 : f32 to vector<16xf32>
    %mul3A_1900 = arith.mulf %mul3A_1899, %add3A_1841 : vector<16xf32>
    %mul3A_1901 = arith.mulf %mul3A_1900, %select_n3A_1897 : vector<16xf32>
    %mul3A_1902 = arith.mulf %mul3A_1901, %select_n3A_1897 : vector<16xf32>
    %sub3A_1903 = arith.constant 1.500000e+00 : f32
    %sub3A_1904 = vector.broadcast %sub3A_1903 : f32 to vector<16xf32>
    %sub3A_1905 = arith.subf %sub3A_1904, %mul3A_1902 : vector<16xf32>
    %mul3A_1906 = arith.mulf %select_n3A_1897, %sub3A_1905 : vector<16xf32>
    %mul3A_1907 = arith.constant 5.000000e-01 : f32
    %mul3A_1908 = vector.broadcast %mul3A_1907 : f32 to vector<16xf32>
    %mul3A_1909 = arith.mulf %mul3A_1908, %add3A_1841 : vector<16xf32>
    %mul3A_1910 = arith.mulf %mul3A_1909, %mul3A_1906 : vector<16xf32>
    %mul3A_1911 = arith.mulf %mul3A_1910, %mul3A_1906 : vector<16xf32>
    %sub3A_1912 = arith.constant 1.500000e+00 : f32
    %sub3A_1913 = vector.broadcast %sub3A_1912 : f32 to vector<16xf32>
    %sub3A_1914 = arith.subf %sub3A_1913, %mul3A_1911 : vector<16xf32>
    %mul3A_1915 = arith.mulf %mul3A_1906, %sub3A_1914 : vector<16xf32>
    %mul3A_1916 = arith.constant 5.000000e-01 : f32
    %mul3A_1917 = vector.broadcast %mul3A_1916 : f32 to vector<16xf32>
    %mul3A_1918 = arith.mulf %mul3A_1917, %add3A_1841 : vector<16xf32>
    %mul3A_1919 = arith.mulf %mul3A_1918, %mul3A_1915 : vector<16xf32>
    %mul3A_1920 = arith.mulf %mul3A_1919, %mul3A_1915 : vector<16xf32>
    %sub3A_1921 = arith.constant 1.500000e+00 : f32
    %sub3A_1922 = vector.broadcast %sub3A_1921 : f32 to vector<16xf32>
    %sub3A_1923 = arith.subf %sub3A_1922, %mul3A_1920 : vector<16xf32>
    %mul3A_1924 = arith.mulf %mul3A_1915, %sub3A_1923 : vector<16xf32>
    %mul3A_1925 = arith.constant 5.000000e-01 : f32
    %mul3A_1926 = vector.broadcast %mul3A_1925 : f32 to vector<16xf32>
    %mul3A_1927 = arith.mulf %mul3A_1926, %add3A_1841 : vector<16xf32>
    %mul3A_1928 = arith.mulf %mul3A_1927, %mul3A_1924 : vector<16xf32>
    %mul3A_1929 = arith.mulf %mul3A_1928, %mul3A_1924 : vector<16xf32>
    %sub3A_1930 = arith.constant 1.500000e+00 : f32
    %sub3A_1931 = vector.broadcast %sub3A_1930 : f32 to vector<16xf32>
    %sub3A_1932 = arith.subf %sub3A_1931, %mul3A_1929 : vector<16xf32>
    %mul3A_1933 = arith.mulf %mul3A_1924, %sub3A_1932 : vector<16xf32>
    %mul3A_1934 = arith.constant 5.000000e-01 : f32
    %mul3A_1935 = vector.broadcast %mul3A_1934 : f32 to vector<16xf32>
    %mul3A_1936 = arith.mulf %mul3A_1935, %add3A_1841 : vector<16xf32>
    %mul3A_1937 = arith.mulf %mul3A_1936, %mul3A_1933 : vector<16xf32>
    %mul3A_1938 = arith.mulf %mul3A_1937, %mul3A_1933 : vector<16xf32>
    %sub3A_1939 = arith.constant 1.500000e+00 : f32
    %sub3A_1940 = vector.broadcast %sub3A_1939 : f32 to vector<16xf32>
    %sub3A_1941 = arith.subf %sub3A_1940, %mul3A_1938 : vector<16xf32>
    %mul3A_1942 = arith.mulf %mul3A_1933, %sub3A_1941 : vector<16xf32>
    %mul3A_1943 = arith.constant 5.000000e-01 : f32
    %mul3A_1944 = vector.broadcast %mul3A_1943 : f32 to vector<16xf32>
    %mul3A_1945 = arith.mulf %mul3A_1944, %add3A_1841 : vector<16xf32>
    %mul3A_1946 = arith.mulf %mul3A_1945, %mul3A_1942 : vector<16xf32>
    %mul3A_1947 = arith.mulf %mul3A_1946, %mul3A_1942 : vector<16xf32>
    %sub3A_1948 = arith.constant 1.500000e+00 : f32
    %sub3A_1949 = vector.broadcast %sub3A_1948 : f32 to vector<16xf32>
    %sub3A_1950 = arith.subf %sub3A_1949, %mul3A_1947 : vector<16xf32>
    %mul3A_1951 = arith.mulf %mul3A_1942, %sub3A_1950 : vector<16xf32>
    %swap3A_1952 = arith.constant 208 : index
    %swap3A_1953 = tpu.vector_load %arg10[%swap3A_1952] {strides = array<i32>} : memref<640xf32, #tpu.memory_space<vmem>>, vector<16xf32>,
    %swap3A_1954 = vector.shape_cast %swap3A_1953 : vector<16xf32> to vector<16xf32>
    %swap3A_1955 = vector.shape_cast %mul3A_1951 : vector<16xf32> to vector<16xf32>
    tpu.vector_store %arg10[%swap3A_1952], %swap3A_1955 {strides = array<i32>} : memref<640xf32, #tpu.memory_space<vmem>>, vector<16xf32>,
    %get3A_1956 = arith.constant 224 : index
    %get3A_1957 = tpu.vector_load %arg9[%get3A_1956] {strides = array<i32>} : memref<640xf32, #tpu.memory_space<vmem>>, vector<16xf32>,
    %get3A_1958 = vector.shape_cast %get3A_1957 : vector<16xf32> to vector<16xf32>
    %add3A_1959 = arith.constant 1.000000e+00 : f32
    %add3A_1960 = vector.broadcast %add3A_1959 : f32 to vector<16xf32>
    %add3A_1961 = arith.addf %get3A_1958, %add3A_1960 : vector<16xf32>
    %broadcast_in_dim3A_1962 = arith.constant 5.000000e-01 : f32
    %broadcast_in_dim3A_1963 = vector.broadcast %broadcast_in_dim3A_1962 : f32 to vector<16xf32>
    %ge3A_1964 = arith.constant 4.000000e+00 : f32
    %ge3A_1965 = vector.broadcast %ge3A_1964 : f32 to vector<16xf32>
    %ge3A_1966 = arith.cmpf oge, %add3A_1961, %ge3A_1965 : vector<16xf32>
    %jit3A_1967 = arith.constant 2.500000e-01 : f32
    %broadcast_in_dim3A_1968 = vector.broadcast %jit3A_1967 : f32 to vector<16xf32>
    %select_n3A_1969 = arith.select %ge3A_1966, %broadcast_in_dim3A_1968, %broadcast_in_dim3A_1963 : vector<16xi1>, vector<16xf32>
    %ge3A_1970 = arith.constant 1.600000e+01 : f32
    %ge3A_1971 = vector.broadcast %ge3A_1970 : f32 to vector<16xf32>
    %ge3A_1972 = arith.cmpf oge, %add3A_1961, %ge3A_1971 : vector<16xf32>
    %jit3A_1973 = arith.constant 1.250000e-01 : f32
    %broadcast_in_dim3A_1974 = vector.broadcast %jit3A_1973 : f32 to vector<16xf32>
    %select_n3A_1975 = arith.select %ge3A_1972, %broadcast_in_dim3A_1974, %select_n3A_1969 : vector<16xi1>, vector<16xf32>
    %ge3A_1976 = arith.constant 6.400000e+01 : f32
    %ge3A_1977 = vector.broadcast %ge3A_1976 : f32 to vector<16xf32>
    %ge3A_1978 = arith.cmpf oge, %add3A_1961, %ge3A_1977 : vector<16xf32>
    %jit3A_1979 = arith.constant 6.250000e-02 : f32
    %broadcast_in_dim3A_1980 = vector.broadcast %jit3A_1979 : f32 to vector<16xf32>
    %select_n3A_1981 = arith.select %ge3A_1978, %broadcast_in_dim3A_1980, %select_n3A_1975 : vector<16xi1>, vector<16xf32>
    %ge3A_1982 = arith.constant 2.560000e+02 : f32
    %ge3A_1983 = vector.broadcast %ge3A_1982 : f32 to vector<16xf32>
    %ge3A_1984 = arith.cmpf oge, %add3A_1961, %ge3A_1983 : vector<16xf32>
    %jit3A_1985 = arith.constant 3.125000e-02 : f32
    %broadcast_in_dim3A_1986 = vector.broadcast %jit3A_1985 : f32 to vector<16xf32>
    %select_n3A_1987 = arith.select %ge3A_1984, %broadcast_in_dim3A_1986, %select_n3A_1981 : vector<16xi1>, vector<16xf32>
    %ge3A_1988 = arith.constant 1.024000e+03 : f32
    %ge3A_1989 = vector.broadcast %ge3A_1988 : f32 to vector<16xf32>
    %ge3A_1990 = arith.cmpf oge, %add3A_1961, %ge3A_1989 : vector<16xf32>
    %jit3A_1991 = arith.constant 1.562500e-02 : f32
    %broadcast_in_dim3A_1992 = vector.broadcast %jit3A_1991 : f32 to vector<16xf32>
    %select_n3A_1993 = arith.select %ge3A_1990, %broadcast_in_dim3A_1992, %select_n3A_1987 : vector<16xi1>, vector<16xf32>
    %ge3A_1994 = arith.constant 4.096000e+03 : f32
    %ge3A_1995 = vector.broadcast %ge3A_1994 : f32 to vector<16xf32>
    %ge3A_1996 = arith.cmpf oge, %add3A_1961, %ge3A_1995 : vector<16xf32>
    %jit3A_1997 = arith.constant 7.812500e-03 : f32
    %broadcast_in_dim3A_1998 = vector.broadcast %jit3A_1997 : f32 to vector<16xf32>
    %select_n3A_1999 = arith.select %ge3A_1996, %broadcast_in_dim3A_1998, %select_n3A_1993 : vector<16xi1>, vector<16xf32>
    %ge3A_2000 = arith.constant 1.638400e+04 : f32
    %ge3A_2001 = vector.broadcast %ge3A_2000 : f32 to vector<16xf32>
    %ge3A_2002 = arith.cmpf oge, %add3A_1961, %ge3A_2001 : vector<16xf32>
    %jit3A_2003 = arith.constant 3.906250e-03 : f32
    %broadcast_in_dim3A_2004 = vector.broadcast %jit3A_2003 : f32 to vector<16xf32>
    %select_n3A_2005 = arith.select %ge3A_2002, %broadcast_in_dim3A_2004, %select_n3A_1999 : vector<16xi1>, vector<16xf32>
    %ge3A_2006 = arith.constant 6.553600e+04 : f32
    %ge3A_2007 = vector.broadcast %ge3A_2006 : f32 to vector<16xf32>
    %ge3A_2008 = arith.cmpf oge, %add3A_1961, %ge3A_2007 : vector<16xf32>
    %jit3A_2009 = arith.constant 0.001953125 : f32
    %broadcast_in_dim3A_2010 = vector.broadcast %jit3A_2009 : f32 to vector<16xf32>
    %select_n3A_2011 = arith.select %ge3A_2008, %broadcast_in_dim3A_2010, %select_n3A_2005 : vector<16xi1>, vector<16xf32>
    %ge3A_2012 = arith.constant 2.621440e+05 : f32
    %ge3A_2013 = vector.broadcast %ge3A_2012 : f32 to vector<16xf32>
    %ge3A_2014 = arith.cmpf oge, %add3A_1961, %ge3A_2013 : vector<16xf32>
    %jit3A_2015 = arith.constant 9.765625E-4 : f32
    %broadcast_in_dim3A_2016 = vector.broadcast %jit3A_2015 : f32 to vector<16xf32>
    %select_n3A_2017 = arith.select %ge3A_2014, %broadcast_in_dim3A_2016, %select_n3A_2011 : vector<16xi1>, vector<16xf32>
    %mul3A_2018 = arith.constant 5.000000e-01 : f32
    %mul3A_2019 = vector.broadcast %mul3A_2018 : f32 to vector<16xf32>
    %mul3A_2020 = arith.mulf %mul3A_2019, %add3A_1961 : vector<16xf32>
    %mul3A_2021 = arith.mulf %mul3A_2020, %select_n3A_2017 : vector<16xf32>
    %mul3A_2022 = arith.mulf %mul3A_2021, %select_n3A_2017 : vector<16xf32>
    %sub3A_2023 = arith.constant 1.500000e+00 : f32
    %sub3A_2024 = vector.broadcast %sub3A_2023 : f32 to vector<16xf32>
    %sub3A_2025 = arith.subf %sub3A_2024, %mul3A_2022 : vector<16xf32>
    %mul3A_2026 = arith.mulf %select_n3A_2017, %sub3A_2025 : vector<16xf32>
    %mul3A_2027 = arith.constant 5.000000e-01 : f32
    %mul3A_2028 = vector.broadcast %mul3A_2027 : f32 to vector<16xf32>
    %mul3A_2029 = arith.mulf %mul3A_2028, %add3A_1961 : vector<16xf32>
    %mul3A_2030 = arith.mulf %mul3A_2029, %mul3A_2026 : vector<16xf32>
    %mul3A_2031 = arith.mulf %mul3A_2030, %mul3A_2026 : vector<16xf32>
    %sub3A_2032 = arith.constant 1.500000e+00 : f32
    %sub3A_2033 = vector.broadcast %sub3A_2032 : f32 to vector<16xf32>
    %sub3A_2034 = arith.subf %sub3A_2033, %mul3A_2031 : vector<16xf32>
    %mul3A_2035 = arith.mulf %mul3A_2026, %sub3A_2034 : vector<16xf32>
    %mul3A_2036 = arith.constant 5.000000e-01 : f32
    %mul3A_2037 = vector.broadcast %mul3A_2036 : f32 to vector<16xf32>
    %mul3A_2038 = arith.mulf %mul3A_2037, %add3A_1961 : vector<16xf32>
    %mul3A_2039 = arith.mulf %mul3A_2038, %mul3A_2035 : vector<16xf32>
    %mul3A_2040 = arith.mulf %mul3A_2039, %mul3A_2035 : vector<16xf32>
    %sub3A_2041 = arith.constant 1.500000e+00 : f32
    %sub3A_2042 = vector.broadcast %sub3A_2041 : f32 to vector<16xf32>
    %sub3A_2043 = arith.subf %sub3A_2042, %mul3A_2040 : vector<16xf32>
    %mul3A_2044 = arith.mulf %mul3A_2035, %sub3A_2043 : vector<16xf32>
    %mul3A_2045 = arith.constant 5.000000e-01 : f32
    %mul3A_2046 = vector.broadcast %mul3A_2045 : f32 to vector<16xf32>
    %mul3A_2047 = arith.mulf %mul3A_2046, %add3A_1961 : vector<16xf32>
    %mul3A_2048 = arith.mulf %mul3A_2047, %mul3A_2044 : vector<16xf32>
    %mul3A_2049 = arith.mulf %mul3A_2048, %mul3A_2044 : vector<16xf32>
    %sub3A_2050 = arith.constant 1.500000e+00 : f32
    %sub3A_2051 = vector.broadcast %sub3A_2050 : f32 to vector<16xf32>
    %sub3A_2052 = arith.subf %sub3A_2051, %mul3A_2049 : vector<16xf32>
    %mul3A_2053 = arith.mulf %mul3A_2044, %sub3A_2052 : vector<16xf32>
    %mul3A_2054 = arith.constant 5.000000e-01 : f32
    %mul3A_2055 = vector.broadcast %mul3A_2054 : f32 to vector<16xf32>
    %mul3A_2056 = arith.mulf %mul3A_2055, %add3A_1961 : vector<16xf32>
    %mul3A_2057 = arith.mulf %mul3A_2056, %mul3A_2053 : vector<16xf32>
    %mul3A_2058 = arith.mulf %mul3A_2057, %mul3A_2053 : vector<16xf32>
    %sub3A_2059 = arith.constant 1.500000e+00 : f32
    %sub3A_2060 = vector.broadcast %sub3A_2059 : f32 to vector<16xf32>
    %sub3A_2061 = arith.subf %sub3A_2060, %mul3A_2058 : vector<16xf32>
    %mul3A_2062 = arith.mulf %mul3A_2053, %sub3A_2061 : vector<16xf32>
    %mul3A_2063 = arith.constant 5.000000e-01 : f32
    %mul3A_2064 = vector.broadcast %mul3A_2063 : f32 to vector<16xf32>
    %mul3A_2065 = arith.mulf %mul3A_2064, %add3A_1961 : vector<16xf32>
    %mul3A_2066 = arith.mulf %mul3A_2065, %mul3A_2062 : vector<16xf32>
    %mul3A_2067 = arith.mulf %mul3A_2066, %mul3A_2062 : vector<16xf32>
    %sub3A_2068 = arith.constant 1.500000e+00 : f32
    %sub3A_2069 = vector.broadcast %sub3A_2068 : f32 to vector<16xf32>
    %sub3A_2070 = arith.subf %sub3A_2069, %mul3A_2067 : vector<16xf32>
    %mul3A_2071 = arith.mulf %mul3A_2062, %sub3A_2070 : vector<16xf32>
    %swap3A_2072 = arith.constant 224 : index
    %swap3A_2073 = tpu.vector_load %arg10[%swap3A_2072] {strides = array<i32>} : memref<640xf32, #tpu.memory_space<vmem>>, vector<16xf32>,
    %swap3A_2074 = vector.shape_cast %swap3A_2073 : vector<16xf32> to vector<16xf32>
    %swap3A_2075 = vector.shape_cast %mul3A_2071 : vector<16xf32> to vector<16xf32>
    tpu.vector_store %arg10[%swap3A_2072], %swap3A_2075 {strides = array<i32>} : memref<640xf32, #tpu.memory_space<vmem>>, vector<16xf32>,
    %get3A_2076 = arith.constant 240 : index
    %get3A_2077 = tpu.vector_load %arg9[%get3A_2076] {strides = array<i32>} : memref<640xf32, #tpu.memory_space<vmem>>, vector<16xf32>,
    %get3A_2078 = vector.shape_cast %get3A_2077 : vector<16xf32> to vector<16xf32>
    %add3A_2079 = arith.constant 1.000000e+00 : f32
    %add3A_2080 = vector.broadcast %add3A_2079 : f32 to vector<16xf32>
    %add3A_2081 = arith.addf %get3A_2078, %add3A_2080 : vector<16xf32>
    %broadcast_in_dim3A_2082 = arith.constant 5.000000e-01 : f32
    %broadcast_in_dim3A_2083 = vector.broadcast %broadcast_in_dim3A_2082 : f32 to vector<16xf32>
    %ge3A_2084 = arith.constant 4.000000e+00 : f32
    %ge3A_2085 = vector.broadcast %ge3A_2084 : f32 to vector<16xf32>
    %ge3A_2086 = arith.cmpf oge, %add3A_2081, %ge3A_2085 : vector<16xf32>
    %jit3A_2087 = arith.constant 2.500000e-01 : f32
    %broadcast_in_dim3A_2088 = vector.broadcast %jit3A_2087 : f32 to vector<16xf32>
    %select_n3A_2089 = arith.select %ge3A_2086, %broadcast_in_dim3A_2088, %broadcast_in_dim3A_2083 : vector<16xi1>, vector<16xf32>
    %ge3A_2090 = arith.constant 1.600000e+01 : f32
    %ge3A_2091 = vector.broadcast %ge3A_2090 : f32 to vector<16xf32>
    %ge3A_2092 = arith.cmpf oge, %add3A_2081, %ge3A_2091 : vector<16xf32>
    %jit3A_2093 = arith.constant 1.250000e-01 : f32
    %broadcast_in_dim3A_2094 = vector.broadcast %jit3A_2093 : f32 to vector<16xf32>
    %select_n3A_2095 = arith.select %ge3A_2092, %broadcast_in_dim3A_2094, %select_n3A_2089 : vector<16xi1>, vector<16xf32>
    %ge3A_2096 = arith.constant 6.400000e+01 : f32
    %ge3A_2097 = vector.broadcast %ge3A_2096 : f32 to vector<16xf32>
    %ge3A_2098 = arith.cmpf oge, %add3A_2081, %ge3A_2097 : vector<16xf32>
    %jit3A_2099 = arith.constant 6.250000e-02 : f32
    %broadcast_in_dim3A_2100 = vector.broadcast %jit3A_2099 : f32 to vector<16xf32>
    %select_n3A_2101 = arith.select %ge3A_2098, %broadcast_in_dim3A_2100, %select_n3A_2095 : vector<16xi1>, vector<16xf32>
    %ge3A_2102 = arith.constant 2.560000e+02 : f32
    %ge3A_2103 = vector.broadcast %ge3A_2102 : f32 to vector<16xf32>
    %ge3A_2104 = arith.cmpf oge, %add3A_2081, %ge3A_2103 : vector<16xf32>
    %jit3A_2105 = arith.constant 3.125000e-02 : f32
    %broadcast_in_dim3A_2106 = vector.broadcast %jit3A_2105 : f32 to vector<16xf32>
    %select_n3A_2107 = arith.select %ge3A_2104, %broadcast_in_dim3A_2106, %select_n3A_2101 : vector<16xi1>, vector<16xf32>
    %ge3A_2108 = arith.constant 1.024000e+03 : f32
    %ge3A_2109 = vector.broadcast %ge3A_2108 : f32 to vector<16xf32>
    %ge3A_2110 = arith.cmpf oge, %add3A_2081, %ge3A_2109 : vector<16xf32>
    %jit3A_2111 = arith.constant 1.562500e-02 : f32
    %broadcast_in_dim3A_2112 = vector.broadcast %jit3A_2111 : f32 to vector<16xf32>
    %select_n3A_2113 = arith.select %ge3A_2110, %broadcast_in_dim3A_2112, %select_n3A_2107 : vector<16xi1>, vector<16xf32>
    %ge3A_2114 = arith.constant 4.096000e+03 : f32
    %ge3A_2115 = vector.broadcast %ge3A_2114 : f32 to vector<16xf32>
    %ge3A_2116 = arith.cmpf oge, %add3A_2081, %ge3A_2115 : vector<16xf32>
    %jit3A_2117 = arith.constant 7.812500e-03 : f32
    %broadcast_in_dim3A_2118 = vector.broadcast %jit3A_2117 : f32 to vector<16xf32>
    %select_n3A_2119 = arith.select %ge3A_2116, %broadcast_in_dim3A_2118, %select_n3A_2113 : vector<16xi1>, vector<16xf32>
    %ge3A_2120 = arith.constant 1.638400e+04 : f32
    %ge3A_2121 = vector.broadcast %ge3A_2120 : f32 to vector<16xf32>
    %ge3A_2122 = arith.cmpf oge, %add3A_2081, %ge3A_2121 : vector<16xf32>
    %jit3A_2123 = arith.constant 3.906250e-03 : f32
    %broadcast_in_dim3A_2124 = vector.broadcast %jit3A_2123 : f32 to vector<16xf32>
    %select_n3A_2125 = arith.select %ge3A_2122, %broadcast_in_dim3A_2124, %select_n3A_2119 : vector<16xi1>, vector<16xf32>
    %ge3A_2126 = arith.constant 6.553600e+04 : f32
    %ge3A_2127 = vector.broadcast %ge3A_2126 : f32 to vector<16xf32>
    %ge3A_2128 = arith.cmpf oge, %add3A_2081, %ge3A_2127 : vector<16xf32>
    %jit3A_2129 = arith.constant 0.001953125 : f32
    %broadcast_in_dim3A_2130 = vector.broadcast %jit3A_2129 : f32 to vector<16xf32>
    %select_n3A_2131 = arith.select %ge3A_2128, %broadcast_in_dim3A_2130, %select_n3A_2125 : vector<16xi1>, vector<16xf32>
    %ge3A_2132 = arith.constant 2.621440e+05 : f32
    %ge3A_2133 = vector.broadcast %ge3A_2132 : f32 to vector<16xf32>
    %ge3A_2134 = arith.cmpf oge, %add3A_2081, %ge3A_2133 : vector<16xf32>
    %jit3A_2135 = arith.constant 9.765625E-4 : f32
    %broadcast_in_dim3A_2136 = vector.broadcast %jit3A_2135 : f32 to vector<16xf32>
    %select_n3A_2137 = arith.select %ge3A_2134, %broadcast_in_dim3A_2136, %select_n3A_2131 : vector<16xi1>, vector<16xf32>
    %mul3A_2138 = arith.constant 5.000000e-01 : f32
    %mul3A_2139 = vector.broadcast %mul3A_2138 : f32 to vector<16xf32>
    %mul3A_2140 = arith.mulf %mul3A_2139, %add3A_2081 : vector<16xf32>
    %mul3A_2141 = arith.mulf %mul3A_2140, %select_n3A_2137 : vector<16xf32>
    %mul3A_2142 = arith.mulf %mul3A_2141, %select_n3A_2137 : vector<16xf32>
    %sub3A_2143 = arith.constant 1.500000e+00 : f32
    %sub3A_2144 = vector.broadcast %sub3A_2143 : f32 to vector<16xf32>
    %sub3A_2145 = arith.subf %sub3A_2144, %mul3A_2142 : vector<16xf32>
    %mul3A_2146 = arith.mulf %select_n3A_2137, %sub3A_2145 : vector<16xf32>
    %mul3A_2147 = arith.constant 5.000000e-01 : f32
    %mul3A_2148 = vector.broadcast %mul3A_2147 : f32 to vector<16xf32>
    %mul3A_2149 = arith.mulf %mul3A_2148, %add3A_2081 : vector<16xf32>
    %mul3A_2150 = arith.mulf %mul3A_2149, %mul3A_2146 : vector<16xf32>
    %mul3A_2151 = arith.mulf %mul3A_2150, %mul3A_2146 : vector<16xf32>
    %sub3A_2152 = arith.constant 1.500000e+00 : f32
    %sub3A_2153 = vector.broadcast %sub3A_2152 : f32 to vector<16xf32>
    %sub3A_2154 = arith.subf %sub3A_2153, %mul3A_2151 : vector<16xf32>
    %mul3A_2155 = arith.mulf %mul3A_2146, %sub3A_2154 : vector<16xf32>
    %mul3A_2156 = arith.constant 5.000000e-01 : f32
    %mul3A_2157 = vector.broadcast %mul3A_2156 : f32 to vector<16xf32>
    %mul3A_2158 = arith.mulf %mul3A_2157, %add3A_2081 : vector<16xf32>
    %mul3A_2159 = arith.mulf %mul3A_2158, %mul3A_2155 : vector<16xf32>
    %mul3A_2160 = arith.mulf %mul3A_2159, %mul3A_2155 : vector<16xf32>
    %sub3A_2161 = arith.constant 1.500000e+00 : f32
    %sub3A_2162 = vector.broadcast %sub3A_2161 : f32 to vector<16xf32>
    %sub3A_2163 = arith.subf %sub3A_2162, %mul3A_2160 : vector<16xf32>
    %mul3A_2164 = arith.mulf %mul3A_2155, %sub3A_2163 : vector<16xf32>
    %mul3A_2165 = arith.constant 5.000000e-01 : f32
    %mul3A_2166 = vector.broadcast %mul3A_2165 : f32 to vector<16xf32>
    %mul3A_2167 = arith.mulf %mul3A_2166, %add3A_2081 : vector<16xf32>
    %mul3A_2168 = arith.mulf %mul3A_2167, %mul3A_2164 : vector<16xf32>
    %mul3A_2169 = arith.mulf %mul3A_2168, %mul3A_2164 : vector<16xf32>
    %sub3A_2170 = arith.constant 1.500000e+00 : f32
    %sub3A_2171 = vector.broadcast %sub3A_2170 : f32 to vector<16xf32>
    %sub3A_2172 = arith.subf %sub3A_2171, %mul3A_2169 : vector<16xf32>
    %mul3A_2173 = arith.mulf %mul3A_2164, %sub3A_2172 : vector<16xf32>
    %mul3A_2174 = arith.constant 5.000000e-01 : f32
    %mul3A_2175 = vector.broadcast %mul3A_2174 : f32 to vector<16xf32>
    %mul3A_2176 = arith.mulf %mul3A_2175, %add3A_2081 : vector<16xf32>
    %mul3A_2177 = arith.mulf %mul3A_2176, %mul3A_2173 : vector<16xf32>
    %mul3A_2178 = arith.mulf %mul3A_2177, %mul3A_2173 : vector<16xf32>
    %sub3A_2179 = arith.constant 1.500000e+00 : f32
    %sub3A_2180 = vector.broadcast %sub3A_2179 : f32 to vector<16xf32>
    %sub3A_2181 = arith.subf %sub3A_2180, %mul3A_2178 : vector<16xf32>
    %mul3A_2182 = arith.mulf %mul3A_2173, %sub3A_2181 : vector<16xf32>
    %mul3A_2183 = arith.constant 5.000000e-01 : f32
    %mul3A_2184 = vector.broadcast %mul3A_2183 : f32 to vector<16xf32>
    %mul3A_2185 = arith.mulf %mul3A_2184, %add3A_2081 : vector<16xf32>
    %mul3A_2186 = arith.mulf %mul3A_2185, %mul3A_2182 : vector<16xf32>
    %mul3A_2187 = arith.mulf %mul3A_2186, %mul3A_2182 : vector<16xf32>
    %sub3A_2188 = arith.constant 1.500000e+00 : f32
    %sub3A_2189 = vector.broadcast %sub3A_2188 : f32 to vector<16xf32>
    %sub3A_2190 = arith.subf %sub3A_2189, %mul3A_2187 : vector<16xf32>
    %mul3A_2191 = arith.mulf %mul3A_2182, %sub3A_2190 : vector<16xf32>
    %swap3A_2192 = arith.constant 240 : index
    %swap3A_2193 = tpu.vector_load %arg10[%swap3A_2192] {strides = array<i32>} : memref<640xf32, #tpu.memory_space<vmem>>, vector<16xf32>,
    %swap3A_2194 = vector.shape_cast %swap3A_2193 : vector<16xf32> to vector<16xf32>
    %swap3A_2195 = vector.shape_cast %mul3A_2191 : vector<16xf32> to vector<16xf32>
    tpu.vector_store %arg10[%swap3A_2192], %swap3A_2195 {strides = array<i32>} : memref<640xf32, #tpu.memory_space<vmem>>, vector<16xf32>,
    %get3A_2196 = arith.constant 256 : index
    %get3A_2197 = tpu.vector_load %arg9[%get3A_2196] {strides = array<i32>} : memref<640xf32, #tpu.memory_space<vmem>>, vector<16xf32>,
    %get3A_2198 = vector.shape_cast %get3A_2197 : vector<16xf32> to vector<16xf32>
    %add3A_2199 = arith.constant 1.000000e+00 : f32
    %add3A_2200 = vector.broadcast %add3A_2199 : f32 to vector<16xf32>
    %add3A_2201 = arith.addf %get3A_2198, %add3A_2200 : vector<16xf32>
    %broadcast_in_dim3A_2202 = arith.constant 5.000000e-01 : f32
    %broadcast_in_dim3A_2203 = vector.broadcast %broadcast_in_dim3A_2202 : f32 to vector<16xf32>
    %ge3A_2204 = arith.constant 4.000000e+00 : f32
    %ge3A_2205 = vector.broadcast %ge3A_2204 : f32 to vector<16xf32>
    %ge3A_2206 = arith.cmpf oge, %add3A_2201, %ge3A_2205 : vector<16xf32>
    %jit3A_2207 = arith.constant 2.500000e-01 : f32
    %broadcast_in_dim3A_2208 = vector.broadcast %jit3A_2207 : f32 to vector<16xf32>
    %select_n3A_2209 = arith.select %ge3A_2206, %broadcast_in_dim3A_2208, %broadcast_in_dim3A_2203 : vector<16xi1>, vector<16xf32>
    %ge3A_2210 = arith.constant 1.600000e+01 : f32
    %ge3A_2211 = vector.broadcast %ge3A_2210 : f32 to vector<16xf32>
    %ge3A_2212 = arith.cmpf oge, %add3A_2201, %ge3A_2211 : vector<16xf32>
    %jit3A_2213 = arith.constant 1.250000e-01 : f32
    %broadcast_in_dim3A_2214 = vector.broadcast %jit3A_2213 : f32 to vector<16xf32>
    %select_n3A_2215 = arith.select %ge3A_2212, %broadcast_in_dim3A_2214, %select_n3A_2209 : vector<16xi1>, vector<16xf32>
    %ge3A_2216 = arith.constant 6.400000e+01 : f32
    %ge3A_2217 = vector.broadcast %ge3A_2216 : f32 to vector<16xf32>
    %ge3A_2218 = arith.cmpf oge, %add3A_2201, %ge3A_2217 : vector<16xf32>
    %jit3A_2219 = arith.constant 6.250000e-02 : f32
    %broadcast_in_dim3A_2220 = vector.broadcast %jit3A_2219 : f32 to vector<16xf32>
    %select_n3A_2221 = arith.select %ge3A_2218, %broadcast_in_dim3A_2220, %select_n3A_2215 : vector<16xi1>, vector<16xf32>
    %ge3A_2222 = arith.constant 2.560000e+02 : f32
    %ge3A_2223 = vector.broadcast %ge3A_2222 : f32 to vector<16xf32>
    %ge3A_2224 = arith.cmpf oge, %add3A_2201, %ge3A_2223 : vector<16xf32>
    %jit3A_2225 = arith.constant 3.125000e-02 : f32
    %broadcast_in_dim3A_2226 = vector.broadcast %jit3A_2225 : f32 to vector<16xf32>
    %select_n3A_2227 = arith.select %ge3A_2224, %broadcast_in_dim3A_2226, %select_n3A_2221 : vector<16xi1>, vector<16xf32>
    %ge3A_2228 = arith.constant 1.024000e+03 : f32
    %ge3A_2229 = vector.broadcast %ge3A_2228 : f32 to vector<16xf32>
    %ge3A_2230 = arith.cmpf oge, %add3A_2201, %ge3A_2229 : vector<16xf32>
    %jit3A_2231 = arith.constant 1.562500e-02 : f32
    %broadcast_in_dim3A_2232 = vector.broadcast %jit3A_2231 : f32 to vector<16xf32>
    %select_n3A_2233 = arith.select %ge3A_2230, %broadcast_in_dim3A_2232, %select_n3A_2227 : vector<16xi1>, vector<16xf32>
    %ge3A_2234 = arith.constant 4.096000e+03 : f32
    %ge3A_2235 = vector.broadcast %ge3A_2234 : f32 to vector<16xf32>
    %ge3A_2236 = arith.cmpf oge, %add3A_2201, %ge3A_2235 : vector<16xf32>
    %jit3A_2237 = arith.constant 7.812500e-03 : f32
    %broadcast_in_dim3A_2238 = vector.broadcast %jit3A_2237 : f32 to vector<16xf32>
    %select_n3A_2239 = arith.select %ge3A_2236, %broadcast_in_dim3A_2238, %select_n3A_2233 : vector<16xi1>, vector<16xf32>
    %ge3A_2240 = arith.constant 1.638400e+04 : f32
    %ge3A_2241 = vector.broadcast %ge3A_2240 : f32 to vector<16xf32>
    %ge3A_2242 = arith.cmpf oge, %add3A_2201, %ge3A_2241 : vector<16xf32>
    %jit3A_2243 = arith.constant 3.906250e-03 : f32
    %broadcast_in_dim3A_2244 = vector.broadcast %jit3A_2243 : f32 to vector<16xf32>
    %select_n3A_2245 = arith.select %ge3A_2242, %broadcast_in_dim3A_2244, %select_n3A_2239 : vector<16xi1>, vector<16xf32>
    %ge3A_2246 = arith.constant 6.553600e+04 : f32
    %ge3A_2247 = vector.broadcast %ge3A_2246 : f32 to vector<16xf32>
    %ge3A_2248 = arith.cmpf oge, %add3A_2201, %ge3A_2247 : vector<16xf32>
    %jit3A_2249 = arith.constant 0.001953125 : f32
    %broadcast_in_dim3A_2250 = vector.broadcast %jit3A_2249 : f32 to vector<16xf32>
    %select_n3A_2251 = arith.select %ge3A_2248, %broadcast_in_dim3A_2250, %select_n3A_2245 : vector<16xi1>, vector<16xf32>
    %ge3A_2252 = arith.constant 2.621440e+05 : f32
    %ge3A_2253 = vector.broadcast %ge3A_2252 : f32 to vector<16xf32>
    %ge3A_2254 = arith.cmpf oge, %add3A_2201, %ge3A_2253 : vector<16xf32>
    %jit3A_2255 = arith.constant 9.765625E-4 : f32
    %broadcast_in_dim3A_2256 = vector.broadcast %jit3A_2255 : f32 to vector<16xf32>
    %select_n3A_2257 = arith.select %ge3A_2254, %broadcast_in_dim3A_2256, %select_n3A_2251 : vector<16xi1>, vector<16xf32>
    %mul3A_2258 = arith.constant 5.000000e-01 : f32
    %mul3A_2259 = vector.broadcast %mul3A_2258 : f32 to vector<16xf32>
    %mul3A_2260 = arith.mulf %mul3A_2259, %add3A_2201 : vector<16xf32>
    %mul3A_2261 = arith.mulf %mul3A_2260, %select_n3A_2257 : vector<16xf32>
    %mul3A_2262 = arith.mulf %mul3A_2261, %select_n3A_2257 : vector<16xf32>
    %sub3A_2263 = arith.constant 1.500000e+00 : f32
    %sub3A_2264 = vector.broadcast %sub3A_2263 : f32 to vector<16xf32>
    %sub3A_2265 = arith.subf %sub3A_2264, %mul3A_2262 : vector<16xf32>
    %mul3A_2266 = arith.mulf %select_n3A_2257, %sub3A_2265 : vector<16xf32>
    %mul3A_2267 = arith.constant 5.000000e-01 : f32
    %mul3A_2268 = vector.broadcast %mul3A_2267 : f32 to vector<16xf32>
    %mul3A_2269 = arith.mulf %mul3A_2268, %add3A_2201 : vector<16xf32>
    %mul3A_2270 = arith.mulf %mul3A_2269, %mul3A_2266 : vector<16xf32>
    %mul3A_2271 = arith.mulf %mul3A_2270, %mul3A_2266 : vector<16xf32>
    %sub3A_2272 = arith.constant 1.500000e+00 : f32
    %sub3A_2273 = vector.broadcast %sub3A_2272 : f32 to vector<16xf32>
    %sub3A_2274 = arith.subf %sub3A_2273, %mul3A_2271 : vector<16xf32>
    %mul3A_2275 = arith.mulf %mul3A_2266, %sub3A_2274 : vector<16xf32>
    %mul3A_2276 = arith.constant 5.000000e-01 : f32
    %mul3A_2277 = vector.broadcast %mul3A_2276 : f32 to vector<16xf32>
    %mul3A_2278 = arith.mulf %mul3A_2277, %add3A_2201 : vector<16xf32>
    %mul3A_2279 = arith.mulf %mul3A_2278, %mul3A_2275 : vector<16xf32>
    %mul3A_2280 = arith.mulf %mul3A_2279, %mul3A_2275 : vector<16xf32>
    %sub3A_2281 = arith.constant 1.500000e+00 : f32
    %sub3A_2282 = vector.broadcast %sub3A_2281 : f32 to vector<16xf32>
    %sub3A_2283 = arith.subf %sub3A_2282, %mul3A_2280 : vector<16xf32>
    %mul3A_2284 = arith.mulf %mul3A_2275, %sub3A_2283 : vector<16xf32>
    %mul3A_2285 = arith.constant 5.000000e-01 : f32
    %mul3A_2286 = vector.broadcast %mul3A_2285 : f32 to vector<16xf32>
    %mul3A_2287 = arith.mulf %mul3A_2286, %add3A_2201 : vector<16xf32>
    %mul3A_2288 = arith.mulf %mul3A_2287, %mul3A_2284 : vector<16xf32>
    %mul3A_2289 = arith.mulf %mul3A_2288, %mul3A_2284 : vector<16xf32>
    %sub3A_2290 = arith.constant 1.500000e+00 : f32
    %sub3A_2291 = vector.broadcast %sub3A_2290 : f32 to vector<16xf32>
    %sub3A_2292 = arith.subf %sub3A_2291, %mul3A_2289 : vector<16xf32>
    %mul3A_2293 = arith.mulf %mul3A_2284, %sub3A_2292 : vector<16xf32>
    %mul3A_2294 = arith.constant 5.000000e-01 : f32
    %mul3A_2295 = vector.broadcast %mul3A_2294 : f32 to vector<16xf32>
    %mul3A_2296 = arith.mulf %mul3A_2295, %add3A_2201 : vector<16xf32>
    %mul3A_2297 = arith.mulf %mul3A_2296, %mul3A_2293 : vector<16xf32>
    %mul3A_2298 = arith.mulf %mul3A_2297, %mul3A_2293 : vector<16xf32>
    %sub3A_2299 = arith.constant 1.500000e+00 : f32
    %sub3A_2300 = vector.broadcast %sub3A_2299 : f32 to vector<16xf32>
    %sub3A_2301 = arith.subf %sub3A_2300, %mul3A_2298 : vector<16xf32>
    %mul3A_2302 = arith.mulf %mul3A_2293, %sub3A_2301 : vector<16xf32>
    %mul3A_2303 = arith.constant 5.000000e-01 : f32
    %mul3A_2304 = vector.broadcast %mul3A_2303 : f32 to vector<16xf32>
    %mul3A_2305 = arith.mulf %mul3A_2304, %add3A_2201 : vector<16xf32>
    %mul3A_2306 = arith.mulf %mul3A_2305, %mul3A_2302 : vector<16xf32>
    %mul3A_2307 = arith.mulf %mul3A_2306, %mul3A_2302 : vector<16xf32>
    %sub3A_2308 = arith.constant 1.500000e+00 : f32
    %sub3A_2309 = vector.broadcast %sub3A_2308 : f32 to vector<16xf32>
    %sub3A_2310 = arith.subf %sub3A_2309, %mul3A_2307 : vector<16xf32>
    %mul3A_2311 = arith.mulf %mul3A_2302, %sub3A_2310 : vector<16xf32>
    %swap3A_2312 = arith.constant 256 : index
    %swap3A_2313 = tpu.vector_load %arg10[%swap3A_2312] {strides = array<i32>} : memref<640xf32, #tpu.memory_space<vmem>>, vector<16xf32>,
    %swap3A_2314 = vector.shape_cast %swap3A_2313 : vector<16xf32> to vector<16xf32>
    %swap3A_2315 = vector.shape_cast %mul3A_2311 : vector<16xf32> to vector<16xf32>
    tpu.vector_store %arg10[%swap3A_2312], %swap3A_2315 {strides = array<i32>} : memref<640xf32, #tpu.memory_space<vmem>>, vector<16xf32>,
    %get3A_2316 = arith.constant 272 : index
    %get3A_2317 = tpu.vector_load %arg9[%get3A_2316] {strides = array<i32>} : memref<640xf32, #tpu.memory_space<vmem>>, vector<16xf32>,
    %get3A_2318 = vector.shape_cast %get3A_2317 : vector<16xf32> to vector<16xf32>
    %add3A_2319 = arith.constant 1.000000e+00 : f32
    %add3A_2320 = vector.broadcast %add3A_2319 : f32 to vector<16xf32>
    %add3A_2321 = arith.addf %get3A_2318, %add3A_2320 : vector<16xf32>
    %broadcast_in_dim3A_2322 = arith.constant 5.000000e-01 : f32
    %broadcast_in_dim3A_2323 = vector.broadcast %broadcast_in_dim3A_2322 : f32 to vector<16xf32>
    %ge3A_2324 = arith.constant 4.000000e+00 : f32
    %ge3A_2325 = vector.broadcast %ge3A_2324 : f32 to vector<16xf32>
    %ge3A_2326 = arith.cmpf oge, %add3A_2321, %ge3A_2325 : vector<16xf32>
    %jit3A_2327 = arith.constant 2.500000e-01 : f32
    %broadcast_in_dim3A_2328 = vector.broadcast %jit3A_2327 : f32 to vector<16xf32>
    %select_n3A_2329 = arith.select %ge3A_2326, %broadcast_in_dim3A_2328, %broadcast_in_dim3A_2323 : vector<16xi1>, vector<16xf32>
    %ge3A_2330 = arith.constant 1.600000e+01 : f32
    %ge3A_2331 = vector.broadcast %ge3A_2330 : f32 to vector<16xf32>
    %ge3A_2332 = arith.cmpf oge, %add3A_2321, %ge3A_2331 : vector<16xf32>
    %jit3A_2333 = arith.constant 1.250000e-01 : f32
    %broadcast_in_dim3A_2334 = vector.broadcast %jit3A_2333 : f32 to vector<16xf32>
    %select_n3A_2335 = arith.select %ge3A_2332, %broadcast_in_dim3A_2334, %select_n3A_2329 : vector<16xi1>, vector<16xf32>
    %ge3A_2336 = arith.constant 6.400000e+01 : f32
    %ge3A_2337 = vector.broadcast %ge3A_2336 : f32 to vector<16xf32>
    %ge3A_2338 = arith.cmpf oge, %add3A_2321, %ge3A_2337 : vector<16xf32>
    %jit3A_2339 = arith.constant 6.250000e-02 : f32
    %broadcast_in_dim3A_2340 = vector.broadcast %jit3A_2339 : f32 to vector<16xf32>
    %select_n3A_2341 = arith.select %ge3A_2338, %broadcast_in_dim3A_2340, %select_n3A_2335 : vector<16xi1>, vector<16xf32>
    %ge3A_2342 = arith.constant 2.560000e+02 : f32
    %ge3A_2343 = vector.broadcast %ge3A_2342 : f32 to vector<16xf32>
    %ge3A_2344 = arith.cmpf oge, %add3A_2321, %ge3A_2343 : vector<16xf32>
    %jit3A_2345 = arith.constant 3.125000e-02 : f32
    %broadcast_in_dim3A_2346 = vector.broadcast %jit3A_2345 : f32 to vector<16xf32>
    %select_n3A_2347 = arith.select %ge3A_2344, %broadcast_in_dim3A_2346, %select_n3A_2341 : vector<16xi1>, vector<16xf32>
    %ge3A_2348 = arith.constant 1.024000e+03 : f32
    %ge3A_2349 = vector.broadcast %ge3A_2348 : f32 to vector<16xf32>
    %ge3A_2350 = arith.cmpf oge, %add3A_2321, %ge3A_2349 : vector<16xf32>
    %jit3A_2351 = arith.constant 1.562500e-02 : f32
    %broadcast_in_dim3A_2352 = vector.broadcast %jit3A_2351 : f32 to vector<16xf32>
    %select_n3A_2353 = arith.select %ge3A_2350, %broadcast_in_dim3A_2352, %select_n3A_2347 : vector<16xi1>, vector<16xf32>
    %ge3A_2354 = arith.constant 4.096000e+03 : f32
    %ge3A_2355 = vector.broadcast %ge3A_2354 : f32 to vector<16xf32>
    %ge3A_2356 = arith.cmpf oge, %add3A_2321, %ge3A_2355 : vector<16xf32>
    %jit3A_2357 = arith.constant 7.812500e-03 : f32
    %broadcast_in_dim3A_2358 = vector.broadcast %jit3A_2357 : f32 to vector<16xf32>
    %select_n3A_2359 = arith.select %ge3A_2356, %broadcast_in_dim3A_2358, %select_n3A_2353 : vector<16xi1>, vector<16xf32>
    %ge3A_2360 = arith.constant 1.638400e+04 : f32
    %ge3A_2361 = vector.broadcast %ge3A_2360 : f32 to vector<16xf32>
    %ge3A_2362 = arith.cmpf oge, %add3A_2321, %ge3A_2361 : vector<16xf32>
    %jit3A_2363 = arith.constant 3.906250e-03 : f32
    %broadcast_in_dim3A_2364 = vector.broadcast %jit3A_2363 : f32 to vector<16xf32>
    %select_n3A_2365 = arith.select %ge3A_2362, %broadcast_in_dim3A_2364, %select_n3A_2359 : vector<16xi1>, vector<16xf32>
    %ge3A_2366 = arith.constant 6.553600e+04 : f32
    %ge3A_2367 = vector.broadcast %ge3A_2366 : f32 to vector<16xf32>
    %ge3A_2368 = arith.cmpf oge, %add3A_2321, %ge3A_2367 : vector<16xf32>
    %jit3A_2369 = arith.constant 0.001953125 : f32
    %broadcast_in_dim3A_2370 = vector.broadcast %jit3A_2369 : f32 to vector<16xf32>
    %select_n3A_2371 = arith.select %ge3A_2368, %broadcast_in_dim3A_2370, %select_n3A_2365 : vector<16xi1>, vector<16xf32>
    %ge3A_2372 = arith.constant 2.621440e+05 : f32
    %ge3A_2373 = vector.broadcast %ge3A_2372 : f32 to vector<16xf32>
    %ge3A_2374 = arith.cmpf oge, %add3A_2321, %ge3A_2373 : vector<16xf32>
    %jit3A_2375 = arith.constant 9.765625E-4 : f32
    %broadcast_in_dim3A_2376 = vector.broadcast %jit3A_2375 : f32 to vector<16xf32>
    %select_n3A_2377 = arith.select %ge3A_2374, %broadcast_in_dim3A_2376, %select_n3A_2371 : vector<16xi1>, vector<16xf32>
    %mul3A_2378 = arith.constant 5.000000e-01 : f32
    %mul3A_2379 = vector.broadcast %mul3A_2378 : f32 to vector<16xf32>
    %mul3A_2380 = arith.mulf %mul3A_2379, %add3A_2321 : vector<16xf32>
    %mul3A_2381 = arith.mulf %mul3A_2380, %select_n3A_2377 : vector<16xf32>
    %mul3A_2382 = arith.mulf %mul3A_2381, %select_n3A_2377 : vector<16xf32>
    %sub3A_2383 = arith.constant 1.500000e+00 : f32
    %sub3A_2384 = vector.broadcast %sub3A_2383 : f32 to vector<16xf32>
    %sub3A_2385 = arith.subf %sub3A_2384, %mul3A_2382 : vector<16xf32>
    %mul3A_2386 = arith.mulf %select_n3A_2377, %sub3A_2385 : vector<16xf32>
    %mul3A_2387 = arith.constant 5.000000e-01 : f32
    %mul3A_2388 = vector.broadcast %mul3A_2387 : f32 to vector<16xf32>
    %mul3A_2389 = arith.mulf %mul3A_2388, %add3A_2321 : vector<16xf32>
    %mul3A_2390 = arith.mulf %mul3A_2389, %mul3A_2386 : vector<16xf32>
    %mul3A_2391 = arith.mulf %mul3A_2390, %mul3A_2386 : vector<16xf32>
    %sub3A_2392 = arith.constant 1.500000e+00 : f32
    %sub3A_2393 = vector.broadcast %sub3A_2392 : f32 to vector<16xf32>
    %sub3A_2394 = arith.subf %sub3A_2393, %mul3A_2391 : vector<16xf32>
    %mul3A_2395 = arith.mulf %mul3A_2386, %sub3A_2394 : vector<16xf32>
    %mul3A_2396 = arith.constant 5.000000e-01 : f32
    %mul3A_2397 = vector.broadcast %mul3A_2396 : f32 to vector<16xf32>
    %mul3A_2398 = arith.mulf %mul3A_2397, %add3A_2321 : vector<16xf32>
    %mul3A_2399 = arith.mulf %mul3A_2398, %mul3A_2395 : vector<16xf32>
    %mul3A_2400 = arith.mulf %mul3A_2399, %mul3A_2395 : vector<16xf32>
    %sub3A_2401 = arith.constant 1.500000e+00 : f32
    %sub3A_2402 = vector.broadcast %sub3A_2401 : f32 to vector<16xf32>
    %sub3A_2403 = arith.subf %sub3A_2402, %mul3A_2400 : vector<16xf32>
    %mul3A_2404 = arith.mulf %mul3A_2395, %sub3A_2403 : vector<16xf32>
    %mul3A_2405 = arith.constant 5.000000e-01 : f32
    %mul3A_2406 = vector.broadcast %mul3A_2405 : f32 to vector<16xf32>
    %mul3A_2407 = arith.mulf %mul3A_2406, %add3A_2321 : vector<16xf32>
    %mul3A_2408 = arith.mulf %mul3A_2407, %mul3A_2404 : vector<16xf32>
    %mul3A_2409 = arith.mulf %mul3A_2408, %mul3A_2404 : vector<16xf32>
    %sub3A_2410 = arith.constant 1.500000e+00 : f32
    %sub3A_2411 = vector.broadcast %sub3A_2410 : f32 to vector<16xf32>
    %sub3A_2412 = arith.subf %sub3A_2411, %mul3A_2409 : vector<16xf32>
    %mul3A_2413 = arith.mulf %mul3A_2404, %sub3A_2412 : vector<16xf32>
    %mul3A_2414 = arith.constant 5.000000e-01 : f32
    %mul3A_2415 = vector.broadcast %mul3A_2414 : f32 to vector<16xf32>
    %mul3A_2416 = arith.mulf %mul3A_2415, %add3A_2321 : vector<16xf32>
    %mul3A_2417 = arith.mulf %mul3A_2416, %mul3A_2413 : vector<16xf32>
    %mul3A_2418 = arith.mulf %mul3A_2417, %mul3A_2413 : vector<16xf32>
    %sub3A_2419 = arith.constant 1.500000e+00 : f32
    %sub3A_2420 = vector.broadcast %sub3A_2419 : f32 to vector<16xf32>
    %sub3A_2421 = arith.subf %sub3A_2420, %mul3A_2418 : vector<16xf32>
    %mul3A_2422 = arith.mulf %mul3A_2413, %sub3A_2421 : vector<16xf32>
    %mul3A_2423 = arith.constant 5.000000e-01 : f32
    %mul3A_2424 = vector.broadcast %mul3A_2423 : f32 to vector<16xf32>
    %mul3A_2425 = arith.mulf %mul3A_2424, %add3A_2321 : vector<16xf32>
    %mul3A_2426 = arith.mulf %mul3A_2425, %mul3A_2422 : vector<16xf32>
    %mul3A_2427 = arith.mulf %mul3A_2426, %mul3A_2422 : vector<16xf32>
    %sub3A_2428 = arith.constant 1.500000e+00 : f32
    %sub3A_2429 = vector.broadcast %sub3A_2428 : f32 to vector<16xf32>
    %sub3A_2430 = arith.subf %sub3A_2429, %mul3A_2427 : vector<16xf32>
    %mul3A_2431 = arith.mulf %mul3A_2422, %sub3A_2430 : vector<16xf32>
    %swap3A_2432 = arith.constant 272 : index
    %swap3A_2433 = tpu.vector_load %arg10[%swap3A_2432] {strides = array<i32>} : memref<640xf32, #tpu.memory_space<vmem>>, vector<16xf32>,
    %swap3A_2434 = vector.shape_cast %swap3A_2433 : vector<16xf32> to vector<16xf32>
    %swap3A_2435 = vector.shape_cast %mul3A_2431 : vector<16xf32> to vector<16xf32>
    tpu.vector_store %arg10[%swap3A_2432], %swap3A_2435 {strides = array<i32>} : memref<640xf32, #tpu.memory_space<vmem>>, vector<16xf32>,
    %get3A_2436 = arith.constant 288 : index
    %get3A_2437 = tpu.vector_load %arg9[%get3A_2436] {strides = array<i32>} : memref<640xf32, #tpu.memory_space<vmem>>, vector<16xf32>,
    %get3A_2438 = vector.shape_cast %get3A_2437 : vector<16xf32> to vector<16xf32>
    %add3A_2439 = arith.constant 1.000000e+00 : f32
    %add3A_2440 = vector.broadcast %add3A_2439 : f32 to vector<16xf32>
    %add3A_2441 = arith.addf %get3A_2438, %add3A_2440 : vector<16xf32>
    %broadcast_in_dim3A_2442 = arith.constant 5.000000e-01 : f32
    %broadcast_in_dim3A_2443 = vector.broadcast %broadcast_in_dim3A_2442 : f32 to vector<16xf32>
    %ge3A_2444 = arith.constant 4.000000e+00 : f32
    %ge3A_2445 = vector.broadcast %ge3A_2444 : f32 to vector<16xf32>
    %ge3A_2446 = arith.cmpf oge, %add3A_2441, %ge3A_2445 : vector<16xf32>
    %jit3A_2447 = arith.constant 2.500000e-01 : f32
    %broadcast_in_dim3A_2448 = vector.broadcast %jit3A_2447 : f32 to vector<16xf32>
    %select_n3A_2449 = arith.select %ge3A_2446, %broadcast_in_dim3A_2448, %broadcast_in_dim3A_2443 : vector<16xi1>, vector<16xf32>
    %ge3A_2450 = arith.constant 1.600000e+01 : f32
    %ge3A_2451 = vector.broadcast %ge3A_2450 : f32 to vector<16xf32>
    %ge3A_2452 = arith.cmpf oge, %add3A_2441, %ge3A_2451 : vector<16xf32>
    %jit3A_2453 = arith.constant 1.250000e-01 : f32
    %broadcast_in_dim3A_2454 = vector.broadcast %jit3A_2453 : f32 to vector<16xf32>
    %select_n3A_2455 = arith.select %ge3A_2452, %broadcast_in_dim3A_2454, %select_n3A_2449 : vector<16xi1>, vector<16xf32>
    %ge3A_2456 = arith.constant 6.400000e+01 : f32
    %ge3A_2457 = vector.broadcast %ge3A_2456 : f32 to vector<16xf32>
    %ge3A_2458 = arith.cmpf oge, %add3A_2441, %ge3A_2457 : vector<16xf32>
    %jit3A_2459 = arith.constant 6.250000e-02 : f32
    %broadcast_in_dim3A_2460 = vector.broadcast %jit3A_2459 : f32 to vector<16xf32>
    %select_n3A_2461 = arith.select %ge3A_2458, %broadcast_in_dim3A_2460, %select_n3A_2455 : vector<16xi1>, vector<16xf32>
    %ge3A_2462 = arith.constant 2.560000e+02 : f32
    %ge3A_2463 = vector.broadcast %ge3A_2462 : f32 to vector<16xf32>
    %ge3A_2464 = arith.cmpf oge, %add3A_2441, %ge3A_2463 : vector<16xf32>
    %jit3A_2465 = arith.constant 3.125000e-02 : f32
    %broadcast_in_dim3A_2466 = vector.broadcast %jit3A_2465 : f32 to vector<16xf32>
    %select_n3A_2467 = arith.select %ge3A_2464, %broadcast_in_dim3A_2466, %select_n3A_2461 : vector<16xi1>, vector<16xf32>
    %ge3A_2468 = arith.constant 1.024000e+03 : f32
    %ge3A_2469 = vector.broadcast %ge3A_2468 : f32 to vector<16xf32>
    %ge3A_2470 = arith.cmpf oge, %add3A_2441, %ge3A_2469 : vector<16xf32>
    %jit3A_2471 = arith.constant 1.562500e-02 : f32
    %broadcast_in_dim3A_2472 = vector.broadcast %jit3A_2471 : f32 to vector<16xf32>
    %select_n3A_2473 = arith.select %ge3A_2470, %broadcast_in_dim3A_2472, %select_n3A_2467 : vector<16xi1>, vector<16xf32>
    %ge3A_2474 = arith.constant 4.096000e+03 : f32
    %ge3A_2475 = vector.broadcast %ge3A_2474 : f32 to vector<16xf32>
    %ge3A_2476 = arith.cmpf oge, %add3A_2441, %ge3A_2475 : vector<16xf32>
    %jit3A_2477 = arith.constant 7.812500e-03 : f32
    %broadcast_in_dim3A_2478 = vector.broadcast %jit3A_2477 : f32 to vector<16xf32>
    %select_n3A_2479 = arith.select %ge3A_2476, %broadcast_in_dim3A_2478, %select_n3A_2473 : vector<16xi1>, vector<16xf32>
    %ge3A_2480 = arith.constant 1.638400e+04 : f32
    %ge3A_2481 = vector.broadcast %ge3A_2480 : f32 to vector<16xf32>
    %ge3A_2482 = arith.cmpf oge, %add3A_2441, %ge3A_2481 : vector<16xf32>
    %jit3A_2483 = arith.constant 3.906250e-03 : f32
    %broadcast_in_dim3A_2484 = vector.broadcast %jit3A_2483 : f32 to vector<16xf32>
    %select_n3A_2485 = arith.select %ge3A_2482, %broadcast_in_dim3A_2484, %select_n3A_2479 : vector<16xi1>, vector<16xf32>
    %ge3A_2486 = arith.constant 6.553600e+04 : f32
    %ge3A_2487 = vector.broadcast %ge3A_2486 : f32 to vector<16xf32>
    %ge3A_2488 = arith.cmpf oge, %add3A_2441, %ge3A_2487 : vector<16xf32>
    %jit3A_2489 = arith.constant 0.001953125 : f32
    %broadcast_in_dim3A_2490 = vector.broadcast %jit3A_2489 : f32 to vector<16xf32>
    %select_n3A_2491 = arith.select %ge3A_2488, %broadcast_in_dim3A_2490, %select_n3A_2485 : vector<16xi1>, vector<16xf32>
    %ge3A_2492 = arith.constant 2.621440e+05 : f32
    %ge3A_2493 = vector.broadcast %ge3A_2492 : f32 to vector<16xf32>
    %ge3A_2494 = arith.cmpf oge, %add3A_2441, %ge3A_2493 : vector<16xf32>
    %jit3A_2495 = arith.constant 9.765625E-4 : f32
    %broadcast_in_dim3A_2496 = vector.broadcast %jit3A_2495 : f32 to vector<16xf32>
    %select_n3A_2497 = arith.select %ge3A_2494, %broadcast_in_dim3A_2496, %select_n3A_2491 : vector<16xi1>, vector<16xf32>
    %mul3A_2498 = arith.constant 5.000000e-01 : f32
    %mul3A_2499 = vector.broadcast %mul3A_2498 : f32 to vector<16xf32>
    %mul3A_2500 = arith.mulf %mul3A_2499, %add3A_2441 : vector<16xf32>
    %mul3A_2501 = arith.mulf %mul3A_2500, %select_n3A_2497 : vector<16xf32>
    %mul3A_2502 = arith.mulf %mul3A_2501, %select_n3A_2497 : vector<16xf32>
    %sub3A_2503 = arith.constant 1.500000e+00 : f32
    %sub3A_2504 = vector.broadcast %sub3A_2503 : f32 to vector<16xf32>
    %sub3A_2505 = arith.subf %sub3A_2504, %mul3A_2502 : vector<16xf32>
    %mul3A_2506 = arith.mulf %select_n3A_2497, %sub3A_2505 : vector<16xf32>
    %mul3A_2507 = arith.constant 5.000000e-01 : f32
    %mul3A_2508 = vector.broadcast %mul3A_2507 : f32 to vector<16xf32>
    %mul3A_2509 = arith.mulf %mul3A_2508, %add3A_2441 : vector<16xf32>
    %mul3A_2510 = arith.mulf %mul3A_2509, %mul3A_2506 : vector<16xf32>
    %mul3A_2511 = arith.mulf %mul3A_2510, %mul3A_2506 : vector<16xf32>
    %sub3A_2512 = arith.constant 1.500000e+00 : f32
    %sub3A_2513 = vector.broadcast %sub3A_2512 : f32 to vector<16xf32>
    %sub3A_2514 = arith.subf %sub3A_2513, %mul3A_2511 : vector<16xf32>
    %mul3A_2515 = arith.mulf %mul3A_2506, %sub3A_2514 : vector<16xf32>
    %mul3A_2516 = arith.constant 5.000000e-01 : f32
    %mul3A_2517 = vector.broadcast %mul3A_2516 : f32 to vector<16xf32>
    %mul3A_2518 = arith.mulf %mul3A_2517, %add3A_2441 : vector<16xf32>
    %mul3A_2519 = arith.mulf %mul3A_2518, %mul3A_2515 : vector<16xf32>
    %mul3A_2520 = arith.mulf %mul3A_2519, %mul3A_2515 : vector<16xf32>
    %sub3A_2521 = arith.constant 1.500000e+00 : f32
    %sub3A_2522 = vector.broadcast %sub3A_2521 : f32 to vector<16xf32>
    %sub3A_2523 = arith.subf %sub3A_2522, %mul3A_2520 : vector<16xf32>
    %mul3A_2524 = arith.mulf %mul3A_2515, %sub3A_2523 : vector<16xf32>
    %mul3A_2525 = arith.constant 5.000000e-01 : f32
    %mul3A_2526 = vector.broadcast %mul3A_2525 : f32 to vector<16xf32>
    %mul3A_2527 = arith.mulf %mul3A_2526, %add3A_2441 : vector<16xf32>
    %mul3A_2528 = arith.mulf %mul3A_2527, %mul3A_2524 : vector<16xf32>
    %mul3A_2529 = arith.mulf %mul3A_2528, %mul3A_2524 : vector<16xf32>
    %sub3A_2530 = arith.constant 1.500000e+00 : f32
    %sub3A_2531 = vector.broadcast %sub3A_2530 : f32 to vector<16xf32>
    %sub3A_2532 = arith.subf %sub3A_2531, %mul3A_2529 : vector<16xf32>
    %mul3A_2533 = arith.mulf %mul3A_2524, %sub3A_2532 : vector<16xf32>
    %mul3A_2534 = arith.constant 5.000000e-01 : f32
    %mul3A_2535 = vector.broadcast %mul3A_2534 : f32 to vector<16xf32>
    %mul3A_2536 = arith.mulf %mul3A_2535, %add3A_2441 : vector<16xf32>
    %mul3A_2537 = arith.mulf %mul3A_2536, %mul3A_2533 : vector<16xf32>
    %mul3A_2538 = arith.mulf %mul3A_2537, %mul3A_2533 : vector<16xf32>
    %sub3A_2539 = arith.constant 1.500000e+00 : f32
    %sub3A_2540 = vector.broadcast %sub3A_2539 : f32 to vector<16xf32>
    %sub3A_2541 = arith.subf %sub3A_2540, %mul3A_2538 : vector<16xf32>
    %mul3A_2542 = arith.mulf %mul3A_2533, %sub3A_2541 : vector<16xf32>
    %mul3A_2543 = arith.constant 5.000000e-01 : f32
    %mul3A_2544 = vector.broadcast %mul3A_2543 : f32 to vector<16xf32>
    %mul3A_2545 = arith.mulf %mul3A_2544, %add3A_2441 : vector<16xf32>
    %mul3A_2546 = arith.mulf %mul3A_2545, %mul3A_2542 : vector<16xf32>
    %mul3A_2547 = arith.mulf %mul3A_2546, %mul3A_2542 : vector<16xf32>
    %sub3A_2548 = arith.constant 1.500000e+00 : f32
    %sub3A_2549 = vector.broadcast %sub3A_2548 : f32 to vector<16xf32>
    %sub3A_2550 = arith.subf %sub3A_2549, %mul3A_2547 : vector<16xf32>
    %mul3A_2551 = arith.mulf %mul3A_2542, %sub3A_2550 : vector<16xf32>
    %swap3A_2552 = arith.constant 288 : index
    %swap3A_2553 = tpu.vector_load %arg10[%swap3A_2552] {strides = array<i32>} : memref<640xf32, #tpu.memory_space<vmem>>, vector<16xf32>,
    %swap3A_2554 = vector.shape_cast %swap3A_2553 : vector<16xf32> to vector<16xf32>
    %swap3A_2555 = vector.shape_cast %mul3A_2551 : vector<16xf32> to vector<16xf32>
    tpu.vector_store %arg10[%swap3A_2552], %swap3A_2555 {strides = array<i32>} : memref<640xf32, #tpu.memory_space<vmem>>, vector<16xf32>,
    %get3A_2556 = arith.constant 304 : index
    %get3A_2557 = tpu.vector_load %arg9[%get3A_2556] {strides = array<i32>} : memref<640xf32, #tpu.memory_space<vmem>>, vector<16xf32>,
    %get3A_2558 = vector.shape_cast %get3A_2557 : vector<16xf32> to vector<16xf32>
    %add3A_2559 = arith.constant 1.000000e+00 : f32
    %add3A_2560 = vector.broadcast %add3A_2559 : f32 to vector<16xf32>
    %add3A_2561 = arith.addf %get3A_2558, %add3A_2560 : vector<16xf32>
    %broadcast_in_dim3A_2562 = arith.constant 5.000000e-01 : f32
    %broadcast_in_dim3A_2563 = vector.broadcast %broadcast_in_dim3A_2562 : f32 to vector<16xf32>
    %ge3A_2564 = arith.constant 4.000000e+00 : f32
    %ge3A_2565 = vector.broadcast %ge3A_2564 : f32 to vector<16xf32>
    %ge3A_2566 = arith.cmpf oge, %add3A_2561, %ge3A_2565 : vector<16xf32>
    %jit3A_2567 = arith.constant 2.500000e-01 : f32
    %broadcast_in_dim3A_2568 = vector.broadcast %jit3A_2567 : f32 to vector<16xf32>
    %select_n3A_2569 = arith.select %ge3A_2566, %broadcast_in_dim3A_2568, %broadcast_in_dim3A_2563 : vector<16xi1>, vector<16xf32>
    %ge3A_2570 = arith.constant 1.600000e+01 : f32
    %ge3A_2571 = vector.broadcast %ge3A_2570 : f32 to vector<16xf32>
    %ge3A_2572 = arith.cmpf oge, %add3A_2561, %ge3A_2571 : vector<16xf32>
    %jit3A_2573 = arith.constant 1.250000e-01 : f32
    %broadcast_in_dim3A_2574 = vector.broadcast %jit3A_2573 : f32 to vector<16xf32>
    %select_n3A_2575 = arith.select %ge3A_2572, %broadcast_in_dim3A_2574, %select_n3A_2569 : vector<16xi1>, vector<16xf32>
    %ge3A_2576 = arith.constant 6.400000e+01 : f32
    %ge3A_2577 = vector.broadcast %ge3A_2576 : f32 to vector<16xf32>
    %ge3A_2578 = arith.cmpf oge, %add3A_2561, %ge3A_2577 : vector<16xf32>
    %jit3A_2579 = arith.constant 6.250000e-02 : f32
    %broadcast_in_dim3A_2580 = vector.broadcast %jit3A_2579 : f32 to vector<16xf32>
    %select_n3A_2581 = arith.select %ge3A_2578, %broadcast_in_dim3A_2580, %select_n3A_2575 : vector<16xi1>, vector<16xf32>
    %ge3A_2582 = arith.constant 2.560000e+02 : f32
    %ge3A_2583 = vector.broadcast %ge3A_2582 : f32 to vector<16xf32>
    %ge3A_2584 = arith.cmpf oge, %add3A_2561, %ge3A_2583 : vector<16xf32>
    %jit3A_2585 = arith.constant 3.125000e-02 : f32
    %broadcast_in_dim3A_2586 = vector.broadcast %jit3A_2585 : f32 to vector<16xf32>
    %select_n3A_2587 = arith.select %ge3A_2584, %broadcast_in_dim3A_2586, %select_n3A_2581 : vector<16xi1>, vector<16xf32>
    %ge3A_2588 = arith.constant 1.024000e+03 : f32
    %ge3A_2589 = vector.broadcast %ge3A_2588 : f32 to vector<16xf32>
    %ge3A_2590 = arith.cmpf oge, %add3A_2561, %ge3A_2589 : vector<16xf32>
    %jit3A_2591 = arith.constant 1.562500e-02 : f32
    %broadcast_in_dim3A_2592 = vector.broadcast %jit3A_2591 : f32 to vector<16xf32>
    %select_n3A_2593 = arith.select %ge3A_2590, %broadcast_in_dim3A_2592, %select_n3A_2587 : vector<16xi1>, vector<16xf32>
    %ge3A_2594 = arith.constant 4.096000e+03 : f32
    %ge3A_2595 = vector.broadcast %ge3A_2594 : f32 to vector<16xf32>
    %ge3A_2596 = arith.cmpf oge, %add3A_2561, %ge3A_2595 : vector<16xf32>
    %jit3A_2597 = arith.constant 7.812500e-03 : f32
    %broadcast_in_dim3A_2598 = vector.broadcast %jit3A_2597 : f32 to vector<16xf32>
    %select_n3A_2599 = arith.select %ge3A_2596, %broadcast_in_dim3A_2598, %select_n3A_2593 : vector<16xi1>, vector<16xf32>
    %ge3A_2600 = arith.constant 1.638400e+04 : f32
    %ge3A_2601 = vector.broadcast %ge3A_2600 : f32 to vector<16xf32>
    %ge3A_2602 = arith.cmpf oge, %add3A_2561, %ge3A_2601 : vector<16xf32>
    %jit3A_2603 = arith.constant 3.906250e-03 : f32
    %broadcast_in_dim3A_2604 = vector.broadcast %jit3A_2603 : f32 to vector<16xf32>
    %select_n3A_2605 = arith.select %ge3A_2602, %broadcast_in_dim3A_2604, %select_n3A_2599 : vector<16xi1>, vector<16xf32>
    %ge3A_2606 = arith.constant 6.553600e+04 : f32
    %ge3A_2607 = vector.broadcast %ge3A_2606 : f32 to vector<16xf32>
    %ge3A_2608 = arith.cmpf oge, %add3A_2561, %ge3A_2607 : vector<16xf32>
    %jit3A_2609 = arith.constant 0.001953125 : f32
    %broadcast_in_dim3A_2610 = vector.broadcast %jit3A_2609 : f32 to vector<16xf32>
    %select_n3A_2611 = arith.select %ge3A_2608, %broadcast_in_dim3A_2610, %select_n3A_2605 : vector<16xi1>, vector<16xf32>
    %ge3A_2612 = arith.constant 2.621440e+05 : f32
    %ge3A_2613 = vector.broadcast %ge3A_2612 : f32 to vector<16xf32>
    %ge3A_2614 = arith.cmpf oge, %add3A_2561, %ge3A_2613 : vector<16xf32>
    %jit3A_2615 = arith.constant 9.765625E-4 : f32
    %broadcast_in_dim3A_2616 = vector.broadcast %jit3A_2615 : f32 to vector<16xf32>
    %select_n3A_2617 = arith.select %ge3A_2614, %broadcast_in_dim3A_2616, %select_n3A_2611 : vector<16xi1>, vector<16xf32>
    %mul3A_2618 = arith.constant 5.000000e-01 : f32
    %mul3A_2619 = vector.broadcast %mul3A_2618 : f32 to vector<16xf32>
    %mul3A_2620 = arith.mulf %mul3A_2619, %add3A_2561 : vector<16xf32>
    %mul3A_2621 = arith.mulf %mul3A_2620, %select_n3A_2617 : vector<16xf32>
    %mul3A_2622 = arith.mulf %mul3A_2621, %select_n3A_2617 : vector<16xf32>
    %sub3A_2623 = arith.constant 1.500000e+00 : f32
    %sub3A_2624 = vector.broadcast %sub3A_2623 : f32 to vector<16xf32>
    %sub3A_2625 = arith.subf %sub3A_2624, %mul3A_2622 : vector<16xf32>
    %mul3A_2626 = arith.mulf %select_n3A_2617, %sub3A_2625 : vector<16xf32>
    %mul3A_2627 = arith.constant 5.000000e-01 : f32
    %mul3A_2628 = vector.broadcast %mul3A_2627 : f32 to vector<16xf32>
    %mul3A_2629 = arith.mulf %mul3A_2628, %add3A_2561 : vector<16xf32>
    %mul3A_2630 = arith.mulf %mul3A_2629, %mul3A_2626 : vector<16xf32>
    %mul3A_2631 = arith.mulf %mul3A_2630, %mul3A_2626 : vector<16xf32>
    %sub3A_2632 = arith.constant 1.500000e+00 : f32
    %sub3A_2633 = vector.broadcast %sub3A_2632 : f32 to vector<16xf32>
    %sub3A_2634 = arith.subf %sub3A_2633, %mul3A_2631 : vector<16xf32>
    %mul3A_2635 = arith.mulf %mul3A_2626, %sub3A_2634 : vector<16xf32>
    %mul3A_2636 = arith.constant 5.000000e-01 : f32
    %mul3A_2637 = vector.broadcast %mul3A_2636 : f32 to vector<16xf32>
    %mul3A_2638 = arith.mulf %mul3A_2637, %add3A_2561 : vector<16xf32>
    %mul3A_2639 = arith.mulf %mul3A_2638, %mul3A_2635 : vector<16xf32>
    %mul3A_2640 = arith.mulf %mul3A_2639, %mul3A_2635 : vector<16xf32>
    %sub3A_2641 = arith.constant 1.500000e+00 : f32
    %sub3A_2642 = vector.broadcast %sub3A_2641 : f32 to vector<16xf32>
    %sub3A_2643 = arith.subf %sub3A_2642, %mul3A_2640 : vector<16xf32>
    %mul3A_2644 = arith.mulf %mul3A_2635, %sub3A_2643 : vector<16xf32>
    %mul3A_2645 = arith.constant 5.000000e-01 : f32
    %mul3A_2646 = vector.broadcast %mul3A_2645 : f32 to vector<16xf32>
    %mul3A_2647 = arith.mulf %mul3A_2646, %add3A_2561 : vector<16xf32>
    %mul3A_2648 = arith.mulf %mul3A_2647, %mul3A_2644 : vector<16xf32>
    %mul3A_2649 = arith.mulf %mul3A_2648, %mul3A_2644 : vector<16xf32>
    %sub3A_2650 = arith.constant 1.500000e+00 : f32
    %sub3A_2651 = vector.broadcast %sub3A_2650 : f32 to vector<16xf32>
    %sub3A_2652 = arith.subf %sub3A_2651, %mul3A_2649 : vector<16xf32>
    %mul3A_2653 = arith.mulf %mul3A_2644, %sub3A_2652 : vector<16xf32>
    %mul3A_2654 = arith.constant 5.000000e-01 : f32
    %mul3A_2655 = vector.broadcast %mul3A_2654 : f32 to vector<16xf32>
    %mul3A_2656 = arith.mulf %mul3A_2655, %add3A_2561 : vector<16xf32>
    %mul3A_2657 = arith.mulf %mul3A_2656, %mul3A_2653 : vector<16xf32>
    %mul3A_2658 = arith.mulf %mul3A_2657, %mul3A_2653 : vector<16xf32>
    %sub3A_2659 = arith.constant 1.500000e+00 : f32
    %sub3A_2660 = vector.broadcast %sub3A_2659 : f32 to vector<16xf32>
    %sub3A_2661 = arith.subf %sub3A_2660, %mul3A_2658 : vector<16xf32>
    %mul3A_2662 = arith.mulf %mul3A_2653, %sub3A_2661 : vector<16xf32>
    %mul3A_2663 = arith.constant 5.000000e-01 : f32
    %mul3A_2664 = vector.broadcast %mul3A_2663 : f32 to vector<16xf32>
    %mul3A_2665 = arith.mulf %mul3A_2664, %add3A_2561 : vector<16xf32>
    %mul3A_2666 = arith.mulf %mul3A_2665, %mul3A_2662 : vector<16xf32>
    %mul3A_2667 = arith.mulf %mul3A_2666, %mul3A_2662 : vector<16xf32>
    %sub3A_2668 = arith.constant 1.500000e+00 : f32
    %sub3A_2669 = vector.broadcast %sub3A_2668 : f32 to vector<16xf32>
    %sub3A_2670 = arith.subf %sub3A_2669, %mul3A_2667 : vector<16xf32>
    %mul3A_2671 = arith.mulf %mul3A_2662, %sub3A_2670 : vector<16xf32>
    %swap3A_2672 = arith.constant 304 : index
    %swap3A_2673 = tpu.vector_load %arg10[%swap3A_2672] {strides = array<i32>} : memref<640xf32, #tpu.memory_space<vmem>>, vector<16xf32>,
    %swap3A_2674 = vector.shape_cast %swap3A_2673 : vector<16xf32> to vector<16xf32>
    %swap3A_2675 = vector.shape_cast %mul3A_2671 : vector<16xf32> to vector<16xf32>
    tpu.vector_store %arg10[%swap3A_2672], %swap3A_2675 {strides = array<i32>} : memref<640xf32, #tpu.memory_space<vmem>>, vector<16xf32>,
    %get3A_2676 = arith.constant 320 : index
    %get3A_2677 = tpu.vector_load %arg9[%get3A_2676] {strides = array<i32>} : memref<640xf32, #tpu.memory_space<vmem>>, vector<16xf32>,
    %get3A_2678 = vector.shape_cast %get3A_2677 : vector<16xf32> to vector<16xf32>
    %add3A_2679 = arith.constant 1.000000e+00 : f32
    %add3A_2680 = vector.broadcast %add3A_2679 : f32 to vector<16xf32>
    %add3A_2681 = arith.addf %get3A_2678, %add3A_2680 : vector<16xf32>
    %broadcast_in_dim3A_2682 = arith.constant 5.000000e-01 : f32
    %broadcast_in_dim3A_2683 = vector.broadcast %broadcast_in_dim3A_2682 : f32 to vector<16xf32>
    %ge3A_2684 = arith.constant 4.000000e+00 : f32
    %ge3A_2685 = vector.broadcast %ge3A_2684 : f32 to vector<16xf32>
    %ge3A_2686 = arith.cmpf oge, %add3A_2681, %ge3A_2685 : vector<16xf32>
    %jit3A_2687 = arith.constant 2.500000e-01 : f32
    %broadcast_in_dim3A_2688 = vector.broadcast %jit3A_2687 : f32 to vector<16xf32>
    %select_n3A_2689 = arith.select %ge3A_2686, %broadcast_in_dim3A_2688, %broadcast_in_dim3A_2683 : vector<16xi1>, vector<16xf32>
    %ge3A_2690 = arith.constant 1.600000e+01 : f32
    %ge3A_2691 = vector.broadcast %ge3A_2690 : f32 to vector<16xf32>
    %ge3A_2692 = arith.cmpf oge, %add3A_2681, %ge3A_2691 : vector<16xf32>
    %jit3A_2693 = arith.constant 1.250000e-01 : f32
    %broadcast_in_dim3A_2694 = vector.broadcast %jit3A_2693 : f32 to vector<16xf32>
    %select_n3A_2695 = arith.select %ge3A_2692, %broadcast_in_dim3A_2694, %select_n3A_2689 : vector<16xi1>, vector<16xf32>
    %ge3A_2696 = arith.constant 6.400000e+01 : f32
    %ge3A_2697 = vector.broadcast %ge3A_2696 : f32 to vector<16xf32>
    %ge3A_2698 = arith.cmpf oge, %add3A_2681, %ge3A_2697 : vector<16xf32>
    %jit3A_2699 = arith.constant 6.250000e-02 : f32
    %broadcast_in_dim3A_2700 = vector.broadcast %jit3A_2699 : f32 to vector<16xf32>
    %select_n3A_2701 = arith.select %ge3A_2698, %broadcast_in_dim3A_2700, %select_n3A_2695 : vector<16xi1>, vector<16xf32>
    %ge3A_2702 = arith.constant 2.560000e+02 : f32
    %ge3A_2703 = vector.broadcast %ge3A_2702 : f32 to vector<16xf32>
    %ge3A_2704 = arith.cmpf oge, %add3A_2681, %ge3A_2703 : vector<16xf32>
    %jit3A_2705 = arith.constant 3.125000e-02 : f32
    %broadcast_in_dim3A_2706 = vector.broadcast %jit3A_2705 : f32 to vector<16xf32>
    %select_n3A_2707 = arith.select %ge3A_2704, %broadcast_in_dim3A_2706, %select_n3A_2701 : vector<16xi1>, vector<16xf32>
    %ge3A_2708 = arith.constant 1.024000e+03 : f32
    %ge3A_2709 = vector.broadcast %ge3A_2708 : f32 to vector<16xf32>
    %ge3A_2710 = arith.cmpf oge, %add3A_2681, %ge3A_2709 : vector<16xf32>
    %jit3A_2711 = arith.constant 1.562500e-02 : f32
    %broadcast_in_dim3A_2712 = vector.broadcast %jit3A_2711 : f32 to vector<16xf32>
    %select_n3A_2713 = arith.select %ge3A_2710, %broadcast_in_dim3A_2712, %select_n3A_2707 : vector<16xi1>, vector<16xf32>
    %ge3A_2714 = arith.constant 4.096000e+03 : f32
    %ge3A_2715 = vector.broadcast %ge3A_2714 : f32 to vector<16xf32>
    %ge3A_2716 = arith.cmpf oge, %add3A_2681, %ge3A_2715 : vector<16xf32>
    %jit3A_2717 = arith.constant 7.812500e-03 : f32
    %broadcast_in_dim3A_2718 = vector.broadcast %jit3A_2717 : f32 to vector<16xf32>
    %select_n3A_2719 = arith.select %ge3A_2716, %broadcast_in_dim3A_2718, %select_n3A_2713 : vector<16xi1>, vector<16xf32>
    %ge3A_2720 = arith.constant 1.638400e+04 : f32
    %ge3A_2721 = vector.broadcast %ge3A_2720 : f32 to vector<16xf32>
    %ge3A_2722 = arith.cmpf oge, %add3A_2681, %ge3A_2721 : vector<16xf32>
    %jit3A_2723 = arith.constant 3.906250e-03 : f32
    %broadcast_in_dim3A_2724 = vector.broadcast %jit3A_2723 : f32 to vector<16xf32>
    %select_n3A_2725 = arith.select %ge3A_2722, %broadcast_in_dim3A_2724, %select_n3A_2719 : vector<16xi1>, vector<16xf32>
    %ge3A_2726 = arith.constant 6.553600e+04 : f32
    %ge3A_2727 = vector.broadcast %ge3A_2726 : f32 to vector<16xf32>
    %ge3A_2728 = arith.cmpf oge, %add3A_2681, %ge3A_2727 : vector<16xf32>
    %jit3A_2729 = arith.constant 0.001953125 : f32
    %broadcast_in_dim3A_2730 = vector.broadcast %jit3A_2729 : f32 to vector<16xf32>
    %select_n3A_2731 = arith.select %ge3A_2728, %broadcast_in_dim3A_2730, %select_n3A_2725 : vector<16xi1>, vector<16xf32>
    %ge3A_2732 = arith.constant 2.621440e+05 : f32
    %ge3A_2733 = vector.broadcast %ge3A_2732 : f32 to vector<16xf32>
    %ge3A_2734 = arith.cmpf oge, %add3A_2681, %ge3A_2733 : vector<16xf32>
    %jit3A_2735 = arith.constant 9.765625E-4 : f32
    %broadcast_in_dim3A_2736 = vector.broadcast %jit3A_2735 : f32 to vector<16xf32>
    %select_n3A_2737 = arith.select %ge3A_2734, %broadcast_in_dim3A_2736, %select_n3A_2731 : vector<16xi1>, vector<16xf32>
    %mul3A_2738 = arith.constant 5.000000e-01 : f32
    %mul3A_2739 = vector.broadcast %mul3A_2738 : f32 to vector<16xf32>
    %mul3A_2740 = arith.mulf %mul3A_2739, %add3A_2681 : vector<16xf32>
    %mul3A_2741 = arith.mulf %mul3A_2740, %select_n3A_2737 : vector<16xf32>
    %mul3A_2742 = arith.mulf %mul3A_2741, %select_n3A_2737 : vector<16xf32>
    %sub3A_2743 = arith.constant 1.500000e+00 : f32
    %sub3A_2744 = vector.broadcast %sub3A_2743 : f32 to vector<16xf32>
    %sub3A_2745 = arith.subf %sub3A_2744, %mul3A_2742 : vector<16xf32>
    %mul3A_2746 = arith.mulf %select_n3A_2737, %sub3A_2745 : vector<16xf32>
    %mul3A_2747 = arith.constant 5.000000e-01 : f32
    %mul3A_2748 = vector.broadcast %mul3A_2747 : f32 to vector<16xf32>
    %mul3A_2749 = arith.mulf %mul3A_2748, %add3A_2681 : vector<16xf32>
    %mul3A_2750 = arith.mulf %mul3A_2749, %mul3A_2746 : vector<16xf32>
    %mul3A_2751 = arith.mulf %mul3A_2750, %mul3A_2746 : vector<16xf32>
    %sub3A_2752 = arith.constant 1.500000e+00 : f32
    %sub3A_2753 = vector.broadcast %sub3A_2752 : f32 to vector<16xf32>
    %sub3A_2754 = arith.subf %sub3A_2753, %mul3A_2751 : vector<16xf32>
    %mul3A_2755 = arith.mulf %mul3A_2746, %sub3A_2754 : vector<16xf32>
    %mul3A_2756 = arith.constant 5.000000e-01 : f32
    %mul3A_2757 = vector.broadcast %mul3A_2756 : f32 to vector<16xf32>
    %mul3A_2758 = arith.mulf %mul3A_2757, %add3A_2681 : vector<16xf32>
    %mul3A_2759 = arith.mulf %mul3A_2758, %mul3A_2755 : vector<16xf32>
    %mul3A_2760 = arith.mulf %mul3A_2759, %mul3A_2755 : vector<16xf32>
    %sub3A_2761 = arith.constant 1.500000e+00 : f32
    %sub3A_2762 = vector.broadcast %sub3A_2761 : f32 to vector<16xf32>
    %sub3A_2763 = arith.subf %sub3A_2762, %mul3A_2760 : vector<16xf32>
    %mul3A_2764 = arith.mulf %mul3A_2755, %sub3A_2763 : vector<16xf32>
    %mul3A_2765 = arith.constant 5.000000e-01 : f32
    %mul3A_2766 = vector.broadcast %mul3A_2765 : f32 to vector<16xf32>
    %mul3A_2767 = arith.mulf %mul3A_2766, %add3A_2681 : vector<16xf32>
    %mul3A_2768 = arith.mulf %mul3A_2767, %mul3A_2764 : vector<16xf32>
    %mul3A_2769 = arith.mulf %mul3A_2768, %mul3A_2764 : vector<16xf32>
    %sub3A_2770 = arith.constant 1.500000e+00 : f32
    %sub3A_2771 = vector.broadcast %sub3A_2770 : f32 to vector<16xf32>
    %sub3A_2772 = arith.subf %sub3A_2771, %mul3A_2769 : vector<16xf32>
    %mul3A_2773 = arith.mulf %mul3A_2764, %sub3A_2772 : vector<16xf32>
    %mul3A_2774 = arith.constant 5.000000e-01 : f32
    %mul3A_2775 = vector.broadcast %mul3A_2774 : f32 to vector<16xf32>
    %mul3A_2776 = arith.mulf %mul3A_2775, %add3A_2681 : vector<16xf32>
    %mul3A_2777 = arith.mulf %mul3A_2776, %mul3A_2773 : vector<16xf32>
    %mul3A_2778 = arith.mulf %mul3A_2777, %mul3A_2773 : vector<16xf32>
    %sub3A_2779 = arith.constant 1.500000e+00 : f32
    %sub3A_2780 = vector.broadcast %sub3A_2779 : f32 to vector<16xf32>
    %sub3A_2781 = arith.subf %sub3A_2780, %mul3A_2778 : vector<16xf32>
    %mul3A_2782 = arith.mulf %mul3A_2773, %sub3A_2781 : vector<16xf32>
    %mul3A_2783 = arith.constant 5.000000e-01 : f32
    %mul3A_2784 = vector.broadcast %mul3A_2783 : f32 to vector<16xf32>
    %mul3A_2785 = arith.mulf %mul3A_2784, %add3A_2681 : vector<16xf32>
    %mul3A_2786 = arith.mulf %mul3A_2785, %mul3A_2782 : vector<16xf32>
    %mul3A_2787 = arith.mulf %mul3A_2786, %mul3A_2782 : vector<16xf32>
    %sub3A_2788 = arith.constant 1.500000e+00 : f32
    %sub3A_2789 = vector.broadcast %sub3A_2788 : f32 to vector<16xf32>
    %sub3A_2790 = arith.subf %sub3A_2789, %mul3A_2787 : vector<16xf32>
    %mul3A_2791 = arith.mulf %mul3A_2782, %sub3A_2790 : vector<16xf32>
    %swap3A_2792 = arith.constant 320 : index
    %swap3A_2793 = tpu.vector_load %arg10[%swap3A_2792] {strides = array<i32>} : memref<640xf32, #tpu.memory_space<vmem>>, vector<16xf32>,
    %swap3A_2794 = vector.shape_cast %swap3A_2793 : vector<16xf32> to vector<16xf32>
    %swap3A_2795 = vector.shape_cast %mul3A_2791 : vector<16xf32> to vector<16xf32>
    tpu.vector_store %arg10[%swap3A_2792], %swap3A_2795 {strides = array<i32>} : memref<640xf32, #tpu.memory_space<vmem>>, vector<16xf32>,
    %get3A_2796 = arith.constant 336 : index
    %get3A_2797 = tpu.vector_load %arg9[%get3A_2796] {strides = array<i32>} : memref<640xf32, #tpu.memory_space<vmem>>, vector<16xf32>,
    %get3A_2798 = vector.shape_cast %get3A_2797 : vector<16xf32> to vector<16xf32>
    %add3A_2799 = arith.constant 1.000000e+00 : f32
    %add3A_2800 = vector.broadcast %add3A_2799 : f32 to vector<16xf32>
    %add3A_2801 = arith.addf %get3A_2798, %add3A_2800 : vector<16xf32>
    %broadcast_in_dim3A_2802 = arith.constant 5.000000e-01 : f32
    %broadcast_in_dim3A_2803 = vector.broadcast %broadcast_in_dim3A_2802 : f32 to vector<16xf32>
    %ge3A_2804 = arith.constant 4.000000e+00 : f32
    %ge3A_2805 = vector.broadcast %ge3A_2804 : f32 to vector<16xf32>
    %ge3A_2806 = arith.cmpf oge, %add3A_2801, %ge3A_2805 : vector<16xf32>
    %jit3A_2807 = arith.constant 2.500000e-01 : f32
    %broadcast_in_dim3A_2808 = vector.broadcast %jit3A_2807 : f32 to vector<16xf32>
    %select_n3A_2809 = arith.select %ge3A_2806, %broadcast_in_dim3A_2808, %broadcast_in_dim3A_2803 : vector<16xi1>, vector<16xf32>
    %ge3A_2810 = arith.constant 1.600000e+01 : f32
    %ge3A_2811 = vector.broadcast %ge3A_2810 : f32 to vector<16xf32>
    %ge3A_2812 = arith.cmpf oge, %add3A_2801, %ge3A_2811 : vector<16xf32>
    %jit3A_2813 = arith.constant 1.250000e-01 : f32
    %broadcast_in_dim3A_2814 = vector.broadcast %jit3A_2813 : f32 to vector<16xf32>
    %select_n3A_2815 = arith.select %ge3A_2812, %broadcast_in_dim3A_2814, %select_n3A_2809 : vector<16xi1>, vector<16xf32>
    %ge3A_2816 = arith.constant 6.400000e+01 : f32
    %ge3A_2817 = vector.broadcast %ge3A_2816 : f32 to vector<16xf32>
    %ge3A_2818 = arith.cmpf oge, %add3A_2801, %ge3A_2817 : vector<16xf32>
    %jit3A_2819 = arith.constant 6.250000e-02 : f32
    %broadcast_in_dim3A_2820 = vector.broadcast %jit3A_2819 : f32 to vector<16xf32>
    %select_n3A_2821 = arith.select %ge3A_2818, %broadcast_in_dim3A_2820, %select_n3A_2815 : vector<16xi1>, vector<16xf32>
    %ge3A_2822 = arith.constant 2.560000e+02 : f32
    %ge3A_2823 = vector.broadcast %ge3A_2822 : f32 to vector<16xf32>
    %ge3A_2824 = arith.cmpf oge, %add3A_2801, %ge3A_2823 : vector<16xf32>
    %jit3A_2825 = arith.constant 3.125000e-02 : f32
    %broadcast_in_dim3A_2826 = vector.broadcast %jit3A_2825 : f32 to vector<16xf32>
    %select_n3A_2827 = arith.select %ge3A_2824, %broadcast_in_dim3A_2826, %select_n3A_2821 : vector<16xi1>, vector<16xf32>
    %ge3A_2828 = arith.constant 1.024000e+03 : f32
    %ge3A_2829 = vector.broadcast %ge3A_2828 : f32 to vector<16xf32>
    %ge3A_2830 = arith.cmpf oge, %add3A_2801, %ge3A_2829 : vector<16xf32>
    %jit3A_2831 = arith.constant 1.562500e-02 : f32
    %broadcast_in_dim3A_2832 = vector.broadcast %jit3A_2831 : f32 to vector<16xf32>
    %select_n3A_2833 = arith.select %ge3A_2830, %broadcast_in_dim3A_2832, %select_n3A_2827 : vector<16xi1>, vector<16xf32>
    %ge3A_2834 = arith.constant 4.096000e+03 : f32
    %ge3A_2835 = vector.broadcast %ge3A_2834 : f32 to vector<16xf32>
    %ge3A_2836 = arith.cmpf oge, %add3A_2801, %ge3A_2835 : vector<16xf32>
    %jit3A_2837 = arith.constant 7.812500e-03 : f32
    %broadcast_in_dim3A_2838 = vector.broadcast %jit3A_2837 : f32 to vector<16xf32>
    %select_n3A_2839 = arith.select %ge3A_2836, %broadcast_in_dim3A_2838, %select_n3A_2833 : vector<16xi1>, vector<16xf32>
    %ge3A_2840 = arith.constant 1.638400e+04 : f32
    %ge3A_2841 = vector.broadcast %ge3A_2840 : f32 to vector<16xf32>
    %ge3A_2842 = arith.cmpf oge, %add3A_2801, %ge3A_2841 : vector<16xf32>
    %jit3A_2843 = arith.constant 3.906250e-03 : f32
    %broadcast_in_dim3A_2844 = vector.broadcast %jit3A_2843 : f32 to vector<16xf32>
    %select_n3A_2845 = arith.select %ge3A_2842, %broadcast_in_dim3A_2844, %select_n3A_2839 : vector<16xi1>, vector<16xf32>
    %ge3A_2846 = arith.constant 6.553600e+04 : f32
    %ge3A_2847 = vector.broadcast %ge3A_2846 : f32 to vector<16xf32>
    %ge3A_2848 = arith.cmpf oge, %add3A_2801, %ge3A_2847 : vector<16xf32>
    %jit3A_2849 = arith.constant 0.001953125 : f32
    %broadcast_in_dim3A_2850 = vector.broadcast %jit3A_2849 : f32 to vector<16xf32>
    %select_n3A_2851 = arith.select %ge3A_2848, %broadcast_in_dim3A_2850, %select_n3A_2845 : vector<16xi1>, vector<16xf32>
    %ge3A_2852 = arith.constant 2.621440e+05 : f32
    %ge3A_2853 = vector.broadcast %ge3A_2852 : f32 to vector<16xf32>
    %ge3A_2854 = arith.cmpf oge, %add3A_2801, %ge3A_2853 : vector<16xf32>
    %jit3A_2855 = arith.constant 9.765625E-4 : f32
    %broadcast_in_dim3A_2856 = vector.broadcast %jit3A_2855 : f32 to vector<16xf32>
    %select_n3A_2857 = arith.select %ge3A_2854, %broadcast_in_dim3A_2856, %select_n3A_2851 : vector<16xi1>, vector<16xf32>
    %mul3A_2858 = arith.constant 5.000000e-01 : f32
    %mul3A_2859 = vector.broadcast %mul3A_2858 : f32 to vector<16xf32>
    %mul3A_2860 = arith.mulf %mul3A_2859, %add3A_2801 : vector<16xf32>
    %mul3A_2861 = arith.mulf %mul3A_2860, %select_n3A_2857 : vector<16xf32>
    %mul3A_2862 = arith.mulf %mul3A_2861, %select_n3A_2857 : vector<16xf32>
    %sub3A_2863 = arith.constant 1.500000e+00 : f32
    %sub3A_2864 = vector.broadcast %sub3A_2863 : f32 to vector<16xf32>
    %sub3A_2865 = arith.subf %sub3A_2864, %mul3A_2862 : vector<16xf32>
    %mul3A_2866 = arith.mulf %select_n3A_2857, %sub3A_2865 : vector<16xf32>
    %mul3A_2867 = arith.constant 5.000000e-01 : f32
    %mul3A_2868 = vector.broadcast %mul3A_2867 : f32 to vector<16xf32>
    %mul3A_2869 = arith.mulf %mul3A_2868, %add3A_2801 : vector<16xf32>
    %mul3A_2870 = arith.mulf %mul3A_2869, %mul3A_2866 : vector<16xf32>
    %mul3A_2871 = arith.mulf %mul3A_2870, %mul3A_2866 : vector<16xf32>
    %sub3A_2872 = arith.constant 1.500000e+00 : f32
    %sub3A_2873 = vector.broadcast %sub3A_2872 : f32 to vector<16xf32>
    %sub3A_2874 = arith.subf %sub3A_2873, %mul3A_2871 : vector<16xf32>
    %mul3A_2875 = arith.mulf %mul3A_2866, %sub3A_2874 : vector<16xf32>
    %mul3A_2876 = arith.constant 5.000000e-01 : f32
    %mul3A_2877 = vector.broadcast %mul3A_2876 : f32 to vector<16xf32>
    %mul3A_2878 = arith.mulf %mul3A_2877, %add3A_2801 : vector<16xf32>
    %mul3A_2879 = arith.mulf %mul3A_2878, %mul3A_2875 : vector<16xf32>
    %mul3A_2880 = arith.mulf %mul3A_2879, %mul3A_2875 : vector<16xf32>
    %sub3A_2881 = arith.constant 1.500000e+00 : f32
    %sub3A_2882 = vector.broadcast %sub3A_2881 : f32 to vector<16xf32>
    %sub3A_2883 = arith.subf %sub3A_2882, %mul3A_2880 : vector<16xf32>
    %mul3A_2884 = arith.mulf %mul3A_2875, %sub3A_2883 : vector<16xf32>
    %mul3A_2885 = arith.constant 5.000000e-01 : f32
    %mul3A_2886 = vector.broadcast %mul3A_2885 : f32 to vector<16xf32>
    %mul3A_2887 = arith.mulf %mul3A_2886, %add3A_2801 : vector<16xf32>
    %mul3A_2888 = arith.mulf %mul3A_2887, %mul3A_2884 : vector<16xf32>
    %mul3A_2889 = arith.mulf %mul3A_2888, %mul3A_2884 : vector<16xf32>
    %sub3A_2890 = arith.constant 1.500000e+00 : f32
    %sub3A_2891 = vector.broadcast %sub3A_2890 : f32 to vector<16xf32>
    %sub3A_2892 = arith.subf %sub3A_2891, %mul3A_2889 : vector<16xf32>
    %mul3A_2893 = arith.mulf %mul3A_2884, %sub3A_2892 : vector<16xf32>
    %mul3A_2894 = arith.constant 5.000000e-01 : f32
    %mul3A_2895 = vector.broadcast %mul3A_2894 : f32 to vector<16xf32>
    %mul3A_2896 = arith.mulf %mul3A_2895, %add3A_2801 : vector<16xf32>
    %mul3A_2897 = arith.mulf %mul3A_2896, %mul3A_2893 : vector<16xf32>
    %mul3A_2898 = arith.mulf %mul3A_2897, %mul3A_2893 : vector<16xf32>
    %sub3A_2899 = arith.constant 1.500000e+00 : f32
    %sub3A_2900 = vector.broadcast %sub3A_2899 : f32 to vector<16xf32>
    %sub3A_2901 = arith.subf %sub3A_2900, %mul3A_2898 : vector<16xf32>
    %mul3A_2902 = arith.mulf %mul3A_2893, %sub3A_2901 : vector<16xf32>
    %mul3A_2903 = arith.constant 5.000000e-01 : f32
    %mul3A_2904 = vector.broadcast %mul3A_2903 : f32 to vector<16xf32>
    %mul3A_2905 = arith.mulf %mul3A_2904, %add3A_2801 : vector<16xf32>
    %mul3A_2906 = arith.mulf %mul3A_2905, %mul3A_2902 : vector<16xf32>
    %mul3A_2907 = arith.mulf %mul3A_2906, %mul3A_2902 : vector<16xf32>
    %sub3A_2908 = arith.constant 1.500000e+00 : f32
    %sub3A_2909 = vector.broadcast %sub3A_2908 : f32 to vector<16xf32>
    %sub3A_2910 = arith.subf %sub3A_2909, %mul3A_2907 : vector<16xf32>
    %mul3A_2911 = arith.mulf %mul3A_2902, %sub3A_2910 : vector<16xf32>
    %swap3A_2912 = arith.constant 336 : index
    %swap3A_2913 = tpu.vector_load %arg10[%swap3A_2912] {strides = array<i32>} : memref<640xf32, #tpu.memory_space<vmem>>, vector<16xf32>,
    %swap3A_2914 = vector.shape_cast %swap3A_2913 : vector<16xf32> to vector<16xf32>
    %swap3A_2915 = vector.shape_cast %mul3A_2911 : vector<16xf32> to vector<16xf32>
    tpu.vector_store %arg10[%swap3A_2912], %swap3A_2915 {strides = array<i32>} : memref<640xf32, #tpu.memory_space<vmem>>, vector<16xf32>,
    %get3A_2916 = arith.constant 352 : index
    %get3A_2917 = tpu.vector_load %arg9[%get3A_2916] {strides = array<i32>} : memref<640xf32, #tpu.memory_space<vmem>>, vector<16xf32>,
    %get3A_2918 = vector.shape_cast %get3A_2917 : vector<16xf32> to vector<16xf32>
    %add3A_2919 = arith.constant 1.000000e+00 : f32
    %add3A_2920 = vector.broadcast %add3A_2919 : f32 to vector<16xf32>
    %add3A_2921 = arith.addf %get3A_2918, %add3A_2920 : vector<16xf32>
    %broadcast_in_dim3A_2922 = arith.constant 5.000000e-01 : f32
    %broadcast_in_dim3A_2923 = vector.broadcast %broadcast_in_dim3A_2922 : f32 to vector<16xf32>
    %ge3A_2924 = arith.constant 4.000000e+00 : f32
    %ge3A_2925 = vector.broadcast %ge3A_2924 : f32 to vector<16xf32>
    %ge3A_2926 = arith.cmpf oge, %add3A_2921, %ge3A_2925 : vector<16xf32>
    %jit3A_2927 = arith.constant 2.500000e-01 : f32
    %broadcast_in_dim3A_2928 = vector.broadcast %jit3A_2927 : f32 to vector<16xf32>
    %select_n3A_2929 = arith.select %ge3A_2926, %broadcast_in_dim3A_2928, %broadcast_in_dim3A_2923 : vector<16xi1>, vector<16xf32>
    %ge3A_2930 = arith.constant 1.600000e+01 : f32
    %ge3A_2931 = vector.broadcast %ge3A_2930 : f32 to vector<16xf32>
    %ge3A_2932 = arith.cmpf oge, %add3A_2921, %ge3A_2931 : vector<16xf32>
    %jit3A_2933 = arith.constant 1.250000e-01 : f32
    %broadcast_in_dim3A_2934 = vector.broadcast %jit3A_2933 : f32 to vector<16xf32>
    %select_n3A_2935 = arith.select %ge3A_2932, %broadcast_in_dim3A_2934, %select_n3A_2929 : vector<16xi1>, vector<16xf32>
    %ge3A_2936 = arith.constant 6.400000e+01 : f32
    %ge3A_2937 = vector.broadcast %ge3A_2936 : f32 to vector<16xf32>
    %ge3A_2938 = arith.cmpf oge, %add3A_2921, %ge3A_2937 : vector<16xf32>
    %jit3A_2939 = arith.constant 6.250000e-02 : f32
    %broadcast_in_dim3A_2940 = vector.broadcast %jit3A_2939 : f32 to vector<16xf32>
    %select_n3A_2941 = arith.select %ge3A_2938, %broadcast_in_dim3A_2940, %select_n3A_2935 : vector<16xi1>, vector<16xf32>
    %ge3A_2942 = arith.constant 2.560000e+02 : f32
    %ge3A_2943 = vector.broadcast %ge3A_2942 : f32 to vector<16xf32>
    %ge3A_2944 = arith.cmpf oge, %add3A_2921, %ge3A_2943 : vector<16xf32>
    %jit3A_2945 = arith.constant 3.125000e-02 : f32
    %broadcast_in_dim3A_2946 = vector.broadcast %jit3A_2945 : f32 to vector<16xf32>
    %select_n3A_2947 = arith.select %ge3A_2944, %broadcast_in_dim3A_2946, %select_n3A_2941 : vector<16xi1>, vector<16xf32>
    %ge3A_2948 = arith.constant 1.024000e+03 : f32
    %ge3A_2949 = vector.broadcast %ge3A_2948 : f32 to vector<16xf32>
    %ge3A_2950 = arith.cmpf oge, %add3A_2921, %ge3A_2949 : vector<16xf32>
    %jit3A_2951 = arith.constant 1.562500e-02 : f32
    %broadcast_in_dim3A_2952 = vector.broadcast %jit3A_2951 : f32 to vector<16xf32>
    %select_n3A_2953 = arith.select %ge3A_2950, %broadcast_in_dim3A_2952, %select_n3A_2947 : vector<16xi1>, vector<16xf32>
    %ge3A_2954 = arith.constant 4.096000e+03 : f32
    %ge3A_2955 = vector.broadcast %ge3A_2954 : f32 to vector<16xf32>
    %ge3A_2956 = arith.cmpf oge, %add3A_2921, %ge3A_2955 : vector<16xf32>
    %jit3A_2957 = arith.constant 7.812500e-03 : f32
    %broadcast_in_dim3A_2958 = vector.broadcast %jit3A_2957 : f32 to vector<16xf32>
    %select_n3A_2959 = arith.select %ge3A_2956, %broadcast_in_dim3A_2958, %select_n3A_2953 : vector<16xi1>, vector<16xf32>
    %ge3A_2960 = arith.constant 1.638400e+04 : f32
    %ge3A_2961 = vector.broadcast %ge3A_2960 : f32 to vector<16xf32>
    %ge3A_2962 = arith.cmpf oge, %add3A_2921, %ge3A_2961 : vector<16xf32>
    %jit3A_2963 = arith.constant 3.906250e-03 : f32
    %broadcast_in_dim3A_2964 = vector.broadcast %jit3A_2963 : f32 to vector<16xf32>
    %select_n3A_2965 = arith.select %ge3A_2962, %broadcast_in_dim3A_2964, %select_n3A_2959 : vector<16xi1>, vector<16xf32>
    %ge3A_2966 = arith.constant 6.553600e+04 : f32
    %ge3A_2967 = vector.broadcast %ge3A_2966 : f32 to vector<16xf32>
    %ge3A_2968 = arith.cmpf oge, %add3A_2921, %ge3A_2967 : vector<16xf32>
    %jit3A_2969 = arith.constant 0.001953125 : f32
    %broadcast_in_dim3A_2970 = vector.broadcast %jit3A_2969 : f32 to vector<16xf32>
    %select_n3A_2971 = arith.select %ge3A_2968, %broadcast_in_dim3A_2970, %select_n3A_2965 : vector<16xi1>, vector<16xf32>
    %ge3A_2972 = arith.constant 2.621440e+05 : f32
    %ge3A_2973 = vector.broadcast %ge3A_2972 : f32 to vector<16xf32>
    %ge3A_2974 = arith.cmpf oge, %add3A_2921, %ge3A_2973 : vector<16xf32>
    %jit3A_2975 = arith.constant 9.765625E-4 : f32
    %broadcast_in_dim3A_2976 = vector.broadcast %jit3A_2975 : f32 to vector<16xf32>
    %select_n3A_2977 = arith.select %ge3A_2974, %broadcast_in_dim3A_2976, %select_n3A_2971 : vector<16xi1>, vector<16xf32>
    %mul3A_2978 = arith.constant 5.000000e-01 : f32
    %mul3A_2979 = vector.broadcast %mul3A_2978 : f32 to vector<16xf32>
    %mul3A_2980 = arith.mulf %mul3A_2979, %add3A_2921 : vector<16xf32>
    %mul3A_2981 = arith.mulf %mul3A_2980, %select_n3A_2977 : vector<16xf32>
    %mul3A_2982 = arith.mulf %mul3A_2981, %select_n3A_2977 : vector<16xf32>
    %sub3A_2983 = arith.constant 1.500000e+00 : f32
    %sub3A_2984 = vector.broadcast %sub3A_2983 : f32 to vector<16xf32>
    %sub3A_2985 = arith.subf %sub3A_2984, %mul3A_2982 : vector<16xf32>
    %mul3A_2986 = arith.mulf %select_n3A_2977, %sub3A_2985 : vector<16xf32>
    %mul3A_2987 = arith.constant 5.000000e-01 : f32
    %mul3A_2988 = vector.broadcast %mul3A_2987 : f32 to vector<16xf32>
    %mul3A_2989 = arith.mulf %mul3A_2988, %add3A_2921 : vector<16xf32>
    %mul3A_2990 = arith.mulf %mul3A_2989, %mul3A_2986 : vector<16xf32>
    %mul3A_2991 = arith.mulf %mul3A_2990, %mul3A_2986 : vector<16xf32>
    %sub3A_2992 = arith.constant 1.500000e+00 : f32
    %sub3A_2993 = vector.broadcast %sub3A_2992 : f32 to vector<16xf32>
    %sub3A_2994 = arith.subf %sub3A_2993, %mul3A_2991 : vector<16xf32>
    %mul3A_2995 = arith.mulf %mul3A_2986, %sub3A_2994 : vector<16xf32>
    %mul3A_2996 = arith.constant 5.000000e-01 : f32
    %mul3A_2997 = vector.broadcast %mul3A_2996 : f32 to vector<16xf32>
    %mul3A_2998 = arith.mulf %mul3A_2997, %add3A_2921 : vector<16xf32>
    %mul3A_2999 = arith.mulf %mul3A_2998, %mul3A_2995 : vector<16xf32>
    %mul3A_3000 = arith.mulf %mul3A_2999, %mul3A_2995 : vector<16xf32>
    %sub3A_3001 = arith.constant 1.500000e+00 : f32
    %sub3A_3002 = vector.broadcast %sub3A_3001 : f32 to vector<16xf32>
    %sub3A_3003 = arith.subf %sub3A_3002, %mul3A_3000 : vector<16xf32>
    %mul3A_3004 = arith.mulf %mul3A_2995, %sub3A_3003 : vector<16xf32>
    %mul3A_3005 = arith.constant 5.000000e-01 : f32
    %mul3A_3006 = vector.broadcast %mul3A_3005 : f32 to vector<16xf32>
    %mul3A_3007 = arith.mulf %mul3A_3006, %add3A_2921 : vector<16xf32>
    %mul3A_3008 = arith.mulf %mul3A_3007, %mul3A_3004 : vector<16xf32>
    %mul3A_3009 = arith.mulf %mul3A_3008, %mul3A_3004 : vector<16xf32>
    %sub3A_3010 = arith.constant 1.500000e+00 : f32
    %sub3A_3011 = vector.broadcast %sub3A_3010 : f32 to vector<16xf32>
    %sub3A_3012 = arith.subf %sub3A_3011, %mul3A_3009 : vector<16xf32>
    %mul3A_3013 = arith.mulf %mul3A_3004, %sub3A_3012 : vector<16xf32>
    %mul3A_3014 = arith.constant 5.000000e-01 : f32
    %mul3A_3015 = vector.broadcast %mul3A_3014 : f32 to vector<16xf32>
    %mul3A_3016 = arith.mulf %mul3A_3015, %add3A_2921 : vector<16xf32>
    %mul3A_3017 = arith.mulf %mul3A_3016, %mul3A_3013 : vector<16xf32>
    %mul3A_3018 = arith.mulf %mul3A_3017, %mul3A_3013 : vector<16xf32>
    %sub3A_3019 = arith.constant 1.500000e+00 : f32
    %sub3A_3020 = vector.broadcast %sub3A_3019 : f32 to vector<16xf32>
    %sub3A_3021 = arith.subf %sub3A_3020, %mul3A_3018 : vector<16xf32>
    %mul3A_3022 = arith.mulf %mul3A_3013, %sub3A_3021 : vector<16xf32>
    %mul3A_3023 = arith.constant 5.000000e-01 : f32
    %mul3A_3024 = vector.broadcast %mul3A_3023 : f32 to vector<16xf32>
    %mul3A_3025 = arith.mulf %mul3A_3024, %add3A_2921 : vector<16xf32>
    %mul3A_3026 = arith.mulf %mul3A_3025, %mul3A_3022 : vector<16xf32>
    %mul3A_3027 = arith.mulf %mul3A_3026, %mul3A_3022 : vector<16xf32>
    %sub3A_3028 = arith.constant 1.500000e+00 : f32
    %sub3A_3029 = vector.broadcast %sub3A_3028 : f32 to vector<16xf32>
    %sub3A_3030 = arith.subf %sub3A_3029, %mul3A_3027 : vector<16xf32>
    %mul3A_3031 = arith.mulf %mul3A_3022, %sub3A_3030 : vector<16xf32>
    %swap3A_3032 = arith.constant 352 : index
    %swap3A_3033 = tpu.vector_load %arg10[%swap3A_3032] {strides = array<i32>} : memref<640xf32, #tpu.memory_space<vmem>>, vector<16xf32>,
    %swap3A_3034 = vector.shape_cast %swap3A_3033 : vector<16xf32> to vector<16xf32>
    %swap3A_3035 = vector.shape_cast %mul3A_3031 : vector<16xf32> to vector<16xf32>
    tpu.vector_store %arg10[%swap3A_3032], %swap3A_3035 {strides = array<i32>} : memref<640xf32, #tpu.memory_space<vmem>>, vector<16xf32>,
    %get3A_3036 = arith.constant 368 : index
    %get3A_3037 = tpu.vector_load %arg9[%get3A_3036] {strides = array<i32>} : memref<640xf32, #tpu.memory_space<vmem>>, vector<16xf32>,
    %get3A_3038 = vector.shape_cast %get3A_3037 : vector<16xf32> to vector<16xf32>
    %add3A_3039 = arith.constant 1.000000e+00 : f32
    %add3A_3040 = vector.broadcast %add3A_3039 : f32 to vector<16xf32>
    %add3A_3041 = arith.addf %get3A_3038, %add3A_3040 : vector<16xf32>
    %broadcast_in_dim3A_3042 = arith.constant 5.000000e-01 : f32
    %broadcast_in_dim3A_3043 = vector.broadcast %broadcast_in_dim3A_3042 : f32 to vector<16xf32>
    %ge3A_3044 = arith.constant 4.000000e+00 : f32
    %ge3A_3045 = vector.broadcast %ge3A_3044 : f32 to vector<16xf32>
    %ge3A_3046 = arith.cmpf oge, %add3A_3041, %ge3A_3045 : vector<16xf32>
    %jit3A_3047 = arith.constant 2.500000e-01 : f32
    %broadcast_in_dim3A_3048 = vector.broadcast %jit3A_3047 : f32 to vector<16xf32>
    %select_n3A_3049 = arith.select %ge3A_3046, %broadcast_in_dim3A_3048, %broadcast_in_dim3A_3043 : vector<16xi1>, vector<16xf32>
    %ge3A_3050 = arith.constant 1.600000e+01 : f32
    %ge3A_3051 = vector.broadcast %ge3A_3050 : f32 to vector<16xf32>
    %ge3A_3052 = arith.cmpf oge, %add3A_3041, %ge3A_3051 : vector<16xf32>
    %jit3A_3053 = arith.constant 1.250000e-01 : f32
    %broadcast_in_dim3A_3054 = vector.broadcast %jit3A_3053 : f32 to vector<16xf32>
    %select_n3A_3055 = arith.select %ge3A_3052, %broadcast_in_dim3A_3054, %select_n3A_3049 : vector<16xi1>, vector<16xf32>
    %ge3A_3056 = arith.constant 6.400000e+01 : f32
    %ge3A_3057 = vector.broadcast %ge3A_3056 : f32 to vector<16xf32>
    %ge3A_3058 = arith.cmpf oge, %add3A_3041, %ge3A_3057 : vector<16xf32>
    %jit3A_3059 = arith.constant 6.250000e-02 : f32
    %broadcast_in_dim3A_3060 = vector.broadcast %jit3A_3059 : f32 to vector<16xf32>
    %select_n3A_3061 = arith.select %ge3A_3058, %broadcast_in_dim3A_3060, %select_n3A_3055 : vector<16xi1>, vector<16xf32>
    %ge3A_3062 = arith.constant 2.560000e+02 : f32
    %ge3A_3063 = vector.broadcast %ge3A_3062 : f32 to vector<16xf32>
    %ge3A_3064 = arith.cmpf oge, %add3A_3041, %ge3A_3063 : vector<16xf32>
    %jit3A_3065 = arith.constant 3.125000e-02 : f32
    %broadcast_in_dim3A_3066 = vector.broadcast %jit3A_3065 : f32 to vector<16xf32>
    %select_n3A_3067 = arith.select %ge3A_3064, %broadcast_in_dim3A_3066, %select_n3A_3061 : vector<16xi1>, vector<16xf32>
    %ge3A_3068 = arith.constant 1.024000e+03 : f32
    %ge3A_3069 = vector.broadcast %ge3A_3068 : f32 to vector<16xf32>
    %ge3A_3070 = arith.cmpf oge, %add3A_3041, %ge3A_3069 : vector<16xf32>
    %jit3A_3071 = arith.constant 1.562500e-02 : f32
    %broadcast_in_dim3A_3072 = vector.broadcast %jit3A_3071 : f32 to vector<16xf32>
    %select_n3A_3073 = arith.select %ge3A_3070, %broadcast_in_dim3A_3072, %select_n3A_3067 : vector<16xi1>, vector<16xf32>
    %ge3A_3074 = arith.constant 4.096000e+03 : f32
    %ge3A_3075 = vector.broadcast %ge3A_3074 : f32 to vector<16xf32>
    %ge3A_3076 = arith.cmpf oge, %add3A_3041, %ge3A_3075 : vector<16xf32>
    %jit3A_3077 = arith.constant 7.812500e-03 : f32
    %broadcast_in_dim3A_3078 = vector.broadcast %jit3A_3077 : f32 to vector<16xf32>
    %select_n3A_3079 = arith.select %ge3A_3076, %broadcast_in_dim3A_3078, %select_n3A_3073 : vector<16xi1>, vector<16xf32>
    %ge3A_3080 = arith.constant 1.638400e+04 : f32
    %ge3A_3081 = vector.broadcast %ge3A_3080 : f32 to vector<16xf32>
    %ge3A_3082 = arith.cmpf oge, %add3A_3041, %ge3A_3081 : vector<16xf32>
    %jit3A_3083 = arith.constant 3.906250e-03 : f32
    %broadcast_in_dim3A_3084 = vector.broadcast %jit3A_3083 : f32 to vector<16xf32>
    %select_n3A_3085 = arith.select %ge3A_3082, %broadcast_in_dim3A_3084, %select_n3A_3079 : vector<16xi1>, vector<16xf32>
    %ge3A_3086 = arith.constant 6.553600e+04 : f32
    %ge3A_3087 = vector.broadcast %ge3A_3086 : f32 to vector<16xf32>
    %ge3A_3088 = arith.cmpf oge, %add3A_3041, %ge3A_3087 : vector<16xf32>
    %jit3A_3089 = arith.constant 0.001953125 : f32
    %broadcast_in_dim3A_3090 = vector.broadcast %jit3A_3089 : f32 to vector<16xf32>
    %select_n3A_3091 = arith.select %ge3A_3088, %broadcast_in_dim3A_3090, %select_n3A_3085 : vector<16xi1>, vector<16xf32>
    %ge3A_3092 = arith.constant 2.621440e+05 : f32
    %ge3A_3093 = vector.broadcast %ge3A_3092 : f32 to vector<16xf32>
    %ge3A_3094 = arith.cmpf oge, %add3A_3041, %ge3A_3093 : vector<16xf32>
    %jit3A_3095 = arith.constant 9.765625E-4 : f32
    %broadcast_in_dim3A_3096 = vector.broadcast %jit3A_3095 : f32 to vector<16xf32>
    %select_n3A_3097 = arith.select %ge3A_3094, %broadcast_in_dim3A_3096, %select_n3A_3091 : vector<16xi1>, vector<16xf32>
    %mul3A_3098 = arith.constant 5.000000e-01 : f32
    %mul3A_3099 = vector.broadcast %mul3A_3098 : f32 to vector<16xf32>
    %mul3A_3100 = arith.mulf %mul3A_3099, %add3A_3041 : vector<16xf32>
    %mul3A_3101 = arith.mulf %mul3A_3100, %select_n3A_3097 : vector<16xf32>
    %mul3A_3102 = arith.mulf %mul3A_3101, %select_n3A_3097 : vector<16xf32>
    %sub3A_3103 = arith.constant 1.500000e+00 : f32
    %sub3A_3104 = vector.broadcast %sub3A_3103 : f32 to vector<16xf32>
    %sub3A_3105 = arith.subf %sub3A_3104, %mul3A_3102 : vector<16xf32>
    %mul3A_3106 = arith.mulf %select_n3A_3097, %sub3A_3105 : vector<16xf32>
    %mul3A_3107 = arith.constant 5.000000e-01 : f32
    %mul3A_3108 = vector.broadcast %mul3A_3107 : f32 to vector<16xf32>
    %mul3A_3109 = arith.mulf %mul3A_3108, %add3A_3041 : vector<16xf32>
    %mul3A_3110 = arith.mulf %mul3A_3109, %mul3A_3106 : vector<16xf32>
    %mul3A_3111 = arith.mulf %mul3A_3110, %mul3A_3106 : vector<16xf32>
    %sub3A_3112 = arith.constant 1.500000e+00 : f32
    %sub3A_3113 = vector.broadcast %sub3A_3112 : f32 to vector<16xf32>
    %sub3A_3114 = arith.subf %sub3A_3113, %mul3A_3111 : vector<16xf32>
    %mul3A_3115 = arith.mulf %mul3A_3106, %sub3A_3114 : vector<16xf32>
    %mul3A_3116 = arith.constant 5.000000e-01 : f32
    %mul3A_3117 = vector.broadcast %mul3A_3116 : f32 to vector<16xf32>
    %mul3A_3118 = arith.mulf %mul3A_3117, %add3A_3041 : vector<16xf32>
    %mul3A_3119 = arith.mulf %mul3A_3118, %mul3A_3115 : vector<16xf32>
    %mul3A_3120 = arith.mulf %mul3A_3119, %mul3A_3115 : vector<16xf32>
    %sub3A_3121 = arith.constant 1.500000e+00 : f32
    %sub3A_3122 = vector.broadcast %sub3A_3121 : f32 to vector<16xf32>
    %sub3A_3123 = arith.subf %sub3A_3122, %mul3A_3120 : vector<16xf32>
    %mul3A_3124 = arith.mulf %mul3A_3115, %sub3A_3123 : vector<16xf32>
    %mul3A_3125 = arith.constant 5.000000e-01 : f32
    %mul3A_3126 = vector.broadcast %mul3A_3125 : f32 to vector<16xf32>
    %mul3A_3127 = arith.mulf %mul3A_3126, %add3A_3041 : vector<16xf32>
    %mul3A_3128 = arith.mulf %mul3A_3127, %mul3A_3124 : vector<16xf32>
    %mul3A_3129 = arith.mulf %mul3A_3128, %mul3A_3124 : vector<16xf32>
    %sub3A_3130 = arith.constant 1.500000e+00 : f32
    %sub3A_3131 = vector.broadcast %sub3A_3130 : f32 to vector<16xf32>
    %sub3A_3132 = arith.subf %sub3A_3131, %mul3A_3129 : vector<16xf32>
    %mul3A_3133 = arith.mulf %mul3A_3124, %sub3A_3132 : vector<16xf32>
    %mul3A_3134 = arith.constant 5.000000e-01 : f32
    %mul3A_3135 = vector.broadcast %mul3A_3134 : f32 to vector<16xf32>
    %mul3A_3136 = arith.mulf %mul3A_3135, %add3A_3041 : vector<16xf32>
    %mul3A_3137 = arith.mulf %mul3A_3136, %mul3A_3133 : vector<16xf32>
    %mul3A_3138 = arith.mulf %mul3A_3137, %mul3A_3133 : vector<16xf32>
    %sub3A_3139 = arith.constant 1.500000e+00 : f32
    %sub3A_3140 = vector.broadcast %sub3A_3139 : f32 to vector<16xf32>
    %sub3A_3141 = arith.subf %sub3A_3140, %mul3A_3138 : vector<16xf32>
    %mul3A_3142 = arith.mulf %mul3A_3133, %sub3A_3141 : vector<16xf32>
    %mul3A_3143 = arith.constant 5.000000e-01 : f32
    %mul3A_3144 = vector.broadcast %mul3A_3143 : f32 to vector<16xf32>
    %mul3A_3145 = arith.mulf %mul3A_3144, %add3A_3041 : vector<16xf32>
    %mul3A_3146 = arith.mulf %mul3A_3145, %mul3A_3142 : vector<16xf32>
    %mul3A_3147 = arith.mulf %mul3A_3146, %mul3A_3142 : vector<16xf32>
    %sub3A_3148 = arith.constant 1.500000e+00 : f32
    %sub3A_3149 = vector.broadcast %sub3A_3148 : f32 to vector<16xf32>
    %sub3A_3150 = arith.subf %sub3A_3149, %mul3A_3147 : vector<16xf32>
    %mul3A_3151 = arith.mulf %mul3A_3142, %sub3A_3150 : vector<16xf32>
    %swap3A_3152 = arith.constant 368 : index
    %swap3A_3153 = tpu.vector_load %arg10[%swap3A_3152] {strides = array<i32>} : memref<640xf32, #tpu.memory_space<vmem>>, vector<16xf32>,
    %swap3A_3154 = vector.shape_cast %swap3A_3153 : vector<16xf32> to vector<16xf32>
    %swap3A_3155 = vector.shape_cast %mul3A_3151 : vector<16xf32> to vector<16xf32>
    tpu.vector_store %arg10[%swap3A_3152], %swap3A_3155 {strides = array<i32>} : memref<640xf32, #tpu.memory_space<vmem>>, vector<16xf32>,
    %get3A_3156 = arith.constant 384 : index
    %get3A_3157 = tpu.vector_load %arg9[%get3A_3156] {strides = array<i32>} : memref<640xf32, #tpu.memory_space<vmem>>, vector<16xf32>,
    %get3A_3158 = vector.shape_cast %get3A_3157 : vector<16xf32> to vector<16xf32>
    %add3A_3159 = arith.constant 1.000000e+00 : f32
    %add3A_3160 = vector.broadcast %add3A_3159 : f32 to vector<16xf32>
    %add3A_3161 = arith.addf %get3A_3158, %add3A_3160 : vector<16xf32>
    %broadcast_in_dim3A_3162 = arith.constant 5.000000e-01 : f32
    %broadcast_in_dim3A_3163 = vector.broadcast %broadcast_in_dim3A_3162 : f32 to vector<16xf32>
    %ge3A_3164 = arith.constant 4.000000e+00 : f32
    %ge3A_3165 = vector.broadcast %ge3A_3164 : f32 to vector<16xf32>
    %ge3A_3166 = arith.cmpf oge, %add3A_3161, %ge3A_3165 : vector<16xf32>
    %jit3A_3167 = arith.constant 2.500000e-01 : f32
    %broadcast_in_dim3A_3168 = vector.broadcast %jit3A_3167 : f32 to vector<16xf32>
    %select_n3A_3169 = arith.select %ge3A_3166, %broadcast_in_dim3A_3168, %broadcast_in_dim3A_3163 : vector<16xi1>, vector<16xf32>
    %ge3A_3170 = arith.constant 1.600000e+01 : f32
    %ge3A_3171 = vector.broadcast %ge3A_3170 : f32 to vector<16xf32>
    %ge3A_3172 = arith.cmpf oge, %add3A_3161, %ge3A_3171 : vector<16xf32>
    %jit3A_3173 = arith.constant 1.250000e-01 : f32
    %broadcast_in_dim3A_3174 = vector.broadcast %jit3A_3173 : f32 to vector<16xf32>
    %select_n3A_3175 = arith.select %ge3A_3172, %broadcast_in_dim3A_3174, %select_n3A_3169 : vector<16xi1>, vector<16xf32>
    %ge3A_3176 = arith.constant 6.400000e+01 : f32
    %ge3A_3177 = vector.broadcast %ge3A_3176 : f32 to vector<16xf32>
    %ge3A_3178 = arith.cmpf oge, %add3A_3161, %ge3A_3177 : vector<16xf32>
    %jit3A_3179 = arith.constant 6.250000e-02 : f32
    %broadcast_in_dim3A_3180 = vector.broadcast %jit3A_3179 : f32 to vector<16xf32>
    %select_n3A_3181 = arith.select %ge3A_3178, %broadcast_in_dim3A_3180, %select_n3A_3175 : vector<16xi1>, vector<16xf32>
    %ge3A_3182 = arith.constant 2.560000e+02 : f32
    %ge3A_3183 = vector.broadcast %ge3A_3182 : f32 to vector<16xf32>
    %ge3A_3184 = arith.cmpf oge, %add3A_3161, %ge3A_3183 : vector<16xf32>
    %jit3A_3185 = arith.constant 3.125000e-02 : f32
    %broadcast_in_dim3A_3186 = vector.broadcast %jit3A_3185 : f32 to vector<16xf32>
    %select_n3A_3187 = arith.select %ge3A_3184, %broadcast_in_dim3A_3186, %select_n3A_3181 : vector<16xi1>, vector<16xf32>
    %ge3A_3188 = arith.constant 1.024000e+03 : f32
    %ge3A_3189 = vector.broadcast %ge3A_3188 : f32 to vector<16xf32>
    %ge3A_3190 = arith.cmpf oge, %add3A_3161, %ge3A_3189 : vector<16xf32>
    %jit3A_3191 = arith.constant 1.562500e-02 : f32
    %broadcast_in_dim3A_3192 = vector.broadcast %jit3A_3191 : f32 to vector<16xf32>
    %select_n3A_3193 = arith.select %ge3A_3190, %broadcast_in_dim3A_3192, %select_n3A_3187 : vector<16xi1>, vector<16xf32>
    %ge3A_3194 = arith.constant 4.096000e+03 : f32
    %ge3A_3195 = vector.broadcast %ge3A_3194 : f32 to vector<16xf32>
    %ge3A_3196 = arith.cmpf oge, %add3A_3161, %ge3A_3195 : vector<16xf32>
    %jit3A_3197 = arith.constant 7.812500e-03 : f32
    %broadcast_in_dim3A_3198 = vector.broadcast %jit3A_3197 : f32 to vector<16xf32>
    %select_n3A_3199 = arith.select %ge3A_3196, %broadcast_in_dim3A_3198, %select_n3A_3193 : vector<16xi1>, vector<16xf32>
    %ge3A_3200 = arith.constant 1.638400e+04 : f32
    %ge3A_3201 = vector.broadcast %ge3A_3200 : f32 to vector<16xf32>
    %ge3A_3202 = arith.cmpf oge, %add3A_3161, %ge3A_3201 : vector<16xf32>
    %jit3A_3203 = arith.constant 3.906250e-03 : f32
    %broadcast_in_dim3A_3204 = vector.broadcast %jit3A_3203 : f32 to vector<16xf32>
    %select_n3A_3205 = arith.select %ge3A_3202, %broadcast_in_dim3A_3204, %select_n3A_3199 : vector<16xi1>, vector<16xf32>
    %ge3A_3206 = arith.constant 6.553600e+04 : f32
    %ge3A_3207 = vector.broadcast %ge3A_3206 : f32 to vector<16xf32>
    %ge3A_3208 = arith.cmpf oge, %add3A_3161, %ge3A_3207 : vector<16xf32>
    %jit3A_3209 = arith.constant 0.001953125 : f32
    %broadcast_in_dim3A_3210 = vector.broadcast %jit3A_3209 : f32 to vector<16xf32>
    %select_n3A_3211 = arith.select %ge3A_3208, %broadcast_in_dim3A_3210, %select_n3A_3205 : vector<16xi1>, vector<16xf32>
    %ge3A_3212 = arith.constant 2.621440e+05 : f32
    %ge3A_3213 = vector.broadcast %ge3A_3212 : f32 to vector<16xf32>
    %ge3A_3214 = arith.cmpf oge, %add3A_3161, %ge3A_3213 : vector<16xf32>
    %jit3A_3215 = arith.constant 9.765625E-4 : f32
    %broadcast_in_dim3A_3216 = vector.broadcast %jit3A_3215 : f32 to vector<16xf32>
    %select_n3A_3217 = arith.select %ge3A_3214, %broadcast_in_dim3A_3216, %select_n3A_3211 : vector<16xi1>, vector<16xf32>
    %mul3A_3218 = arith.constant 5.000000e-01 : f32
    %mul3A_3219 = vector.broadcast %mul3A_3218 : f32 to vector<16xf32>
    %mul3A_3220 = arith.mulf %mul3A_3219, %add3A_3161 : vector<16xf32>
    %mul3A_3221 = arith.mulf %mul3A_3220, %select_n3A_3217 : vector<16xf32>
    %mul3A_3222 = arith.mulf %mul3A_3221, %select_n3A_3217 : vector<16xf32>
    %sub3A_3223 = arith.constant 1.500000e+00 : f32
    %sub3A_3224 = vector.broadcast %sub3A_3223 : f32 to vector<16xf32>
    %sub3A_3225 = arith.subf %sub3A_3224, %mul3A_3222 : vector<16xf32>
    %mul3A_3226 = arith.mulf %select_n3A_3217, %sub3A_3225 : vector<16xf32>
    %mul3A_3227 = arith.constant 5.000000e-01 : f32
    %mul3A_3228 = vector.broadcast %mul3A_3227 : f32 to vector<16xf32>
    %mul3A_3229 = arith.mulf %mul3A_3228, %add3A_3161 : vector<16xf32>
    %mul3A_3230 = arith.mulf %mul3A_3229, %mul3A_3226 : vector<16xf32>
    %mul3A_3231 = arith.mulf %mul3A_3230, %mul3A_3226 : vector<16xf32>
    %sub3A_3232 = arith.constant 1.500000e+00 : f32
    %sub3A_3233 = vector.broadcast %sub3A_3232 : f32 to vector<16xf32>
    %sub3A_3234 = arith.subf %sub3A_3233, %mul3A_3231 : vector<16xf32>
    %mul3A_3235 = arith.mulf %mul3A_3226, %sub3A_3234 : vector<16xf32>
    %mul3A_3236 = arith.constant 5.000000e-01 : f32
    %mul3A_3237 = vector.broadcast %mul3A_3236 : f32 to vector<16xf32>
    %mul3A_3238 = arith.mulf %mul3A_3237, %add3A_3161 : vector<16xf32>
    %mul3A_3239 = arith.mulf %mul3A_3238, %mul3A_3235 : vector<16xf32>
    %mul3A_3240 = arith.mulf %mul3A_3239, %mul3A_3235 : vector<16xf32>
    %sub3A_3241 = arith.constant 1.500000e+00 : f32
    %sub3A_3242 = vector.broadcast %sub3A_3241 : f32 to vector<16xf32>
    %sub3A_3243 = arith.subf %sub3A_3242, %mul3A_3240 : vector<16xf32>
    %mul3A_3244 = arith.mulf %mul3A_3235, %sub3A_3243 : vector<16xf32>
    %mul3A_3245 = arith.constant 5.000000e-01 : f32
    %mul3A_3246 = vector.broadcast %mul3A_3245 : f32 to vector<16xf32>
    %mul3A_3247 = arith.mulf %mul3A_3246, %add3A_3161 : vector<16xf32>
    %mul3A_3248 = arith.mulf %mul3A_3247, %mul3A_3244 : vector<16xf32>
    %mul3A_3249 = arith.mulf %mul3A_3248, %mul3A_3244 : vector<16xf32>
    %sub3A_3250 = arith.constant 1.500000e+00 : f32
    %sub3A_3251 = vector.broadcast %sub3A_3250 : f32 to vector<16xf32>
    %sub3A_3252 = arith.subf %sub3A_3251, %mul3A_3249 : vector<16xf32>
    %mul3A_3253 = arith.mulf %mul3A_3244, %sub3A_3252 : vector<16xf32>
    %mul3A_3254 = arith.constant 5.000000e-01 : f32
    %mul3A_3255 = vector.broadcast %mul3A_3254 : f32 to vector<16xf32>
    %mul3A_3256 = arith.mulf %mul3A_3255, %add3A_3161 : vector<16xf32>
    %mul3A_3257 = arith.mulf %mul3A_3256, %mul3A_3253 : vector<16xf32>
    %mul3A_3258 = arith.mulf %mul3A_3257, %mul3A_3253 : vector<16xf32>
    %sub3A_3259 = arith.constant 1.500000e+00 : f32
    %sub3A_3260 = vector.broadcast %sub3A_3259 : f32 to vector<16xf32>
    %sub3A_3261 = arith.subf %sub3A_3260, %mul3A_3258 : vector<16xf32>
    %mul3A_3262 = arith.mulf %mul3A_3253, %sub3A_3261 : vector<16xf32>
    %mul3A_3263 = arith.constant 5.000000e-01 : f32
    %mul3A_3264 = vector.broadcast %mul3A_3263 : f32 to vector<16xf32>
    %mul3A_3265 = arith.mulf %mul3A_3264, %add3A_3161 : vector<16xf32>
    %mul3A_3266 = arith.mulf %mul3A_3265, %mul3A_3262 : vector<16xf32>
    %mul3A_3267 = arith.mulf %mul3A_3266, %mul3A_3262 : vector<16xf32>
    %sub3A_3268 = arith.constant 1.500000e+00 : f32
    %sub3A_3269 = vector.broadcast %sub3A_3268 : f32 to vector<16xf32>
    %sub3A_3270 = arith.subf %sub3A_3269, %mul3A_3267 : vector<16xf32>
    %mul3A_3271 = arith.mulf %mul3A_3262, %sub3A_3270 : vector<16xf32>
    %swap3A_3272 = arith.constant 384 : index
    %swap3A_3273 = tpu.vector_load %arg10[%swap3A_3272] {strides = array<i32>} : memref<640xf32, #tpu.memory_space<vmem>>, vector<16xf32>,
    %swap3A_3274 = vector.shape_cast %swap3A_3273 : vector<16xf32> to vector<16xf32>
    %swap3A_3275 = vector.shape_cast %mul3A_3271 : vector<16xf32> to vector<16xf32>
    tpu.vector_store %arg10[%swap3A_3272], %swap3A_3275 {strides = array<i32>} : memref<640xf32, #tpu.memory_space<vmem>>, vector<16xf32>,
    %get3A_3276 = arith.constant 400 : index
    %get3A_3277 = tpu.vector_load %arg9[%get3A_3276] {strides = array<i32>} : memref<640xf32, #tpu.memory_space<vmem>>, vector<16xf32>,
    %get3A_3278 = vector.shape_cast %get3A_3277 : vector<16xf32> to vector<16xf32>
    %add3A_3279 = arith.constant 1.000000e+00 : f32
    %add3A_3280 = vector.broadcast %add3A_3279 : f32 to vector<16xf32>
    %add3A_3281 = arith.addf %get3A_3278, %add3A_3280 : vector<16xf32>
    %broadcast_in_dim3A_3282 = arith.constant 5.000000e-01 : f32
    %broadcast_in_dim3A_3283 = vector.broadcast %broadcast_in_dim3A_3282 : f32 to vector<16xf32>
    %ge3A_3284 = arith.constant 4.000000e+00 : f32
    %ge3A_3285 = vector.broadcast %ge3A_3284 : f32 to vector<16xf32>
    %ge3A_3286 = arith.cmpf oge, %add3A_3281, %ge3A_3285 : vector<16xf32>
    %jit3A_3287 = arith.constant 2.500000e-01 : f32
    %broadcast_in_dim3A_3288 = vector.broadcast %jit3A_3287 : f32 to vector<16xf32>
    %select_n3A_3289 = arith.select %ge3A_3286, %broadcast_in_dim3A_3288, %broadcast_in_dim3A_3283 : vector<16xi1>, vector<16xf32>
    %ge3A_3290 = arith.constant 1.600000e+01 : f32
    %ge3A_3291 = vector.broadcast %ge3A_3290 : f32 to vector<16xf32>
    %ge3A_3292 = arith.cmpf oge, %add3A_3281, %ge3A_3291 : vector<16xf32>
    %jit3A_3293 = arith.constant 1.250000e-01 : f32
    %broadcast_in_dim3A_3294 = vector.broadcast %jit3A_3293 : f32 to vector<16xf32>
    %select_n3A_3295 = arith.select %ge3A_3292, %broadcast_in_dim3A_3294, %select_n3A_3289 : vector<16xi1>, vector<16xf32>
    %ge3A_3296 = arith.constant 6.400000e+01 : f32
    %ge3A_3297 = vector.broadcast %ge3A_3296 : f32 to vector<16xf32>
    %ge3A_3298 = arith.cmpf oge, %add3A_3281, %ge3A_3297 : vector<16xf32>
    %jit3A_3299 = arith.constant 6.250000e-02 : f32
    %broadcast_in_dim3A_3300 = vector.broadcast %jit3A_3299 : f32 to vector<16xf32>
    %select_n3A_3301 = arith.select %ge3A_3298, %broadcast_in_dim3A_3300, %select_n3A_3295 : vector<16xi1>, vector<16xf32>
    %ge3A_3302 = arith.constant 2.560000e+02 : f32
    %ge3A_3303 = vector.broadcast %ge3A_3302 : f32 to vector<16xf32>
    %ge3A_3304 = arith.cmpf oge, %add3A_3281, %ge3A_3303 : vector<16xf32>
    %jit3A_3305 = arith.constant 3.125000e-02 : f32
    %broadcast_in_dim3A_3306 = vector.broadcast %jit3A_3305 : f32 to vector<16xf32>
    %select_n3A_3307 = arith.select %ge3A_3304, %broadcast_in_dim3A_3306, %select_n3A_3301 : vector<16xi1>, vector<16xf32>
    %ge3A_3308 = arith.constant 1.024000e+03 : f32
    %ge3A_3309 = vector.broadcast %ge3A_3308 : f32 to vector<16xf32>
    %ge3A_3310 = arith.cmpf oge, %add3A_3281, %ge3A_3309 : vector<16xf32>
    %jit3A_3311 = arith.constant 1.562500e-02 : f32
    %broadcast_in_dim3A_3312 = vector.broadcast %jit3A_3311 : f32 to vector<16xf32>
    %select_n3A_3313 = arith.select %ge3A_3310, %broadcast_in_dim3A_3312, %select_n3A_3307 : vector<16xi1>, vector<16xf32>
    %ge3A_3314 = arith.constant 4.096000e+03 : f32
    %ge3A_3315 = vector.broadcast %ge3A_3314 : f32 to vector<16xf32>
    %ge3A_3316 = arith.cmpf oge, %add3A_3281, %ge3A_3315 : vector<16xf32>
    %jit3A_3317 = arith.constant 7.812500e-03 : f32
    %broadcast_in_dim3A_3318 = vector.broadcast %jit3A_3317 : f32 to vector<16xf32>
    %select_n3A_3319 = arith.select %ge3A_3316, %broadcast_in_dim3A_3318, %select_n3A_3313 : vector<16xi1>, vector<16xf32>
    %ge3A_3320 = arith.constant 1.638400e+04 : f32
    %ge3A_3321 = vector.broadcast %ge3A_3320 : f32 to vector<16xf32>
    %ge3A_3322 = arith.cmpf oge, %add3A_3281, %ge3A_3321 : vector<16xf32>
    %jit3A_3323 = arith.constant 3.906250e-03 : f32
    %broadcast_in_dim3A_3324 = vector.broadcast %jit3A_3323 : f32 to vector<16xf32>
    %select_n3A_3325 = arith.select %ge3A_3322, %broadcast_in_dim3A_3324, %select_n3A_3319 : vector<16xi1>, vector<16xf32>
    %ge3A_3326 = arith.constant 6.553600e+04 : f32
    %ge3A_3327 = vector.broadcast %ge3A_3326 : f32 to vector<16xf32>
    %ge3A_3328 = arith.cmpf oge, %add3A_3281, %ge3A_3327 : vector<16xf32>
    %jit3A_3329 = arith.constant 0.001953125 : f32
    %broadcast_in_dim3A_3330 = vector.broadcast %jit3A_3329 : f32 to vector<16xf32>
    %select_n3A_3331 = arith.select %ge3A_3328, %broadcast_in_dim3A_3330, %select_n3A_3325 : vector<16xi1>, vector<16xf32>
    %ge3A_3332 = arith.constant 2.621440e+05 : f32
    %ge3A_3333 = vector.broadcast %ge3A_3332 : f32 to vector<16xf32>
    %ge3A_3334 = arith.cmpf oge, %add3A_3281, %ge3A_3333 : vector<16xf32>
    %jit3A_3335 = arith.constant 9.765625E-4 : f32
    %broadcast_in_dim3A_3336 = vector.broadcast %jit3A_3335 : f32 to vector<16xf32>
    %select_n3A_3337 = arith.select %ge3A_3334, %broadcast_in_dim3A_3336, %select_n3A_3331 : vector<16xi1>, vector<16xf32>
    %mul3A_3338 = arith.constant 5.000000e-01 : f32
    %mul3A_3339 = vector.broadcast %mul3A_3338 : f32 to vector<16xf32>
    %mul3A_3340 = arith.mulf %mul3A_3339, %add3A_3281 : vector<16xf32>
    %mul3A_3341 = arith.mulf %mul3A_3340, %select_n3A_3337 : vector<16xf32>
    %mul3A_3342 = arith.mulf %mul3A_3341, %select_n3A_3337 : vector<16xf32>
    %sub3A_3343 = arith.constant 1.500000e+00 : f32
    %sub3A_3344 = vector.broadcast %sub3A_3343 : f32 to vector<16xf32>
    %sub3A_3345 = arith.subf %sub3A_3344, %mul3A_3342 : vector<16xf32>
    %mul3A_3346 = arith.mulf %select_n3A_3337, %sub3A_3345 : vector<16xf32>
    %mul3A_3347 = arith.constant 5.000000e-01 : f32
    %mul3A_3348 = vector.broadcast %mul3A_3347 : f32 to vector<16xf32>
    %mul3A_3349 = arith.mulf %mul3A_3348, %add3A_3281 : vector<16xf32>
    %mul3A_3350 = arith.mulf %mul3A_3349, %mul3A_3346 : vector<16xf32>
    %mul3A_3351 = arith.mulf %mul3A_3350, %mul3A_3346 : vector<16xf32>
    %sub3A_3352 = arith.constant 1.500000e+00 : f32
    %sub3A_3353 = vector.broadcast %sub3A_3352 : f32 to vector<16xf32>
    %sub3A_3354 = arith.subf %sub3A_3353, %mul3A_3351 : vector<16xf32>
    %mul3A_3355 = arith.mulf %mul3A_3346, %sub3A_3354 : vector<16xf32>
    %mul3A_3356 = arith.constant 5.000000e-01 : f32
    %mul3A_3357 = vector.broadcast %mul3A_3356 : f32 to vector<16xf32>
    %mul3A_3358 = arith.mulf %mul3A_3357, %add3A_3281 : vector<16xf32>
    %mul3A_3359 = arith.mulf %mul3A_3358, %mul3A_3355 : vector<16xf32>
    %mul3A_3360 = arith.mulf %mul3A_3359, %mul3A_3355 : vector<16xf32>
    %sub3A_3361 = arith.constant 1.500000e+00 : f32
    %sub3A_3362 = vector.broadcast %sub3A_3361 : f32 to vector<16xf32>
    %sub3A_3363 = arith.subf %sub3A_3362, %mul3A_3360 : vector<16xf32>
    %mul3A_3364 = arith.mulf %mul3A_3355, %sub3A_3363 : vector<16xf32>
    %mul3A_3365 = arith.constant 5.000000e-01 : f32
    %mul3A_3366 = vector.broadcast %mul3A_3365 : f32 to vector<16xf32>
    %mul3A_3367 = arith.mulf %mul3A_3366, %add3A_3281 : vector<16xf32>
    %mul3A_3368 = arith.mulf %mul3A_3367, %mul3A_3364 : vector<16xf32>
    %mul3A_3369 = arith.mulf %mul3A_3368, %mul3A_3364 : vector<16xf32>
    %sub3A_3370 = arith.constant 1.500000e+00 : f32
    %sub3A_3371 = vector.broadcast %sub3A_3370 : f32 to vector<16xf32>
    %sub3A_3372 = arith.subf %sub3A_3371, %mul3A_3369 : vector<16xf32>
    %mul3A_3373 = arith.mulf %mul3A_3364, %sub3A_3372 : vector<16xf32>
    %mul3A_3374 = arith.constant 5.000000e-01 : f32
    %mul3A_3375 = vector.broadcast %mul3A_3374 : f32 to vector<16xf32>
    %mul3A_3376 = arith.mulf %mul3A_3375, %add3A_3281 : vector<16xf32>
    %mul3A_3377 = arith.mulf %mul3A_3376, %mul3A_3373 : vector<16xf32>
    %mul3A_3378 = arith.mulf %mul3A_3377, %mul3A_3373 : vector<16xf32>
    %sub3A_3379 = arith.constant 1.500000e+00 : f32
    %sub3A_3380 = vector.broadcast %sub3A_3379 : f32 to vector<16xf32>
    %sub3A_3381 = arith.subf %sub3A_3380, %mul3A_3378 : vector<16xf32>
    %mul3A_3382 = arith.mulf %mul3A_3373, %sub3A_3381 : vector<16xf32>
    %mul3A_3383 = arith.constant 5.000000e-01 : f32
    %mul3A_3384 = vector.broadcast %mul3A_3383 : f32 to vector<16xf32>
    %mul3A_3385 = arith.mulf %mul3A_3384, %add3A_3281 : vector<16xf32>
    %mul3A_3386 = arith.mulf %mul3A_3385, %mul3A_3382 : vector<16xf32>
    %mul3A_3387 = arith.mulf %mul3A_3386, %mul3A_3382 : vector<16xf32>
    %sub3A_3388 = arith.constant 1.500000e+00 : f32
    %sub3A_3389 = vector.broadcast %sub3A_3388 : f32 to vector<16xf32>
    %sub3A_3390 = arith.subf %sub3A_3389, %mul3A_3387 : vector<16xf32>
    %mul3A_3391 = arith.mulf %mul3A_3382, %sub3A_3390 : vector<16xf32>
    %swap3A_3392 = arith.constant 400 : index
    %swap3A_3393 = tpu.vector_load %arg10[%swap3A_3392] {strides = array<i32>} : memref<640xf32, #tpu.memory_space<vmem>>, vector<16xf32>,
    %swap3A_3394 = vector.shape_cast %swap3A_3393 : vector<16xf32> to vector<16xf32>
    %swap3A_3395 = vector.shape_cast %mul3A_3391 : vector<16xf32> to vector<16xf32>
    tpu.vector_store %arg10[%swap3A_3392], %swap3A_3395 {strides = array<i32>} : memref<640xf32, #tpu.memory_space<vmem>>, vector<16xf32>,
    %get3A_3396 = arith.constant 416 : index
    %get3A_3397 = tpu.vector_load %arg9[%get3A_3396] {strides = array<i32>} : memref<640xf32, #tpu.memory_space<vmem>>, vector<16xf32>,
    %get3A_3398 = vector.shape_cast %get3A_3397 : vector<16xf32> to vector<16xf32>
    %add3A_3399 = arith.constant 1.000000e+00 : f32
    %add3A_3400 = vector.broadcast %add3A_3399 : f32 to vector<16xf32>
    %add3A_3401 = arith.addf %get3A_3398, %add3A_3400 : vector<16xf32>
    %broadcast_in_dim3A_3402 = arith.constant 5.000000e-01 : f32
    %broadcast_in_dim3A_3403 = vector.broadcast %broadcast_in_dim3A_3402 : f32 to vector<16xf32>
    %ge3A_3404 = arith.constant 4.000000e+00 : f32
    %ge3A_3405 = vector.broadcast %ge3A_3404 : f32 to vector<16xf32>
    %ge3A_3406 = arith.cmpf oge, %add3A_3401, %ge3A_3405 : vector<16xf32>
    %jit3A_3407 = arith.constant 2.500000e-01 : f32
    %broadcast_in_dim3A_3408 = vector.broadcast %jit3A_3407 : f32 to vector<16xf32>
    %select_n3A_3409 = arith.select %ge3A_3406, %broadcast_in_dim3A_3408, %broadcast_in_dim3A_3403 : vector<16xi1>, vector<16xf32>
    %ge3A_3410 = arith.constant 1.600000e+01 : f32
    %ge3A_3411 = vector.broadcast %ge3A_3410 : f32 to vector<16xf32>
    %ge3A_3412 = arith.cmpf oge, %add3A_3401, %ge3A_3411 : vector<16xf32>
    %jit3A_3413 = arith.constant 1.250000e-01 : f32
    %broadcast_in_dim3A_3414 = vector.broadcast %jit3A_3413 : f32 to vector<16xf32>
    %select_n3A_3415 = arith.select %ge3A_3412, %broadcast_in_dim3A_3414, %select_n3A_3409 : vector<16xi1>, vector<16xf32>
    %ge3A_3416 = arith.constant 6.400000e+01 : f32
    %ge3A_3417 = vector.broadcast %ge3A_3416 : f32 to vector<16xf32>
    %ge3A_3418 = arith.cmpf oge, %add3A_3401, %ge3A_3417 : vector<16xf32>
    %jit3A_3419 = arith.constant 6.250000e-02 : f32
    %broadcast_in_dim3A_3420 = vector.broadcast %jit3A_3419 : f32 to vector<16xf32>
    %select_n3A_3421 = arith.select %ge3A_3418, %broadcast_in_dim3A_3420, %select_n3A_3415 : vector<16xi1>, vector<16xf32>
    %ge3A_3422 = arith.constant 2.560000e+02 : f32
    %ge3A_3423 = vector.broadcast %ge3A_3422 : f32 to vector<16xf32>
    %ge3A_3424 = arith.cmpf oge, %add3A_3401, %ge3A_3423 : vector<16xf32>
    %jit3A_3425 = arith.constant 3.125000e-02 : f32
    %broadcast_in_dim3A_3426 = vector.broadcast %jit3A_3425 : f32 to vector<16xf32>
    %select_n3A_3427 = arith.select %ge3A_3424, %broadcast_in_dim3A_3426, %select_n3A_3421 : vector<16xi1>, vector<16xf32>
    %ge3A_3428 = arith.constant 1.024000e+03 : f32
    %ge3A_3429 = vector.broadcast %ge3A_3428 : f32 to vector<16xf32>
    %ge3A_3430 = arith.cmpf oge, %add3A_3401, %ge3A_3429 : vector<16xf32>
    %jit3A_3431 = arith.constant 1.562500e-02 : f32
    %broadcast_in_dim3A_3432 = vector.broadcast %jit3A_3431 : f32 to vector<16xf32>
    %select_n3A_3433 = arith.select %ge3A_3430, %broadcast_in_dim3A_3432, %select_n3A_3427 : vector<16xi1>, vector<16xf32>
    %ge3A_3434 = arith.constant 4.096000e+03 : f32
    %ge3A_3435 = vector.broadcast %ge3A_3434 : f32 to vector<16xf32>
    %ge3A_3436 = arith.cmpf oge, %add3A_3401, %ge3A_3435 : vector<16xf32>
    %jit3A_3437 = arith.constant 7.812500e-03 : f32
    %broadcast_in_dim3A_3438 = vector.broadcast %jit3A_3437 : f32 to vector<16xf32>
    %select_n3A_3439 = arith.select %ge3A_3436, %broadcast_in_dim3A_3438, %select_n3A_3433 : vector<16xi1>, vector<16xf32>
    %ge3A_3440 = arith.constant 1.638400e+04 : f32
    %ge3A_3441 = vector.broadcast %ge3A_3440 : f32 to vector<16xf32>
    %ge3A_3442 = arith.cmpf oge, %add3A_3401, %ge3A_3441 : vector<16xf32>
    %jit3A_3443 = arith.constant 3.906250e-03 : f32
    %broadcast_in_dim3A_3444 = vector.broadcast %jit3A_3443 : f32 to vector<16xf32>
    %select_n3A_3445 = arith.select %ge3A_3442, %broadcast_in_dim3A_3444, %select_n3A_3439 : vector<16xi1>, vector<16xf32>
    %ge3A_3446 = arith.constant 6.553600e+04 : f32
    %ge3A_3447 = vector.broadcast %ge3A_3446 : f32 to vector<16xf32>
    %ge3A_3448 = arith.cmpf oge, %add3A_3401, %ge3A_3447 : vector<16xf32>
    %jit3A_3449 = arith.constant 0.001953125 : f32
    %broadcast_in_dim3A_3450 = vector.broadcast %jit3A_3449 : f32 to vector<16xf32>
    %select_n3A_3451 = arith.select %ge3A_3448, %broadcast_in_dim3A_3450, %select_n3A_3445 : vector<16xi1>, vector<16xf32>
    %ge3A_3452 = arith.constant 2.621440e+05 : f32
    %ge3A_3453 = vector.broadcast %ge3A_3452 : f32 to vector<16xf32>
    %ge3A_3454 = arith.cmpf oge, %add3A_3401, %ge3A_3453 : vector<16xf32>
    %jit3A_3455 = arith.constant 9.765625E-4 : f32
    %broadcast_in_dim3A_3456 = vector.broadcast %jit3A_3455 : f32 to vector<16xf32>
    %select_n3A_3457 = arith.select %ge3A_3454, %broadcast_in_dim3A_3456, %select_n3A_3451 : vector<16xi1>, vector<16xf32>
    %mul3A_3458 = arith.constant 5.000000e-01 : f32
    %mul3A_3459 = vector.broadcast %mul3A_3458 : f32 to vector<16xf32>
    %mul3A_3460 = arith.mulf %mul3A_3459, %add3A_3401 : vector<16xf32>
    %mul3A_3461 = arith.mulf %mul3A_3460, %select_n3A_3457 : vector<16xf32>
    %mul3A_3462 = arith.mulf %mul3A_3461, %select_n3A_3457 : vector<16xf32>
    %sub3A_3463 = arith.constant 1.500000e+00 : f32
    %sub3A_3464 = vector.broadcast %sub3A_3463 : f32 to vector<16xf32>
    %sub3A_3465 = arith.subf %sub3A_3464, %mul3A_3462 : vector<16xf32>
    %mul3A_3466 = arith.mulf %select_n3A_3457, %sub3A_3465 : vector<16xf32>
    %mul3A_3467 = arith.constant 5.000000e-01 : f32
    %mul3A_3468 = vector.broadcast %mul3A_3467 : f32 to vector<16xf32>
    %mul3A_3469 = arith.mulf %mul3A_3468, %add3A_3401 : vector<16xf32>
    %mul3A_3470 = arith.mulf %mul3A_3469, %mul3A_3466 : vector<16xf32>
    %mul3A_3471 = arith.mulf %mul3A_3470, %mul3A_3466 : vector<16xf32>
    %sub3A_3472 = arith.constant 1.500000e+00 : f32
    %sub3A_3473 = vector.broadcast %sub3A_3472 : f32 to vector<16xf32>
    %sub3A_3474 = arith.subf %sub3A_3473, %mul3A_3471 : vector<16xf32>
    %mul3A_3475 = arith.mulf %mul3A_3466, %sub3A_3474 : vector<16xf32>
    %mul3A_3476 = arith.constant 5.000000e-01 : f32
    %mul3A_3477 = vector.broadcast %mul3A_3476 : f32 to vector<16xf32>
    %mul3A_3478 = arith.mulf %mul3A_3477, %add3A_3401 : vector<16xf32>
    %mul3A_3479 = arith.mulf %mul3A_3478, %mul3A_3475 : vector<16xf32>
    %mul3A_3480 = arith.mulf %mul3A_3479, %mul3A_3475 : vector<16xf32>
    %sub3A_3481 = arith.constant 1.500000e+00 : f32
    %sub3A_3482 = vector.broadcast %sub3A_3481 : f32 to vector<16xf32>
    %sub3A_3483 = arith.subf %sub3A_3482, %mul3A_3480 : vector<16xf32>
    %mul3A_3484 = arith.mulf %mul3A_3475, %sub3A_3483 : vector<16xf32>
    %mul3A_3485 = arith.constant 5.000000e-01 : f32
    %mul3A_3486 = vector.broadcast %mul3A_3485 : f32 to vector<16xf32>
    %mul3A_3487 = arith.mulf %mul3A_3486, %add3A_3401 : vector<16xf32>
    %mul3A_3488 = arith.mulf %mul3A_3487, %mul3A_3484 : vector<16xf32>
    %mul3A_3489 = arith.mulf %mul3A_3488, %mul3A_3484 : vector<16xf32>
    %sub3A_3490 = arith.constant 1.500000e+00 : f32
    %sub3A_3491 = vector.broadcast %sub3A_3490 : f32 to vector<16xf32>
    %sub3A_3492 = arith.subf %sub3A_3491, %mul3A_3489 : vector<16xf32>
    %mul3A_3493 = arith.mulf %mul3A_3484, %sub3A_3492 : vector<16xf32>
    %mul3A_3494 = arith.constant 5.000000e-01 : f32
    %mul3A_3495 = vector.broadcast %mul3A_3494 : f32 to vector<16xf32>
    %mul3A_3496 = arith.mulf %mul3A_3495, %add3A_3401 : vector<16xf32>
    %mul3A_3497 = arith.mulf %mul3A_3496, %mul3A_3493 : vector<16xf32>
    %mul3A_3498 = arith.mulf %mul3A_3497, %mul3A_3493 : vector<16xf32>
    %sub3A_3499 = arith.constant 1.500000e+00 : f32
    %sub3A_3500 = vector.broadcast %sub3A_3499 : f32 to vector<16xf32>
    %sub3A_3501 = arith.subf %sub3A_3500, %mul3A_3498 : vector<16xf32>
    %mul3A_3502 = arith.mulf %mul3A_3493, %sub3A_3501 : vector<16xf32>
    %mul3A_3503 = arith.constant 5.000000e-01 : f32
    %mul3A_3504 = vector.broadcast %mul3A_3503 : f32 to vector<16xf32>
    %mul3A_3505 = arith.mulf %mul3A_3504, %add3A_3401 : vector<16xf32>
    %mul3A_3506 = arith.mulf %mul3A_3505, %mul3A_3502 : vector<16xf32>
    %mul3A_3507 = arith.mulf %mul3A_3506, %mul3A_3502 : vector<16xf32>
    %sub3A_3508 = arith.constant 1.500000e+00 : f32
    %sub3A_3509 = vector.broadcast %sub3A_3508 : f32 to vector<16xf32>
    %sub3A_3510 = arith.subf %sub3A_3509, %mul3A_3507 : vector<16xf32>
    %mul3A_3511 = arith.mulf %mul3A_3502, %sub3A_3510 : vector<16xf32>
    %swap3A_3512 = arith.constant 416 : index
    %swap3A_3513 = tpu.vector_load %arg10[%swap3A_3512] {strides = array<i32>} : memref<640xf32, #tpu.memory_space<vmem>>, vector<16xf32>,
    %swap3A_3514 = vector.shape_cast %swap3A_3513 : vector<16xf32> to vector<16xf32>
    %swap3A_3515 = vector.shape_cast %mul3A_3511 : vector<16xf32> to vector<16xf32>
    tpu.vector_store %arg10[%swap3A_3512], %swap3A_3515 {strides = array<i32>} : memref<640xf32, #tpu.memory_space<vmem>>, vector<16xf32>,
    %get3A_3516 = arith.constant 432 : index
    %get3A_3517 = tpu.vector_load %arg9[%get3A_3516] {strides = array<i32>} : memref<640xf32, #tpu.memory_space<vmem>>, vector<16xf32>,
    %get3A_3518 = vector.shape_cast %get3A_3517 : vector<16xf32> to vector<16xf32>
    %add3A_3519 = arith.constant 1.000000e+00 : f32
    %add3A_3520 = vector.broadcast %add3A_3519 : f32 to vector<16xf32>
    %add3A_3521 = arith.addf %get3A_3518, %add3A_3520 : vector<16xf32>
    %broadcast_in_dim3A_3522 = arith.constant 5.000000e-01 : f32
    %broadcast_in_dim3A_3523 = vector.broadcast %broadcast_in_dim3A_3522 : f32 to vector<16xf32>
    %ge3A_3524 = arith.constant 4.000000e+00 : f32
    %ge3A_3525 = vector.broadcast %ge3A_3524 : f32 to vector<16xf32>
    %ge3A_3526 = arith.cmpf oge, %add3A_3521, %ge3A_3525 : vector<16xf32>
    %jit3A_3527 = arith.constant 2.500000e-01 : f32
    %broadcast_in_dim3A_3528 = vector.broadcast %jit3A_3527 : f32 to vector<16xf32>
    %select_n3A_3529 = arith.select %ge3A_3526, %broadcast_in_dim3A_3528, %broadcast_in_dim3A_3523 : vector<16xi1>, vector<16xf32>
    %ge3A_3530 = arith.constant 1.600000e+01 : f32
    %ge3A_3531 = vector.broadcast %ge3A_3530 : f32 to vector<16xf32>
    %ge3A_3532 = arith.cmpf oge, %add3A_3521, %ge3A_3531 : vector<16xf32>
    %jit3A_3533 = arith.constant 1.250000e-01 : f32
    %broadcast_in_dim3A_3534 = vector.broadcast %jit3A_3533 : f32 to vector<16xf32>
    %select_n3A_3535 = arith.select %ge3A_3532, %broadcast_in_dim3A_3534, %select_n3A_3529 : vector<16xi1>, vector<16xf32>
    %ge3A_3536 = arith.constant 6.400000e+01 : f32
    %ge3A_3537 = vector.broadcast %ge3A_3536 : f32 to vector<16xf32>
    %ge3A_3538 = arith.cmpf oge, %add3A_3521, %ge3A_3537 : vector<16xf32>
    %jit3A_3539 = arith.constant 6.250000e-02 : f32
    %broadcast_in_dim3A_3540 = vector.broadcast %jit3A_3539 : f32 to vector<16xf32>
    %select_n3A_3541 = arith.select %ge3A_3538, %broadcast_in_dim3A_3540, %select_n3A_3535 : vector<16xi1>, vector<16xf32>
    %ge3A_3542 = arith.constant 2.560000e+02 : f32
    %ge3A_3543 = vector.broadcast %ge3A_3542 : f32 to vector<16xf32>
    %ge3A_3544 = arith.cmpf oge, %add3A_3521, %ge3A_3543 : vector<16xf32>
    %jit3A_3545 = arith.constant 3.125000e-02 : f32
    %broadcast_in_dim3A_3546 = vector.broadcast %jit3A_3545 : f32 to vector<16xf32>
    %select_n3A_3547 = arith.select %ge3A_3544, %broadcast_in_dim3A_3546, %select_n3A_3541 : vector<16xi1>, vector<16xf32>
    %ge3A_3548 = arith.constant 1.024000e+03 : f32
    %ge3A_3549 = vector.broadcast %ge3A_3548 : f32 to vector<16xf32>
    %ge3A_3550 = arith.cmpf oge, %add3A_3521, %ge3A_3549 : vector<16xf32>
    %jit3A_3551 = arith.constant 1.562500e-02 : f32
    %broadcast_in_dim3A_3552 = vector.broadcast %jit3A_3551 : f32 to vector<16xf32>
    %select_n3A_3553 = arith.select %ge3A_3550, %broadcast_in_dim3A_3552, %select_n3A_3547 : vector<16xi1>, vector<16xf32>
    %ge3A_3554 = arith.constant 4.096000e+03 : f32
    %ge3A_3555 = vector.broadcast %ge3A_3554 : f32 to vector<16xf32>
    %ge3A_3556 = arith.cmpf oge, %add3A_3521, %ge3A_3555 : vector<16xf32>
    %jit3A_3557 = arith.constant 7.812500e-03 : f32
    %broadcast_in_dim3A_3558 = vector.broadcast %jit3A_3557 : f32 to vector<16xf32>
    %select_n3A_3559 = arith.select %ge3A_3556, %broadcast_in_dim3A_3558, %select_n3A_3553 : vector<16xi1>, vector<16xf32>
    %ge3A_3560 = arith.constant 1.638400e+04 : f32
    %ge3A_3561 = vector.broadcast %ge3A_3560 : f32 to vector<16xf32>
    %ge3A_3562 = arith.cmpf oge, %add3A_3521, %ge3A_3561 : vector<16xf32>
    %jit3A_3563 = arith.constant 3.906250e-03 : f32
    %broadcast_in_dim3A_3564 = vector.broadcast %jit3A_3563 : f32 to vector<16xf32>
    %select_n3A_3565 = arith.select %ge3A_3562, %broadcast_in_dim3A_3564, %select_n3A_3559 : vector<16xi1>, vector<16xf32>
    %ge3A_3566 = arith.constant 6.553600e+04 : f32
    %ge3A_3567 = vector.broadcast %ge3A_3566 : f32 to vector<16xf32>
    %ge3A_3568 = arith.cmpf oge, %add3A_3521, %ge3A_3567 : vector<16xf32>
    %jit3A_3569 = arith.constant 0.001953125 : f32
    %broadcast_in_dim3A_3570 = vector.broadcast %jit3A_3569 : f32 to vector<16xf32>
    %select_n3A_3571 = arith.select %ge3A_3568, %broadcast_in_dim3A_3570, %select_n3A_3565 : vector<16xi1>, vector<16xf32>
    %ge3A_3572 = arith.constant 2.621440e+05 : f32
    %ge3A_3573 = vector.broadcast %ge3A_3572 : f32 to vector<16xf32>
    %ge3A_3574 = arith.cmpf oge, %add3A_3521, %ge3A_3573 : vector<16xf32>
    %jit3A_3575 = arith.constant 9.765625E-4 : f32
    %broadcast_in_dim3A_3576 = vector.broadcast %jit3A_3575 : f32 to vector<16xf32>
    %select_n3A_3577 = arith.select %ge3A_3574, %broadcast_in_dim3A_3576, %select_n3A_3571 : vector<16xi1>, vector<16xf32>
    %mul3A_3578 = arith.constant 5.000000e-01 : f32
    %mul3A_3579 = vector.broadcast %mul3A_3578 : f32 to vector<16xf32>
    %mul3A_3580 = arith.mulf %mul3A_3579, %add3A_3521 : vector<16xf32>
    %mul3A_3581 = arith.mulf %mul3A_3580, %select_n3A_3577 : vector<16xf32>
    %mul3A_3582 = arith.mulf %mul3A_3581, %select_n3A_3577 : vector<16xf32>
    %sub3A_3583 = arith.constant 1.500000e+00 : f32
    %sub3A_3584 = vector.broadcast %sub3A_3583 : f32 to vector<16xf32>
    %sub3A_3585 = arith.subf %sub3A_3584, %mul3A_3582 : vector<16xf32>
    %mul3A_3586 = arith.mulf %select_n3A_3577, %sub3A_3585 : vector<16xf32>
    %mul3A_3587 = arith.constant 5.000000e-01 : f32
    %mul3A_3588 = vector.broadcast %mul3A_3587 : f32 to vector<16xf32>
    %mul3A_3589 = arith.mulf %mul3A_3588, %add3A_3521 : vector<16xf32>
    %mul3A_3590 = arith.mulf %mul3A_3589, %mul3A_3586 : vector<16xf32>
    %mul3A_3591 = arith.mulf %mul3A_3590, %mul3A_3586 : vector<16xf32>
    %sub3A_3592 = arith.constant 1.500000e+00 : f32
    %sub3A_3593 = vector.broadcast %sub3A_3592 : f32 to vector<16xf32>
    %sub3A_3594 = arith.subf %sub3A_3593, %mul3A_3591 : vector<16xf32>
    %mul3A_3595 = arith.mulf %mul3A_3586, %sub3A_3594 : vector<16xf32>
    %mul3A_3596 = arith.constant 5.000000e-01 : f32
    %mul3A_3597 = vector.broadcast %mul3A_3596 : f32 to vector<16xf32>
    %mul3A_3598 = arith.mulf %mul3A_3597, %add3A_3521 : vector<16xf32>
    %mul3A_3599 = arith.mulf %mul3A_3598, %mul3A_3595 : vector<16xf32>
    %mul3A_3600 = arith.mulf %mul3A_3599, %mul3A_3595 : vector<16xf32>
    %sub3A_3601 = arith.constant 1.500000e+00 : f32
    %sub3A_3602 = vector.broadcast %sub3A_3601 : f32 to vector<16xf32>
    %sub3A_3603 = arith.subf %sub3A_3602, %mul3A_3600 : vector<16xf32>
    %mul3A_3604 = arith.mulf %mul3A_3595, %sub3A_3603 : vector<16xf32>
    %mul3A_3605 = arith.constant 5.000000e-01 : f32
    %mul3A_3606 = vector.broadcast %mul3A_3605 : f32 to vector<16xf32>
    %mul3A_3607 = arith.mulf %mul3A_3606, %add3A_3521 : vector<16xf32>
    %mul3A_3608 = arith.mulf %mul3A_3607, %mul3A_3604 : vector<16xf32>
    %mul3A_3609 = arith.mulf %mul3A_3608, %mul3A_3604 : vector<16xf32>
    %sub3A_3610 = arith.constant 1.500000e+00 : f32
    %sub3A_3611 = vector.broadcast %sub3A_3610 : f32 to vector<16xf32>
    %sub3A_3612 = arith.subf %sub3A_3611, %mul3A_3609 : vector<16xf32>
    %mul3A_3613 = arith.mulf %mul3A_3604, %sub3A_3612 : vector<16xf32>
    %mul3A_3614 = arith.constant 5.000000e-01 : f32
    %mul3A_3615 = vector.broadcast %mul3A_3614 : f32 to vector<16xf32>
    %mul3A_3616 = arith.mulf %mul3A_3615, %add3A_3521 : vector<16xf32>
    %mul3A_3617 = arith.mulf %mul3A_3616, %mul3A_3613 : vector<16xf32>
    %mul3A_3618 = arith.mulf %mul3A_3617, %mul3A_3613 : vector<16xf32>
    %sub3A_3619 = arith.constant 1.500000e+00 : f32
    %sub3A_3620 = vector.broadcast %sub3A_3619 : f32 to vector<16xf32>
    %sub3A_3621 = arith.subf %sub3A_3620, %mul3A_3618 : vector<16xf32>
    %mul3A_3622 = arith.mulf %mul3A_3613, %sub3A_3621 : vector<16xf32>
    %mul3A_3623 = arith.constant 5.000000e-01 : f32
    %mul3A_3624 = vector.broadcast %mul3A_3623 : f32 to vector<16xf32>
    %mul3A_3625 = arith.mulf %mul3A_3624, %add3A_3521 : vector<16xf32>
    %mul3A_3626 = arith.mulf %mul3A_3625, %mul3A_3622 : vector<16xf32>
    %mul3A_3627 = arith.mulf %mul3A_3626, %mul3A_3622 : vector<16xf32>
    %sub3A_3628 = arith.constant 1.500000e+00 : f32
    %sub3A_3629 = vector.broadcast %sub3A_3628 : f32 to vector<16xf32>
    %sub3A_3630 = arith.subf %sub3A_3629, %mul3A_3627 : vector<16xf32>
    %mul3A_3631 = arith.mulf %mul3A_3622, %sub3A_3630 : vector<16xf32>
    %swap3A_3632 = arith.constant 432 : index
    %swap3A_3633 = tpu.vector_load %arg10[%swap3A_3632] {strides = array<i32>} : memref<640xf32, #tpu.memory_space<vmem>>, vector<16xf32>,
    %swap3A_3634 = vector.shape_cast %swap3A_3633 : vector<16xf32> to vector<16xf32>
    %swap3A_3635 = vector.shape_cast %mul3A_3631 : vector<16xf32> to vector<16xf32>
    tpu.vector_store %arg10[%swap3A_3632], %swap3A_3635 {strides = array<i32>} : memref<640xf32, #tpu.memory_space<vmem>>, vector<16xf32>,
    %get3A_3636 = arith.constant 448 : index
    %get3A_3637 = tpu.vector_load %arg9[%get3A_3636] {strides = array<i32>} : memref<640xf32, #tpu.memory_space<vmem>>, vector<16xf32>,
    %get3A_3638 = vector.shape_cast %get3A_3637 : vector<16xf32> to vector<16xf32>
    %add3A_3639 = arith.constant 1.000000e+00 : f32
    %add3A_3640 = vector.broadcast %add3A_3639 : f32 to vector<16xf32>
    %add3A_3641 = arith.addf %get3A_3638, %add3A_3640 : vector<16xf32>
    %broadcast_in_dim3A_3642 = arith.constant 5.000000e-01 : f32
    %broadcast_in_dim3A_3643 = vector.broadcast %broadcast_in_dim3A_3642 : f32 to vector<16xf32>
    %ge3A_3644 = arith.constant 4.000000e+00 : f32
    %ge3A_3645 = vector.broadcast %ge3A_3644 : f32 to vector<16xf32>
    %ge3A_3646 = arith.cmpf oge, %add3A_3641, %ge3A_3645 : vector<16xf32>
    %jit3A_3647 = arith.constant 2.500000e-01 : f32
    %broadcast_in_dim3A_3648 = vector.broadcast %jit3A_3647 : f32 to vector<16xf32>
    %select_n3A_3649 = arith.select %ge3A_3646, %broadcast_in_dim3A_3648, %broadcast_in_dim3A_3643 : vector<16xi1>, vector<16xf32>
    %ge3A_3650 = arith.constant 1.600000e+01 : f32
    %ge3A_3651 = vector.broadcast %ge3A_3650 : f32 to vector<16xf32>
    %ge3A_3652 = arith.cmpf oge, %add3A_3641, %ge3A_3651 : vector<16xf32>
    %jit3A_3653 = arith.constant 1.250000e-01 : f32
    %broadcast_in_dim3A_3654 = vector.broadcast %jit3A_3653 : f32 to vector<16xf32>
    %select_n3A_3655 = arith.select %ge3A_3652, %broadcast_in_dim3A_3654, %select_n3A_3649 : vector<16xi1>, vector<16xf32>
    %ge3A_3656 = arith.constant 6.400000e+01 : f32
    %ge3A_3657 = vector.broadcast %ge3A_3656 : f32 to vector<16xf32>
    %ge3A_3658 = arith.cmpf oge, %add3A_3641, %ge3A_3657 : vector<16xf32>
    %jit3A_3659 = arith.constant 6.250000e-02 : f32
    %broadcast_in_dim3A_3660 = vector.broadcast %jit3A_3659 : f32 to vector<16xf32>
    %select_n3A_3661 = arith.select %ge3A_3658, %broadcast_in_dim3A_3660, %select_n3A_3655 : vector<16xi1>, vector<16xf32>
    %ge3A_3662 = arith.constant 2.560000e+02 : f32
    %ge3A_3663 = vector.broadcast %ge3A_3662 : f32 to vector<16xf32>
    %ge3A_3664 = arith.cmpf oge, %add3A_3641, %ge3A_3663 : vector<16xf32>
    %jit3A_3665 = arith.constant 3.125000e-02 : f32
    %broadcast_in_dim3A_3666 = vector.broadcast %jit3A_3665 : f32 to vector<16xf32>
    %select_n3A_3667 = arith.select %ge3A_3664, %broadcast_in_dim3A_3666, %select_n3A_3661 : vector<16xi1>, vector<16xf32>
    %ge3A_3668 = arith.constant 1.024000e+03 : f32
    %ge3A_3669 = vector.broadcast %ge3A_3668 : f32 to vector<16xf32>
    %ge3A_3670 = arith.cmpf oge, %add3A_3641, %ge3A_3669 : vector<16xf32>
    %jit3A_3671 = arith.constant 1.562500e-02 : f32
    %broadcast_in_dim3A_3672 = vector.broadcast %jit3A_3671 : f32 to vector<16xf32>
    %select_n3A_3673 = arith.select %ge3A_3670, %broadcast_in_dim3A_3672, %select_n3A_3667 : vector<16xi1>, vector<16xf32>
    %ge3A_3674 = arith.constant 4.096000e+03 : f32
    %ge3A_3675 = vector.broadcast %ge3A_3674 : f32 to vector<16xf32>
    %ge3A_3676 = arith.cmpf oge, %add3A_3641, %ge3A_3675 : vector<16xf32>
    %jit3A_3677 = arith.constant 7.812500e-03 : f32
    %broadcast_in_dim3A_3678 = vector.broadcast %jit3A_3677 : f32 to vector<16xf32>
    %select_n3A_3679 = arith.select %ge3A_3676, %broadcast_in_dim3A_3678, %select_n3A_3673 : vector<16xi1>, vector<16xf32>
    %ge3A_3680 = arith.constant 1.638400e+04 : f32
    %ge3A_3681 = vector.broadcast %ge3A_3680 : f32 to vector<16xf32>
    %ge3A_3682 = arith.cmpf oge, %add3A_3641, %ge3A_3681 : vector<16xf32>
    %jit3A_3683 = arith.constant 3.906250e-03 : f32
    %broadcast_in_dim3A_3684 = vector.broadcast %jit3A_3683 : f32 to vector<16xf32>
    %select_n3A_3685 = arith.select %ge3A_3682, %broadcast_in_dim3A_3684, %select_n3A_3679 : vector<16xi1>, vector<16xf32>
    %ge3A_3686 = arith.constant 6.553600e+04 : f32
    %ge3A_3687 = vector.broadcast %ge3A_3686 : f32 to vector<16xf32>
    %ge3A_3688 = arith.cmpf oge, %add3A_3641, %ge3A_3687 : vector<16xf32>
    %jit3A_3689 = arith.constant 0.001953125 : f32
    %broadcast_in_dim3A_3690 = vector.broadcast %jit3A_3689 : f32 to vector<16xf32>
    %select_n3A_3691 = arith.select %ge3A_3688, %broadcast_in_dim3A_3690, %select_n3A_3685 : vector<16xi1>, vector<16xf32>
    %ge3A_3692 = arith.constant 2.621440e+05 : f32
    %ge3A_3693 = vector.broadcast %ge3A_3692 : f32 to vector<16xf32>
    %ge3A_3694 = arith.cmpf oge, %add3A_3641, %ge3A_3693 : vector<16xf32>
    %jit3A_3695 = arith.constant 9.765625E-4 : f32
    %broadcast_in_dim3A_3696 = vector.broadcast %jit3A_3695 : f32 to vector<16xf32>
    %select_n3A_3697 = arith.select %ge3A_3694, %broadcast_in_dim3A_3696, %select_n3A_3691 : vector<16xi1>, vector<16xf32>
    %mul3A_3698 = arith.constant 5.000000e-01 : f32
    %mul3A_3699 = vector.broadcast %mul3A_3698 : f32 to vector<16xf32>
    %mul3A_3700 = arith.mulf %mul3A_3699, %add3A_3641 : vector<16xf32>
    %mul3A_3701 = arith.mulf %mul3A_3700, %select_n3A_3697 : vector<16xf32>
    %mul3A_3702 = arith.mulf %mul3A_3701, %select_n3A_3697 : vector<16xf32>
    %sub3A_3703 = arith.constant 1.500000e+00 : f32
    %sub3A_3704 = vector.broadcast %sub3A_3703 : f32 to vector<16xf32>
    %sub3A_3705 = arith.subf %sub3A_3704, %mul3A_3702 : vector<16xf32>
    %mul3A_3706 = arith.mulf %select_n3A_3697, %sub3A_3705 : vector<16xf32>
    %mul3A_3707 = arith.constant 5.000000e-01 : f32
    %mul3A_3708 = vector.broadcast %mul3A_3707 : f32 to vector<16xf32>
    %mul3A_3709 = arith.mulf %mul3A_3708, %add3A_3641 : vector<16xf32>
    %mul3A_3710 = arith.mulf %mul3A_3709, %mul3A_3706 : vector<16xf32>
    %mul3A_3711 = arith.mulf %mul3A_3710, %mul3A_3706 : vector<16xf32>
    %sub3A_3712 = arith.constant 1.500000e+00 : f32
    %sub3A_3713 = vector.broadcast %sub3A_3712 : f32 to vector<16xf32>
    %sub3A_3714 = arith.subf %sub3A_3713, %mul3A_3711 : vector<16xf32>
    %mul3A_3715 = arith.mulf %mul3A_3706, %sub3A_3714 : vector<16xf32>
    %mul3A_3716 = arith.constant 5.000000e-01 : f32
    %mul3A_3717 = vector.broadcast %mul3A_3716 : f32 to vector<16xf32>
    %mul3A_3718 = arith.mulf %mul3A_3717, %add3A_3641 : vector<16xf32>
    %mul3A_3719 = arith.mulf %mul3A_3718, %mul3A_3715 : vector<16xf32>
    %mul3A_3720 = arith.mulf %mul3A_3719, %mul3A_3715 : vector<16xf32>
    %sub3A_3721 = arith.constant 1.500000e+00 : f32
    %sub3A_3722 = vector.broadcast %sub3A_3721 : f32 to vector<16xf32>
    %sub3A_3723 = arith.subf %sub3A_3722, %mul3A_3720 : vector<16xf32>
    %mul3A_3724 = arith.mulf %mul3A_3715, %sub3A_3723 : vector<16xf32>
    %mul3A_3725 = arith.constant 5.000000e-01 : f32
    %mul3A_3726 = vector.broadcast %mul3A_3725 : f32 to vector<16xf32>
    %mul3A_3727 = arith.mulf %mul3A_3726, %add3A_3641 : vector<16xf32>
    %mul3A_3728 = arith.mulf %mul3A_3727, %mul3A_3724 : vector<16xf32>
    %mul3A_3729 = arith.mulf %mul3A_3728, %mul3A_3724 : vector<16xf32>
    %sub3A_3730 = arith.constant 1.500000e+00 : f32
    %sub3A_3731 = vector.broadcast %sub3A_3730 : f32 to vector<16xf32>
    %sub3A_3732 = arith.subf %sub3A_3731, %mul3A_3729 : vector<16xf32>
    %mul3A_3733 = arith.mulf %mul3A_3724, %sub3A_3732 : vector<16xf32>
    %mul3A_3734 = arith.constant 5.000000e-01 : f32
    %mul3A_3735 = vector.broadcast %mul3A_3734 : f32 to vector<16xf32>
    %mul3A_3736 = arith.mulf %mul3A_3735, %add3A_3641 : vector<16xf32>
    %mul3A_3737 = arith.mulf %mul3A_3736, %mul3A_3733 : vector<16xf32>
    %mul3A_3738 = arith.mulf %mul3A_3737, %mul3A_3733 : vector<16xf32>
    %sub3A_3739 = arith.constant 1.500000e+00 : f32
    %sub3A_3740 = vector.broadcast %sub3A_3739 : f32 to vector<16xf32>
    %sub3A_3741 = arith.subf %sub3A_3740, %mul3A_3738 : vector<16xf32>
    %mul3A_3742 = arith.mulf %mul3A_3733, %sub3A_3741 : vector<16xf32>
    %mul3A_3743 = arith.constant 5.000000e-01 : f32
    %mul3A_3744 = vector.broadcast %mul3A_3743 : f32 to vector<16xf32>
    %mul3A_3745 = arith.mulf %mul3A_3744, %add3A_3641 : vector<16xf32>
    %mul3A_3746 = arith.mulf %mul3A_3745, %mul3A_3742 : vector<16xf32>
    %mul3A_3747 = arith.mulf %mul3A_3746, %mul3A_3742 : vector<16xf32>
    %sub3A_3748 = arith.constant 1.500000e+00 : f32
    %sub3A_3749 = vector.broadcast %sub3A_3748 : f32 to vector<16xf32>
    %sub3A_3750 = arith.subf %sub3A_3749, %mul3A_3747 : vector<16xf32>
    %mul3A_3751 = arith.mulf %mul3A_3742, %sub3A_3750 : vector<16xf32>
    %swap3A_3752 = arith.constant 448 : index
    %swap3A_3753 = tpu.vector_load %arg10[%swap3A_3752] {strides = array<i32>} : memref<640xf32, #tpu.memory_space<vmem>>, vector<16xf32>,
    %swap3A_3754 = vector.shape_cast %swap3A_3753 : vector<16xf32> to vector<16xf32>
    %swap3A_3755 = vector.shape_cast %mul3A_3751 : vector<16xf32> to vector<16xf32>
    tpu.vector_store %arg10[%swap3A_3752], %swap3A_3755 {strides = array<i32>} : memref<640xf32, #tpu.memory_space<vmem>>, vector<16xf32>,
    %get3A_3756 = arith.constant 464 : index
    %get3A_3757 = tpu.vector_load %arg9[%get3A_3756] {strides = array<i32>} : memref<640xf32, #tpu.memory_space<vmem>>, vector<16xf32>,
    %get3A_3758 = vector.shape_cast %get3A_3757 : vector<16xf32> to vector<16xf32>
    %add3A_3759 = arith.constant 1.000000e+00 : f32
    %add3A_3760 = vector.broadcast %add3A_3759 : f32 to vector<16xf32>
    %add3A_3761 = arith.addf %get3A_3758, %add3A_3760 : vector<16xf32>
    %broadcast_in_dim3A_3762 = arith.constant 5.000000e-01 : f32
    %broadcast_in_dim3A_3763 = vector.broadcast %broadcast_in_dim3A_3762 : f32 to vector<16xf32>
    %ge3A_3764 = arith.constant 4.000000e+00 : f32
    %ge3A_3765 = vector.broadcast %ge3A_3764 : f32 to vector<16xf32>
    %ge3A_3766 = arith.cmpf oge, %add3A_3761, %ge3A_3765 : vector<16xf32>
    %jit3A_3767 = arith.constant 2.500000e-01 : f32
    %broadcast_in_dim3A_3768 = vector.broadcast %jit3A_3767 : f32 to vector<16xf32>
    %select_n3A_3769 = arith.select %ge3A_3766, %broadcast_in_dim3A_3768, %broadcast_in_dim3A_3763 : vector<16xi1>, vector<16xf32>
    %ge3A_3770 = arith.constant 1.600000e+01 : f32
    %ge3A_3771 = vector.broadcast %ge3A_3770 : f32 to vector<16xf32>
    %ge3A_3772 = arith.cmpf oge, %add3A_3761, %ge3A_3771 : vector<16xf32>
    %jit3A_3773 = arith.constant 1.250000e-01 : f32
    %broadcast_in_dim3A_3774 = vector.broadcast %jit3A_3773 : f32 to vector<16xf32>
    %select_n3A_3775 = arith.select %ge3A_3772, %broadcast_in_dim3A_3774, %select_n3A_3769 : vector<16xi1>, vector<16xf32>
    %ge3A_3776 = arith.constant 6.400000e+01 : f32
    %ge3A_3777 = vector.broadcast %ge3A_3776 : f32 to vector<16xf32>
    %ge3A_3778 = arith.cmpf oge, %add3A_3761, %ge3A_3777 : vector<16xf32>
    %jit3A_3779 = arith.constant 6.250000e-02 : f32
    %broadcast_in_dim3A_3780 = vector.broadcast %jit3A_3779 : f32 to vector<16xf32>
    %select_n3A_3781 = arith.select %ge3A_3778, %broadcast_in_dim3A_3780, %select_n3A_3775 : vector<16xi1>, vector<16xf32>
    %ge3A_3782 = arith.constant 2.560000e+02 : f32
    %ge3A_3783 = vector.broadcast %ge3A_3782 : f32 to vector<16xf32>
    %ge3A_3784 = arith.cmpf oge, %add3A_3761, %ge3A_3783 : vector<16xf32>
    %jit3A_3785 = arith.constant 3.125000e-02 : f32
    %broadcast_in_dim3A_3786 = vector.broadcast %jit3A_3785 : f32 to vector<16xf32>
    %select_n3A_3787 = arith.select %ge3A_3784, %broadcast_in_dim3A_3786, %select_n3A_3781 : vector<16xi1>, vector<16xf32>
    %ge3A_3788 = arith.constant 1.024000e+03 : f32
    %ge3A_3789 = vector.broadcast %ge3A_3788 : f32 to vector<16xf32>
    %ge3A_3790 = arith.cmpf oge, %add3A_3761, %ge3A_3789 : vector<16xf32>
    %jit3A_3791 = arith.constant 1.562500e-02 : f32
    %broadcast_in_dim3A_3792 = vector.broadcast %jit3A_3791 : f32 to vector<16xf32>
    %select_n3A_3793 = arith.select %ge3A_3790, %broadcast_in_dim3A_3792, %select_n3A_3787 : vector<16xi1>, vector<16xf32>
    %ge3A_3794 = arith.constant 4.096000e+03 : f32
    %ge3A_3795 = vector.broadcast %ge3A_3794 : f32 to vector<16xf32>
    %ge3A_3796 = arith.cmpf oge, %add3A_3761, %ge3A_3795 : vector<16xf32>
    %jit3A_3797 = arith.constant 7.812500e-03 : f32
    %broadcast_in_dim3A_3798 = vector.broadcast %jit3A_3797 : f32 to vector<16xf32>
    %select_n3A_3799 = arith.select %ge3A_3796, %broadcast_in_dim3A_3798, %select_n3A_3793 : vector<16xi1>, vector<16xf32>
    %ge3A_3800 = arith.constant 1.638400e+04 : f32
    %ge3A_3801 = vector.broadcast %ge3A_3800 : f32 to vector<16xf32>
    %ge3A_3802 = arith.cmpf oge, %add3A_3761, %ge3A_3801 : vector<16xf32>
    %jit3A_3803 = arith.constant 3.906250e-03 : f32
    %broadcast_in_dim3A_3804 = vector.broadcast %jit3A_3803 : f32 to vector<16xf32>
    %select_n3A_3805 = arith.select %ge3A_3802, %broadcast_in_dim3A_3804, %select_n3A_3799 : vector<16xi1>, vector<16xf32>
    %ge3A_3806 = arith.constant 6.553600e+04 : f32
    %ge3A_3807 = vector.broadcast %ge3A_3806 : f32 to vector<16xf32>
    %ge3A_3808 = arith.cmpf oge, %add3A_3761, %ge3A_3807 : vector<16xf32>
    %jit3A_3809 = arith.constant 0.001953125 : f32
    %broadcast_in_dim3A_3810 = vector.broadcast %jit3A_3809 : f32 to vector<16xf32>
    %select_n3A_3811 = arith.select %ge3A_3808, %broadcast_in_dim3A_3810, %select_n3A_3805 : vector<16xi1>, vector<16xf32>
    %ge3A_3812 = arith.constant 2.621440e+05 : f32
    %ge3A_3813 = vector.broadcast %ge3A_3812 : f32 to vector<16xf32>
    %ge3A_3814 = arith.cmpf oge, %add3A_3761, %ge3A_3813 : vector<16xf32>
    %jit3A_3815 = arith.constant 9.765625E-4 : f32
    %broadcast_in_dim3A_3816 = vector.broadcast %jit3A_3815 : f32 to vector<16xf32>
    %select_n3A_3817 = arith.select %ge3A_3814, %broadcast_in_dim3A_3816, %select_n3A_3811 : vector<16xi1>, vector<16xf32>
    %mul3A_3818 = arith.constant 5.000000e-01 : f32
    %mul3A_3819 = vector.broadcast %mul3A_3818 : f32 to vector<16xf32>
    %mul3A_3820 = arith.mulf %mul3A_3819, %add3A_3761 : vector<16xf32>
    %mul3A_3821 = arith.mulf %mul3A_3820, %select_n3A_3817 : vector<16xf32>
    %mul3A_3822 = arith.mulf %mul3A_3821, %select_n3A_3817 : vector<16xf32>
    %sub3A_3823 = arith.constant 1.500000e+00 : f32
    %sub3A_3824 = vector.broadcast %sub3A_3823 : f32 to vector<16xf32>
    %sub3A_3825 = arith.subf %sub3A_3824, %mul3A_3822 : vector<16xf32>
    %mul3A_3826 = arith.mulf %select_n3A_3817, %sub3A_3825 : vector<16xf32>
    %mul3A_3827 = arith.constant 5.000000e-01 : f32
    %mul3A_3828 = vector.broadcast %mul3A_3827 : f32 to vector<16xf32>
    %mul3A_3829 = arith.mulf %mul3A_3828, %add3A_3761 : vector<16xf32>
    %mul3A_3830 = arith.mulf %mul3A_3829, %mul3A_3826 : vector<16xf32>
    %mul3A_3831 = arith.mulf %mul3A_3830, %mul3A_3826 : vector<16xf32>
    %sub3A_3832 = arith.constant 1.500000e+00 : f32
    %sub3A_3833 = vector.broadcast %sub3A_3832 : f32 to vector<16xf32>
    %sub3A_3834 = arith.subf %sub3A_3833, %mul3A_3831 : vector<16xf32>
    %mul3A_3835 = arith.mulf %mul3A_3826, %sub3A_3834 : vector<16xf32>
    %mul3A_3836 = arith.constant 5.000000e-01 : f32
    %mul3A_3837 = vector.broadcast %mul3A_3836 : f32 to vector<16xf32>
    %mul3A_3838 = arith.mulf %mul3A_3837, %add3A_3761 : vector<16xf32>
    %mul3A_3839 = arith.mulf %mul3A_3838, %mul3A_3835 : vector<16xf32>
    %mul3A_3840 = arith.mulf %mul3A_3839, %mul3A_3835 : vector<16xf32>
    %sub3A_3841 = arith.constant 1.500000e+00 : f32
    %sub3A_3842 = vector.broadcast %sub3A_3841 : f32 to vector<16xf32>
    %sub3A_3843 = arith.subf %sub3A_3842, %mul3A_3840 : vector<16xf32>
    %mul3A_3844 = arith.mulf %mul3A_3835, %sub3A_3843 : vector<16xf32>
    %mul3A_3845 = arith.constant 5.000000e-01 : f32
    %mul3A_3846 = vector.broadcast %mul3A_3845 : f32 to vector<16xf32>
    %mul3A_3847 = arith.mulf %mul3A_3846, %add3A_3761 : vector<16xf32>
    %mul3A_3848 = arith.mulf %mul3A_3847, %mul3A_3844 : vector<16xf32>
    %mul3A_3849 = arith.mulf %mul3A_3848, %mul3A_3844 : vector<16xf32>
    %sub3A_3850 = arith.constant 1.500000e+00 : f32
    %sub3A_3851 = vector.broadcast %sub3A_3850 : f32 to vector<16xf32>
    %sub3A_3852 = arith.subf %sub3A_3851, %mul3A_3849 : vector<16xf32>
    %mul3A_3853 = arith.mulf %mul3A_3844, %sub3A_3852 : vector<16xf32>
    %mul3A_3854 = arith.constant 5.000000e-01 : f32
    %mul3A_3855 = vector.broadcast %mul3A_3854 : f32 to vector<16xf32>
    %mul3A_3856 = arith.mulf %mul3A_3855, %add3A_3761 : vector<16xf32>
    %mul3A_3857 = arith.mulf %mul3A_3856, %mul3A_3853 : vector<16xf32>
    %mul3A_3858 = arith.mulf %mul3A_3857, %mul3A_3853 : vector<16xf32>
    %sub3A_3859 = arith.constant 1.500000e+00 : f32
    %sub3A_3860 = vector.broadcast %sub3A_3859 : f32 to vector<16xf32>
    %sub3A_3861 = arith.subf %sub3A_3860, %mul3A_3858 : vector<16xf32>
    %mul3A_3862 = arith.mulf %mul3A_3853, %sub3A_3861 : vector<16xf32>
    %mul3A_3863 = arith.constant 5.000000e-01 : f32
    %mul3A_3864 = vector.broadcast %mul3A_3863 : f32 to vector<16xf32>
    %mul3A_3865 = arith.mulf %mul3A_3864, %add3A_3761 : vector<16xf32>
    %mul3A_3866 = arith.mulf %mul3A_3865, %mul3A_3862 : vector<16xf32>
    %mul3A_3867 = arith.mulf %mul3A_3866, %mul3A_3862 : vector<16xf32>
    %sub3A_3868 = arith.constant 1.500000e+00 : f32
    %sub3A_3869 = vector.broadcast %sub3A_3868 : f32 to vector<16xf32>
    %sub3A_3870 = arith.subf %sub3A_3869, %mul3A_3867 : vector<16xf32>
    %mul3A_3871 = arith.mulf %mul3A_3862, %sub3A_3870 : vector<16xf32>
    %swap3A_3872 = arith.constant 464 : index
    %swap3A_3873 = tpu.vector_load %arg10[%swap3A_3872] {strides = array<i32>} : memref<640xf32, #tpu.memory_space<vmem>>, vector<16xf32>,
    %swap3A_3874 = vector.shape_cast %swap3A_3873 : vector<16xf32> to vector<16xf32>
    %swap3A_3875 = vector.shape_cast %mul3A_3871 : vector<16xf32> to vector<16xf32>
    tpu.vector_store %arg10[%swap3A_3872], %swap3A_3875 {strides = array<i32>} : memref<640xf32, #tpu.memory_space<vmem>>, vector<16xf32>,
    %get3A_3876 = arith.constant 480 : index
    %get3A_3877 = tpu.vector_load %arg9[%get3A_3876] {strides = array<i32>} : memref<640xf32, #tpu.memory_space<vmem>>, vector<16xf32>,
    %get3A_3878 = vector.shape_cast %get3A_3877 : vector<16xf32> to vector<16xf32>
    %add3A_3879 = arith.constant 1.000000e+00 : f32
    %add3A_3880 = vector.broadcast %add3A_3879 : f32 to vector<16xf32>
    %add3A_3881 = arith.addf %get3A_3878, %add3A_3880 : vector<16xf32>
    %broadcast_in_dim3A_3882 = arith.constant 5.000000e-01 : f32
    %broadcast_in_dim3A_3883 = vector.broadcast %broadcast_in_dim3A_3882 : f32 to vector<16xf32>
    %ge3A_3884 = arith.constant 4.000000e+00 : f32
    %ge3A_3885 = vector.broadcast %ge3A_3884 : f32 to vector<16xf32>
    %ge3A_3886 = arith.cmpf oge, %add3A_3881, %ge3A_3885 : vector<16xf32>
    %jit3A_3887 = arith.constant 2.500000e-01 : f32
    %broadcast_in_dim3A_3888 = vector.broadcast %jit3A_3887 : f32 to vector<16xf32>
    %select_n3A_3889 = arith.select %ge3A_3886, %broadcast_in_dim3A_3888, %broadcast_in_dim3A_3883 : vector<16xi1>, vector<16xf32>
    %ge3A_3890 = arith.constant 1.600000e+01 : f32
    %ge3A_3891 = vector.broadcast %ge3A_3890 : f32 to vector<16xf32>
    %ge3A_3892 = arith.cmpf oge, %add3A_3881, %ge3A_3891 : vector<16xf32>
    %jit3A_3893 = arith.constant 1.250000e-01 : f32
    %broadcast_in_dim3A_3894 = vector.broadcast %jit3A_3893 : f32 to vector<16xf32>
    %select_n3A_3895 = arith.select %ge3A_3892, %broadcast_in_dim3A_3894, %select_n3A_3889 : vector<16xi1>, vector<16xf32>
    %ge3A_3896 = arith.constant 6.400000e+01 : f32
    %ge3A_3897 = vector.broadcast %ge3A_3896 : f32 to vector<16xf32>
    %ge3A_3898 = arith.cmpf oge, %add3A_3881, %ge3A_3897 : vector<16xf32>
    %jit3A_3899 = arith.constant 6.250000e-02 : f32
    %broadcast_in_dim3A_3900 = vector.broadcast %jit3A_3899 : f32 to vector<16xf32>
    %select_n3A_3901 = arith.select %ge3A_3898, %broadcast_in_dim3A_3900, %select_n3A_3895 : vector<16xi1>, vector<16xf32>
    %ge3A_3902 = arith.constant 2.560000e+02 : f32
    %ge3A_3903 = vector.broadcast %ge3A_3902 : f32 to vector<16xf32>
    %ge3A_3904 = arith.cmpf oge, %add3A_3881, %ge3A_3903 : vector<16xf32>
    %jit3A_3905 = arith.constant 3.125000e-02 : f32
    %broadcast_in_dim3A_3906 = vector.broadcast %jit3A_3905 : f32 to vector<16xf32>
    %select_n3A_3907 = arith.select %ge3A_3904, %broadcast_in_dim3A_3906, %select_n3A_3901 : vector<16xi1>, vector<16xf32>
    %ge3A_3908 = arith.constant 1.024000e+03 : f32
    %ge3A_3909 = vector.broadcast %ge3A_3908 : f32 to vector<16xf32>
    %ge3A_3910 = arith.cmpf oge, %add3A_3881, %ge3A_3909 : vector<16xf32>
    %jit3A_3911 = arith.constant 1.562500e-02 : f32
    %broadcast_in_dim3A_3912 = vector.broadcast %jit3A_3911 : f32 to vector<16xf32>
    %select_n3A_3913 = arith.select %ge3A_3910, %broadcast_in_dim3A_3912, %select_n3A_3907 : vector<16xi1>, vector<16xf32>
    %ge3A_3914 = arith.constant 4.096000e+03 : f32
    %ge3A_3915 = vector.broadcast %ge3A_3914 : f32 to vector<16xf32>
    %ge3A_3916 = arith.cmpf oge, %add3A_3881, %ge3A_3915 : vector<16xf32>
    %jit3A_3917 = arith.constant 7.812500e-03 : f32
    %broadcast_in_dim3A_3918 = vector.broadcast %jit3A_3917 : f32 to vector<16xf32>
    %select_n3A_3919 = arith.select %ge3A_3916, %broadcast_in_dim3A_3918, %select_n3A_3913 : vector<16xi1>, vector<16xf32>
    %ge3A_3920 = arith.constant 1.638400e+04 : f32
    %ge3A_3921 = vector.broadcast %ge3A_3920 : f32 to vector<16xf32>
    %ge3A_3922 = arith.cmpf oge, %add3A_3881, %ge3A_3921 : vector<16xf32>
    %jit3A_3923 = arith.constant 3.906250e-03 : f32
    %broadcast_in_dim3A_3924 = vector.broadcast %jit3A_3923 : f32 to vector<16xf32>
    %select_n3A_3925 = arith.select %ge3A_3922, %broadcast_in_dim3A_3924, %select_n3A_3919 : vector<16xi1>, vector<16xf32>
    %ge3A_3926 = arith.constant 6.553600e+04 : f32
    %ge3A_3927 = vector.broadcast %ge3A_3926 : f32 to vector<16xf32>
    %ge3A_3928 = arith.cmpf oge, %add3A_3881, %ge3A_3927 : vector<16xf32>
    %jit3A_3929 = arith.constant 0.001953125 : f32
    %broadcast_in_dim3A_3930 = vector.broadcast %jit3A_3929 : f32 to vector<16xf32>
    %select_n3A_3931 = arith.select %ge3A_3928, %broadcast_in_dim3A_3930, %select_n3A_3925 : vector<16xi1>, vector<16xf32>
    %ge3A_3932 = arith.constant 2.621440e+05 : f32
    %ge3A_3933 = vector.broadcast %ge3A_3932 : f32 to vector<16xf32>
    %ge3A_3934 = arith.cmpf oge, %add3A_3881, %ge3A_3933 : vector<16xf32>
    %jit3A_3935 = arith.constant 9.765625E-4 : f32
    %broadcast_in_dim3A_3936 = vector.broadcast %jit3A_3935 : f32 to vector<16xf32>
    %select_n3A_3937 = arith.select %ge3A_3934, %broadcast_in_dim3A_3936, %select_n3A_3931 : vector<16xi1>, vector<16xf32>
    %mul3A_3938 = arith.constant 5.000000e-01 : f32
    %mul3A_3939 = vector.broadcast %mul3A_3938 : f32 to vector<16xf32>
    %mul3A_3940 = arith.mulf %mul3A_3939, %add3A_3881 : vector<16xf32>
    %mul3A_3941 = arith.mulf %mul3A_3940, %select_n3A_3937 : vector<16xf32>
    %mul3A_3942 = arith.mulf %mul3A_3941, %select_n3A_3937 : vector<16xf32>
    %sub3A_3943 = arith.constant 1.500000e+00 : f32
    %sub3A_3944 = vector.broadcast %sub3A_3943 : f32 to vector<16xf32>
    %sub3A_3945 = arith.subf %sub3A_3944, %mul3A_3942 : vector<16xf32>
    %mul3A_3946 = arith.mulf %select_n3A_3937, %sub3A_3945 : vector<16xf32>
    %mul3A_3947 = arith.constant 5.000000e-01 : f32
    %mul3A_3948 = vector.broadcast %mul3A_3947 : f32 to vector<16xf32>
    %mul3A_3949 = arith.mulf %mul3A_3948, %add3A_3881 : vector<16xf32>
    %mul3A_3950 = arith.mulf %mul3A_3949, %mul3A_3946 : vector<16xf32>
    %mul3A_3951 = arith.mulf %mul3A_3950, %mul3A_3946 : vector<16xf32>
    %sub3A_3952 = arith.constant 1.500000e+00 : f32
    %sub3A_3953 = vector.broadcast %sub3A_3952 : f32 to vector<16xf32>
    %sub3A_3954 = arith.subf %sub3A_3953, %mul3A_3951 : vector<16xf32>
    %mul3A_3955 = arith.mulf %mul3A_3946, %sub3A_3954 : vector<16xf32>
    %mul3A_3956 = arith.constant 5.000000e-01 : f32
    %mul3A_3957 = vector.broadcast %mul3A_3956 : f32 to vector<16xf32>
    %mul3A_3958 = arith.mulf %mul3A_3957, %add3A_3881 : vector<16xf32>
    %mul3A_3959 = arith.mulf %mul3A_3958, %mul3A_3955 : vector<16xf32>
    %mul3A_3960 = arith.mulf %mul3A_3959, %mul3A_3955 : vector<16xf32>
    %sub3A_3961 = arith.constant 1.500000e+00 : f32
    %sub3A_3962 = vector.broadcast %sub3A_3961 : f32 to vector<16xf32>
    %sub3A_3963 = arith.subf %sub3A_3962, %mul3A_3960 : vector<16xf32>
    %mul3A_3964 = arith.mulf %mul3A_3955, %sub3A_3963 : vector<16xf32>
    %mul3A_3965 = arith.constant 5.000000e-01 : f32
    %mul3A_3966 = vector.broadcast %mul3A_3965 : f32 to vector<16xf32>
    %mul3A_3967 = arith.mulf %mul3A_3966, %add3A_3881 : vector<16xf32>
    %mul3A_3968 = arith.mulf %mul3A_3967, %mul3A_3964 : vector<16xf32>
    %mul3A_3969 = arith.mulf %mul3A_3968, %mul3A_3964 : vector<16xf32>
    %sub3A_3970 = arith.constant 1.500000e+00 : f32
    %sub3A_3971 = vector.broadcast %sub3A_3970 : f32 to vector<16xf32>
    %sub3A_3972 = arith.subf %sub3A_3971, %mul3A_3969 : vector<16xf32>
    %mul3A_3973 = arith.mulf %mul3A_3964, %sub3A_3972 : vector<16xf32>
    %mul3A_3974 = arith.constant 5.000000e-01 : f32
    %mul3A_3975 = vector.broadcast %mul3A_3974 : f32 to vector<16xf32>
    %mul3A_3976 = arith.mulf %mul3A_3975, %add3A_3881 : vector<16xf32>
    %mul3A_3977 = arith.mulf %mul3A_3976, %mul3A_3973 : vector<16xf32>
    %mul3A_3978 = arith.mulf %mul3A_3977, %mul3A_3973 : vector<16xf32>
    %sub3A_3979 = arith.constant 1.500000e+00 : f32
    %sub3A_3980 = vector.broadcast %sub3A_3979 : f32 to vector<16xf32>
    %sub3A_3981 = arith.subf %sub3A_3980, %mul3A_3978 : vector<16xf32>
    %mul3A_3982 = arith.mulf %mul3A_3973, %sub3A_3981 : vector<16xf32>
    %mul3A_3983 = arith.constant 5.000000e-01 : f32
    %mul3A_3984 = vector.broadcast %mul3A_3983 : f32 to vector<16xf32>
    %mul3A_3985 = arith.mulf %mul3A_3984, %add3A_3881 : vector<16xf32>
    %mul3A_3986 = arith.mulf %mul3A_3985, %mul3A_3982 : vector<16xf32>
    %mul3A_3987 = arith.mulf %mul3A_3986, %mul3A_3982 : vector<16xf32>
    %sub3A_3988 = arith.constant 1.500000e+00 : f32
    %sub3A_3989 = vector.broadcast %sub3A_3988 : f32 to vector<16xf32>
    %sub3A_3990 = arith.subf %sub3A_3989, %mul3A_3987 : vector<16xf32>
    %mul3A_3991 = arith.mulf %mul3A_3982, %sub3A_3990 : vector<16xf32>
    %swap3A_3992 = arith.constant 480 : index
    %swap3A_3993 = tpu.vector_load %arg10[%swap3A_3992] {strides = array<i32>} : memref<640xf32, #tpu.memory_space<vmem>>, vector<16xf32>,
    %swap3A_3994 = vector.shape_cast %swap3A_3993 : vector<16xf32> to vector<16xf32>
    %swap3A_3995 = vector.shape_cast %mul3A_3991 : vector<16xf32> to vector<16xf32>
    tpu.vector_store %arg10[%swap3A_3992], %swap3A_3995 {strides = array<i32>} : memref<640xf32, #tpu.memory_space<vmem>>, vector<16xf32>,
    %get3A_3996 = arith.constant 496 : index
    %get3A_3997 = tpu.vector_load %arg9[%get3A_3996] {strides = array<i32>} : memref<640xf32, #tpu.memory_space<vmem>>, vector<16xf32>,
    %get3A_3998 = vector.shape_cast %get3A_3997 : vector<16xf32> to vector<16xf32>
    %add3A_3999 = arith.constant 1.000000e+00 : f32
    %add3A_4000 = vector.broadcast %add3A_3999 : f32 to vector<16xf32>
    %add3A_4001 = arith.addf %get3A_3998, %add3A_4000 : vector<16xf32>
    %broadcast_in_dim3A_4002 = arith.constant 5.000000e-01 : f32
    %broadcast_in_dim3A_4003 = vector.broadcast %broadcast_in_dim3A_4002 : f32 to vector<16xf32>
    %ge3A_4004 = arith.constant 4.000000e+00 : f32
    %ge3A_4005 = vector.broadcast %ge3A_4004 : f32 to vector<16xf32>
    %ge3A_4006 = arith.cmpf oge, %add3A_4001, %ge3A_4005 : vector<16xf32>
    %jit3A_4007 = arith.constant 2.500000e-01 : f32
    %broadcast_in_dim3A_4008 = vector.broadcast %jit3A_4007 : f32 to vector<16xf32>
    %select_n3A_4009 = arith.select %ge3A_4006, %broadcast_in_dim3A_4008, %broadcast_in_dim3A_4003 : vector<16xi1>, vector<16xf32>
    %ge3A_4010 = arith.constant 1.600000e+01 : f32
    %ge3A_4011 = vector.broadcast %ge3A_4010 : f32 to vector<16xf32>
    %ge3A_4012 = arith.cmpf oge, %add3A_4001, %ge3A_4011 : vector<16xf32>
    %jit3A_4013 = arith.constant 1.250000e-01 : f32
    %broadcast_in_dim3A_4014 = vector.broadcast %jit3A_4013 : f32 to vector<16xf32>
    %select_n3A_4015 = arith.select %ge3A_4012, %broadcast_in_dim3A_4014, %select_n3A_4009 : vector<16xi1>, vector<16xf32>
    %ge3A_4016 = arith.constant 6.400000e+01 : f32
    %ge3A_4017 = vector.broadcast %ge3A_4016 : f32 to vector<16xf32>
    %ge3A_4018 = arith.cmpf oge, %add3A_4001, %ge3A_4017 : vector<16xf32>
    %jit3A_4019 = arith.constant 6.250000e-02 : f32
    %broadcast_in_dim3A_4020 = vector.broadcast %jit3A_4019 : f32 to vector<16xf32>
    %select_n3A_4021 = arith.select %ge3A_4018, %broadcast_in_dim3A_4020, %select_n3A_4015 : vector<16xi1>, vector<16xf32>
    %ge3A_4022 = arith.constant 2.560000e+02 : f32
    %ge3A_4023 = vector.broadcast %ge3A_4022 : f32 to vector<16xf32>
    %ge3A_4024 = arith.cmpf oge, %add3A_4001, %ge3A_4023 : vector<16xf32>
    %jit3A_4025 = arith.constant 3.125000e-02 : f32
    %broadcast_in_dim3A_4026 = vector.broadcast %jit3A_4025 : f32 to vector<16xf32>
    %select_n3A_4027 = arith.select %ge3A_4024, %broadcast_in_dim3A_4026, %select_n3A_4021 : vector<16xi1>, vector<16xf32>
    %ge3A_4028 = arith.constant 1.024000e+03 : f32
    %ge3A_4029 = vector.broadcast %ge3A_4028 : f32 to vector<16xf32>
    %ge3A_4030 = arith.cmpf oge, %add3A_4001, %ge3A_4029 : vector<16xf32>
    %jit3A_4031 = arith.constant 1.562500e-02 : f32
    %broadcast_in_dim3A_4032 = vector.broadcast %jit3A_4031 : f32 to vector<16xf32>
    %select_n3A_4033 = arith.select %ge3A_4030, %broadcast_in_dim3A_4032, %select_n3A_4027 : vector<16xi1>, vector<16xf32>
    %ge3A_4034 = arith.constant 4.096000e+03 : f32
    %ge3A_4035 = vector.broadcast %ge3A_4034 : f32 to vector<16xf32>
    %ge3A_4036 = arith.cmpf oge, %add3A_4001, %ge3A_4035 : vector<16xf32>
    %jit3A_4037 = arith.constant 7.812500e-03 : f32
    %broadcast_in_dim3A_4038 = vector.broadcast %jit3A_4037 : f32 to vector<16xf32>
    %select_n3A_4039 = arith.select %ge3A_4036, %broadcast_in_dim3A_4038, %select_n3A_4033 : vector<16xi1>, vector<16xf32>
    %ge3A_4040 = arith.constant 1.638400e+04 : f32
    %ge3A_4041 = vector.broadcast %ge3A_4040 : f32 to vector<16xf32>
    %ge3A_4042 = arith.cmpf oge, %add3A_4001, %ge3A_4041 : vector<16xf32>
    %jit3A_4043 = arith.constant 3.906250e-03 : f32
    %broadcast_in_dim3A_4044 = vector.broadcast %jit3A_4043 : f32 to vector<16xf32>
    %select_n3A_4045 = arith.select %ge3A_4042, %broadcast_in_dim3A_4044, %select_n3A_4039 : vector<16xi1>, vector<16xf32>
    %ge3A_4046 = arith.constant 6.553600e+04 : f32
    %ge3A_4047 = vector.broadcast %ge3A_4046 : f32 to vector<16xf32>
    %ge3A_4048 = arith.cmpf oge, %add3A_4001, %ge3A_4047 : vector<16xf32>
    %jit3A_4049 = arith.constant 0.001953125 : f32
    %broadcast_in_dim3A_4050 = vector.broadcast %jit3A_4049 : f32 to vector<16xf32>
    %select_n3A_4051 = arith.select %ge3A_4048, %broadcast_in_dim3A_4050, %select_n3A_4045 : vector<16xi1>, vector<16xf32>
    %ge3A_4052 = arith.constant 2.621440e+05 : f32
    %ge3A_4053 = vector.broadcast %ge3A_4052 : f32 to vector<16xf32>
    %ge3A_4054 = arith.cmpf oge, %add3A_4001, %ge3A_4053 : vector<16xf32>
    %jit3A_4055 = arith.constant 9.765625E-4 : f32
    %broadcast_in_dim3A_4056 = vector.broadcast %jit3A_4055 : f32 to vector<16xf32>
    %select_n3A_4057 = arith.select %ge3A_4054, %broadcast_in_dim3A_4056, %select_n3A_4051 : vector<16xi1>, vector<16xf32>
    %mul3A_4058 = arith.constant 5.000000e-01 : f32
    %mul3A_4059 = vector.broadcast %mul3A_4058 : f32 to vector<16xf32>
    %mul3A_4060 = arith.mulf %mul3A_4059, %add3A_4001 : vector<16xf32>
    %mul3A_4061 = arith.mulf %mul3A_4060, %select_n3A_4057 : vector<16xf32>
    %mul3A_4062 = arith.mulf %mul3A_4061, %select_n3A_4057 : vector<16xf32>
    %sub3A_4063 = arith.constant 1.500000e+00 : f32
    %sub3A_4064 = vector.broadcast %sub3A_4063 : f32 to vector<16xf32>
    %sub3A_4065 = arith.subf %sub3A_4064, %mul3A_4062 : vector<16xf32>
    %mul3A_4066 = arith.mulf %select_n3A_4057, %sub3A_4065 : vector<16xf32>
    %mul3A_4067 = arith.constant 5.000000e-01 : f32
    %mul3A_4068 = vector.broadcast %mul3A_4067 : f32 to vector<16xf32>
    %mul3A_4069 = arith.mulf %mul3A_4068, %add3A_4001 : vector<16xf32>
    %mul3A_4070 = arith.mulf %mul3A_4069, %mul3A_4066 : vector<16xf32>
    %mul3A_4071 = arith.mulf %mul3A_4070, %mul3A_4066 : vector<16xf32>
    %sub3A_4072 = arith.constant 1.500000e+00 : f32
    %sub3A_4073 = vector.broadcast %sub3A_4072 : f32 to vector<16xf32>
    %sub3A_4074 = arith.subf %sub3A_4073, %mul3A_4071 : vector<16xf32>
    %mul3A_4075 = arith.mulf %mul3A_4066, %sub3A_4074 : vector<16xf32>
    %mul3A_4076 = arith.constant 5.000000e-01 : f32
    %mul3A_4077 = vector.broadcast %mul3A_4076 : f32 to vector<16xf32>
    %mul3A_4078 = arith.mulf %mul3A_4077, %add3A_4001 : vector<16xf32>
    %mul3A_4079 = arith.mulf %mul3A_4078, %mul3A_4075 : vector<16xf32>
    %mul3A_4080 = arith.mulf %mul3A_4079, %mul3A_4075 : vector<16xf32>
    %sub3A_4081 = arith.constant 1.500000e+00 : f32
    %sub3A_4082 = vector.broadcast %sub3A_4081 : f32 to vector<16xf32>
    %sub3A_4083 = arith.subf %sub3A_4082, %mul3A_4080 : vector<16xf32>
    %mul3A_4084 = arith.mulf %mul3A_4075, %sub3A_4083 : vector<16xf32>
    %mul3A_4085 = arith.constant 5.000000e-01 : f32
    %mul3A_4086 = vector.broadcast %mul3A_4085 : f32 to vector<16xf32>
    %mul3A_4087 = arith.mulf %mul3A_4086, %add3A_4001 : vector<16xf32>
    %mul3A_4088 = arith.mulf %mul3A_4087, %mul3A_4084 : vector<16xf32>
    %mul3A_4089 = arith.mulf %mul3A_4088, %mul3A_4084 : vector<16xf32>
    %sub3A_4090 = arith.constant 1.500000e+00 : f32
    %sub3A_4091 = vector.broadcast %sub3A_4090 : f32 to vector<16xf32>
    %sub3A_4092 = arith.subf %sub3A_4091, %mul3A_4089 : vector<16xf32>
    %mul3A_4093 = arith.mulf %mul3A_4084, %sub3A_4092 : vector<16xf32>
    %mul3A_4094 = arith.constant 5.000000e-01 : f32
    %mul3A_4095 = vector.broadcast %mul3A_4094 : f32 to vector<16xf32>
    %mul3A_4096 = arith.mulf %mul3A_4095, %add3A_4001 : vector<16xf32>
    %mul3A_4097 = arith.mulf %mul3A_4096, %mul3A_4093 : vector<16xf32>
    %mul3A_4098 = arith.mulf %mul3A_4097, %mul3A_4093 : vector<16xf32>
    %sub3A_4099 = arith.constant 1.500000e+00 : f32
    %sub3A_4100 = vector.broadcast %sub3A_4099 : f32 to vector<16xf32>
    %sub3A_4101 = arith.subf %sub3A_4100, %mul3A_4098 : vector<16xf32>
    %mul3A_4102 = arith.mulf %mul3A_4093, %sub3A_4101 : vector<16xf32>
    %mul3A_4103 = arith.constant 5.000000e-01 : f32
    %mul3A_4104 = vector.broadcast %mul3A_4103 : f32 to vector<16xf32>
    %mul3A_4105 = arith.mulf %mul3A_4104, %add3A_4001 : vector<16xf32>
    %mul3A_4106 = arith.mulf %mul3A_4105, %mul3A_4102 : vector<16xf32>
    %mul3A_4107 = arith.mulf %mul3A_4106, %mul3A_4102 : vector<16xf32>
    %sub3A_4108 = arith.constant 1.500000e+00 : f32
    %sub3A_4109 = vector.broadcast %sub3A_4108 : f32 to vector<16xf32>
    %sub3A_4110 = arith.subf %sub3A_4109, %mul3A_4107 : vector<16xf32>
    %mul3A_4111 = arith.mulf %mul3A_4102, %sub3A_4110 : vector<16xf32>
    %swap3A_4112 = arith.constant 496 : index
    %swap3A_4113 = tpu.vector_load %arg10[%swap3A_4112] {strides = array<i32>} : memref<640xf32, #tpu.memory_space<vmem>>, vector<16xf32>,
    %swap3A_4114 = vector.shape_cast %swap3A_4113 : vector<16xf32> to vector<16xf32>
    %swap3A_4115 = vector.shape_cast %mul3A_4111 : vector<16xf32> to vector<16xf32>
    tpu.vector_store %arg10[%swap3A_4112], %swap3A_4115 {strides = array<i32>} : memref<640xf32, #tpu.memory_space<vmem>>, vector<16xf32>,
    %get3A_4116 = arith.constant 512 : index
    %get3A_4117 = tpu.vector_load %arg9[%get3A_4116] {strides = array<i32>} : memref<640xf32, #tpu.memory_space<vmem>>, vector<16xf32>,
    %get3A_4118 = vector.shape_cast %get3A_4117 : vector<16xf32> to vector<16xf32>
    %add3A_4119 = arith.constant 1.000000e+00 : f32
    %add3A_4120 = vector.broadcast %add3A_4119 : f32 to vector<16xf32>
    %add3A_4121 = arith.addf %get3A_4118, %add3A_4120 : vector<16xf32>
    %broadcast_in_dim3A_4122 = arith.constant 5.000000e-01 : f32
    %broadcast_in_dim3A_4123 = vector.broadcast %broadcast_in_dim3A_4122 : f32 to vector<16xf32>
    %ge3A_4124 = arith.constant 4.000000e+00 : f32
    %ge3A_4125 = vector.broadcast %ge3A_4124 : f32 to vector<16xf32>
    %ge3A_4126 = arith.cmpf oge, %add3A_4121, %ge3A_4125 : vector<16xf32>
    %jit3A_4127 = arith.constant 2.500000e-01 : f32
    %broadcast_in_dim3A_4128 = vector.broadcast %jit3A_4127 : f32 to vector<16xf32>
    %select_n3A_4129 = arith.select %ge3A_4126, %broadcast_in_dim3A_4128, %broadcast_in_dim3A_4123 : vector<16xi1>, vector<16xf32>
    %ge3A_4130 = arith.constant 1.600000e+01 : f32
    %ge3A_4131 = vector.broadcast %ge3A_4130 : f32 to vector<16xf32>
    %ge3A_4132 = arith.cmpf oge, %add3A_4121, %ge3A_4131 : vector<16xf32>
    %jit3A_4133 = arith.constant 1.250000e-01 : f32
    %broadcast_in_dim3A_4134 = vector.broadcast %jit3A_4133 : f32 to vector<16xf32>
    %select_n3A_4135 = arith.select %ge3A_4132, %broadcast_in_dim3A_4134, %select_n3A_4129 : vector<16xi1>, vector<16xf32>
    %ge3A_4136 = arith.constant 6.400000e+01 : f32
    %ge3A_4137 = vector.broadcast %ge3A_4136 : f32 to vector<16xf32>
    %ge3A_4138 = arith.cmpf oge, %add3A_4121, %ge3A_4137 : vector<16xf32>
    %jit3A_4139 = arith.constant 6.250000e-02 : f32
    %broadcast_in_dim3A_4140 = vector.broadcast %jit3A_4139 : f32 to vector<16xf32>
    %select_n3A_4141 = arith.select %ge3A_4138, %broadcast_in_dim3A_4140, %select_n3A_4135 : vector<16xi1>, vector<16xf32>
    %ge3A_4142 = arith.constant 2.560000e+02 : f32
    %ge3A_4143 = vector.broadcast %ge3A_4142 : f32 to vector<16xf32>
    %ge3A_4144 = arith.cmpf oge, %add3A_4121, %ge3A_4143 : vector<16xf32>
    %jit3A_4145 = arith.constant 3.125000e-02 : f32
    %broadcast_in_dim3A_4146 = vector.broadcast %jit3A_4145 : f32 to vector<16xf32>
    %select_n3A_4147 = arith.select %ge3A_4144, %broadcast_in_dim3A_4146, %select_n3A_4141 : vector<16xi1>, vector<16xf32>
    %ge3A_4148 = arith.constant 1.024000e+03 : f32
    %ge3A_4149 = vector.broadcast %ge3A_4148 : f32 to vector<16xf32>
    %ge3A_4150 = arith.cmpf oge, %add3A_4121, %ge3A_4149 : vector<16xf32>
    %jit3A_4151 = arith.constant 1.562500e-02 : f32
    %broadcast_in_dim3A_4152 = vector.broadcast %jit3A_4151 : f32 to vector<16xf32>
    %select_n3A_4153 = arith.select %ge3A_4150, %broadcast_in_dim3A_4152, %select_n3A_4147 : vector<16xi1>, vector<16xf32>
    %ge3A_4154 = arith.constant 4.096000e+03 : f32
    %ge3A_4155 = vector.broadcast %ge3A_4154 : f32 to vector<16xf32>
    %ge3A_4156 = arith.cmpf oge, %add3A_4121, %ge3A_4155 : vector<16xf32>
    %jit3A_4157 = arith.constant 7.812500e-03 : f32
    %broadcast_in_dim3A_4158 = vector.broadcast %jit3A_4157 : f32 to vector<16xf32>
    %select_n3A_4159 = arith.select %ge3A_4156, %broadcast_in_dim3A_4158, %select_n3A_4153 : vector<16xi1>, vector<16xf32>
    %ge3A_4160 = arith.constant 1.638400e+04 : f32
    %ge3A_4161 = vector.broadcast %ge3A_4160 : f32 to vector<16xf32>
    %ge3A_4162 = arith.cmpf oge, %add3A_4121, %ge3A_4161 : vector<16xf32>
    %jit3A_4163 = arith.constant 3.906250e-03 : f32
    %broadcast_in_dim3A_4164 = vector.broadcast %jit3A_4163 : f32 to vector<16xf32>
    %select_n3A_4165 = arith.select %ge3A_4162, %broadcast_in_dim3A_4164, %select_n3A_4159 : vector<16xi1>, vector<16xf32>
    %ge3A_4166 = arith.constant 6.553600e+04 : f32
    %ge3A_4167 = vector.broadcast %ge3A_4166 : f32 to vector<16xf32>
    %ge3A_4168 = arith.cmpf oge, %add3A_4121, %ge3A_4167 : vector<16xf32>
    %jit3A_4169 = arith.constant 0.001953125 : f32
    %broadcast_in_dim3A_4170 = vector.broadcast %jit3A_4169 : f32 to vector<16xf32>
    %select_n3A_4171 = arith.select %ge3A_4168, %broadcast_in_dim3A_4170, %select_n3A_4165 : vector<16xi1>, vector<16xf32>
    %ge3A_4172 = arith.constant 2.621440e+05 : f32
    %ge3A_4173 = vector.broadcast %ge3A_4172 : f32 to vector<16xf32>
    %ge3A_4174 = arith.cmpf oge, %add3A_4121, %ge3A_4173 : vector<16xf32>
    %jit3A_4175 = arith.constant 9.765625E-4 : f32
    %broadcast_in_dim3A_4176 = vector.broadcast %jit3A_4175 : f32 to vector<16xf32>
    %select_n3A_4177 = arith.select %ge3A_4174, %broadcast_in_dim3A_4176, %select_n3A_4171 : vector<16xi1>, vector<16xf32>
    %mul3A_4178 = arith.constant 5.000000e-01 : f32
    %mul3A_4179 = vector.broadcast %mul3A_4178 : f32 to vector<16xf32>
    %mul3A_4180 = arith.mulf %mul3A_4179, %add3A_4121 : vector<16xf32>
    %mul3A_4181 = arith.mulf %mul3A_4180, %select_n3A_4177 : vector<16xf32>
    %mul3A_4182 = arith.mulf %mul3A_4181, %select_n3A_4177 : vector<16xf32>
    %sub3A_4183 = arith.constant 1.500000e+00 : f32
    %sub3A_4184 = vector.broadcast %sub3A_4183 : f32 to vector<16xf32>
    %sub3A_4185 = arith.subf %sub3A_4184, %mul3A_4182 : vector<16xf32>
    %mul3A_4186 = arith.mulf %select_n3A_4177, %sub3A_4185 : vector<16xf32>
    %mul3A_4187 = arith.constant 5.000000e-01 : f32
    %mul3A_4188 = vector.broadcast %mul3A_4187 : f32 to vector<16xf32>
    %mul3A_4189 = arith.mulf %mul3A_4188, %add3A_4121 : vector<16xf32>
    %mul3A_4190 = arith.mulf %mul3A_4189, %mul3A_4186 : vector<16xf32>
    %mul3A_4191 = arith.mulf %mul3A_4190, %mul3A_4186 : vector<16xf32>
    %sub3A_4192 = arith.constant 1.500000e+00 : f32
    %sub3A_4193 = vector.broadcast %sub3A_4192 : f32 to vector<16xf32>
    %sub3A_4194 = arith.subf %sub3A_4193, %mul3A_4191 : vector<16xf32>
    %mul3A_4195 = arith.mulf %mul3A_4186, %sub3A_4194 : vector<16xf32>
    %mul3A_4196 = arith.constant 5.000000e-01 : f32
    %mul3A_4197 = vector.broadcast %mul3A_4196 : f32 to vector<16xf32>
    %mul3A_4198 = arith.mulf %mul3A_4197, %add3A_4121 : vector<16xf32>
    %mul3A_4199 = arith.mulf %mul3A_4198, %mul3A_4195 : vector<16xf32>
    %mul3A_4200 = arith.mulf %mul3A_4199, %mul3A_4195 : vector<16xf32>
    %sub3A_4201 = arith.constant 1.500000e+00 : f32
    %sub3A_4202 = vector.broadcast %sub3A_4201 : f32 to vector<16xf32>
    %sub3A_4203 = arith.subf %sub3A_4202, %mul3A_4200 : vector<16xf32>
    %mul3A_4204 = arith.mulf %mul3A_4195, %sub3A_4203 : vector<16xf32>
    %mul3A_4205 = arith.constant 5.000000e-01 : f32
    %mul3A_4206 = vector.broadcast %mul3A_4205 : f32 to vector<16xf32>
    %mul3A_4207 = arith.mulf %mul3A_4206, %add3A_4121 : vector<16xf32>
    %mul3A_4208 = arith.mulf %mul3A_4207, %mul3A_4204 : vector<16xf32>
    %mul3A_4209 = arith.mulf %mul3A_4208, %mul3A_4204 : vector<16xf32>
    %sub3A_4210 = arith.constant 1.500000e+00 : f32
    %sub3A_4211 = vector.broadcast %sub3A_4210 : f32 to vector<16xf32>
    %sub3A_4212 = arith.subf %sub3A_4211, %mul3A_4209 : vector<16xf32>
    %mul3A_4213 = arith.mulf %mul3A_4204, %sub3A_4212 : vector<16xf32>
    %mul3A_4214 = arith.constant 5.000000e-01 : f32
    %mul3A_4215 = vector.broadcast %mul3A_4214 : f32 to vector<16xf32>
    %mul3A_4216 = arith.mulf %mul3A_4215, %add3A_4121 : vector<16xf32>
    %mul3A_4217 = arith.mulf %mul3A_4216, %mul3A_4213 : vector<16xf32>
    %mul3A_4218 = arith.mulf %mul3A_4217, %mul3A_4213 : vector<16xf32>
    %sub3A_4219 = arith.constant 1.500000e+00 : f32
    %sub3A_4220 = vector.broadcast %sub3A_4219 : f32 to vector<16xf32>
    %sub3A_4221 = arith.subf %sub3A_4220, %mul3A_4218 : vector<16xf32>
    %mul3A_4222 = arith.mulf %mul3A_4213, %sub3A_4221 : vector<16xf32>
    %mul3A_4223 = arith.constant 5.000000e-01 : f32
    %mul3A_4224 = vector.broadcast %mul3A_4223 : f32 to vector<16xf32>
    %mul3A_4225 = arith.mulf %mul3A_4224, %add3A_4121 : vector<16xf32>
    %mul3A_4226 = arith.mulf %mul3A_4225, %mul3A_4222 : vector<16xf32>
    %mul3A_4227 = arith.mulf %mul3A_4226, %mul3A_4222 : vector<16xf32>
    %sub3A_4228 = arith.constant 1.500000e+00 : f32
    %sub3A_4229 = vector.broadcast %sub3A_4228 : f32 to vector<16xf32>
    %sub3A_4230 = arith.subf %sub3A_4229, %mul3A_4227 : vector<16xf32>
    %mul3A_4231 = arith.mulf %mul3A_4222, %sub3A_4230 : vector<16xf32>
    %swap3A_4232 = arith.constant 512 : index
    %swap3A_4233 = tpu.vector_load %arg10[%swap3A_4232] {strides = array<i32>} : memref<640xf32, #tpu.memory_space<vmem>>, vector<16xf32>,
    %swap3A_4234 = vector.shape_cast %swap3A_4233 : vector<16xf32> to vector<16xf32>
    %swap3A_4235 = vector.shape_cast %mul3A_4231 : vector<16xf32> to vector<16xf32>
    tpu.vector_store %arg10[%swap3A_4232], %swap3A_4235 {strides = array<i32>} : memref<640xf32, #tpu.memory_space<vmem>>, vector<16xf32>,
    %get3A_4236 = arith.constant 528 : index
    %get3A_4237 = tpu.vector_load %arg9[%get3A_4236] {strides = array<i32>} : memref<640xf32, #tpu.memory_space<vmem>>, vector<16xf32>,
    %get3A_4238 = vector.shape_cast %get3A_4237 : vector<16xf32> to vector<16xf32>
    %add3A_4239 = arith.constant 1.000000e+00 : f32
    %add3A_4240 = vector.broadcast %add3A_4239 : f32 to vector<16xf32>
    %add3A_4241 = arith.addf %get3A_4238, %add3A_4240 : vector<16xf32>
    %broadcast_in_dim3A_4242 = arith.constant 5.000000e-01 : f32
    %broadcast_in_dim3A_4243 = vector.broadcast %broadcast_in_dim3A_4242 : f32 to vector<16xf32>
    %ge3A_4244 = arith.constant 4.000000e+00 : f32
    %ge3A_4245 = vector.broadcast %ge3A_4244 : f32 to vector<16xf32>
    %ge3A_4246 = arith.cmpf oge, %add3A_4241, %ge3A_4245 : vector<16xf32>
    %jit3A_4247 = arith.constant 2.500000e-01 : f32
    %broadcast_in_dim3A_4248 = vector.broadcast %jit3A_4247 : f32 to vector<16xf32>
    %select_n3A_4249 = arith.select %ge3A_4246, %broadcast_in_dim3A_4248, %broadcast_in_dim3A_4243 : vector<16xi1>, vector<16xf32>
    %ge3A_4250 = arith.constant 1.600000e+01 : f32
    %ge3A_4251 = vector.broadcast %ge3A_4250 : f32 to vector<16xf32>
    %ge3A_4252 = arith.cmpf oge, %add3A_4241, %ge3A_4251 : vector<16xf32>
    %jit3A_4253 = arith.constant 1.250000e-01 : f32
    %broadcast_in_dim3A_4254 = vector.broadcast %jit3A_4253 : f32 to vector<16xf32>
    %select_n3A_4255 = arith.select %ge3A_4252, %broadcast_in_dim3A_4254, %select_n3A_4249 : vector<16xi1>, vector<16xf32>
    %ge3A_4256 = arith.constant 6.400000e+01 : f32
    %ge3A_4257 = vector.broadcast %ge3A_4256 : f32 to vector<16xf32>
    %ge3A_4258 = arith.cmpf oge, %add3A_4241, %ge3A_4257 : vector<16xf32>
    %jit3A_4259 = arith.constant 6.250000e-02 : f32
    %broadcast_in_dim3A_4260 = vector.broadcast %jit3A_4259 : f32 to vector<16xf32>
    %select_n3A_4261 = arith.select %ge3A_4258, %broadcast_in_dim3A_4260, %select_n3A_4255 : vector<16xi1>, vector<16xf32>
    %ge3A_4262 = arith.constant 2.560000e+02 : f32
    %ge3A_4263 = vector.broadcast %ge3A_4262 : f32 to vector<16xf32>
    %ge3A_4264 = arith.cmpf oge, %add3A_4241, %ge3A_4263 : vector<16xf32>
    %jit3A_4265 = arith.constant 3.125000e-02 : f32
    %broadcast_in_dim3A_4266 = vector.broadcast %jit3A_4265 : f32 to vector<16xf32>
    %select_n3A_4267 = arith.select %ge3A_4264, %broadcast_in_dim3A_4266, %select_n3A_4261 : vector<16xi1>, vector<16xf32>
    %ge3A_4268 = arith.constant 1.024000e+03 : f32
    %ge3A_4269 = vector.broadcast %ge3A_4268 : f32 to vector<16xf32>
    %ge3A_4270 = arith.cmpf oge, %add3A_4241, %ge3A_4269 : vector<16xf32>
    %jit3A_4271 = arith.constant 1.562500e-02 : f32
    %broadcast_in_dim3A_4272 = vector.broadcast %jit3A_4271 : f32 to vector<16xf32>
    %select_n3A_4273 = arith.select %ge3A_4270, %broadcast_in_dim3A_4272, %select_n3A_4267 : vector<16xi1>, vector<16xf32>
    %ge3A_4274 = arith.constant 4.096000e+03 : f32
    %ge3A_4275 = vector.broadcast %ge3A_4274 : f32 to vector<16xf32>
    %ge3A_4276 = arith.cmpf oge, %add3A_4241, %ge3A_4275 : vector<16xf32>
    %jit3A_4277 = arith.constant 7.812500e-03 : f32
    %broadcast_in_dim3A_4278 = vector.broadcast %jit3A_4277 : f32 to vector<16xf32>
    %select_n3A_4279 = arith.select %ge3A_4276, %broadcast_in_dim3A_4278, %select_n3A_4273 : vector<16xi1>, vector<16xf32>
    %ge3A_4280 = arith.constant 1.638400e+04 : f32
    %ge3A_4281 = vector.broadcast %ge3A_4280 : f32 to vector<16xf32>
    %ge3A_4282 = arith.cmpf oge, %add3A_4241, %ge3A_4281 : vector<16xf32>
    %jit3A_4283 = arith.constant 3.906250e-03 : f32
    %broadcast_in_dim3A_4284 = vector.broadcast %jit3A_4283 : f32 to vector<16xf32>
    %select_n3A_4285 = arith.select %ge3A_4282, %broadcast_in_dim3A_4284, %select_n3A_4279 : vector<16xi1>, vector<16xf32>
    %ge3A_4286 = arith.constant 6.553600e+04 : f32
    %ge3A_4287 = vector.broadcast %ge3A_4286 : f32 to vector<16xf32>
    %ge3A_4288 = arith.cmpf oge, %add3A_4241, %ge3A_4287 : vector<16xf32>
    %jit3A_4289 = arith.constant 0.001953125 : f32
    %broadcast_in_dim3A_4290 = vector.broadcast %jit3A_4289 : f32 to vector<16xf32>
    %select_n3A_4291 = arith.select %ge3A_4288, %broadcast_in_dim3A_4290, %select_n3A_4285 : vector<16xi1>, vector<16xf32>
    %ge3A_4292 = arith.constant 2.621440e+05 : f32
    %ge3A_4293 = vector.broadcast %ge3A_4292 : f32 to vector<16xf32>
    %ge3A_4294 = arith.cmpf oge, %add3A_4241, %ge3A_4293 : vector<16xf32>
    %jit3A_4295 = arith.constant 9.765625E-4 : f32
    %broadcast_in_dim3A_4296 = vector.broadcast %jit3A_4295 : f32 to vector<16xf32>
    %select_n3A_4297 = arith.select %ge3A_4294, %broadcast_in_dim3A_4296, %select_n3A_4291 : vector<16xi1>, vector<16xf32>
    %mul3A_4298 = arith.constant 5.000000e-01 : f32
    %mul3A_4299 = vector.broadcast %mul3A_4298 : f32 to vector<16xf32>
    %mul3A_4300 = arith.mulf %mul3A_4299, %add3A_4241 : vector<16xf32>
    %mul3A_4301 = arith.mulf %mul3A_4300, %select_n3A_4297 : vector<16xf32>
    %mul3A_4302 = arith.mulf %mul3A_4301, %select_n3A_4297 : vector<16xf32>
    %sub3A_4303 = arith.constant 1.500000e+00 : f32
    %sub3A_4304 = vector.broadcast %sub3A_4303 : f32 to vector<16xf32>
    %sub3A_4305 = arith.subf %sub3A_4304, %mul3A_4302 : vector<16xf32>
    %mul3A_4306 = arith.mulf %select_n3A_4297, %sub3A_4305 : vector<16xf32>
    %mul3A_4307 = arith.constant 5.000000e-01 : f32
    %mul3A_4308 = vector.broadcast %mul3A_4307 : f32 to vector<16xf32>
    %mul3A_4309 = arith.mulf %mul3A_4308, %add3A_4241 : vector<16xf32>
    %mul3A_4310 = arith.mulf %mul3A_4309, %mul3A_4306 : vector<16xf32>
    %mul3A_4311 = arith.mulf %mul3A_4310, %mul3A_4306 : vector<16xf32>
    %sub3A_4312 = arith.constant 1.500000e+00 : f32
    %sub3A_4313 = vector.broadcast %sub3A_4312 : f32 to vector<16xf32>
    %sub3A_4314 = arith.subf %sub3A_4313, %mul3A_4311 : vector<16xf32>
    %mul3A_4315 = arith.mulf %mul3A_4306, %sub3A_4314 : vector<16xf32>
    %mul3A_4316 = arith.constant 5.000000e-01 : f32
    %mul3A_4317 = vector.broadcast %mul3A_4316 : f32 to vector<16xf32>
    %mul3A_4318 = arith.mulf %mul3A_4317, %add3A_4241 : vector<16xf32>
    %mul3A_4319 = arith.mulf %mul3A_4318, %mul3A_4315 : vector<16xf32>
    %mul3A_4320 = arith.mulf %mul3A_4319, %mul3A_4315 : vector<16xf32>
    %sub3A_4321 = arith.constant 1.500000e+00 : f32
    %sub3A_4322 = vector.broadcast %sub3A_4321 : f32 to vector<16xf32>
    %sub3A_4323 = arith.subf %sub3A_4322, %mul3A_4320 : vector<16xf32>
    %mul3A_4324 = arith.mulf %mul3A_4315, %sub3A_4323 : vector<16xf32>
    %mul3A_4325 = arith.constant 5.000000e-01 : f32
    %mul3A_4326 = vector.broadcast %mul3A_4325 : f32 to vector<16xf32>
    %mul3A_4327 = arith.mulf %mul3A_4326, %add3A_4241 : vector<16xf32>
    %mul3A_4328 = arith.mulf %mul3A_4327, %mul3A_4324 : vector<16xf32>
    %mul3A_4329 = arith.mulf %mul3A_4328, %mul3A_4324 : vector<16xf32>
    %sub3A_4330 = arith.constant 1.500000e+00 : f32
    %sub3A_4331 = vector.broadcast %sub3A_4330 : f32 to vector<16xf32>
    %sub3A_4332 = arith.subf %sub3A_4331, %mul3A_4329 : vector<16xf32>
    %mul3A_4333 = arith.mulf %mul3A_4324, %sub3A_4332 : vector<16xf32>
    %mul3A_4334 = arith.constant 5.000000e-01 : f32
    %mul3A_4335 = vector.broadcast %mul3A_4334 : f32 to vector<16xf32>
    %mul3A_4336 = arith.mulf %mul3A_4335, %add3A_4241 : vector<16xf32>
    %mul3A_4337 = arith.mulf %mul3A_4336, %mul3A_4333 : vector<16xf32>
    %mul3A_4338 = arith.mulf %mul3A_4337, %mul3A_4333 : vector<16xf32>
    %sub3A_4339 = arith.constant 1.500000e+00 : f32
    %sub3A_4340 = vector.broadcast %sub3A_4339 : f32 to vector<16xf32>
    %sub3A_4341 = arith.subf %sub3A_4340, %mul3A_4338 : vector<16xf32>
    %mul3A_4342 = arith.mulf %mul3A_4333, %sub3A_4341 : vector<16xf32>
    %mul3A_4343 = arith.constant 5.000000e-01 : f32
    %mul3A_4344 = vector.broadcast %mul3A_4343 : f32 to vector<16xf32>
    %mul3A_4345 = arith.mulf %mul3A_4344, %add3A_4241 : vector<16xf32>
    %mul3A_4346 = arith.mulf %mul3A_4345, %mul3A_4342 : vector<16xf32>
    %mul3A_4347 = arith.mulf %mul3A_4346, %mul3A_4342 : vector<16xf32>
    %sub3A_4348 = arith.constant 1.500000e+00 : f32
    %sub3A_4349 = vector.broadcast %sub3A_4348 : f32 to vector<16xf32>
    %sub3A_4350 = arith.subf %sub3A_4349, %mul3A_4347 : vector<16xf32>
    %mul3A_4351 = arith.mulf %mul3A_4342, %sub3A_4350 : vector<16xf32>
    %swap3A_4352 = arith.constant 528 : index
    %swap3A_4353 = tpu.vector_load %arg10[%swap3A_4352] {strides = array<i32>} : memref<640xf32, #tpu.memory_space<vmem>>, vector<16xf32>,
    %swap3A_4354 = vector.shape_cast %swap3A_4353 : vector<16xf32> to vector<16xf32>
    %swap3A_4355 = vector.shape_cast %mul3A_4351 : vector<16xf32> to vector<16xf32>
    tpu.vector_store %arg10[%swap3A_4352], %swap3A_4355 {strides = array<i32>} : memref<640xf32, #tpu.memory_space<vmem>>, vector<16xf32>,
    %get3A_4356 = arith.constant 544 : index
    %get3A_4357 = tpu.vector_load %arg9[%get3A_4356] {strides = array<i32>} : memref<640xf32, #tpu.memory_space<vmem>>, vector<16xf32>,
    %get3A_4358 = vector.shape_cast %get3A_4357 : vector<16xf32> to vector<16xf32>
    %add3A_4359 = arith.constant 1.000000e+00 : f32
    %add3A_4360 = vector.broadcast %add3A_4359 : f32 to vector<16xf32>
    %add3A_4361 = arith.addf %get3A_4358, %add3A_4360 : vector<16xf32>
    %broadcast_in_dim3A_4362 = arith.constant 5.000000e-01 : f32
    %broadcast_in_dim3A_4363 = vector.broadcast %broadcast_in_dim3A_4362 : f32 to vector<16xf32>
    %ge3A_4364 = arith.constant 4.000000e+00 : f32
    %ge3A_4365 = vector.broadcast %ge3A_4364 : f32 to vector<16xf32>
    %ge3A_4366 = arith.cmpf oge, %add3A_4361, %ge3A_4365 : vector<16xf32>
    %jit3A_4367 = arith.constant 2.500000e-01 : f32
    %broadcast_in_dim3A_4368 = vector.broadcast %jit3A_4367 : f32 to vector<16xf32>
    %select_n3A_4369 = arith.select %ge3A_4366, %broadcast_in_dim3A_4368, %broadcast_in_dim3A_4363 : vector<16xi1>, vector<16xf32>
    %ge3A_4370 = arith.constant 1.600000e+01 : f32
    %ge3A_4371 = vector.broadcast %ge3A_4370 : f32 to vector<16xf32>
    %ge3A_4372 = arith.cmpf oge, %add3A_4361, %ge3A_4371 : vector<16xf32>
    %jit3A_4373 = arith.constant 1.250000e-01 : f32
    %broadcast_in_dim3A_4374 = vector.broadcast %jit3A_4373 : f32 to vector<16xf32>
    %select_n3A_4375 = arith.select %ge3A_4372, %broadcast_in_dim3A_4374, %select_n3A_4369 : vector<16xi1>, vector<16xf32>
    %ge3A_4376 = arith.constant 6.400000e+01 : f32
    %ge3A_4377 = vector.broadcast %ge3A_4376 : f32 to vector<16xf32>
    %ge3A_4378 = arith.cmpf oge, %add3A_4361, %ge3A_4377 : vector<16xf32>
    %jit3A_4379 = arith.constant 6.250000e-02 : f32
    %broadcast_in_dim3A_4380 = vector.broadcast %jit3A_4379 : f32 to vector<16xf32>
    %select_n3A_4381 = arith.select %ge3A_4378, %broadcast_in_dim3A_4380, %select_n3A_4375 : vector<16xi1>, vector<16xf32>
    %ge3A_4382 = arith.constant 2.560000e+02 : f32
    %ge3A_4383 = vector.broadcast %ge3A_4382 : f32 to vector<16xf32>
    %ge3A_4384 = arith.cmpf oge, %add3A_4361, %ge3A_4383 : vector<16xf32>
    %jit3A_4385 = arith.constant 3.125000e-02 : f32
    %broadcast_in_dim3A_4386 = vector.broadcast %jit3A_4385 : f32 to vector<16xf32>
    %select_n3A_4387 = arith.select %ge3A_4384, %broadcast_in_dim3A_4386, %select_n3A_4381 : vector<16xi1>, vector<16xf32>
    %ge3A_4388 = arith.constant 1.024000e+03 : f32
    %ge3A_4389 = vector.broadcast %ge3A_4388 : f32 to vector<16xf32>
    %ge3A_4390 = arith.cmpf oge, %add3A_4361, %ge3A_4389 : vector<16xf32>
    %jit3A_4391 = arith.constant 1.562500e-02 : f32
    %broadcast_in_dim3A_4392 = vector.broadcast %jit3A_4391 : f32 to vector<16xf32>
    %select_n3A_4393 = arith.select %ge3A_4390, %broadcast_in_dim3A_4392, %select_n3A_4387 : vector<16xi1>, vector<16xf32>
    %ge3A_4394 = arith.constant 4.096000e+03 : f32
    %ge3A_4395 = vector.broadcast %ge3A_4394 : f32 to vector<16xf32>
    %ge3A_4396 = arith.cmpf oge, %add3A_4361, %ge3A_4395 : vector<16xf32>
    %jit3A_4397 = arith.constant 7.812500e-03 : f32
    %broadcast_in_dim3A_4398 = vector.broadcast %jit3A_4397 : f32 to vector<16xf32>
    %select_n3A_4399 = arith.select %ge3A_4396, %broadcast_in_dim3A_4398, %select_n3A_4393 : vector<16xi1>, vector<16xf32>
    %ge3A_4400 = arith.constant 1.638400e+04 : f32
    %ge3A_4401 = vector.broadcast %ge3A_4400 : f32 to vector<16xf32>
    %ge3A_4402 = arith.cmpf oge, %add3A_4361, %ge3A_4401 : vector<16xf32>
    %jit3A_4403 = arith.constant 3.906250e-03 : f32
    %broadcast_in_dim3A_4404 = vector.broadcast %jit3A_4403 : f32 to vector<16xf32>
    %select_n3A_4405 = arith.select %ge3A_4402, %broadcast_in_dim3A_4404, %select_n3A_4399 : vector<16xi1>, vector<16xf32>
    %ge3A_4406 = arith.constant 6.553600e+04 : f32
    %ge3A_4407 = vector.broadcast %ge3A_4406 : f32 to vector<16xf32>
    %ge3A_4408 = arith.cmpf oge, %add3A_4361, %ge3A_4407 : vector<16xf32>
    %jit3A_4409 = arith.constant 0.001953125 : f32
    %broadcast_in_dim3A_4410 = vector.broadcast %jit3A_4409 : f32 to vector<16xf32>
    %select_n3A_4411 = arith.select %ge3A_4408, %broadcast_in_dim3A_4410, %select_n3A_4405 : vector<16xi1>, vector<16xf32>
    %ge3A_4412 = arith.constant 2.621440e+05 : f32
    %ge3A_4413 = vector.broadcast %ge3A_4412 : f32 to vector<16xf32>
    %ge3A_4414 = arith.cmpf oge, %add3A_4361, %ge3A_4413 : vector<16xf32>
    %jit3A_4415 = arith.constant 9.765625E-4 : f32
    %broadcast_in_dim3A_4416 = vector.broadcast %jit3A_4415 : f32 to vector<16xf32>
    %select_n3A_4417 = arith.select %ge3A_4414, %broadcast_in_dim3A_4416, %select_n3A_4411 : vector<16xi1>, vector<16xf32>
    %mul3A_4418 = arith.constant 5.000000e-01 : f32
    %mul3A_4419 = vector.broadcast %mul3A_4418 : f32 to vector<16xf32>
    %mul3A_4420 = arith.mulf %mul3A_4419, %add3A_4361 : vector<16xf32>
    %mul3A_4421 = arith.mulf %mul3A_4420, %select_n3A_4417 : vector<16xf32>
    %mul3A_4422 = arith.mulf %mul3A_4421, %select_n3A_4417 : vector<16xf32>
    %sub3A_4423 = arith.constant 1.500000e+00 : f32
    %sub3A_4424 = vector.broadcast %sub3A_4423 : f32 to vector<16xf32>
    %sub3A_4425 = arith.subf %sub3A_4424, %mul3A_4422 : vector<16xf32>
    %mul3A_4426 = arith.mulf %select_n3A_4417, %sub3A_4425 : vector<16xf32>
    %mul3A_4427 = arith.constant 5.000000e-01 : f32
    %mul3A_4428 = vector.broadcast %mul3A_4427 : f32 to vector<16xf32>
    %mul3A_4429 = arith.mulf %mul3A_4428, %add3A_4361 : vector<16xf32>
    %mul3A_4430 = arith.mulf %mul3A_4429, %mul3A_4426 : vector<16xf32>
    %mul3A_4431 = arith.mulf %mul3A_4430, %mul3A_4426 : vector<16xf32>
    %sub3A_4432 = arith.constant 1.500000e+00 : f32
    %sub3A_4433 = vector.broadcast %sub3A_4432 : f32 to vector<16xf32>
    %sub3A_4434 = arith.subf %sub3A_4433, %mul3A_4431 : vector<16xf32>
    %mul3A_4435 = arith.mulf %mul3A_4426, %sub3A_4434 : vector<16xf32>
    %mul3A_4436 = arith.constant 5.000000e-01 : f32
    %mul3A_4437 = vector.broadcast %mul3A_4436 : f32 to vector<16xf32>
    %mul3A_4438 = arith.mulf %mul3A_4437, %add3A_4361 : vector<16xf32>
    %mul3A_4439 = arith.mulf %mul3A_4438, %mul3A_4435 : vector<16xf32>
    %mul3A_4440 = arith.mulf %mul3A_4439, %mul3A_4435 : vector<16xf32>
    %sub3A_4441 = arith.constant 1.500000e+00 : f32
    %sub3A_4442 = vector.broadcast %sub3A_4441 : f32 to vector<16xf32>
    %sub3A_4443 = arith.subf %sub3A_4442, %mul3A_4440 : vector<16xf32>
    %mul3A_4444 = arith.mulf %mul3A_4435, %sub3A_4443 : vector<16xf32>
    %mul3A_4445 = arith.constant 5.000000e-01 : f32
    %mul3A_4446 = vector.broadcast %mul3A_4445 : f32 to vector<16xf32>
    %mul3A_4447 = arith.mulf %mul3A_4446, %add3A_4361 : vector<16xf32>
    %mul3A_4448 = arith.mulf %mul3A_4447, %mul3A_4444 : vector<16xf32>
    %mul3A_4449 = arith.mulf %mul3A_4448, %mul3A_4444 : vector<16xf32>
    %sub3A_4450 = arith.constant 1.500000e+00 : f32
    %sub3A_4451 = vector.broadcast %sub3A_4450 : f32 to vector<16xf32>
    %sub3A_4452 = arith.subf %sub3A_4451, %mul3A_4449 : vector<16xf32>
    %mul3A_4453 = arith.mulf %mul3A_4444, %sub3A_4452 : vector<16xf32>
    %mul3A_4454 = arith.constant 5.000000e-01 : f32
    %mul3A_4455 = vector.broadcast %mul3A_4454 : f32 to vector<16xf32>
    %mul3A_4456 = arith.mulf %mul3A_4455, %add3A_4361 : vector<16xf32>
    %mul3A_4457 = arith.mulf %mul3A_4456, %mul3A_4453 : vector<16xf32>
    %mul3A_4458 = arith.mulf %mul3A_4457, %mul3A_4453 : vector<16xf32>
    %sub3A_4459 = arith.constant 1.500000e+00 : f32
    %sub3A_4460 = vector.broadcast %sub3A_4459 : f32 to vector<16xf32>
    %sub3A_4461 = arith.subf %sub3A_4460, %mul3A_4458 : vector<16xf32>
    %mul3A_4462 = arith.mulf %mul3A_4453, %sub3A_4461 : vector<16xf32>
    %mul3A_4463 = arith.constant 5.000000e-01 : f32
    %mul3A_4464 = vector.broadcast %mul3A_4463 : f32 to vector<16xf32>
    %mul3A_4465 = arith.mulf %mul3A_4464, %add3A_4361 : vector<16xf32>
    %mul3A_4466 = arith.mulf %mul3A_4465, %mul3A_4462 : vector<16xf32>
    %mul3A_4467 = arith.mulf %mul3A_4466, %mul3A_4462 : vector<16xf32>
    %sub3A_4468 = arith.constant 1.500000e+00 : f32
    %sub3A_4469 = vector.broadcast %sub3A_4468 : f32 to vector<16xf32>
    %sub3A_4470 = arith.subf %sub3A_4469, %mul3A_4467 : vector<16xf32>
    %mul3A_4471 = arith.mulf %mul3A_4462, %sub3A_4470 : vector<16xf32>
    %swap3A_4472 = arith.constant 544 : index
    %swap3A_4473 = tpu.vector_load %arg10[%swap3A_4472] {strides = array<i32>} : memref<640xf32, #tpu.memory_space<vmem>>, vector<16xf32>,
    %swap3A_4474 = vector.shape_cast %swap3A_4473 : vector<16xf32> to vector<16xf32>
    %swap3A_4475 = vector.shape_cast %mul3A_4471 : vector<16xf32> to vector<16xf32>
    tpu.vector_store %arg10[%swap3A_4472], %swap3A_4475 {strides = array<i32>} : memref<640xf32, #tpu.memory_space<vmem>>, vector<16xf32>,
    %get3A_4476 = arith.constant 560 : index
    %get3A_4477 = tpu.vector_load %arg9[%get3A_4476] {strides = array<i32>} : memref<640xf32, #tpu.memory_space<vmem>>, vector<16xf32>,
    %get3A_4478 = vector.shape_cast %get3A_4477 : vector<16xf32> to vector<16xf32>
    %add3A_4479 = arith.constant 1.000000e+00 : f32
    %add3A_4480 = vector.broadcast %add3A_4479 : f32 to vector<16xf32>
    %add3A_4481 = arith.addf %get3A_4478, %add3A_4480 : vector<16xf32>
    %broadcast_in_dim3A_4482 = arith.constant 5.000000e-01 : f32
    %broadcast_in_dim3A_4483 = vector.broadcast %broadcast_in_dim3A_4482 : f32 to vector<16xf32>
    %ge3A_4484 = arith.constant 4.000000e+00 : f32
    %ge3A_4485 = vector.broadcast %ge3A_4484 : f32 to vector<16xf32>
    %ge3A_4486 = arith.cmpf oge, %add3A_4481, %ge3A_4485 : vector<16xf32>
    %jit3A_4487 = arith.constant 2.500000e-01 : f32
    %broadcast_in_dim3A_4488 = vector.broadcast %jit3A_4487 : f32 to vector<16xf32>
    %select_n3A_4489 = arith.select %ge3A_4486, %broadcast_in_dim3A_4488, %broadcast_in_dim3A_4483 : vector<16xi1>, vector<16xf32>
    %ge3A_4490 = arith.constant 1.600000e+01 : f32
    %ge3A_4491 = vector.broadcast %ge3A_4490 : f32 to vector<16xf32>
    %ge3A_4492 = arith.cmpf oge, %add3A_4481, %ge3A_4491 : vector<16xf32>
    %jit3A_4493 = arith.constant 1.250000e-01 : f32
    %broadcast_in_dim3A_4494 = vector.broadcast %jit3A_4493 : f32 to vector<16xf32>
    %select_n3A_4495 = arith.select %ge3A_4492, %broadcast_in_dim3A_4494, %select_n3A_4489 : vector<16xi1>, vector<16xf32>
    %ge3A_4496 = arith.constant 6.400000e+01 : f32
    %ge3A_4497 = vector.broadcast %ge3A_4496 : f32 to vector<16xf32>
    %ge3A_4498 = arith.cmpf oge, %add3A_4481, %ge3A_4497 : vector<16xf32>
    %jit3A_4499 = arith.constant 6.250000e-02 : f32
    %broadcast_in_dim3A_4500 = vector.broadcast %jit3A_4499 : f32 to vector<16xf32>
    %select_n3A_4501 = arith.select %ge3A_4498, %broadcast_in_dim3A_4500, %select_n3A_4495 : vector<16xi1>, vector<16xf32>
    %ge3A_4502 = arith.constant 2.560000e+02 : f32
    %ge3A_4503 = vector.broadcast %ge3A_4502 : f32 to vector<16xf32>
    %ge3A_4504 = arith.cmpf oge, %add3A_4481, %ge3A_4503 : vector<16xf32>
    %jit3A_4505 = arith.constant 3.125000e-02 : f32
    %broadcast_in_dim3A_4506 = vector.broadcast %jit3A_4505 : f32 to vector<16xf32>
    %select_n3A_4507 = arith.select %ge3A_4504, %broadcast_in_dim3A_4506, %select_n3A_4501 : vector<16xi1>, vector<16xf32>
    %ge3A_4508 = arith.constant 1.024000e+03 : f32
    %ge3A_4509 = vector.broadcast %ge3A_4508 : f32 to vector<16xf32>
    %ge3A_4510 = arith.cmpf oge, %add3A_4481, %ge3A_4509 : vector<16xf32>
    %jit3A_4511 = arith.constant 1.562500e-02 : f32
    %broadcast_in_dim3A_4512 = vector.broadcast %jit3A_4511 : f32 to vector<16xf32>
    %select_n3A_4513 = arith.select %ge3A_4510, %broadcast_in_dim3A_4512, %select_n3A_4507 : vector<16xi1>, vector<16xf32>
    %ge3A_4514 = arith.constant 4.096000e+03 : f32
    %ge3A_4515 = vector.broadcast %ge3A_4514 : f32 to vector<16xf32>
    %ge3A_4516 = arith.cmpf oge, %add3A_4481, %ge3A_4515 : vector<16xf32>
    %jit3A_4517 = arith.constant 7.812500e-03 : f32
    %broadcast_in_dim3A_4518 = vector.broadcast %jit3A_4517 : f32 to vector<16xf32>
    %select_n3A_4519 = arith.select %ge3A_4516, %broadcast_in_dim3A_4518, %select_n3A_4513 : vector<16xi1>, vector<16xf32>
    %ge3A_4520 = arith.constant 1.638400e+04 : f32
    %ge3A_4521 = vector.broadcast %ge3A_4520 : f32 to vector<16xf32>
    %ge3A_4522 = arith.cmpf oge, %add3A_4481, %ge3A_4521 : vector<16xf32>
    %jit3A_4523 = arith.constant 3.906250e-03 : f32
    %broadcast_in_dim3A_4524 = vector.broadcast %jit3A_4523 : f32 to vector<16xf32>
    %select_n3A_4525 = arith.select %ge3A_4522, %broadcast_in_dim3A_4524, %select_n3A_4519 : vector<16xi1>, vector<16xf32>
    %ge3A_4526 = arith.constant 6.553600e+04 : f32
    %ge3A_4527 = vector.broadcast %ge3A_4526 : f32 to vector<16xf32>
    %ge3A_4528 = arith.cmpf oge, %add3A_4481, %ge3A_4527 : vector<16xf32>
    %jit3A_4529 = arith.constant 0.001953125 : f32
    %broadcast_in_dim3A_4530 = vector.broadcast %jit3A_4529 : f32 to vector<16xf32>
    %select_n3A_4531 = arith.select %ge3A_4528, %broadcast_in_dim3A_4530, %select_n3A_4525 : vector<16xi1>, vector<16xf32>
    %ge3A_4532 = arith.constant 2.621440e+05 : f32
    %ge3A_4533 = vector.broadcast %ge3A_4532 : f32 to vector<16xf32>
    %ge3A_4534 = arith.cmpf oge, %add3A_4481, %ge3A_4533 : vector<16xf32>
    %jit3A_4535 = arith.constant 9.765625E-4 : f32
    %broadcast_in_dim3A_4536 = vector.broadcast %jit3A_4535 : f32 to vector<16xf32>
    %select_n3A_4537 = arith.select %ge3A_4534, %broadcast_in_dim3A_4536, %select_n3A_4531 : vector<16xi1>, vector<16xf32>
    %mul3A_4538 = arith.constant 5.000000e-01 : f32
    %mul3A_4539 = vector.broadcast %mul3A_4538 : f32 to vector<16xf32>
    %mul3A_4540 = arith.mulf %mul3A_4539, %add3A_4481 : vector<16xf32>
    %mul3A_4541 = arith.mulf %mul3A_4540, %select_n3A_4537 : vector<16xf32>
    %mul3A_4542 = arith.mulf %mul3A_4541, %select_n3A_4537 : vector<16xf32>
    %sub3A_4543 = arith.constant 1.500000e+00 : f32
    %sub3A_4544 = vector.broadcast %sub3A_4543 : f32 to vector<16xf32>
    %sub3A_4545 = arith.subf %sub3A_4544, %mul3A_4542 : vector<16xf32>
    %mul3A_4546 = arith.mulf %select_n3A_4537, %sub3A_4545 : vector<16xf32>
    %mul3A_4547 = arith.constant 5.000000e-01 : f32
    %mul3A_4548 = vector.broadcast %mul3A_4547 : f32 to vector<16xf32>
    %mul3A_4549 = arith.mulf %mul3A_4548, %add3A_4481 : vector<16xf32>
    %mul3A_4550 = arith.mulf %mul3A_4549, %mul3A_4546 : vector<16xf32>
    %mul3A_4551 = arith.mulf %mul3A_4550, %mul3A_4546 : vector<16xf32>
    %sub3A_4552 = arith.constant 1.500000e+00 : f32
    %sub3A_4553 = vector.broadcast %sub3A_4552 : f32 to vector<16xf32>
    %sub3A_4554 = arith.subf %sub3A_4553, %mul3A_4551 : vector<16xf32>
    %mul3A_4555 = arith.mulf %mul3A_4546, %sub3A_4554 : vector<16xf32>
    %mul3A_4556 = arith.constant 5.000000e-01 : f32
    %mul3A_4557 = vector.broadcast %mul3A_4556 : f32 to vector<16xf32>
    %mul3A_4558 = arith.mulf %mul3A_4557, %add3A_4481 : vector<16xf32>
    %mul3A_4559 = arith.mulf %mul3A_4558, %mul3A_4555 : vector<16xf32>
    %mul3A_4560 = arith.mulf %mul3A_4559, %mul3A_4555 : vector<16xf32>
    %sub3A_4561 = arith.constant 1.500000e+00 : f32
    %sub3A_4562 = vector.broadcast %sub3A_4561 : f32 to vector<16xf32>
    %sub3A_4563 = arith.subf %sub3A_4562, %mul3A_4560 : vector<16xf32>
    %mul3A_4564 = arith.mulf %mul3A_4555, %sub3A_4563 : vector<16xf32>
    %mul3A_4565 = arith.constant 5.000000e-01 : f32
    %mul3A_4566 = vector.broadcast %mul3A_4565 : f32 to vector<16xf32>
    %mul3A_4567 = arith.mulf %mul3A_4566, %add3A_4481 : vector<16xf32>
    %mul3A_4568 = arith.mulf %mul3A_4567, %mul3A_4564 : vector<16xf32>
    %mul3A_4569 = arith.mulf %mul3A_4568, %mul3A_4564 : vector<16xf32>
    %sub3A_4570 = arith.constant 1.500000e+00 : f32
    %sub3A_4571 = vector.broadcast %sub3A_4570 : f32 to vector<16xf32>
    %sub3A_4572 = arith.subf %sub3A_4571, %mul3A_4569 : vector<16xf32>
    %mul3A_4573 = arith.mulf %mul3A_4564, %sub3A_4572 : vector<16xf32>
    %mul3A_4574 = arith.constant 5.000000e-01 : f32
    %mul3A_4575 = vector.broadcast %mul3A_4574 : f32 to vector<16xf32>
    %mul3A_4576 = arith.mulf %mul3A_4575, %add3A_4481 : vector<16xf32>
    %mul3A_4577 = arith.mulf %mul3A_4576, %mul3A_4573 : vector<16xf32>
    %mul3A_4578 = arith.mulf %mul3A_4577, %mul3A_4573 : vector<16xf32>
    %sub3A_4579 = arith.constant 1.500000e+00 : f32
    %sub3A_4580 = vector.broadcast %sub3A_4579 : f32 to vector<16xf32>
    %sub3A_4581 = arith.subf %sub3A_4580, %mul3A_4578 : vector<16xf32>
    %mul3A_4582 = arith.mulf %mul3A_4573, %sub3A_4581 : vector<16xf32>
    %mul3A_4583 = arith.constant 5.000000e-01 : f32
    %mul3A_4584 = vector.broadcast %mul3A_4583 : f32 to vector<16xf32>
    %mul3A_4585 = arith.mulf %mul3A_4584, %add3A_4481 : vector<16xf32>
    %mul3A_4586 = arith.mulf %mul3A_4585, %mul3A_4582 : vector<16xf32>
    %mul3A_4587 = arith.mulf %mul3A_4586, %mul3A_4582 : vector<16xf32>
    %sub3A_4588 = arith.constant 1.500000e+00 : f32
    %sub3A_4589 = vector.broadcast %sub3A_4588 : f32 to vector<16xf32>
    %sub3A_4590 = arith.subf %sub3A_4589, %mul3A_4587 : vector<16xf32>
    %mul3A_4591 = arith.mulf %mul3A_4582, %sub3A_4590 : vector<16xf32>
    %swap3A_4592 = arith.constant 560 : index
    %swap3A_4593 = tpu.vector_load %arg10[%swap3A_4592] {strides = array<i32>} : memref<640xf32, #tpu.memory_space<vmem>>, vector<16xf32>,
    %swap3A_4594 = vector.shape_cast %swap3A_4593 : vector<16xf32> to vector<16xf32>
    %swap3A_4595 = vector.shape_cast %mul3A_4591 : vector<16xf32> to vector<16xf32>
    tpu.vector_store %arg10[%swap3A_4592], %swap3A_4595 {strides = array<i32>} : memref<640xf32, #tpu.memory_space<vmem>>, vector<16xf32>,
    %get3A_4596 = arith.constant 576 : index
    %get3A_4597 = tpu.vector_load %arg9[%get3A_4596] {strides = array<i32>} : memref<640xf32, #tpu.memory_space<vmem>>, vector<16xf32>,
    %get3A_4598 = vector.shape_cast %get3A_4597 : vector<16xf32> to vector<16xf32>
    %add3A_4599 = arith.constant 1.000000e+00 : f32
    %add3A_4600 = vector.broadcast %add3A_4599 : f32 to vector<16xf32>
    %add3A_4601 = arith.addf %get3A_4598, %add3A_4600 : vector<16xf32>
    %broadcast_in_dim3A_4602 = arith.constant 5.000000e-01 : f32
    %broadcast_in_dim3A_4603 = vector.broadcast %broadcast_in_dim3A_4602 : f32 to vector<16xf32>
    %ge3A_4604 = arith.constant 4.000000e+00 : f32
    %ge3A_4605 = vector.broadcast %ge3A_4604 : f32 to vector<16xf32>
    %ge3A_4606 = arith.cmpf oge, %add3A_4601, %ge3A_4605 : vector<16xf32>
    %jit3A_4607 = arith.constant 2.500000e-01 : f32
    %broadcast_in_dim3A_4608 = vector.broadcast %jit3A_4607 : f32 to vector<16xf32>
    %select_n3A_4609 = arith.select %ge3A_4606, %broadcast_in_dim3A_4608, %broadcast_in_dim3A_4603 : vector<16xi1>, vector<16xf32>
    %ge3A_4610 = arith.constant 1.600000e+01 : f32
    %ge3A_4611 = vector.broadcast %ge3A_4610 : f32 to vector<16xf32>
    %ge3A_4612 = arith.cmpf oge, %add3A_4601, %ge3A_4611 : vector<16xf32>
    %jit3A_4613 = arith.constant 1.250000e-01 : f32
    %broadcast_in_dim3A_4614 = vector.broadcast %jit3A_4613 : f32 to vector<16xf32>
    %select_n3A_4615 = arith.select %ge3A_4612, %broadcast_in_dim3A_4614, %select_n3A_4609 : vector<16xi1>, vector<16xf32>
    %ge3A_4616 = arith.constant 6.400000e+01 : f32
    %ge3A_4617 = vector.broadcast %ge3A_4616 : f32 to vector<16xf32>
    %ge3A_4618 = arith.cmpf oge, %add3A_4601, %ge3A_4617 : vector<16xf32>
    %jit3A_4619 = arith.constant 6.250000e-02 : f32
    %broadcast_in_dim3A_4620 = vector.broadcast %jit3A_4619 : f32 to vector<16xf32>
    %select_n3A_4621 = arith.select %ge3A_4618, %broadcast_in_dim3A_4620, %select_n3A_4615 : vector<16xi1>, vector<16xf32>
    %ge3A_4622 = arith.constant 2.560000e+02 : f32
    %ge3A_4623 = vector.broadcast %ge3A_4622 : f32 to vector<16xf32>
    %ge3A_4624 = arith.cmpf oge, %add3A_4601, %ge3A_4623 : vector<16xf32>
    %jit3A_4625 = arith.constant 3.125000e-02 : f32
    %broadcast_in_dim3A_4626 = vector.broadcast %jit3A_4625 : f32 to vector<16xf32>
    %select_n3A_4627 = arith.select %ge3A_4624, %broadcast_in_dim3A_4626, %select_n3A_4621 : vector<16xi1>, vector<16xf32>
    %ge3A_4628 = arith.constant 1.024000e+03 : f32
    %ge3A_4629 = vector.broadcast %ge3A_4628 : f32 to vector<16xf32>
    %ge3A_4630 = arith.cmpf oge, %add3A_4601, %ge3A_4629 : vector<16xf32>
    %jit3A_4631 = arith.constant 1.562500e-02 : f32
    %broadcast_in_dim3A_4632 = vector.broadcast %jit3A_4631 : f32 to vector<16xf32>
    %select_n3A_4633 = arith.select %ge3A_4630, %broadcast_in_dim3A_4632, %select_n3A_4627 : vector<16xi1>, vector<16xf32>
    %ge3A_4634 = arith.constant 4.096000e+03 : f32
    %ge3A_4635 = vector.broadcast %ge3A_4634 : f32 to vector<16xf32>
    %ge3A_4636 = arith.cmpf oge, %add3A_4601, %ge3A_4635 : vector<16xf32>
    %jit3A_4637 = arith.constant 7.812500e-03 : f32
    %broadcast_in_dim3A_4638 = vector.broadcast %jit3A_4637 : f32 to vector<16xf32>
    %select_n3A_4639 = arith.select %ge3A_4636, %broadcast_in_dim3A_4638, %select_n3A_4633 : vector<16xi1>, vector<16xf32>
    %ge3A_4640 = arith.constant 1.638400e+04 : f32
    %ge3A_4641 = vector.broadcast %ge3A_4640 : f32 to vector<16xf32>
    %ge3A_4642 = arith.cmpf oge, %add3A_4601, %ge3A_4641 : vector<16xf32>
    %jit3A_4643 = arith.constant 3.906250e-03 : f32
    %broadcast_in_dim3A_4644 = vector.broadcast %jit3A_4643 : f32 to vector<16xf32>
    %select_n3A_4645 = arith.select %ge3A_4642, %broadcast_in_dim3A_4644, %select_n3A_4639 : vector<16xi1>, vector<16xf32>
    %ge3A_4646 = arith.constant 6.553600e+04 : f32
    %ge3A_4647 = vector.broadcast %ge3A_4646 : f32 to vector<16xf32>
    %ge3A_4648 = arith.cmpf oge, %add3A_4601, %ge3A_4647 : vector<16xf32>
    %jit3A_4649 = arith.constant 0.001953125 : f32
    %broadcast_in_dim3A_4650 = vector.broadcast %jit3A_4649 : f32 to vector<16xf32>
    %select_n3A_4651 = arith.select %ge3A_4648, %broadcast_in_dim3A_4650, %select_n3A_4645 : vector<16xi1>, vector<16xf32>
    %ge3A_4652 = arith.constant 2.621440e+05 : f32
    %ge3A_4653 = vector.broadcast %ge3A_4652 : f32 to vector<16xf32>
    %ge3A_4654 = arith.cmpf oge, %add3A_4601, %ge3A_4653 : vector<16xf32>
    %jit3A_4655 = arith.constant 9.765625E-4 : f32
    %broadcast_in_dim3A_4656 = vector.broadcast %jit3A_4655 : f32 to vector<16xf32>
    %select_n3A_4657 = arith.select %ge3A_4654, %broadcast_in_dim3A_4656, %select_n3A_4651 : vector<16xi1>, vector<16xf32>
    %mul3A_4658 = arith.constant 5.000000e-01 : f32
    %mul3A_4659 = vector.broadcast %mul3A_4658 : f32 to vector<16xf32>
    %mul3A_4660 = arith.mulf %mul3A_4659, %add3A_4601 : vector<16xf32>
    %mul3A_4661 = arith.mulf %mul3A_4660, %select_n3A_4657 : vector<16xf32>
    %mul3A_4662 = arith.mulf %mul3A_4661, %select_n3A_4657 : vector<16xf32>
    %sub3A_4663 = arith.constant 1.500000e+00 : f32
    %sub3A_4664 = vector.broadcast %sub3A_4663 : f32 to vector<16xf32>
    %sub3A_4665 = arith.subf %sub3A_4664, %mul3A_4662 : vector<16xf32>
    %mul3A_4666 = arith.mulf %select_n3A_4657, %sub3A_4665 : vector<16xf32>
    %mul3A_4667 = arith.constant 5.000000e-01 : f32
    %mul3A_4668 = vector.broadcast %mul3A_4667 : f32 to vector<16xf32>
    %mul3A_4669 = arith.mulf %mul3A_4668, %add3A_4601 : vector<16xf32>
    %mul3A_4670 = arith.mulf %mul3A_4669, %mul3A_4666 : vector<16xf32>
    %mul3A_4671 = arith.mulf %mul3A_4670, %mul3A_4666 : vector<16xf32>
    %sub3A_4672 = arith.constant 1.500000e+00 : f32
    %sub3A_4673 = vector.broadcast %sub3A_4672 : f32 to vector<16xf32>
    %sub3A_4674 = arith.subf %sub3A_4673, %mul3A_4671 : vector<16xf32>
    %mul3A_4675 = arith.mulf %mul3A_4666, %sub3A_4674 : vector<16xf32>
    %mul3A_4676 = arith.constant 5.000000e-01 : f32
    %mul3A_4677 = vector.broadcast %mul3A_4676 : f32 to vector<16xf32>
    %mul3A_4678 = arith.mulf %mul3A_4677, %add3A_4601 : vector<16xf32>
    %mul3A_4679 = arith.mulf %mul3A_4678, %mul3A_4675 : vector<16xf32>
    %mul3A_4680 = arith.mulf %mul3A_4679, %mul3A_4675 : vector<16xf32>
    %sub3A_4681 = arith.constant 1.500000e+00 : f32
    %sub3A_4682 = vector.broadcast %sub3A_4681 : f32 to vector<16xf32>
    %sub3A_4683 = arith.subf %sub3A_4682, %mul3A_4680 : vector<16xf32>
    %mul3A_4684 = arith.mulf %mul3A_4675, %sub3A_4683 : vector<16xf32>
    %mul3A_4685 = arith.constant 5.000000e-01 : f32
    %mul3A_4686 = vector.broadcast %mul3A_4685 : f32 to vector<16xf32>
    %mul3A_4687 = arith.mulf %mul3A_4686, %add3A_4601 : vector<16xf32>
    %mul3A_4688 = arith.mulf %mul3A_4687, %mul3A_4684 : vector<16xf32>
    %mul3A_4689 = arith.mulf %mul3A_4688, %mul3A_4684 : vector<16xf32>
    %sub3A_4690 = arith.constant 1.500000e+00 : f32
    %sub3A_4691 = vector.broadcast %sub3A_4690 : f32 to vector<16xf32>
    %sub3A_4692 = arith.subf %sub3A_4691, %mul3A_4689 : vector<16xf32>
    %mul3A_4693 = arith.mulf %mul3A_4684, %sub3A_4692 : vector<16xf32>
    %mul3A_4694 = arith.constant 5.000000e-01 : f32
    %mul3A_4695 = vector.broadcast %mul3A_4694 : f32 to vector<16xf32>
    %mul3A_4696 = arith.mulf %mul3A_4695, %add3A_4601 : vector<16xf32>
    %mul3A_4697 = arith.mulf %mul3A_4696, %mul3A_4693 : vector<16xf32>
    %mul3A_4698 = arith.mulf %mul3A_4697, %mul3A_4693 : vector<16xf32>
    %sub3A_4699 = arith.constant 1.500000e+00 : f32
    %sub3A_4700 = vector.broadcast %sub3A_4699 : f32 to vector<16xf32>
    %sub3A_4701 = arith.subf %sub3A_4700, %mul3A_4698 : vector<16xf32>
    %mul3A_4702 = arith.mulf %mul3A_4693, %sub3A_4701 : vector<16xf32>
    %mul3A_4703 = arith.constant 5.000000e-01 : f32
    %mul3A_4704 = vector.broadcast %mul3A_4703 : f32 to vector<16xf32>
    %mul3A_4705 = arith.mulf %mul3A_4704, %add3A_4601 : vector<16xf32>
    %mul3A_4706 = arith.mulf %mul3A_4705, %mul3A_4702 : vector<16xf32>
    %mul3A_4707 = arith.mulf %mul3A_4706, %mul3A_4702 : vector<16xf32>
    %sub3A_4708 = arith.constant 1.500000e+00 : f32
    %sub3A_4709 = vector.broadcast %sub3A_4708 : f32 to vector<16xf32>
    %sub3A_4710 = arith.subf %sub3A_4709, %mul3A_4707 : vector<16xf32>
    %mul3A_4711 = arith.mulf %mul3A_4702, %sub3A_4710 : vector<16xf32>
    %swap3A_4712 = arith.constant 576 : index
    %swap3A_4713 = tpu.vector_load %arg10[%swap3A_4712] {strides = array<i32>} : memref<640xf32, #tpu.memory_space<vmem>>, vector<16xf32>,
    %swap3A_4714 = vector.shape_cast %swap3A_4713 : vector<16xf32> to vector<16xf32>
    %swap3A_4715 = vector.shape_cast %mul3A_4711 : vector<16xf32> to vector<16xf32>
    tpu.vector_store %arg10[%swap3A_4712], %swap3A_4715 {strides = array<i32>} : memref<640xf32, #tpu.memory_space<vmem>>, vector<16xf32>,
    %get3A_4716 = arith.constant 592 : index
    %get3A_4717 = tpu.vector_load %arg9[%get3A_4716] {strides = array<i32>} : memref<640xf32, #tpu.memory_space<vmem>>, vector<16xf32>,
    %get3A_4718 = vector.shape_cast %get3A_4717 : vector<16xf32> to vector<16xf32>
    %add3A_4719 = arith.constant 1.000000e+00 : f32
    %add3A_4720 = vector.broadcast %add3A_4719 : f32 to vector<16xf32>
    %add3A_4721 = arith.addf %get3A_4718, %add3A_4720 : vector<16xf32>
    %broadcast_in_dim3A_4722 = arith.constant 5.000000e-01 : f32
    %broadcast_in_dim3A_4723 = vector.broadcast %broadcast_in_dim3A_4722 : f32 to vector<16xf32>
    %ge3A_4724 = arith.constant 4.000000e+00 : f32
    %ge3A_4725 = vector.broadcast %ge3A_4724 : f32 to vector<16xf32>
    %ge3A_4726 = arith.cmpf oge, %add3A_4721, %ge3A_4725 : vector<16xf32>
    %jit3A_4727 = arith.constant 2.500000e-01 : f32
    %broadcast_in_dim3A_4728 = vector.broadcast %jit3A_4727 : f32 to vector<16xf32>
    %select_n3A_4729 = arith.select %ge3A_4726, %broadcast_in_dim3A_4728, %broadcast_in_dim3A_4723 : vector<16xi1>, vector<16xf32>
    %ge3A_4730 = arith.constant 1.600000e+01 : f32
    %ge3A_4731 = vector.broadcast %ge3A_4730 : f32 to vector<16xf32>
    %ge3A_4732 = arith.cmpf oge, %add3A_4721, %ge3A_4731 : vector<16xf32>
    %jit3A_4733 = arith.constant 1.250000e-01 : f32
    %broadcast_in_dim3A_4734 = vector.broadcast %jit3A_4733 : f32 to vector<16xf32>
    %select_n3A_4735 = arith.select %ge3A_4732, %broadcast_in_dim3A_4734, %select_n3A_4729 : vector<16xi1>, vector<16xf32>
    %ge3A_4736 = arith.constant 6.400000e+01 : f32
    %ge3A_4737 = vector.broadcast %ge3A_4736 : f32 to vector<16xf32>
    %ge3A_4738 = arith.cmpf oge, %add3A_4721, %ge3A_4737 : vector<16xf32>
    %jit3A_4739 = arith.constant 6.250000e-02 : f32
    %broadcast_in_dim3A_4740 = vector.broadcast %jit3A_4739 : f32 to vector<16xf32>
    %select_n3A_4741 = arith.select %ge3A_4738, %broadcast_in_dim3A_4740, %select_n3A_4735 : vector<16xi1>, vector<16xf32>
    %ge3A_4742 = arith.constant 2.560000e+02 : f32
    %ge3A_4743 = vector.broadcast %ge3A_4742 : f32 to vector<16xf32>
    %ge3A_4744 = arith.cmpf oge, %add3A_4721, %ge3A_4743 : vector<16xf32>
    %jit3A_4745 = arith.constant 3.125000e-02 : f32
    %broadcast_in_dim3A_4746 = vector.broadcast %jit3A_4745 : f32 to vector<16xf32>
    %select_n3A_4747 = arith.select %ge3A_4744, %broadcast_in_dim3A_4746, %select_n3A_4741 : vector<16xi1>, vector<16xf32>
    %ge3A_4748 = arith.constant 1.024000e+03 : f32
    %ge3A_4749 = vector.broadcast %ge3A_4748 : f32 to vector<16xf32>
    %ge3A_4750 = arith.cmpf oge, %add3A_4721, %ge3A_4749 : vector<16xf32>
    %jit3A_4751 = arith.constant 1.562500e-02 : f32
    %broadcast_in_dim3A_4752 = vector.broadcast %jit3A_4751 : f32 to vector<16xf32>
    %select_n3A_4753 = arith.select %ge3A_4750, %broadcast_in_dim3A_4752, %select_n3A_4747 : vector<16xi1>, vector<16xf32>
    %ge3A_4754 = arith.constant 4.096000e+03 : f32
    %ge3A_4755 = vector.broadcast %ge3A_4754 : f32 to vector<16xf32>
    %ge3A_4756 = arith.cmpf oge, %add3A_4721, %ge3A_4755 : vector<16xf32>
    %jit3A_4757 = arith.constant 7.812500e-03 : f32
    %broadcast_in_dim3A_4758 = vector.broadcast %jit3A_4757 : f32 to vector<16xf32>
    %select_n3A_4759 = arith.select %ge3A_4756, %broadcast_in_dim3A_4758, %select_n3A_4753 : vector<16xi1>, vector<16xf32>
    %ge3A_4760 = arith.constant 1.638400e+04 : f32
    %ge3A_4761 = vector.broadcast %ge3A_4760 : f32 to vector<16xf32>
    %ge3A_4762 = arith.cmpf oge, %add3A_4721, %ge3A_4761 : vector<16xf32>
    %jit3A_4763 = arith.constant 3.906250e-03 : f32
    %broadcast_in_dim3A_4764 = vector.broadcast %jit3A_4763 : f32 to vector<16xf32>
    %select_n3A_4765 = arith.select %ge3A_4762, %broadcast_in_dim3A_4764, %select_n3A_4759 : vector<16xi1>, vector<16xf32>
    %ge3A_4766 = arith.constant 6.553600e+04 : f32
    %ge3A_4767 = vector.broadcast %ge3A_4766 : f32 to vector<16xf32>
    %ge3A_4768 = arith.cmpf oge, %add3A_4721, %ge3A_4767 : vector<16xf32>
    %jit3A_4769 = arith.constant 0.001953125 : f32
    %broadcast_in_dim3A_4770 = vector.broadcast %jit3A_4769 : f32 to vector<16xf32>
    %select_n3A_4771 = arith.select %ge3A_4768, %broadcast_in_dim3A_4770, %select_n3A_4765 : vector<16xi1>, vector<16xf32>
    %ge3A_4772 = arith.constant 2.621440e+05 : f32
    %ge3A_4773 = vector.broadcast %ge3A_4772 : f32 to vector<16xf32>
    %ge3A_4774 = arith.cmpf oge, %add3A_4721, %ge3A_4773 : vector<16xf32>
    %jit3A_4775 = arith.constant 9.765625E-4 : f32
    %broadcast_in_dim3A_4776 = vector.broadcast %jit3A_4775 : f32 to vector<16xf32>
    %select_n3A_4777 = arith.select %ge3A_4774, %broadcast_in_dim3A_4776, %select_n3A_4771 : vector<16xi1>, vector<16xf32>
    %mul3A_4778 = arith.constant 5.000000e-01 : f32
    %mul3A_4779 = vector.broadcast %mul3A_4778 : f32 to vector<16xf32>
    %mul3A_4780 = arith.mulf %mul3A_4779, %add3A_4721 : vector<16xf32>
    %mul3A_4781 = arith.mulf %mul3A_4780, %select_n3A_4777 : vector<16xf32>
    %mul3A_4782 = arith.mulf %mul3A_4781, %select_n3A_4777 : vector<16xf32>
    %sub3A_4783 = arith.constant 1.500000e+00 : f32
    %sub3A_4784 = vector.broadcast %sub3A_4783 : f32 to vector<16xf32>
    %sub3A_4785 = arith.subf %sub3A_4784, %mul3A_4782 : vector<16xf32>
    %mul3A_4786 = arith.mulf %select_n3A_4777, %sub3A_4785 : vector<16xf32>
    %mul3A_4787 = arith.constant 5.000000e-01 : f32
    %mul3A_4788 = vector.broadcast %mul3A_4787 : f32 to vector<16xf32>
    %mul3A_4789 = arith.mulf %mul3A_4788, %add3A_4721 : vector<16xf32>
    %mul3A_4790 = arith.mulf %mul3A_4789, %mul3A_4786 : vector<16xf32>
    %mul3A_4791 = arith.mulf %mul3A_4790, %mul3A_4786 : vector<16xf32>
    %sub3A_4792 = arith.constant 1.500000e+00 : f32
    %sub3A_4793 = vector.broadcast %sub3A_4792 : f32 to vector<16xf32>
    %sub3A_4794 = arith.subf %sub3A_4793, %mul3A_4791 : vector<16xf32>
    %mul3A_4795 = arith.mulf %mul3A_4786, %sub3A_4794 : vector<16xf32>
    %mul3A_4796 = arith.constant 5.000000e-01 : f32
    %mul3A_4797 = vector.broadcast %mul3A_4796 : f32 to vector<16xf32>
    %mul3A_4798 = arith.mulf %mul3A_4797, %add3A_4721 : vector<16xf32>
    %mul3A_4799 = arith.mulf %mul3A_4798, %mul3A_4795 : vector<16xf32>
    %mul3A_4800 = arith.mulf %mul3A_4799, %mul3A_4795 : vector<16xf32>
    %sub3A_4801 = arith.constant 1.500000e+00 : f32
    %sub3A_4802 = vector.broadcast %sub3A_4801 : f32 to vector<16xf32>
    %sub3A_4803 = arith.subf %sub3A_4802, %mul3A_4800 : vector<16xf32>
    %mul3A_4804 = arith.mulf %mul3A_4795, %sub3A_4803 : vector<16xf32>
    %mul3A_4805 = arith.constant 5.000000e-01 : f32
    %mul3A_4806 = vector.broadcast %mul3A_4805 : f32 to vector<16xf32>
    %mul3A_4807 = arith.mulf %mul3A_4806, %add3A_4721 : vector<16xf32>
    %mul3A_4808 = arith.mulf %mul3A_4807, %mul3A_4804 : vector<16xf32>
    %mul3A_4809 = arith.mulf %mul3A_4808, %mul3A_4804 : vector<16xf32>
    %sub3A_4810 = arith.constant 1.500000e+00 : f32
    %sub3A_4811 = vector.broadcast %sub3A_4810 : f32 to vector<16xf32>
    %sub3A_4812 = arith.subf %sub3A_4811, %mul3A_4809 : vector<16xf32>
    %mul3A_4813 = arith.mulf %mul3A_4804, %sub3A_4812 : vector<16xf32>
    %mul3A_4814 = arith.constant 5.000000e-01 : f32
    %mul3A_4815 = vector.broadcast %mul3A_4814 : f32 to vector<16xf32>
    %mul3A_4816 = arith.mulf %mul3A_4815, %add3A_4721 : vector<16xf32>
    %mul3A_4817 = arith.mulf %mul3A_4816, %mul3A_4813 : vector<16xf32>
    %mul3A_4818 = arith.mulf %mul3A_4817, %mul3A_4813 : vector<16xf32>
    %sub3A_4819 = arith.constant 1.500000e+00 : f32
    %sub3A_4820 = vector.broadcast %sub3A_4819 : f32 to vector<16xf32>
    %sub3A_4821 = arith.subf %sub3A_4820, %mul3A_4818 : vector<16xf32>
    %mul3A_4822 = arith.mulf %mul3A_4813, %sub3A_4821 : vector<16xf32>
    %mul3A_4823 = arith.constant 5.000000e-01 : f32
    %mul3A_4824 = vector.broadcast %mul3A_4823 : f32 to vector<16xf32>
    %mul3A_4825 = arith.mulf %mul3A_4824, %add3A_4721 : vector<16xf32>
    %mul3A_4826 = arith.mulf %mul3A_4825, %mul3A_4822 : vector<16xf32>
    %mul3A_4827 = arith.mulf %mul3A_4826, %mul3A_4822 : vector<16xf32>
    %sub3A_4828 = arith.constant 1.500000e+00 : f32
    %sub3A_4829 = vector.broadcast %sub3A_4828 : f32 to vector<16xf32>
    %sub3A_4830 = arith.subf %sub3A_4829, %mul3A_4827 : vector<16xf32>
    %mul3A_4831 = arith.mulf %mul3A_4822, %sub3A_4830 : vector<16xf32>
    %swap3A_4832 = arith.constant 592 : index
    %swap3A_4833 = tpu.vector_load %arg10[%swap3A_4832] {strides = array<i32>} : memref<640xf32, #tpu.memory_space<vmem>>, vector<16xf32>,
    %swap3A_4834 = vector.shape_cast %swap3A_4833 : vector<16xf32> to vector<16xf32>
    %swap3A_4835 = vector.shape_cast %mul3A_4831 : vector<16xf32> to vector<16xf32>
    tpu.vector_store %arg10[%swap3A_4832], %swap3A_4835 {strides = array<i32>} : memref<640xf32, #tpu.memory_space<vmem>>, vector<16xf32>,
    %get3A_4836 = arith.constant 608 : index
    %get3A_4837 = tpu.vector_load %arg9[%get3A_4836] {strides = array<i32>} : memref<640xf32, #tpu.memory_space<vmem>>, vector<16xf32>,
    %get3A_4838 = vector.shape_cast %get3A_4837 : vector<16xf32> to vector<16xf32>
    %add3A_4839 = arith.constant 1.000000e+00 : f32
    %add3A_4840 = vector.broadcast %add3A_4839 : f32 to vector<16xf32>
    %add3A_4841 = arith.addf %get3A_4838, %add3A_4840 : vector<16xf32>
    %broadcast_in_dim3A_4842 = arith.constant 5.000000e-01 : f32
    %broadcast_in_dim3A_4843 = vector.broadcast %broadcast_in_dim3A_4842 : f32 to vector<16xf32>
    %ge3A_4844 = arith.constant 4.000000e+00 : f32
    %ge3A_4845 = vector.broadcast %ge3A_4844 : f32 to vector<16xf32>
    %ge3A_4846 = arith.cmpf oge, %add3A_4841, %ge3A_4845 : vector<16xf32>
    %jit3A_4847 = arith.constant 2.500000e-01 : f32
    %broadcast_in_dim3A_4848 = vector.broadcast %jit3A_4847 : f32 to vector<16xf32>
    %select_n3A_4849 = arith.select %ge3A_4846, %broadcast_in_dim3A_4848, %broadcast_in_dim3A_4843 : vector<16xi1>, vector<16xf32>
    %ge3A_4850 = arith.constant 1.600000e+01 : f32
    %ge3A_4851 = vector.broadcast %ge3A_4850 : f32 to vector<16xf32>
    %ge3A_4852 = arith.cmpf oge, %add3A_4841, %ge3A_4851 : vector<16xf32>
    %jit3A_4853 = arith.constant 1.250000e-01 : f32
    %broadcast_in_dim3A_4854 = vector.broadcast %jit3A_4853 : f32 to vector<16xf32>
    %select_n3A_4855 = arith.select %ge3A_4852, %broadcast_in_dim3A_4854, %select_n3A_4849 : vector<16xi1>, vector<16xf32>
    %ge3A_4856 = arith.constant 6.400000e+01 : f32
    %ge3A_4857 = vector.broadcast %ge3A_4856 : f32 to vector<16xf32>
    %ge3A_4858 = arith.cmpf oge, %add3A_4841, %ge3A_4857 : vector<16xf32>
    %jit3A_4859 = arith.constant 6.250000e-02 : f32
    %broadcast_in_dim3A_4860 = vector.broadcast %jit3A_4859 : f32 to vector<16xf32>
    %select_n3A_4861 = arith.select %ge3A_4858, %broadcast_in_dim3A_4860, %select_n3A_4855 : vector<16xi1>, vector<16xf32>
    %ge3A_4862 = arith.constant 2.560000e+02 : f32
    %ge3A_4863 = vector.broadcast %ge3A_4862 : f32 to vector<16xf32>
    %ge3A_4864 = arith.cmpf oge, %add3A_4841, %ge3A_4863 : vector<16xf32>
    %jit3A_4865 = arith.constant 3.125000e-02 : f32
    %broadcast_in_dim3A_4866 = vector.broadcast %jit3A_4865 : f32 to vector<16xf32>
    %select_n3A_4867 = arith.select %ge3A_4864, %broadcast_in_dim3A_4866, %select_n3A_4861 : vector<16xi1>, vector<16xf32>
    %ge3A_4868 = arith.constant 1.024000e+03 : f32
    %ge3A_4869 = vector.broadcast %ge3A_4868 : f32 to vector<16xf32>
    %ge3A_4870 = arith.cmpf oge, %add3A_4841, %ge3A_4869 : vector<16xf32>
    %jit3A_4871 = arith.constant 1.562500e-02 : f32
    %broadcast_in_dim3A_4872 = vector.broadcast %jit3A_4871 : f32 to vector<16xf32>
    %select_n3A_4873 = arith.select %ge3A_4870, %broadcast_in_dim3A_4872, %select_n3A_4867 : vector<16xi1>, vector<16xf32>
    %ge3A_4874 = arith.constant 4.096000e+03 : f32
    %ge3A_4875 = vector.broadcast %ge3A_4874 : f32 to vector<16xf32>
    %ge3A_4876 = arith.cmpf oge, %add3A_4841, %ge3A_4875 : vector<16xf32>
    %jit3A_4877 = arith.constant 7.812500e-03 : f32
    %broadcast_in_dim3A_4878 = vector.broadcast %jit3A_4877 : f32 to vector<16xf32>
    %select_n3A_4879 = arith.select %ge3A_4876, %broadcast_in_dim3A_4878, %select_n3A_4873 : vector<16xi1>, vector<16xf32>
    %ge3A_4880 = arith.constant 1.638400e+04 : f32
    %ge3A_4881 = vector.broadcast %ge3A_4880 : f32 to vector<16xf32>
    %ge3A_4882 = arith.cmpf oge, %add3A_4841, %ge3A_4881 : vector<16xf32>
    %jit3A_4883 = arith.constant 3.906250e-03 : f32
    %broadcast_in_dim3A_4884 = vector.broadcast %jit3A_4883 : f32 to vector<16xf32>
    %select_n3A_4885 = arith.select %ge3A_4882, %broadcast_in_dim3A_4884, %select_n3A_4879 : vector<16xi1>, vector<16xf32>
    %ge3A_4886 = arith.constant 6.553600e+04 : f32
    %ge3A_4887 = vector.broadcast %ge3A_4886 : f32 to vector<16xf32>
    %ge3A_4888 = arith.cmpf oge, %add3A_4841, %ge3A_4887 : vector<16xf32>
    %jit3A_4889 = arith.constant 0.001953125 : f32
    %broadcast_in_dim3A_4890 = vector.broadcast %jit3A_4889 : f32 to vector<16xf32>
    %select_n3A_4891 = arith.select %ge3A_4888, %broadcast_in_dim3A_4890, %select_n3A_4885 : vector<16xi1>, vector<16xf32>
    %ge3A_4892 = arith.constant 2.621440e+05 : f32
    %ge3A_4893 = vector.broadcast %ge3A_4892 : f32 to vector<16xf32>
    %ge3A_4894 = arith.cmpf oge, %add3A_4841, %ge3A_4893 : vector<16xf32>
    %jit3A_4895 = arith.constant 9.765625E-4 : f32
    %broadcast_in_dim3A_4896 = vector.broadcast %jit3A_4895 : f32 to vector<16xf32>
    %select_n3A_4897 = arith.select %ge3A_4894, %broadcast_in_dim3A_4896, %select_n3A_4891 : vector<16xi1>, vector<16xf32>
    %mul3A_4898 = arith.constant 5.000000e-01 : f32
    %mul3A_4899 = vector.broadcast %mul3A_4898 : f32 to vector<16xf32>
    %mul3A_4900 = arith.mulf %mul3A_4899, %add3A_4841 : vector<16xf32>
    %mul3A_4901 = arith.mulf %mul3A_4900, %select_n3A_4897 : vector<16xf32>
    %mul3A_4902 = arith.mulf %mul3A_4901, %select_n3A_4897 : vector<16xf32>
    %sub3A_4903 = arith.constant 1.500000e+00 : f32
    %sub3A_4904 = vector.broadcast %sub3A_4903 : f32 to vector<16xf32>
    %sub3A_4905 = arith.subf %sub3A_4904, %mul3A_4902 : vector<16xf32>
    %mul3A_4906 = arith.mulf %select_n3A_4897, %sub3A_4905 : vector<16xf32>
    %mul3A_4907 = arith.constant 5.000000e-01 : f32
    %mul3A_4908 = vector.broadcast %mul3A_4907 : f32 to vector<16xf32>
    %mul3A_4909 = arith.mulf %mul3A_4908, %add3A_4841 : vector<16xf32>
    %mul3A_4910 = arith.mulf %mul3A_4909, %mul3A_4906 : vector<16xf32>
    %mul3A_4911 = arith.mulf %mul3A_4910, %mul3A_4906 : vector<16xf32>
    %sub3A_4912 = arith.constant 1.500000e+00 : f32
    %sub3A_4913 = vector.broadcast %sub3A_4912 : f32 to vector<16xf32>
    %sub3A_4914 = arith.subf %sub3A_4913, %mul3A_4911 : vector<16xf32>
    %mul3A_4915 = arith.mulf %mul3A_4906, %sub3A_4914 : vector<16xf32>
    %mul3A_4916 = arith.constant 5.000000e-01 : f32
    %mul3A_4917 = vector.broadcast %mul3A_4916 : f32 to vector<16xf32>
    %mul3A_4918 = arith.mulf %mul3A_4917, %add3A_4841 : vector<16xf32>
    %mul3A_4919 = arith.mulf %mul3A_4918, %mul3A_4915 : vector<16xf32>
    %mul3A_4920 = arith.mulf %mul3A_4919, %mul3A_4915 : vector<16xf32>
    %sub3A_4921 = arith.constant 1.500000e+00 : f32
    %sub3A_4922 = vector.broadcast %sub3A_4921 : f32 to vector<16xf32>
    %sub3A_4923 = arith.subf %sub3A_4922, %mul3A_4920 : vector<16xf32>
    %mul3A_4924 = arith.mulf %mul3A_4915, %sub3A_4923 : vector<16xf32>
    %mul3A_4925 = arith.constant 5.000000e-01 : f32
    %mul3A_4926 = vector.broadcast %mul3A_4925 : f32 to vector<16xf32>
    %mul3A_4927 = arith.mulf %mul3A_4926, %add3A_4841 : vector<16xf32>
    %mul3A_4928 = arith.mulf %mul3A_4927, %mul3A_4924 : vector<16xf32>
    %mul3A_4929 = arith.mulf %mul3A_4928, %mul3A_4924 : vector<16xf32>
    %sub3A_4930 = arith.constant 1.500000e+00 : f32
    %sub3A_4931 = vector.broadcast %sub3A_4930 : f32 to vector<16xf32>
    %sub3A_4932 = arith.subf %sub3A_4931, %mul3A_4929 : vector<16xf32>
    %mul3A_4933 = arith.mulf %mul3A_4924, %sub3A_4932 : vector<16xf32>
    %mul3A_4934 = arith.constant 5.000000e-01 : f32
    %mul3A_4935 = vector.broadcast %mul3A_4934 : f32 to vector<16xf32>
    %mul3A_4936 = arith.mulf %mul3A_4935, %add3A_4841 : vector<16xf32>
    %mul3A_4937 = arith.mulf %mul3A_4936, %mul3A_4933 : vector<16xf32>
    %mul3A_4938 = arith.mulf %mul3A_4937, %mul3A_4933 : vector<16xf32>
    %sub3A_4939 = arith.constant 1.500000e+00 : f32
    %sub3A_4940 = vector.broadcast %sub3A_4939 : f32 to vector<16xf32>
    %sub3A_4941 = arith.subf %sub3A_4940, %mul3A_4938 : vector<16xf32>
    %mul3A_4942 = arith.mulf %mul3A_4933, %sub3A_4941 : vector<16xf32>
    %mul3A_4943 = arith.constant 5.000000e-01 : f32
    %mul3A_4944 = vector.broadcast %mul3A_4943 : f32 to vector<16xf32>
    %mul3A_4945 = arith.mulf %mul3A_4944, %add3A_4841 : vector<16xf32>
    %mul3A_4946 = arith.mulf %mul3A_4945, %mul3A_4942 : vector<16xf32>
    %mul3A_4947 = arith.mulf %mul3A_4946, %mul3A_4942 : vector<16xf32>
    %sub3A_4948 = arith.constant 1.500000e+00 : f32
    %sub3A_4949 = vector.broadcast %sub3A_4948 : f32 to vector<16xf32>
    %sub3A_4950 = arith.subf %sub3A_4949, %mul3A_4947 : vector<16xf32>
    %mul3A_4951 = arith.mulf %mul3A_4942, %sub3A_4950 : vector<16xf32>
    %swap3A_4952 = arith.constant 608 : index
    %swap3A_4953 = tpu.vector_load %arg10[%swap3A_4952] {strides = array<i32>} : memref<640xf32, #tpu.memory_space<vmem>>, vector<16xf32>,
    %swap3A_4954 = vector.shape_cast %swap3A_4953 : vector<16xf32> to vector<16xf32>
    %swap3A_4955 = vector.shape_cast %mul3A_4951 : vector<16xf32> to vector<16xf32>
    tpu.vector_store %arg10[%swap3A_4952], %swap3A_4955 {strides = array<i32>} : memref<640xf32, #tpu.memory_space<vmem>>, vector<16xf32>,
    %get3A_4956 = arith.constant 624 : index
    %get3A_4957 = tpu.vector_load %arg9[%get3A_4956] {strides = array<i32>} : memref<640xf32, #tpu.memory_space<vmem>>, vector<16xf32>,
    %get3A_4958 = vector.shape_cast %get3A_4957 : vector<16xf32> to vector<16xf32>
    %add3A_4959 = arith.constant 1.000000e+00 : f32
    %add3A_4960 = vector.broadcast %add3A_4959 : f32 to vector<16xf32>
    %add3A_4961 = arith.addf %get3A_4958, %add3A_4960 : vector<16xf32>
    %broadcast_in_dim3A_4962 = arith.constant 5.000000e-01 : f32
    %broadcast_in_dim3A_4963 = vector.broadcast %broadcast_in_dim3A_4962 : f32 to vector<16xf32>
    %ge3A_4964 = arith.constant 4.000000e+00 : f32
    %ge3A_4965 = vector.broadcast %ge3A_4964 : f32 to vector<16xf32>
    %ge3A_4966 = arith.cmpf oge, %add3A_4961, %ge3A_4965 : vector<16xf32>
    %jit3A_4967 = arith.constant 2.500000e-01 : f32
    %broadcast_in_dim3A_4968 = vector.broadcast %jit3A_4967 : f32 to vector<16xf32>
    %select_n3A_4969 = arith.select %ge3A_4966, %broadcast_in_dim3A_4968, %broadcast_in_dim3A_4963 : vector<16xi1>, vector<16xf32>
    %ge3A_4970 = arith.constant 1.600000e+01 : f32
    %ge3A_4971 = vector.broadcast %ge3A_4970 : f32 to vector<16xf32>
    %ge3A_4972 = arith.cmpf oge, %add3A_4961, %ge3A_4971 : vector<16xf32>
    %jit3A_4973 = arith.constant 1.250000e-01 : f32
    %broadcast_in_dim3A_4974 = vector.broadcast %jit3A_4973 : f32 to vector<16xf32>
    %select_n3A_4975 = arith.select %ge3A_4972, %broadcast_in_dim3A_4974, %select_n3A_4969 : vector<16xi1>, vector<16xf32>
    %ge3A_4976 = arith.constant 6.400000e+01 : f32
    %ge3A_4977 = vector.broadcast %ge3A_4976 : f32 to vector<16xf32>
    %ge3A_4978 = arith.cmpf oge, %add3A_4961, %ge3A_4977 : vector<16xf32>
    %jit3A_4979 = arith.constant 6.250000e-02 : f32
    %broadcast_in_dim3A_4980 = vector.broadcast %jit3A_4979 : f32 to vector<16xf32>
    %select_n3A_4981 = arith.select %ge3A_4978, %broadcast_in_dim3A_4980, %select_n3A_4975 : vector<16xi1>, vector<16xf32>
    %ge3A_4982 = arith.constant 2.560000e+02 : f32
    %ge3A_4983 = vector.broadcast %ge3A_4982 : f32 to vector<16xf32>
    %ge3A_4984 = arith.cmpf oge, %add3A_4961, %ge3A_4983 : vector<16xf32>
    %jit3A_4985 = arith.constant 3.125000e-02 : f32
    %broadcast_in_dim3A_4986 = vector.broadcast %jit3A_4985 : f32 to vector<16xf32>
    %select_n3A_4987 = arith.select %ge3A_4984, %broadcast_in_dim3A_4986, %select_n3A_4981 : vector<16xi1>, vector<16xf32>
    %ge3A_4988 = arith.constant 1.024000e+03 : f32
    %ge3A_4989 = vector.broadcast %ge3A_4988 : f32 to vector<16xf32>
    %ge3A_4990 = arith.cmpf oge, %add3A_4961, %ge3A_4989 : vector<16xf32>
    %jit3A_4991 = arith.constant 1.562500e-02 : f32
    %broadcast_in_dim3A_4992 = vector.broadcast %jit3A_4991 : f32 to vector<16xf32>
    %select_n3A_4993 = arith.select %ge3A_4990, %broadcast_in_dim3A_4992, %select_n3A_4987 : vector<16xi1>, vector<16xf32>
    %ge3A_4994 = arith.constant 4.096000e+03 : f32
    %ge3A_4995 = vector.broadcast %ge3A_4994 : f32 to vector<16xf32>
    %ge3A_4996 = arith.cmpf oge, %add3A_4961, %ge3A_4995 : vector<16xf32>
    %jit3A_4997 = arith.constant 7.812500e-03 : f32
    %broadcast_in_dim3A_4998 = vector.broadcast %jit3A_4997 : f32 to vector<16xf32>
    %select_n3A_4999 = arith.select %ge3A_4996, %broadcast_in_dim3A_4998, %select_n3A_4993 : vector<16xi1>, vector<16xf32>
    %ge3A_5000 = arith.constant 1.638400e+04 : f32
    %ge3A_5001 = vector.broadcast %ge3A_5000 : f32 to vector<16xf32>
    %ge3A_5002 = arith.cmpf oge, %add3A_4961, %ge3A_5001 : vector<16xf32>
    %jit3A_5003 = arith.constant 3.906250e-03 : f32
    %broadcast_in_dim3A_5004 = vector.broadcast %jit3A_5003 : f32 to vector<16xf32>
    %select_n3A_5005 = arith.select %ge3A_5002, %broadcast_in_dim3A_5004, %select_n3A_4999 : vector<16xi1>, vector<16xf32>
    %ge3A_5006 = arith.constant 6.553600e+04 : f32
    %ge3A_5007 = vector.broadcast %ge3A_5006 : f32 to vector<16xf32>
    %ge3A_5008 = arith.cmpf oge, %add3A_4961, %ge3A_5007 : vector<16xf32>
    %jit3A_5009 = arith.constant 0.001953125 : f32
    %broadcast_in_dim3A_5010 = vector.broadcast %jit3A_5009 : f32 to vector<16xf32>
    %select_n3A_5011 = arith.select %ge3A_5008, %broadcast_in_dim3A_5010, %select_n3A_5005 : vector<16xi1>, vector<16xf32>
    %ge3A_5012 = arith.constant 2.621440e+05 : f32
    %ge3A_5013 = vector.broadcast %ge3A_5012 : f32 to vector<16xf32>
    %ge3A_5014 = arith.cmpf oge, %add3A_4961, %ge3A_5013 : vector<16xf32>
    %jit3A_5015 = arith.constant 9.765625E-4 : f32
    %broadcast_in_dim3A_5016 = vector.broadcast %jit3A_5015 : f32 to vector<16xf32>
    %select_n3A_5017 = arith.select %ge3A_5014, %broadcast_in_dim3A_5016, %select_n3A_5011 : vector<16xi1>, vector<16xf32>
    %mul3A_5018 = arith.constant 5.000000e-01 : f32
    %mul3A_5019 = vector.broadcast %mul3A_5018 : f32 to vector<16xf32>
    %mul3A_5020 = arith.mulf %mul3A_5019, %add3A_4961 : vector<16xf32>
    %mul3A_5021 = arith.mulf %mul3A_5020, %select_n3A_5017 : vector<16xf32>
    %mul3A_5022 = arith.mulf %mul3A_5021, %select_n3A_5017 : vector<16xf32>
    %sub3A_5023 = arith.constant 1.500000e+00 : f32
    %sub3A_5024 = vector.broadcast %sub3A_5023 : f32 to vector<16xf32>
    %sub3A_5025 = arith.subf %sub3A_5024, %mul3A_5022 : vector<16xf32>
    %mul3A_5026 = arith.mulf %select_n3A_5017, %sub3A_5025 : vector<16xf32>
    %mul3A_5027 = arith.constant 5.000000e-01 : f32
    %mul3A_5028 = vector.broadcast %mul3A_5027 : f32 to vector<16xf32>
    %mul3A_5029 = arith.mulf %mul3A_5028, %add3A_4961 : vector<16xf32>
    %mul3A_5030 = arith.mulf %mul3A_5029, %mul3A_5026 : vector<16xf32>
    %mul3A_5031 = arith.mulf %mul3A_5030, %mul3A_5026 : vector<16xf32>
    %sub3A_5032 = arith.constant 1.500000e+00 : f32
    %sub3A_5033 = vector.broadcast %sub3A_5032 : f32 to vector<16xf32>
    %sub3A_5034 = arith.subf %sub3A_5033, %mul3A_5031 : vector<16xf32>
    %mul3A_5035 = arith.mulf %mul3A_5026, %sub3A_5034 : vector<16xf32>
    %mul3A_5036 = arith.constant 5.000000e-01 : f32
    %mul3A_5037 = vector.broadcast %mul3A_5036 : f32 to vector<16xf32>
    %mul3A_5038 = arith.mulf %mul3A_5037, %add3A_4961 : vector<16xf32>
    %mul3A_5039 = arith.mulf %mul3A_5038, %mul3A_5035 : vector<16xf32>
    %mul3A_5040 = arith.mulf %mul3A_5039, %mul3A_5035 : vector<16xf32>
    %sub3A_5041 = arith.constant 1.500000e+00 : f32
    %sub3A_5042 = vector.broadcast %sub3A_5041 : f32 to vector<16xf32>
    %sub3A_5043 = arith.subf %sub3A_5042, %mul3A_5040 : vector<16xf32>
    %mul3A_5044 = arith.mulf %mul3A_5035, %sub3A_5043 : vector<16xf32>
    %mul3A_5045 = arith.constant 5.000000e-01 : f32
    %mul3A_5046 = vector.broadcast %mul3A_5045 : f32 to vector<16xf32>
    %mul3A_5047 = arith.mulf %mul3A_5046, %add3A_4961 : vector<16xf32>
    %mul3A_5048 = arith.mulf %mul3A_5047, %mul3A_5044 : vector<16xf32>
    %mul3A_5049 = arith.mulf %mul3A_5048, %mul3A_5044 : vector<16xf32>
    %sub3A_5050 = arith.constant 1.500000e+00 : f32
    %sub3A_5051 = vector.broadcast %sub3A_5050 : f32 to vector<16xf32>
    %sub3A_5052 = arith.subf %sub3A_5051, %mul3A_5049 : vector<16xf32>
    %mul3A_5053 = arith.mulf %mul3A_5044, %sub3A_5052 : vector<16xf32>
    %mul3A_5054 = arith.constant 5.000000e-01 : f32
    %mul3A_5055 = vector.broadcast %mul3A_5054 : f32 to vector<16xf32>
    %mul3A_5056 = arith.mulf %mul3A_5055, %add3A_4961 : vector<16xf32>
    %mul3A_5057 = arith.mulf %mul3A_5056, %mul3A_5053 : vector<16xf32>
    %mul3A_5058 = arith.mulf %mul3A_5057, %mul3A_5053 : vector<16xf32>
    %sub3A_5059 = arith.constant 1.500000e+00 : f32
    %sub3A_5060 = vector.broadcast %sub3A_5059 : f32 to vector<16xf32>
    %sub3A_5061 = arith.subf %sub3A_5060, %mul3A_5058 : vector<16xf32>
    %mul3A_5062 = arith.mulf %mul3A_5053, %sub3A_5061 : vector<16xf32>
    %mul3A_5063 = arith.constant 5.000000e-01 : f32
    %mul3A_5064 = vector.broadcast %mul3A_5063 : f32 to vector<16xf32>
    %mul3A_5065 = arith.mulf %mul3A_5064, %add3A_4961 : vector<16xf32>
    %mul3A_5066 = arith.mulf %mul3A_5065, %mul3A_5062 : vector<16xf32>
    %mul3A_5067 = arith.mulf %mul3A_5066, %mul3A_5062 : vector<16xf32>
    %sub3A_5068 = arith.constant 1.500000e+00 : f32
    %sub3A_5069 = vector.broadcast %sub3A_5068 : f32 to vector<16xf32>
    %sub3A_5070 = arith.subf %sub3A_5069, %mul3A_5067 : vector<16xf32>
    %mul3A_5071 = arith.mulf %mul3A_5062, %sub3A_5070 : vector<16xf32>
    %swap3A_5072 = arith.constant 624 : index
    %swap3A_5073 = tpu.vector_load %arg10[%swap3A_5072] {strides = array<i32>} : memref<640xf32, #tpu.memory_space<vmem>>, vector<16xf32>,
    %swap3A_5074 = vector.shape_cast %swap3A_5073 : vector<16xf32> to vector<16xf32>
    %swap3A_5075 = vector.shape_cast %mul3A_5071 : vector<16xf32> to vector<16xf32>
    tpu.vector_store %arg10[%swap3A_5072], %swap3A_5075 {strides = array<i32>} : memref<640xf32, #tpu.memory_space<vmem>>, vector<16xf32>,
    "tpu.region"() ({
      %run_scoped3A = tpu.sem_alloc : memref<!tpu.dma_semaphore, #tpu.memory_space<semaphore_mem>>
      %dma_start3A_5087 = tpu.memref_slice %arg13[%mul3A_0] : memref<10240xf32, #tpu.memory_space<vmem_shared>> -> memref<640xf32, #tpu.memory_space<vmem_shared>>
      %dma_start3A_5088 = tpu.memref_slice %arg13[%mul3A_0] : memref<10240xf32, #tpu.memory_space<vmem_shared>> -> memref<640xf32, #tpu.memory_space<vmem_shared>>
      tpu.enqueue_dma source(%arg10 : memref<640xf32, #tpu.memory_space<vmem>>) target(%dma_start3A_5088 : memref<640xf32, #tpu.memory_space<vmem_shared>>) target_semaphore(%run_scoped3A : memref<!tpu.dma_semaphore, #tpu.memory_space<semaphore_mem>>)
      %dma_wait3A_5089 = tpu.memref_slice %arg13[%mul3A_0] : memref<10240xf32, #tpu.memory_space<vmem_shared>> -> memref<640xf32, #tpu.memory_space<vmem_shared>>
      %dma_wait3A_5090 = tpu.memref_slice %arg13[%mul3A_0] : memref<10240xf32, #tpu.memory_space<vmem_shared>> -> memref<640xf32, #tpu.memory_space<vmem_shared>>
      tpu.wait_dma2 semaphore(%run_scoped3A : memref<!tpu.dma_semaphore, #tpu.memory_space<semaphore_mem>>) src(%arg10 : memref<640xf32, #tpu.memory_space<vmem>>) dst(%dma_wait3A_5090 : memref<640xf32, #tpu.memory_space<vmem_shared>>)
      tpu.yield
    }) : () -> ()
    %barrier3A_5076 = arith.constant 0 : index
    tpu.barrier barrier_id(%barrier3A_5076)
    %dma_wait3A_5077 = tpu.memref_slice %arg2[%add3A_11] : memref<640000xi32, #tpu.memory_space<hbm>> -> memref<10000xi32, #tpu.memory_space<hbm>>
    %dma_wait3A_5078 = tpu.memref_slice %arg2[%add3A_11] : memref<640000xi32, #tpu.memory_space<hbm>> -> memref<10000xi32, #tpu.memory_space<hbm>>
    tpu.wait_dma2 semaphore(%arg15 : memref<!tpu.dma_semaphore, #tpu.memory_space<semaphore_mem>>) src(%dma_wait3A_5078 : memref<10000xi32, #tpu.memory_space<hbm>>) dst(%arg5 : memref<10000xi32, #tpu.memory_space<vmem>>)
    "tpu.region"() ({
      %run_scoped3A = tpu.sem_alloc : memref<!tpu.dma_semaphore, #tpu.memory_space<semaphore_mem>>
      %dma_start3A_5087 = arith.constant 0 : i32
      %dma_start3A_5088 = tpu.memref_slice %arg13[%dma_start3A_5087] : memref<10240xf32, #tpu.memory_space<vmem_shared>> -> memref<10240xf32, #tpu.memory_space<vmem_shared>>
      tpu.enqueue_indirect_dma source(%dma_start3A_5088 : memref<10240xf32, #tpu.memory_space<vmem_shared>>) target(%arg8 : memref<10000xf32, #tpu.memory_space<vmem>>) offsets(%arg5 : memref<10000xi32, #tpu.memory_space<vmem>>) semaphore(%run_scoped3A : memref<!tpu.dma_semaphore, #tpu.memory_space<semaphore_mem>>)
      %dma_wait3A_5089 = arith.constant 0 : i32
      %dma_wait3A_5090 = tpu.memref_slice %arg13[%dma_wait3A_5089] : memref<10240xf32, #tpu.memory_space<vmem_shared>> -> memref<10240xf32, #tpu.memory_space<vmem_shared>>
      tpu.wait_indirect_dma semaphore(%run_scoped3A : memref<!tpu.dma_semaphore, #tpu.memory_space<semaphore_mem>>) src(%dma_wait3A_5090 : memref<10240xf32, #tpu.memory_space<vmem_shared>>) dst(%arg8 : memref<10000xf32, #tpu.memory_space<vmem>>)
      tpu.yield
    }) : () -> ()
    %dma_wait3A_5079 = tpu.memref_slice %arg2[%mul3A_6] : memref<640000xi32, #tpu.memory_space<hbm>> -> memref<10000xi32, #tpu.memory_space<hbm>>
    %dma_wait3A_5080 = tpu.memref_slice %arg2[%mul3A_6] : memref<640000xi32, #tpu.memory_space<hbm>> -> memref<10000xi32, #tpu.memory_space<hbm>>
    tpu.wait_dma2 semaphore(%arg16 : memref<!tpu.dma_semaphore, #tpu.memory_space<semaphore_mem>>) src(%dma_wait3A_5080 : memref<10000xi32, #tpu.memory_space<hbm>>) dst(%arg6 : memref<10000xi32, #tpu.memory_space<vmem>>)
    "tpu.region"() ({
      %run_scoped3A = tpu.sem_alloc : memref<!tpu.dma_semaphore, #tpu.memory_space<semaphore_mem>>
      %dma_start3A_5087 = arith.constant 0 : i32
      %dma_start3A_5088 = tpu.memref_slice %arg12[%dma_start3A_5087] : memref<10240xf32, #tpu.memory_space<vmem_shared>> -> memref<10240xf32, #tpu.memory_space<vmem_shared>>
      tpu.enqueue_indirect_dma source(%arg8 : memref<10000xf32, #tpu.memory_space<vmem>>) target(%dma_start3A_5088 : memref<10240xf32, #tpu.memory_space<vmem_shared>>) offsets(%arg6 : memref<10000xi32, #tpu.memory_space<vmem>>) semaphore(%run_scoped3A : memref<!tpu.dma_semaphore, #tpu.memory_space<semaphore_mem>>) {add = true}
      %dma_wait3A_5089 = arith.constant 0 : i32
      %dma_wait3A_5090 = tpu.memref_slice %arg12[%dma_wait3A_5089] : memref<10240xf32, #tpu.memory_space<vmem_shared>> -> memref<10240xf32, #tpu.memory_space<vmem_shared>>
      tpu.wait_indirect_dma semaphore(%run_scoped3A : memref<!tpu.dma_semaphore, #tpu.memory_space<semaphore_mem>>) src(%arg8 : memref<10000xf32, #tpu.memory_space<vmem>>) dst(%dma_wait3A_5090 : memref<10240xf32, #tpu.memory_space<vmem_shared>>)
      tpu.yield
    }) : () -> ()
    %barrier3A_5081 = arith.constant 0 : index
    tpu.barrier barrier_id(%barrier3A_5081)
    %mul3A_5082 = arith.constant 10240 : i32
    %mul3A_5083 = arith.muli %arg0, %mul3A_5082 : i32
    %add3A_5084 = arith.addi %mul3A_5083, %mul3A_0 : i32
    "tpu.region"() ({
      %run_scoped3A = tpu.sem_alloc : memref<!tpu.dma_semaphore, #tpu.memory_space<semaphore_mem>>
      %dma_start3A_5087 = tpu.memref_slice %arg3[%add3A_5084] : memref<30720xf32, #tpu.memory_space<hbm>> -> memref<640xf32, #tpu.memory_space<hbm>>
      %dma_start3A_5088 = tpu.memref_slice %arg12[%mul3A_0] : memref<10240xf32, #tpu.memory_space<vmem_shared>> -> memref<640xf32, #tpu.memory_space<vmem_shared>>
      tpu.enqueue_dma source(%dma_start3A_5088 : memref<640xf32, #tpu.memory_space<vmem_shared>>) target(%dma_start3A_5087 : memref<640xf32, #tpu.memory_space<hbm>>) target_semaphore(%run_scoped3A : memref<!tpu.dma_semaphore, #tpu.memory_space<semaphore_mem>>)
      %dma_wait3A_5089 = tpu.memref_slice %arg3[%add3A_5084] : memref<30720xf32, #tpu.memory_space<hbm>> -> memref<640xf32, #tpu.memory_space<hbm>>
      %dma_wait3A_5090 = tpu.memref_slice %arg12[%mul3A_0] : memref<10240xf32, #tpu.memory_space<vmem_shared>> -> memref<640xf32, #tpu.memory_space<vmem_shared>>
      tpu.wait_dma2 semaphore(%run_scoped3A : memref<!tpu.dma_semaphore, #tpu.memory_space<semaphore_mem>>) src(%dma_wait3A_5090 : memref<640xf32, #tpu.memory_space<vmem_shared>>) dst(%dma_wait3A_5089 : memref<640xf32, #tpu.memory_space<hbm>>)
      tpu.yield
    }) : () -> ()
    %eq3A = arith.constant 0 : i32
    %eq3A_5085 = arith.cmpi eq, %arg0, %eq3A : i32
    %convert_element_type3A = arith.extui %eq3A_5085 : i1 to i32
    %cond3A = arith.constant 0 : i32
    %cond3A_5086 = arith.cmpi ne, %convert_element_type3A, %cond3A : i32
    scf.if %cond3A_5086 {
      %add3A_5087 = arith.constant 20480 : i32
      %add3A_5088 = arith.addi %add3A_5087, %mul3A_0 : i32
      "tpu.region"() ({
        %run_scoped3A = tpu.sem_alloc : memref<!tpu.dma_semaphore, #tpu.memory_space<semaphore_mem>>
        %dma_start3A_5089 = tpu.memref_slice %arg3[%add3A_5088] : memref<30720xf32, #tpu.memory_space<hbm>> -> memref<640xf32, #tpu.memory_space<hbm>>
        %dma_start3A_5090 = tpu.memref_slice %arg3[%add3A_5088] : memref<30720xf32, #tpu.memory_space<hbm>> -> memref<640xf32, #tpu.memory_space<hbm>>
        tpu.enqueue_dma source(%arg10 : memref<640xf32, #tpu.memory_space<vmem>>) target(%dma_start3A_5090 : memref<640xf32, #tpu.memory_space<hbm>>) target_semaphore(%run_scoped3A : memref<!tpu.dma_semaphore, #tpu.memory_space<semaphore_mem>>)
        %dma_wait3A_5091 = tpu.memref_slice %arg3[%add3A_5088] : memref<30720xf32, #tpu.memory_space<hbm>> -> memref<640xf32, #tpu.memory_space<hbm>>
        %dma_wait3A_5092 = tpu.memref_slice %arg3[%add3A_5088] : memref<30720xf32, #tpu.memory_space<hbm>> -> memref<640xf32, #tpu.memory_space<hbm>>
        tpu.wait_dma2 semaphore(%run_scoped3A : memref<!tpu.dma_semaphore, #tpu.memory_space<semaphore_mem>>) src(%arg10 : memref<640xf32, #tpu.memory_space<vmem>>) dst(%dma_wait3A_5092 : memref<640xf32, #tpu.memory_space<hbm>>)
        tpu.yield
      }) : () -> ()
    } else {
    }
    return
  }
}

module attributes {stable_mosaic.version = 14 : i64} {
  func.func @_tc_body(%arg0: memref<10000x128xf32, #tpu.memory_space<vmem>>, %arg1: memref<3x10240xf32, #tpu.memory_space<vmem>>, %arg2: memref<128x128xf32, #tpu.memory_space<vmem>>, %arg3: memref<512x128xf32, #tpu.memory_space<vmem>>, %arg4: memref<512x128xf32, #tpu.memory_space<vmem>>, %arg5: memref<1x512xf32, #tpu.memory_space<vmem>>, %arg6: memref<1x512xf32, #tpu.memory_space<vmem>>, %arg7: memref<2x128xf32, #tpu.memory_space<vmem>>, %arg8: memref<1x2xf32, #tpu.memory_space<vmem>>, %arg9: memref<1x2xf32, #tpu.memory_space<vmem>>) attributes {dimension_semantics = [], scalar_prefetch = 0 : i64, scratch_operands = 0 : i64, tpu.core_type = #tpu.core_type<tc>} {
    %get3A = arith.constant 0 : index
    %get3A_0 = arith.constant 0 : index
    %get3A_1 = vector.load %arg2[%get3A, %get3A_0] : memref<128x128xf32, #tpu.memory_space<vmem>>, vector<128x128xf32>
    %get3A_2 = arith.constant 0 : index
    %get3A_3 = arith.constant 0 : index
    %get3A_4 = vector.load %arg3[%get3A_2, %get3A_3] : memref<512x128xf32, #tpu.memory_space<vmem>>, vector<512x128xf32>
    %get3A_5 = arith.constant 0 : index
    %get3A_6 = arith.constant 0 : index
    %get3A_7 = vector.load %arg4[%get3A_5, %get3A_6] : memref<512x128xf32, #tpu.memory_space<vmem>>, vector<512x128xf32>
    %add3A = arith.addf %get3A_4, %get3A_7 : vector<512x128xf32>
    %dot_general3A = arith.constant dense<0.000000e+00> : vector<128x512xf32>
    %dot_general3A_8 = tpu.matmul %get3A_1, %add3A, %dot_general3A {dimension_numbers = #tpu.dot_dimension_numbers<[1], [1], [0], [0], [0, 0, 1, 0], [], []>, transpose_lhs_hint = false} : vector<128x128xf32>, vector<512x128xf32>, vector<128x512xf32> -> vector<128x512xf32>
    %get3A_9 = arith.constant 0 : index
    %get3A_10 = arith.constant 0 : index
    %get3A_11 = vector.load %arg5[%get3A_9, %get3A_10] : memref<1x512xf32, #tpu.memory_space<vmem>>, vector<1x512xf32>
    %add3A_12 = vector.broadcast %get3A_11 : vector<1x512xf32> to vector<128x512xf32>
    %add3A_13 = arith.addf %dot_general3A_8, %add3A_12 : vector<128x512xf32>
    %get3A_14 = arith.constant 0 : index
    %get3A_15 = arith.constant 0 : index
    %get3A_16 = vector.load %arg6[%get3A_14, %get3A_15] : memref<1x512xf32, #tpu.memory_space<vmem>>, vector<1x512xf32>
    %add3A_17 = vector.broadcast %get3A_16 : vector<1x512xf32> to vector<128x512xf32>
    %add3A_18 = arith.addf %add3A_13, %add3A_17 : vector<128x512xf32>
    %slice3A = vector.extract_strided_slice %add3A_18 {offsets = [0, 0], sizes = [128, 128], strides = [1, 1]} : vector<128x512xf32> to vector<128x128xf32>
    %logistic3A = arith.negf %slice3A : vector<128x128xf32>
    %logistic3A_19 = math.exp %logistic3A : vector<128x128xf32>
    %logistic3A_20 = arith.constant 1.000000e+00 : f32
    %logistic3A_21 = vector.broadcast %logistic3A_20 : f32 to vector<128x128xf32>
    %logistic3A_22 = arith.addf %logistic3A_21, %logistic3A_19 : vector<128x128xf32>
    %logistic3A_23 = arith.divf %logistic3A_21, %logistic3A_22 : vector<128x128xf32>
    %slice3A_24 = vector.extract_strided_slice %add3A_18 {offsets = [0, 128], sizes = [128, 128], strides = [1, 1]} : vector<128x512xf32> to vector<128x128xf32>
    %logistic3A_25 = arith.negf %slice3A_24 : vector<128x128xf32>
    %logistic3A_26 = math.exp %logistic3A_25 : vector<128x128xf32>
    %logistic3A_27 = arith.constant 1.000000e+00 : f32
    %logistic3A_28 = vector.broadcast %logistic3A_27 : f32 to vector<128x128xf32>
    %logistic3A_29 = arith.addf %logistic3A_28, %logistic3A_26 : vector<128x128xf32>
    %logistic3A_30 = arith.divf %logistic3A_28, %logistic3A_29 : vector<128x128xf32>
    %slice3A_31 = vector.extract_strided_slice %add3A_18 {offsets = [0, 256], sizes = [128, 128], strides = [1, 1]} : vector<128x512xf32> to vector<128x128xf32>
    %tanh3A = math.tanh %slice3A_31 : vector<128x128xf32>
    %slice3A_32 = vector.extract_strided_slice %add3A_18 {offsets = [0, 384], sizes = [128, 128], strides = [1, 1]} : vector<128x512xf32> to vector<128x128xf32>
    %logistic3A_33 = arith.negf %slice3A_32 : vector<128x128xf32>
    %logistic3A_34 = math.exp %logistic3A_33 : vector<128x128xf32>
    %logistic3A_35 = arith.constant 1.000000e+00 : f32
    %logistic3A_36 = vector.broadcast %logistic3A_35 : f32 to vector<128x128xf32>
    %logistic3A_37 = arith.addf %logistic3A_36, %logistic3A_34 : vector<128x128xf32>
    %logistic3A_38 = arith.divf %logistic3A_36, %logistic3A_37 : vector<128x128xf32>
    %mul3A = arith.mulf %logistic3A_30, %get3A_1 : vector<128x128xf32>
    %mul3A_39 = arith.mulf %logistic3A_23, %tanh3A : vector<128x128xf32>
    %add3A_40 = arith.addf %mul3A, %mul3A_39 : vector<128x128xf32>
    %tanh3A_41 = math.tanh %add3A_40 : vector<128x128xf32>
    %mul3A_42 = arith.mulf %logistic3A_38, %tanh3A_41 : vector<128x128xf32>
    %get3A_43 = arith.constant 0 : index
    %get3A_44 = arith.constant 0 : index
    %get3A_45 = vector.load %arg1[%get3A_43, %get3A_44] : memref<3x10240xf32, #tpu.memory_space<vmem>>, vector<1x10240xf32>
    %get3A_46 = arith.constant 1 : index
    %get3A_47 = arith.constant 0 : index
    %get3A_48 = vector.load %arg1[%get3A_46, %get3A_47] : memref<3x10240xf32, #tpu.memory_space<vmem>>, vector<1x10240xf32>
    %add3A_49 = arith.addf %get3A_45, %get3A_48 : vector<1x10240xf32>
    %get3A_50 = arith.constant 2 : index
    %get3A_51 = arith.constant 0 : index
    %get3A_52 = vector.load %arg1[%get3A_50, %get3A_51] : memref<3x10240xf32, #tpu.memory_space<vmem>>, vector<1x10240xf32>
    %add3A_53 = arith.addf %add3A_49, %get3A_52 : vector<1x10240xf32>
    %mul3A_54 = arith.mulf %get3A_52, %add3A_53 : vector<1x10240xf32>
    %slice3A_55 = vector.extract_strided_slice %mul3A_54 {offsets = [0, 0], sizes = [1, 10000], strides = [1, 1]} : vector<1x10240xf32> to vector<1x10000xf32>
    %get3A_56 = arith.constant 0 : index
    %get3A_57 = arith.constant 0 : index
    %get3A_58 = vector.load %arg0[%get3A_56, %get3A_57] : memref<10000x128xf32, #tpu.memory_space<vmem>>, vector<10000x128xf32>
    %dot_general3A_59 = arith.constant dense<0.000000e+00> : vector<1x128xf32>
    %dot_general3A_60 = tpu.matmul %slice3A_55, %get3A_58, %dot_general3A_59 {dimension_numbers = #tpu.dot_dimension_numbers<[1], [0], [0], [1], [0, 0, 1, 1], [], []>, transpose_lhs_hint = false} : vector<1x10000xf32>, vector<10000x128xf32>, vector<1x128xf32> -> vector<1x128xf32>
    %dot_general3A_61 = arith.constant dense<0.000000e+00> : vector<1x128xf32>
    %dot_general3A_62 = tpu.matmul %dot_general3A_60, %mul3A_42, %dot_general3A_61 {dimension_numbers = #tpu.dot_dimension_numbers<[1], [0], [0], [1], [0, 0, 1, 1], [], []>, transpose_lhs_hint = false} : vector<1x128xf32>, vector<128x128xf32>, vector<1x128xf32> -> vector<1x128xf32>
    %mul3A_63 = arith.constant 9.99999974E-5 : f32
    %mul3A_64 = vector.broadcast %mul3A_63 : f32 to vector<1x128xf32>
    %mul3A_65 = arith.mulf %dot_general3A_62, %mul3A_64 : vector<1x128xf32>
    %get3A_66 = arith.constant 0 : index
    %get3A_67 = arith.constant 0 : index
    %get3A_68 = vector.load %arg7[%get3A_66, %get3A_67] : memref<2x128xf32, #tpu.memory_space<vmem>>, vector<2x128xf32>
    %dot_general3A_69 = arith.constant dense<0.000000e+00> : vector<1x2xf32>
    %dot_general3A_70 = tpu.matmul %mul3A_65, %get3A_68, %dot_general3A_69 {dimension_numbers = #tpu.dot_dimension_numbers<[1], [1], [0], [0], [0, 0, 1, 0], [], []>, transpose_lhs_hint = false} : vector<1x128xf32>, vector<2x128xf32>, vector<1x2xf32> -> vector<1x2xf32>
    %get3A_71 = arith.constant 0 : index
    %get3A_72 = arith.constant 0 : index
    %get3A_73 = vector.load %arg8[%get3A_71, %get3A_72] : memref<1x2xf32, #tpu.memory_space<vmem>>, vector<1x2xf32>
    %add3A_74 = arith.addf %dot_general3A_70, %get3A_73 : vector<1x2xf32>
    %swap3A = arith.constant 0 : index
    %swap3A_75 = arith.constant 0 : index
    %swap3A_76 = vector.load %arg9[%swap3A, %swap3A_75] : memref<1x2xf32, #tpu.memory_space<vmem>>, vector<1x2xf32>
    tpu.vector_store %arg9[%swap3A, %swap3A_75], %add3A_74 {strides = array<i32>} : memref<1x2xf32, #tpu.memory_space<vmem>>, vector<1x2xf32>,
    return
  }
}

</mosaic_0001>

<sc_bundles>
// kernel: kernel.4.cloned.1.call-start
scs
__scs_entry_jumppad:
0x0: {  	(pc) =	sbr.rel $0x88, $3  }
0x1: {  	(tag) =	ssettag $0x0;
	lr =	simm.s32 $0x1  }
0x2: {  	[smem:$0x3F98] =	sst lr;
	_ =	strace $0xD0000000  }
0x3: {  	_ = 	snop  }
0x4: {  	_ = 	snop  }
0x5: {  	_ = 	snop  }
0x6: {  	_ = 	snop  }
0x7: {  	_ = 	snop  }
__scs_overlays_trampoline_lowered:
0x8: {  	[smem:$0x3FA7] =	sst s0  }
0x9: {  	[smem:$0x3FA8] =	sst s1  }
0xa: {  	[smem:$0x3FA9] =	sst s2  }
0xb: {  	[smem:$0x3FAA] =	sst s3  }
0xc: {  	[smem:$0x3FAB] =	sst s4  }
0xd: {  	[smem:$0x3FAC] =	sst s5  }
0xe: {  	[smem:$0x3FAD] =	sst s6  }
0xf: {  	[smem:$0x3FAE] =	sst s7  }
0x10: {  	[smem:$0x3FAF] =	sst s8  }
0x11: {  	[smem:$0x3FB0] =	sst s9;
	s0 =	simm.s32 @!p0 $0x0  }
0x12: {  	s1 =	sld [smem:$0x3F96];
	s0 =	simm.s32 @p0 $0x1  }
0x13: {  	[smem:$0x3FB1] =	sst s0;
	s0 =	simm.s32 @!p1 $0x0  }
0x14: {  	s2 =	sld [smem:$0x3F95];
	s0 =	simm.s32 @p1 $0x1  }
0x15: {  	[smem:$0x3FB2] =	sst s0;
	s0 =	simm.s32 @!p2 $0x0  }
0x16: {  	s3 =	sld [smem:$0x3FDB];
	s0 =	simm.s32 @p2 $0x1  }
0x17: {  	s4 =	simm.s32 $0x1BF5;
	[smem:$0x3FB4] =	sst s0  }
0x18: {  	s0 =	sld [smem:$0x3F97];
	_ =	swait.ge [sflag:s4], $0x0  }
0x19: {  	s7 =	sld [smem:$0x3F98]  }
0x1a: {  	s8 =	sadd.s32 $0xFFFFE003, lr  }
0x1b: {  	s9 =	sadd.s32 $0xFFFFFEF7, lr;
	s5 =	simm.s32 $0xFFFFFFFF;
	p2 =	slt.u32 s8, $0xFFFFF086  }
0x1c: {  	p1 =	slt.u32 s9, $0xF7A;
	s5 =	simm.s32 @!p2 $0x0  }
0x1d: {  	s5 =	simm.s32 @p1 $0x1;
	p0 =	seq.s32 s7, s2  }
0x1e: {  	s7 =	smul.u32 @!p0 $0xF7A, s2;
	p2 =	seq.s32 @!p0 s5, $0x0  }
0x1f: {  	s9 =	smul.u32 $0xF7A, s1;
	s8 =	simm.s32 @!p0 $0x1BF5;
	p2 =	por !p2, p0  }
0x20: {  	[sflag:s8] =	ssyncset.s32 @!p0 $0xFFFFF086;
	s6 =	sadd.s32 @!p0 s3, s7;
	s7 =	simm.s32 @!p0 $0x108  }
0x21: {  	s3 =	sadd.s32 s3, s9;
	s6 =	sadd.s32 @!p0 $0x88, s6;
	s7 =	simm.s32 @p2 $0x1082  }
0x22: {  	[simem:s7], [sflag:s8] =	dma.local @!p0 [hbm:s6], $0xF7A  }
0x23: {  	s9 =	sor.u32 $0xD0000000, s2;
	s6 =	simm.s32 $0x108;
	_ =	swait.ge @!p0 [sflag:s8], $0x0  }
0x24: {  	s3 =	sadd.s32 $0x88, s3;
	s6 =	simm.s32 @!p1 $0x1082;
	[sflag:s4] =	ssyncset.s32 $0xFFFFF086  }
0x25: {  	[simem:s6], [sflag:s4] =	dma.local [hbm:s3], $0xF7A  }
0x26: {  	[smem:$0x3F98] =	sst s1;
	(tag) =	ssettag s2;
	_ =	strace s9  }
0x27: {  	s1 =	sld [smem:$0x3FA8]  }
0x28: {  	s2 =	sld [smem:$0x3FA9]  }
0x29: {  	s4 =	sld [smem:$0x3FAB]  }
0x2a: {  	p0 =	seq.s32 s5, $0x0;
	s5 =	sld [smem:$0x3FAC]  }
0x2b: {  	s6 =	sld [smem:$0x3FAD]  }
0x2c: {  	s7 =	sld [smem:$0x3FAE]  }
0x2d: {  	s3 =	simm.s32 $0x108;
	s8 =	sld [smem:$0x3FAF]  }
0x2e: {  	s3 =	simm.s32 @!p0 $0x1082;
	s9 =	sld [smem:$0x3FB0]  }
0x2f: {  	lr =	sadd.s32 s0, s3;
	s0 =	sld [smem:$0x3FA7]  }
0x30: {  	s3 =	sld [smem:$0x3FAA]  }
0x31: {  	[smem:$0x3FB3] =	sst s10  }
0x32: {  	s10 =	sld [smem:$0x3FB1];
	_ =	sdelay $0x3  }
0x33: {  	p0 =	seq.s32 s10, $0x1;
	s10 =	sld [smem:$0x3FB3];
	_ =	sdelay $0x3  }
0x34: {  	[smem:$0x3FB3] =	sst s10  }
0x35: {  	s10 =	sld [smem:$0x3FB2];
	_ =	sdelay $0x3  }
0x36: {  	p1 =	seq.s32 s10, $0x1;
	s10 =	sld [smem:$0x3FB3];
	_ =	sdelay $0x3  }
0x37: {  	[smem:$0x3FB3] =	sst s10  }
0x38: {  	s10 =	sld [smem:$0x3FB4]  }
0x39: {  	_ = 	snop;
	(pc) =	sbr.ind lr, $3  }
0x3a: {  	_ = 	snop  }
0x3b: {  	_ = 	snop  }
0x3c: {  	p2 =	seq.s32 s10, $0x1;
	s10 =	sld [smem:$0x3FB3]  }
0x3d: {  	_ =	shalt  }
0x3e: {  	_ =	shalt  }
0x3f: {  	_ =	shalt  }
0x40: {  	_ =	shalt  }
0x41: {  	_ =	shalt  }
0x42: {  	_ =	shalt  }
0x43: {  	_ =	shalt  }
0x44: {  	_ =	shalt  }
0x45: {  	_ =	shalt  }
0x46: {  	_ =	shalt  }
0x47: {  	_ =	shalt  }
0x48: {  	_ =	shalt  }
0x49: {  	_ =	shalt  }
0x4a: {  	_ =	shalt  }
0x4b: {  	_ =	shalt  }
0x4c: {  	_ =	shalt  }
0x4d: {  	_ =	shalt  }
0x4e: {  	_ =	shalt  }
0x4f: {  	_ =	shalt  }
0x50: {  	_ =	shalt  }
0x51: {  	_ =	shalt  }
0x52: {  	_ =	shalt  }
0x53: {  	_ =	shalt  }
0x54: {  	_ =	shalt  }
0x55: {  	_ =	shalt  }
0x56: {  	_ =	shalt  }
0x57: {  	_ =	shalt  }
0x58: {  	_ =	shalt  }
0x59: {  	_ =	shalt  }
0x5a: {  	_ =	shalt  }
0x5b: {  	_ =	shalt  }
0x5c: {  	_ =	shalt  }
0x5d: {  	_ =	shalt  }
0x5e: {  	_ =	shalt  }
0x5f: {  	_ =	shalt  }
0x60: {  	_ =	shalt  }
0x61: {  	_ =	shalt  }
0x62: {  	_ =	shalt  }
0x63: {  	_ =	shalt  }
0x64: {  	_ =	shalt  }
0x65: {  	_ =	shalt  }
0x66: {  	_ =	shalt  }
0x67: {  	_ =	shalt  }
0x68: {  	_ =	shalt  }
0x69: {  	_ =	shalt  }
0x6a: {  	_ =	shalt  }
0x6b: {  	_ =	shalt  }
0x6c: {  	_ =	shalt  }
0x6d: {  	_ =	shalt  }
0x6e: {  	_ =	shalt  }
0x6f: {  	_ =	shalt  }
0x70: {  	_ =	shalt  }
0x71: {  	_ =	shalt  }
0x72: {  	_ =	shalt  }
0x73: {  	_ =	shalt  }
0x74: {  	_ =	shalt  }
0x75: {  	_ =	shalt  }
0x76: {  	_ =	shalt  }
0x77: {  	_ =	shalt  }
0x78: {  	_ =	shalt  }
0x79: {  	_ =	shalt  }
0x7a: {  	_ =	shalt  }
0x7b: {  	_ =	shalt  }
0x7c: {  	_ =	shalt  }
0x7d: {  	_ =	shalt  }
0x7e: {  	_ =	shalt  }
0x7f: {  	_ =	shalt  }
0x80: {  	_ =	shalt  }
0x81: {  	_ =	shalt  }
0x82: {  	_ =	shalt  }
0x83: {  	_ =	shalt  }
0x84: {  	_ =	shalt  }
0x85: {  	_ =	shalt  }
0x86: {  	_ =	shalt  }
0x87: {  	_ =	shalt  }
.Lfunc_end0:
.L_simem_size_0:
called_computation_lowered:
.L_overlay_start_0:
0x88: {  	s2 =	sld [smem:$0x3FD9]  }
0x89: {  	s3 =	sld [smem:$0x3FFE];
	_ =	sdelay $0x1  }
0x8a: {  	s1 =	srdreg.scid  }
0x8b: {  	s0 =	sand.u32 $0x1, s1  }
0x8c: {  	s16 =	sshll.u32 s0, $0xA;
	s2 =	sadd.s32 s3, s2  }
0x8d: {  	s2 =	sadd.s32 s2, s16  }
0x8e: {  	[smem:$0x3FBF] =	sst s2  }
0x8f: {  	_ = 	snop  }
0x90: {  	(tm) =	ssettm $0x1  }
0x91: {  	s17 =	sld [smem:$0x3FFB];
	_ =	sdelay $0x3  }
0x92: {  	_ =	strace s17  }
0x93: {  	s2 =	sld [smem:$0x3FFC];
	_ =	sdelay $0x3  }
0x94: {  	_ =	strace s2  }
0x95: {  	s2 =	sld [smem:$0x3FFD];
	_ =	sdelay $0x3  }
0x96: {  	_ =	strace s2  }
0x97: {  	_ =	strace $0x8FFFFFFF  }
0x98: {  	s18 =	sld [smem:$0x3FDB];
	_ =	sdelay $0x1  }
0x99: {  	s19 =	simm.s32 $_scs_section_size  }
0x9a: {  	s4 =	simm.s32 $_size__tile_overlayer_lowered;
	s5 =	simm.s32 $_tile_overlayer_lowered  }
0x9b: {  	s22 =	simm.s32 $0x1BFF;
	s21 =	sshll.u32 s5, $0x1;
	s2 =	sadd.s32 s19, s18  }
0x9c: {  	s6 =	simm.s32 $0x0;
	s20 =	sshll.u32 s4, $0x1;
	s4 =	sadd.s32 s21, s2  }
0x9d: {  	[timem:s6], [sflag:s22] =	dma.local [hbm:s4], s20  }
0x9e: {  	_ =	swait.ge [sflag:s22], s20  }
0x9f: {  	s3 =	ssub.s32 $0x0, s20;
	[sflag:s22] =	ssyncset.done $0x0  }
0xa0: {  	[sflag:s22] =	ssyncadd.s32 s3;
	_ =	sdelay $0x1  }
0xa1: {  	s23 =	simm.s32 $0x1B8B  }
0xa2: {  	_ =	swait.ge [sflag:s23], $0x1  }
0xa3: {  	[sflag:s23] =	ssyncset.done $0x0  }
0xa4: {  	s25 =	simm.s32 $0x1B8E;
	s24 =	sld [smem:$0x3FFE];
	[sflag:s23] =	ssyncadd.s32 $0xFFFFFFFF  }
0xa5: {  	s26 =	simm.s32 $execute0_lowered;
	[smem:$0x3FD2] =	sst s25  }
0xa6: {  	s4 =	sshll.u32 s26, $0x1;
	_ =	strace $0x80000046;
	[dreg:$0x1] =	wrdreg $0xFFFFFFFF  }
0xa7: {  	s28 =	simm.s32 $_size_execute0_lowered;
	s2 =	sadd.s32 s2, s4;
	[dreg:$0x0] =	wrdreg $0x0  }
0xa8: {  	s4 =	sshll.u32 s28, $0x1;
	[dreg:$0x2] =	wrdreg s2  }
0xa9: {  	[dreg:$0x3] =	wrdreg s4  }
0xaa: {  	[dreg:$0x4] =	wrdreg $0xC0  }
0xab: {  	_ =	task [dreg:s6], $0x5FFFF  }
0xac: {  	[dreg:$0x1] =	wrdreg $0xFFFFFFFF  }
0xad: {  	[dreg:$0x0] =	wrdreg $0x60  }
0xae: {  	[dreg:$0x2] =	wrdreg s24  }
0xaf: {  	[dreg:$0x3] =	wrdreg $0x118800  }
0xb0: {  	[dreg:$0x4] =	wrdreg $0x11B000  }
0xb1: {  	[dreg:$0x5] =	wrdreg $0x11D800  }
0xb2: {  	[dreg:$0x6] =	wrdreg $0x9  }
0xb3: {  	_ =	task.clear_ibuf [dreg:s6], $0x7FFFF;
	_ =	strace $0x90000046  }
0xb4: {  	s29 =	simm.s32 $0x9;
	_ =	strace $0x80000048  }
0xb5: {  	_ =	swait.ge [sflag:s29], $0x1  }
0xb6: {  	[sflag:s29] =	ssyncadd.s32 $0xFFFFFFFF  }
0xb7: {  	_ =	strace $0x90000048  }
0xb8: {  	_ =	sfence  }
0xb9: {  	s30 =	sld [smem:$0x0];
	_ =	sdelay $0x2  }
0xba: {  	s31 =	sshll.u32 s1, $0xD;
	s1 =	sshrl.u32 s1, $0x2  }
0xbb: {  	s3 =	sand.u32 $0x4000, s31;
	s1 =	sadd.s32 s1, s30  }
0xbc: {  	s0 =	sor.u32 s3, s0;
	s1 =	sshll.u32 s1, $0x11  }
0xbd: {  	s0 =	sor.u32 s1, s0  }
0xbe: {  	s0 =	sadd.s32 $0x8F2B, s0  }
0xbf: {  	[sflag:s0] =	ssyncadd.remote.s32 $0x1  }
0xc0: {  	_ =	sfence.sel $0xFFFF  }
0xc1: {  	[dreg:$0x0] =	wrdreg $0xFFFFFFFF;
	(pc) =	sbr.abs _section_cstart, $3  }
0xc2: {  	[dreg:$0x1] =	wrdreg $0xFFFFFFFF  }
0xc3: {  	_ =	task.clear_ibuf [dreg:s6], $0x2FFFF;
	_ =	strace $0x9FFFFFFF  }
0xc4: {  	(tm) =	ssettm $0x7FFFFFFF  }
0xc5: {  	_ =	shalt  }
tec
execute0_lowered:
.L_overlay_start_1:
0x0: {  	(tag) =	ssettag $0x1  }
0x1: {  	s6 =	rddreg [dreg:$0x0]  }
0x2: {  	s0 =	rddreg [dreg:$0x1]  }
0x3: {  	s1 =	srdreg.scid;
	s3 =	rddreg [dreg:$0x2]  }
0x4: {  	s4 =	rddreg [dreg:$0x3];
	s2 =	stileid.u32;
	s5 =	simm.s32 $0x0  }
0x5: {  	s18 =	simm.s32 $0x4;
	s19 =	simm.s32 $0x1;
	s20 =	simm.s32 $0x4E20  }
0x6: {  	s21 =	simm.s32 $0x9D80;
	s22 =	simm.s32 $0x11600;
	s23 =	simm.s32 $0x2  }
0x7: {  	s24 =	simm.s32 $0x2710;
	s25 =	simm.s32 $0xEC00;
	s26 =	simm.s32 $0x3  }
0x8: {  	s28 =	simm.s32 $0x0;
	s17 =	sand.u32 $0x1, s1;
	s1 =	rddreg [dreg:$0x4]  }
0x9: {  	[smem:$0x7FF] =	sst s5;
	s9 =	smul.u32 $0x4E20, s2;
	s10 =	sadd.s32 $0x1A00, s6  }
0xa: {  	s12 =	sadd.s32 $0x15400, s6;
	s13 =	smul.u32 $0x280, s2;
	s7 =	sshll.u32 s17, $0x4  }
0xb: {  	_ =	strace $0x80000047;
	s8 =	ssub.s32 $0x2, s17;
	s30 =	smul.u32 $0x2800, s17  }
0xc: {  	p0 =	sne.s32 s17, $0x0;
	s17 =	simm.s32 $0x11380;
	s7 =	sor.u32 s2, s7  }
0xd: {  	s11 =	sshrl.u32 s8, $0x1;
	s29 =	sshrl.u32 s9, $0x3;
	s15 =	sshrl.u32 s13, $0x3  }
0xe: {  	s7 =	smul.u32 $0x2710, s7;
	s9 =	sadd.s32 s10, s29;
	s14 =	ssub.s32 s8, s11  }
0xf: {  	s31 =	sadd.s32 s13, s30;
	s15 =	sadd.s32 s12, s15;
	s11 =	sadd.s32 s13, s4  }
0x10: {  	s16 =	sshrl.u32 s31, $0x3;
	s14 =	smax.u32 s14, $0x1;
	s7 =	sshrl.u32 s7, $0x3  }
0x11: {  	s12 =	sadd.s32 s12, s16;
	s16 =	simm.s32 $0x7600;
	s6 =	sadd.s32 s10, s7  }
0x12: {  	s7 =	sadd.s32 $0x9C40, s9;
	s9 =	sadd.s32 s13, s0;
	s10 =	sadd.s32 s13, s3  }
0x13: {  	v0 =	vimm.f32 $1.000000000e+00;
	v1 =	vimm.f32 $0.0e+00;
	v2 =	vimm.f32 $5.000000000e-01;
	s13 =	sadd.s32 $0xA00, s15;
	s15 =	simm.s32 $0x4E80;
	s8 =	sadd.s32 $0x9C40, s6  }
.LBB2_1:
0x14: {  	[tilespmem:s5], [sflag:$0x1] =	stream.linear.gather [hbm4b:s7+s5], $0x4E20, $0x38;
	[tilespmem:$0x12000] =	vst v63  }
0x15: {  	_ = 	snop  }
0x16: {  	[tilespmem:s15], [sflag:$0x2] =	stream.linear.gather [hbm4b:s8+s5], $0x2710, $0x38;
	[tilespmem:$0x12000] =	vst v63  }
0x17: {  	s29 =	simm.s32 $0x9DC0  }
0x18: {  	[tilespmem:s16], [sflag:$0x3] =	stream.linear.gather [hbm4b:s6+s5], $0x2710, $0x38;
	[tilespmem:$0x12000] =	vst v63  }
0x19: {  	[tilespmem:s29+$0xFFFFFFC0] =	vst v0  }
0x1a: {  	[tilespmem:s29+$0x30] =	vst v0  }
0x1b: {  	[tilespmem:s29+$0x20] =	vst v0  }
0x1c: {  	[tilespmem:s29+$0x10] =	vst v0  }
0x1d: {  	[tilespmem:s29+$0x0] =	vst v0  }
0x1e: {  	[tilespmem:s29+$0xFFFFFFF0] =	vst v0  }
0x1f: {  	s30 =	simm.s32 $0x0;
	[tilespmem:s29+$0xFFFFFFE0] =	vst v0  }
.LBB2_2:
0x20: {  	s30 =	sadd.s32 $0x8, s30;
	[tilespmem:s29+$0xFFFFFFD0] =	vst v0;
	s29 =	sadd.s32 $0x80, s29  }
0x21: {  	[tilespmem:s29+$0xFFFFFFC0] =	vst v0;
	p1 =	slt.u32 s30, $0x4D8  }
0x22: {  	[tilespmem:s29+$0x30] =	vst v0  }
.Ltmp0:
0x23: {  	[tilespmem:s29+$0x20] =	vst v0;
	(pc) =	sbr.rel @p1 .LBB2_2-.Ltmp0, $4  }
0x24: {  	[tilespmem:s29+$0x10] =	vst v0  }
0x25: {  	[tilespmem:s29+$0x0] =	vst v0  }
0x26: {  	[tilespmem:s29+$0xFFFFFFF0] =	vst v0  }
0x27: {  	[tilespmem:s29+$0xFFFFFFE0] =	vst v0  }
0x28: {  	[tilespmem:s29+$0xFFFFFFD0] =	vst v0  }
0x29: {  	[tilespmem:$0xEB80] =	vst v0  }
0x2a: {  	[tilespmem:$0xEB90] =	vst v0  }
0x2b: {  	[tilespmem:$0x11380] =	vst v1  }
0x2c: {  	[tilespmem:$0x11390] =	vst v1  }
0x2d: {  	[tilespmem:$0x113A0] =	vst v1  }
0x2e: {  	[tilespmem:$0x113B0] =	vst v1  }
0x2f: {  	[tilespmem:$0x113C0] =	vst v1  }
0x30: {  	[tilespmem:$0x113D0] =	vst v1  }
0x31: {  	[tilespmem:$0x113E0] =	vst v1  }
0x32: {  	[tilespmem:$0x113F0] =	vst v1  }
0x33: {  	[tilespmem:$0x11400] =	vst v1  }
0x34: {  	[tilespmem:$0x11410] =	vst v1  }
0x35: {  	[tilespmem:$0x11420] =	vst v1  }
0x36: {  	[tilespmem:$0x11430] =	vst v1  }
0x37: {  	[tilespmem:$0x11440] =	vst v1  }
0x38: {  	[tilespmem:$0x11450] =	vst v1  }
0x39: {  	[tilespmem:$0x11460] =	vst v1  }
0x3a: {  	[tilespmem:$0x11470] =	vst v1  }
0x3b: {  	[tilespmem:$0x11480] =	vst v1  }
0x3c: {  	[tilespmem:$0x11490] =	vst v1  }
0x3d: {  	[tilespmem:$0x114A0] =	vst v1  }
0x3e: {  	[tilespmem:$0x114B0] =	vst v1  }
0x3f: {  	[tilespmem:$0x114C0] =	vst v1  }
0x40: {  	[tilespmem:$0x114D0] =	vst v1  }
0x41: {  	[tilespmem:$0x114E0] =	vst v1  }
0x42: {  	[tilespmem:$0x114F0] =	vst v1  }
0x43: {  	[tilespmem:$0x11500] =	vst v1  }
0x44: {  	[tilespmem:$0x11510] =	vst v1  }
0x45: {  	[tilespmem:$0x11520] =	vst v1  }
0x46: {  	[tilespmem:$0x11530] =	vst v1  }
0x47: {  	[tilespmem:$0x11540] =	vst v1  }
0x48: {  	[tilespmem:$0x11550] =	vst v1  }
0x49: {  	[tilespmem:$0x11560] =	vst v1  }
0x4a: {  	[tilespmem:$0x11570] =	vst v1  }
0x4b: {  	[tilespmem:$0x11580] =	vst v1  }
0x4c: {  	[tilespmem:$0x11590] =	vst v1  }
0x4d: {  	[tilespmem:$0x115A0] =	vst v1  }
0x4e: {  	[tilespmem:$0x115B0] =	vst v1  }
0x4f: {  	[tilespmem:$0x115C0] =	vst v1  }
0x50: {  	[tilespmem:$0x115D0] =	vst v1  }
0x51: {  	[tilespmem:$0x115E0] =	vst v1  }
0x52: {  	[tilespmem:$0x115F0] =	vst v1  }
0x53: {  	[spmem:s9] =	stream.linear.scatter [tilespmem:s17], [sflag:$0x4], $0x280, $0x38;
	[tilespmem:$0x12000] =	vst v63  }
0x54: {  	_ =	swait.ge [sflag:s18], $0x280  }
0x55: {  	[sflag:s18] =	ssyncset.done $0x0  }
0x56: {  	[sflag:s18] =	ssyncadd.s32 $0xFFFFFD80  }
0x57: {  	[spmem:s10] =	stream.linear.scatter [tilespmem:s17], [sflag:$0x4], $0x280, $0x38;
	[tilespmem:$0x12000] =	vst v63  }
0x58: {  	_ =	swait.ge [sflag:s18], $0x280  }
0x59: {  	[sflag:s18] =	ssyncset.done $0x0  }
0x5a: {  	[sflag:s18] =	ssyncadd.s32 $0xFFFFFD80  }
0x5b: {  	[bflag:$0x0] =	sbarrier.arrive $0xFFFF  }
0x5c: {  	_ =	swait.ge [sflag:s19], $0x4E20  }
0x5d: {  	[sflag:s19] =	ssyncset.done $0x0  }
0x5e: {  	[sflag:s19] =	ssyncadd.s32 $0xFFFFB1E0  }
0x5f: {  	[spmem:s0] =	stream.indirect.scatter.add.f32 [tilespmem:s21], [sflag:$0x4], $0x1, s5, s20, $0xb8;
	[tilespmem:$0x12000] =	vst v63  }
0x60: {  	_ =	swait.ge [sflag:s18], $0x4E20  }
0x61: {  	[sflag:s18] =	ssyncset.done $0x0  }
0x62: {  	[sflag:s18] =	ssyncadd.s32 $0xFFFFB1E0  }
0x63: {  	[bflag:$0x0] =	sbarrier.arrive $0xFFFF  }
0x64: {  	[tilespmem:s17], [sflag:$0x4] =	stream.linear.gather [spmem:s9], $0x280, $0x38;
	[tilespmem:$0x12000] =	vst v63  }
0x65: {  	_ =	swait.ge [sflag:s18], $0x280  }
0x66: {  	[sflag:s18] =	ssyncset.done $0x0  }
0x67: {  	[sflag:s18] =	ssyncadd.s32 $0xFFFFFD80  }
0x68: {  	v3 =	vld [tilespmem:$0x11380];
	_ =	sdelay $0x4  }
0x69: {  	v3 =	vadd.f32 $1.000000000e+00, v3;
	_ =	sdelay $0x1  }
0x6a: {  	vm0 =	vge.f32 v3, $4.000000000e+00  }
0x6b: {  	vm5 =	vge.f32 v3, $1.600000000e+01;
	v4 =	vsel vm0, $0x3E800000, v2  }
0x6c: {  	vm6 =	vge.f32 v3, $6.400000000e+01;
	v4 =	vsel vm5, $0x3E000000, v4  }
0x6d: {  	vm7 =	vge.f32 v3, $2.560000000e+02;
	v4 =	vsel vm6, $0x3D800000, v4  }
0x6e: {  	vm8 =	vge.f32 v3, $1.024000000e+03;
	v4 =	vsel vm7, $0x3D000000, v4  }
0x6f: {  	vm9 =	vge.f32 v3, $4.096000000e+03;
	v4 =	vsel vm8, $0x3C800000, v4  }
0x70: {  	vm10 =	vge.f32 v3, $1.638400000e+04;
	v4 =	vsel vm9, $0x3C000000, v4  }
0x71: {  	v5 =	vld [tilespmem:$0x11390];
	vm11 =	vge.f32 v3, $6.553600000e+04;
	v4 =	vsel vm10, $0x3B800000, v4  }
0x72: {  	vm12 =	vge.f32 v3, $2.621440000e+05;
	v3 =	vmul.f32 $5.000000000e-01, v3;
	v4 =	vsel vm11, $0x3B000000, v4  }
0x73: {  	v4 =	vsel vm12, $0x3A800000, v4  }
0x74: {  	v6 =	vmul.f32 v4, v3;
	_ =	sdelay $0x1  }
0x75: {  	v5 =	vadd.f32 $1.000000000e+00, v5;
	v6 =	vmul.f32 v6, v4;
	_ =	sdelay $0x1  }
0x76: {  	vm13 =	vge.f32 v5, $4.000000000e+00;
	v6 =	vsub.f32 $1.500000000e+00, v6  }
0x77: {  	vm14 =	vge.f32 v5, $1.600000000e+01;
	v62 =	vsel vm13, $0x3E800000, v2  }
0x78: {  	vm15 =	vge.f32 v5, $6.400000000e+01;
	v4 =	vmul.f32 v6, v4;
	v6 =	vsel vm14, $0x3E000000, v62  }
0x79: {  	vm4 =	vge.f32 v5, $2.560000000e+02;
	v6 =	vsel vm15, $0x3D800000, v6  }
0x7a: {  	vm5 =	vge.f32 v5, $1.024000000e+03;
	v7 =	vmul.f32 v4, v3;
	v6 =	vsel vm4, $0x3D000000, v6  }
0x7b: {  	vm6 =	vge.f32 v5, $4.096000000e+03;
	v6 =	vsel vm5, $0x3C800000, v6  }
0x7c: {  	vm7 =	vge.f32 v5, $1.638400000e+04;
	v7 =	vmul.f32 v7, v4;
	v6 =	vsel vm6, $0x3C000000, v6  }
0x7d: {  	v63 =	vmul.f32 $5.000000000e-01, v5;
	vm8 =	vge.f32 v5, $6.553600000e+04;
	v6 =	vsel vm7, $0x3B800000, v6  }
0x7e: {  	v18 =	vld [tilespmem:$0x113A0];
	vm9 =	vge.f32 v5, $2.621440000e+05;
	v8 =	vsub.f32 $1.500000000e+00, v7;
	v6 =	vsel vm8, $0x3B000000, v6  }
0x7f: {  	v6 =	vsel vm9, $0x3A800000, v6  }
0x80: {  	v4 =	vmul.f32 v8, v4;
	v19 =	vmul.f32 v6, v63;
	_ =	sdelay $0x1  }
0x81: {  	v9 =	vmul.f32 v4, v3;
	v8 =	vmul.f32 v19, v6  }
0x82: {  	v5 =	vadd.f32 $1.000000000e+00, v18  }
0x83: {  	v9 =	vmul.f32 v9, v4;
	v8 =	vsub.f32 $1.500000000e+00, v8  }
0x84: {  	vm10 =	vge.f32 v5, $4.000000000e+00;
	vm11 =	vge.f32 v5, $1.600000000e+01  }
0x85: {  	v20 =	vsel vm10, $0x3E800000, v2;
	v9 =	vsub.f32 $1.500000000e+00, v9;
	v6 =	vmul.f32 v8, v6  }
0x86: {  	vm13 =	vge.f32 v5, $2.560000000e+02;
	vm12 =	vge.f32 v5, $6.400000000e+01;
	v21 =	vsel vm11, $0x3E000000, v20  }
0x87: {  	v9 =	vmul.f32 v9, v4;
	v22 =	vmul.f32 v6, v63;
	v4 =	vsel vm12, $0x3D800000, v21  }
0x88: {  	vm14 =	vge.f32 v5, $1.024000000e+03;
	v4 =	vsel vm13, $0x3D000000, v4  }
0x89: {  	v14 =	vld [tilespmem:$0x113C0];
	vm15 =	vge.f32 v5, $4.096000000e+03;
	v8 =	vmul.f32 v22, v6;
	v4 =	vsel vm14, $0x3C800000, v4  }
0x8a: {  	v24 =	vld [tilespmem:$0x113B0];
	vm4 =	vge.f32 v5, $1.638400000e+04;
	vm5 =	vge.f32 v5, $6.553600000e+04;
	v4 =	vsel vm15, $0x3C000000, v4  }
0x8b: {  	v44 =	vld [tilespmem:$0x113D0];
	v10 =	vmul.f32 v9, v3;
	v8 =	vsub.f32 $1.500000000e+00, v8;
	v4 =	vsel vm4, $0x3B800000, v4  }
0x8c: {  	v23 =	vmul.f32 $5.000000000e-01, v5;
	vm6 =	vge.f32 v5, $2.621440000e+05;
	v11 =	vsel vm5, $0x3B000000, v4  }
0x8d: {  	v10 =	vmul.f32 v10, v9;
	v6 =	vmul.f32 v8, v6;
	v25 =	vsel vm6, $0x3A800000, v11  }
0x8e: {  	v14 =	vadd.f32 $1.000000000e+00, v14;
	v11 =	vmul.f32 v25, v23  }
0x8f: {  	v5 =	vadd.f32 $1.000000000e+00, v24;
	v10 =	vsub.f32 $1.500000000e+00, v10;
	v26 =	vmul.f32 v6, v63  }
0x90: {  	v47 =	vadd.f32 $1.000000000e+00, v44;
	v39 =	vmul.f32 $5.000000000e-01, v14;
	v11 =	vmul.f32 v11, v25  }
0x91: {  	vm7 =	vge.f32 v5, $4.000000000e+00;
	v9 =	vmul.f32 v10, v9;
	v10 =	vmul.f32 v26, v6  }
0x92: {  	vm8 =	vge.f32 v5, $1.600000000e+01;
	vm10 =	vge.f32 v5, $2.560000000e+02;
	v11 =	vsub.f32 $1.500000000e+00, v11  }
0x93: {  	vm11 =	vge.f32 v5, $1.024000000e+03;
	v27 =	vsel vm7, $0x3E800000, v2;
	v10 =	vsub.f32 $1.500000000e+00, v10  }
0x94: {  	vm9 =	vge.f32 v5, $6.400000000e+01;
	v28 =	vsel vm8, $0x3E000000, v27;
	v8 =	vmul.f32 v11, v25  }
0x95: {  	vm7 =	vge.f32 v14, $2.560000000e+02;
	v6 =	vmul.f32 v10, v6;
	v10 =	vsel vm9, $0x3D800000, v28  }
0x96: {  	vm12 =	vge.f32 v5, $4.096000000e+03;
	v29 =	vmul.f32 v8, v23;
	v10 =	vsel vm10, $0x3D000000, v10  }
0x97: {  	vm13 =	vge.f32 v5, $1.638400000e+04;
	vm14 =	vge.f32 v5, $6.553600000e+04;
	v10 =	vsel vm11, $0x3C800000, v10  }
0x98: {  	vm15 =	vge.f32 v5, $2.621440000e+05;
	v11 =	vmul.f32 v29, v8;
	v10 =	vsel vm12, $0x3C000000, v10  }
0x99: {  	v12 =	vmul.f32 v9, v3;
	v13 =	vmul.f32 v6, v63;
	v10 =	vsel vm13, $0x3B800000, v10  }
0x9a: {  	v5 =	vmul.f32 $5.000000000e-01, v5;
	v11 =	vsub.f32 $1.500000000e+00, v11;
	v10 =	vsel vm14, $0x3B000000, v10  }
0x9b: {  	v12 =	vmul.f32 v12, v9;
	v13 =	vmul.f32 v13, v6;
	v10 =	vsel vm15, $0x3A800000, v10  }
0x9c: {  	vm4 =	vge.f32 v14, $4.000000000e+00;
	v8 =	vmul.f32 v11, v8;
	v31 =	vmul.f32 v10, v5  }
0x9d: {  	vm8 =	vge.f32 v14, $1.024000000e+03;
	v15 =	vsel vm4, $0x3E800000, v2;
	v30 =	vsub.f32 $1.500000000e+00, v12  }
0x9e: {  	v13 =	vsub.f32 $1.500000000e+00, v13;
	v32 =	vmul.f32 v8, v23;
	v33 =	vmul.f32 v31, v10  }
0x9f: {  	vm5 =	vge.f32 v14, $1.600000000e+01;
	vm4 =	vge.f32 v47, $2.560000000e+02;
	v11 =	vmul.f32 v30, v9  }
0xa0: {  	v54 =	vld [tilespmem:$0x113E0];
	v13 =	vmul.f32 v13, v6;
	v6 =	vmul.f32 v32, v8;
	v9 =	vsub.f32 $1.500000000e+00, v33  }
0xa1: {  	v15 =	vsel vm5, $0x3E000000, v15;
	vm6 =	vge.f32 v14, $6.400000000e+01;
	vm5 =	vge.f32 v47, $1.024000000e+03  }
0xa2: {  	v35 =	vsel vm6, $0x3D800000, v15;
	v6 =	vsub.f32 $1.500000000e+00, v6;
	v9 =	vmul.f32 v9, v10  }
0xa3: {  	vm6 =	vge.f32 v47, $4.096000000e+03;
	v36 =	vsel vm7, $0x3D000000, v35;
	vm9 =	vge.f32 v14, $4.096000000e+03  }
0xa4: {  	v8 =	vmul.f32 v6, v8;
	v37 =	vmul.f32 v9, v5;
	v6 =	vsel vm8, $0x3C800000, v36  }
0xa5: {  	v15 =	vadd.f32 $1.000000000e+00, v54;
	vm10 =	vge.f32 v14, $1.638400000e+04;
	v6 =	vsel vm9, $0x3C000000, v6  }
0xa6: {  	vm11 =	vge.f32 v14, $6.553600000e+04;
	v10 =	vmul.f32 v37, v9;
	v6 =	vsel vm10, $0x3B800000, v6  }
0xa7: {  	vm12 =	vge.f32 v14, $2.621440000e+05;
	v3 =	vmul.f32 v11, v3;
	v16 =	vsel vm11, $0x3B000000, v6  }
0xa8: {  	v38 =	vmul.f32 v8, v23;
	v10 =	vsub.f32 $1.500000000e+00, v10;
	v41 =	vsel vm12, $0x3A800000, v16  }
0xa9: {  	vm7 =	vge.f32 v47, $1.638400000e+04;
	v34 =	vmul.f32 v13, v63;
	v16 =	vmul.f32 v41, v39  }
0xaa: {  	vm13 =	vge.f32 v47, $4.000000000e+00;
	v40 =	vmul.f32 v38, v8;
	v9 =	vmul.f32 v10, v9  }
0xab: {  	v50 =	vsel vm13, $0x3E800000, v2;
	v12 =	vmul.f32 v34, v13;
	v43 =	vmul.f32 v16, v41  }
0xac: {  	v3 =	vmul.f32 v3, v11;
	v14 =	vsub.f32 $1.500000000e+00, v40;
	v45 =	vmul.f32 v9, v5  }
0xad: {  	vm14 =	vge.f32 v47, $1.600000000e+01;
	v42 =	vsub.f32 $1.500000000e+00, v12;
	v12 =	vsub.f32 $1.500000000e+00, v43  }
0xae: {  	v3 =	vsub.f32 $1.500000000e+00, v3;
	v8 =	vmul.f32 v14, v8;
	v14 =	vmul.f32 v45, v9  }
0xaf: {  	vm13 =	vge.f32 v15, $2.560000000e+02;
	vm15 =	vge.f32 v47, $6.400000000e+01;
	v12 =	vmul.f32 v12, v41  }
0xb0: {  	vm8 =	vge.f32 v47, $6.553600000e+04;
	v3 =	vmul.f32 v3, v11;
	v14 =	vsub.f32 $1.500000000e+00, v14  }
0xb1: {  	vm9 =	vge.f32 v47, $2.621440000e+05;
	vm10 =	vge.f32 v15, $4.000000000e+00;
	v48 =	vmul.f32 v12, v39  }
0xb2: {  	v21 =	vsel vm10, $0x3E800000, v2;
	vm11 =	vge.f32 v15, $1.600000000e+01;
	v14 =	vmul.f32 v14, v9  }
0xb3: {  	vm12 =	vge.f32 v15, $6.400000000e+01;
	v16 =	vsel vm14, $0x3E000000, v50;
	v49 =	vmul.f32 v48, v12  }
0xb4: {  	v10 =	vmul.f32 v42, v13;
	v16 =	vsel vm15, $0x3D800000, v16;
	v17 =	vmul.f32 v14, v5  }
0xb5: {  	vm14 =	vge.f32 v15, $1.024000000e+03;
	v16 =	vsel vm4, $0x3D000000, v16;
	v9 =	vsub.f32 $1.500000000e+00, v49  }
0xb6: {  	v7 =	vmul.f32 v10, v63;
	v51 =	vsel vm5, $0x3C800000, v16;
	v17 =	vmul.f32 v17, v14  }
0xb7: {  	v46 =	vmul.f32 v8, v23;
	v12 =	vmul.f32 v9, v12;
	v9 =	vsel vm6, $0x3C000000, v51  }
0xb8: {  	vm15 =	vge.f32 v15, $4.096000000e+03;
	v52 =	vsub.f32 $1.500000000e+00, v17;
	v9 =	vsel vm7, $0x3B800000, v9  }
0xb9: {  	v13 =	vmul.f32 v46, v8;
	v18 =	vsel vm8, $0x3B000000, v9;
	v9 =	vmul.f32 $5.000000000e-01, v47  }
0xba: {  	v53 =	vmul.f32 v12, v39;
	v14 =	vmul.f32 v52, v14;
	v56 =	vsel vm9, $0x3A800000, v18  }
0xbb: {  	v7 =	vmul.f32 v7, v10;
	v13 =	vsub.f32 $1.500000000e+00, v13;
	v57 =	vmul.f32 v56, v9  }
0xbc: {  	vm4 =	vge.f32 v15, $1.638400000e+04;
	v55 =	vmul.f32 v53, v12;
	v58 =	vmul.f32 v14, v5  }
0xbd: {  	v7 =	vsub.f32 $1.500000000e+00, v7;
	v13 =	vmul.f32 v13, v8;
	v8 =	vmul.f32 v57, v56  }
0xbe: {  	vm5 =	vge.f32 v15, $6.553600000e+04;
	v16 =	vsub.f32 $1.500000000e+00, v55;
	v11 =	vmul.f32 v58, v14  }
0xbf: {  	v4 =	vmul.f32 v7, v10;
	v59 =	vmul.f32 v13, v23;
	v8 =	vsub.f32 $1.500000000e+00, v8  }
0xc0: {  	vm6 =	vge.f32 v15, $2.621440000e+05;
	v12 =	vmul.f32 v16, v12;
	v61 =	vsub.f32 $1.500000000e+00, v11  }
0xc1: {  	v60 =	vmul.f32 v59, v13;
	v63 =	vmul.f32 v8, v56;
	v8 =	vsel vm11, $0x3E000000, v21  }
0xc2: {  	v62 =	vmul.f32 v12, v39;
	v8 =	vsel vm12, $0x3D800000, v8;
	v14 =	vmul.f32 v61, v14  }
0xc3: {  	v24 =	vld [tilespmem:$0x113F0];
	v7 =	vsub.f32 $1.500000000e+00, v60;
	v17 =	vmul.f32 v63, v9;
	v8 =	vsel vm13, $0x3D000000, v8  }
0xc4: {  	v50 =	vld [tilespmem:$0x11410];
	v11 =	vmul.f32 v62, v12;
	v8 =	vsel vm14, $0x3C800000, v8;
	v19 =	vmul.f32 v14, v5  }
0xc5: {  	v5 =	vmul.f32 v7, v13;
	v17 =	vmul.f32 v17, v63;
	v8 =	vsel vm15, $0x3C000000, v8  }
0xc6: {  	v11 =	vsub.f32 $1.500000000e+00, v11;
	v8 =	vsel vm4, $0x3B800000, v8;
	v30 =	vmul.f32 v19, v14  }
0xc7: {  	v22 =	vsub.f32 $1.500000000e+00, v17;
	v23 =	vsel vm5, $0x3B000000, v8;
	v8 =	vmul.f32 $5.000000000e-01, v15  }
0xc8: {  	v11 =	vmul.f32 v11, v12;
	v15 =	vadd.f32 $1.000000000e+00, v24;
	v26 =	vsel vm6, $0x3A800000, v23  }
0xc9: {  	v19 =	vadd.f32 $1.000000000e+00, v50;
	v12 =	vmul.f32 v22, v63;
	v27 =	vmul.f32 v26, v8  }
0xca: {  	v7 =	vsub.f32 $1.500000000e+00, v30;
	v25 =	vmul.f32 v11, v39;
	vm7 =	vge.f32 v15, $4.000000000e+00  }
0xcb: {  	vm8 =	vge.f32 v15, $1.600000000e+01;
	v29 =	vmul.f32 v12, v9;
	v10 =	vmul.f32 v27, v26  }
0xcc: {  	vm9 =	vge.f32 v15, $6.400000000e+01;
	vm10 =	vge.f32 v15, $2.560000000e+02;
	v28 =	vmul.f32 v25, v11  }
0xcd: {  	vm11 =	vge.f32 v15, $1.024000000e+03;
	v18 =	vmul.f32 v29, v12;
	v10 =	vsub.f32 $1.500000000e+00, v10  }
0xce: {  	vm12 =	vge.f32 v15, $4.096000000e+03;
	vm13 =	vge.f32 v15, $1.638400000e+04;
	v17 =	vsub.f32 $1.500000000e+00, v28  }
0xcf: {  	v32 =	vsel vm7, $0x3E800000, v2;
	v31 =	vsub.f32 $1.500000000e+00, v18;
	v16 =	vmul.f32 v10, v26  }
0xd0: {  	vm14 =	vge.f32 v15, $6.553600000e+04;
	v11 =	vmul.f32 v17, v11;
	v10 =	vsel vm8, $0x3E000000, v32  }
0xd1: {  	v10 =	vsel vm9, $0x3D800000, v10;
	v12 =	vmul.f32 v31, v12;
	v33 =	vmul.f32 v16, v8  }
0xd2: {  	vm15 =	vge.f32 v15, $2.621440000e+05;
	v10 =	vsel vm10, $0x3D000000, v10;
	v6 =	vmul.f32 v11, v39  }
0xd3: {  	v39 =	vld [tilespmem:$0x11400];
	v10 =	vsel vm11, $0x3C800000, v10;
	v34 =	vmul.f32 v12, v9;
	v13 =	vmul.f32 v33, v16  }
0xd4: {  	v10 =	vsel vm12, $0x3C000000, v10;
	v41 =	vmul.f32 v6, v11;
	v6 =	vmul.f32 v7, v14  }
0xd5: {  	v10 =	vsel vm13, $0x3B800000, v10;
	vm13 =	vge.f32 v19, $4.000000000e+00;
	v17 =	vmul.f32 v34, v12  }
0xd6: {  	v13 =	vsub.f32 $1.500000000e+00, v13;
	v35 =	vsel vm14, $0x3B000000, v10;
	v10 =	vmul.f32 $5.000000000e-01, v15  }
0xd7: {  	v42 =	vsub.f32 $1.500000000e+00, v41;
	v55 =	vsel vm13, $0x3E800000, v2;
	vm14 =	vge.f32 v19, $1.600000000e+01  }
0xd8: {  	v37 =	vsel vm15, $0x3A800000, v35;
	v18 =	vadd.f32 $1.000000000e+00, v39;
	v56 =	vsel vm14, $0x3E000000, v55  }
0xd9: {  	vm15 =	vge.f32 v19, $6.400000000e+01;
	v36 =	vsub.f32 $1.500000000e+00, v17;
	v13 =	vmul.f32 v13, v16  }
0xda: {  	v38 =	vmul.f32 v37, v10;
	v7 =	vmul.f32 v42, v11;
	v57 =	vsel vm15, $0x3D800000, v56  }
0xdb: {  	vm4 =	vge.f32 v18, $4.000000000e+00;
	vm5 =	vge.f32 v18, $1.600000000e+01;
	vm6 =	vge.f32 v18, $6.400000000e+01  }
0xdc: {  	vm7 =	vge.f32 v18, $2.560000000e+02;
	vm8 =	vge.f32 v18, $1.024000000e+03;
	vm9 =	vge.f32 v18, $4.096000000e+03  }
0xdd: {  	vm10 =	vge.f32 v18, $1.638400000e+04;
	vm11 =	vge.f32 v18, $6.553600000e+04;
	v11 =	vmul.f32 $5.000000000e-01, v18  }
0xde: {  	vm12 =	vge.f32 v18, $2.621440000e+05;
	v12 =	vmul.f32 v36, v12;
	v40 =	vmul.f32 v13, v8  }
0xdf: {  	v17 =	vmul.f32 v38, v37;
	v48 =	vsel vm4, $0x3E800000, v2;
	vm4 =	vge.f32 v19, $2.560000000e+02  }
0xe0: {  	v59 =	vld [tilespmem:$0x11420];
	v16 =	vsel vm5, $0x3E000000, v48;
	vm5 =	vge.f32 v19, $1.024000000e+03;
	v20 =	vmul.f32 v12, v9  }
0xe1: {  	v15 =	vmul.f32 v40, v13;
	v43 =	vsub.f32 $1.500000000e+00, v17;
	v16 =	vsel vm6, $0x3D800000, v16  }
0xe2: {  	vm6 =	vge.f32 v19, $4.096000000e+03;
	v16 =	vsel vm7, $0x3D000000, v16;
	vm7 =	vge.f32 v19, $1.638400000e+04  }
0xe3: {  	v44 =	vmul.f32 v20, v12;
	v15 =	vsub.f32 $1.500000000e+00, v15;
	v16 =	vsel vm8, $0x3C800000, v16  }
0xe4: {  	v45 =	vmul.f32 v43, v37;
	vm8 =	vge.f32 v19, $6.553600000e+04;
	v16 =	vsel vm9, $0x3C000000, v16  }
0xe5: {  	v20 =	vadd.f32 $1.000000000e+00, v59;
	vm9 =	vge.f32 v19, $2.621440000e+05;
	v51 =	vsel vm10, $0x3B800000, v16  }
0xe6: {  	v46 =	vsub.f32 $1.500000000e+00, v44;
	v13 =	vmul.f32 v15, v13;
	v16 =	vsel vm11, $0x3B000000, v51  }
0xe7: {  	v47 =	vmul.f32 v45, v10;
	vm10 =	vge.f32 v20, $4.000000000e+00;
	v16 =	vsel vm12, $0x3A800000, v16  }
0xe8: {  	vm13 =	vge.f32 v20, $2.560000000e+02;
	v49 =	vmul.f32 v13, v8;
	v53 =	vmul.f32 v16, v11  }
0xe9: {  	vm14 =	vge.f32 v20, $1.024000000e+03;
	v15 =	vmul.f32 v47, v45;
	v14 =	vmul.f32 v46, v12  }
0xea: {  	vm15 =	vge.f32 v20, $4.096000000e+03;
	v17 =	vmul.f32 v49, v13;
	v12 =	vmul.f32 v53, v16  }
0xeb: {  	v63 =	vsel vm10, $0x3E800000, v2;
	v15 =	vsub.f32 $1.500000000e+00, v15;
	v9 =	vmul.f32 v14, v9  }
0xec: {  	vm11 =	vge.f32 v20, $1.600000000e+01;
	v17 =	vsub.f32 $1.500000000e+00, v17;
	v12 =	vsub.f32 $1.500000000e+00, v12  }
0xed: {  	vm12 =	vge.f32 v20, $6.400000000e+01;
	v15 =	vmul.f32 v15, v45;
	v9 =	vmul.f32 v9, v14  }
0xee: {  	v13 =	vmul.f32 v17, v13;
	v16 =	vmul.f32 v12, v16;
	v12 =	vsel vm4, $0x3D000000, v57  }
0xef: {  	v52 =	vmul.f32 v15, v10;
	v9 =	vsub.f32 $1.500000000e+00, v9;
	v12 =	vsel vm5, $0x3C800000, v12  }
0xf0: {  	vm4 =	vge.f32 v20, $1.638400000e+04;
	v54 =	vmul.f32 v13, v8;
	v12 =	vsel vm6, $0x3C000000, v12  }
0xf1: {  	v17 =	vmul.f32 v52, v15;
	vm5 =	vge.f32 v20, $6.553600000e+04;
	v12 =	vsel vm7, $0x3B800000, v12  }
0xf2: {  	v21 =	vmul.f32 v16, v11;
	v22 =	vsel vm8, $0x3B000000, v12;
	v12 =	vmul.f32 $5.000000000e-01, v19  }
0xf3: {  	v18 =	vmul.f32 v54, v13;
	v17 =	vsub.f32 $1.500000000e+00, v17;
	v61 =	vsel vm9, $0x3A800000, v22  }
0xf4: {  	vm6 =	vge.f32 v20, $2.621440000e+05;
	v21 =	vmul.f32 v21, v16;
	v22 =	vmul.f32 v61, v12  }
0xf5: {  	v20 =	vmul.f32 $5.000000000e-01, v20;
	v15 =	vmul.f32 v17, v15;
	v18 =	vsub.f32 $1.500000000e+00, v18  }
0xf6: {  	v45 =	vld [tilespmem:$0x11440];
	v60 =	vsub.f32 $1.500000000e+00, v21;
	v62 =	vmul.f32 v22, v61;
	v22 =	vsel vm11, $0x3E000000, v63  }
0xf7: {  	v58 =	vmul.f32 v15, v10;
	v13 =	vmul.f32 v18, v13;
	v22 =	vsel vm12, $0x3D800000, v22  }
0xf8: {  	v16 =	vmul.f32 v60, v16;
	v19 =	vsub.f32 $1.500000000e+00, v62;
	v22 =	vsel vm13, $0x3D000000, v22  }
0xf9: {  	v17 =	vmul.f32 v58, v15;
	v31 =	vmul.f32 v13, v8;
	v24 =	vsel vm14, $0x3C800000, v22  }
0xfa: {  	v8 =	vmul.f32 v9, v14;
	v19 =	vmul.f32 v19, v61;
	v21 =	vsel vm15, $0x3C000000, v24  }
0xfb: {  	v14 =	vadd.f32 $1.000000000e+00, v45;
	v23 =	vmul.f32 v16, v11;
	v21 =	vsel vm4, $0x3B800000, v21  }
0xfc: {  	v17 =	vsub.f32 $1.500000000e+00, v17;
	v26 =	vmul.f32 v19, v12;
	v21 =	vsel vm5, $0x3B000000, v21  }
0xfd: {  	v34 =	vmul.f32 v31, v13;
	v23 =	vmul.f32 v23, v16;
	v21 =	vsel vm6, $0x3A800000, v21  }
0xfe: {  	v24 =	vld [tilespmem:$0x11430];
	v27 =	vmul.f32 v26, v19;
	v28 =	vmul.f32 v21, v20  }
0xff: {  	v61 =	vld [tilespmem:$0x11450];
	v15 =	vmul.f32 v17, v15;
	vm4 =	vge.f32 v14, $4.000000000e+00;
	v25 =	vsub.f32 $1.500000000e+00, v23  }
0x100: {  	v53 =	vsel vm4, $0x3E800000, v2;
	v22 =	vsub.f32 $1.500000000e+00, v27;
	v17 =	vmul.f32 v28, v21  }
0x101: {  	vm5 =	vge.f32 v14, $1.600000000e+01;
	v30 =	vmul.f32 v15, v10;
	v16 =	vmul.f32 v25, v16  }
0x102: {  	vm6 =	vge.f32 v14, $6.400000000e+01;
	v19 =	vmul.f32 v22, v19;
	v17 =	vsub.f32 $1.500000000e+00, v17  }
0x103: {  	v23 =	vmul.f32 v30, v15;
	v37 =	vadd.f32 $1.000000000e+00, v24;
	v29 =	vmul.f32 v16, v11  }
0x104: {  	v63 =	vadd.f32 $1.000000000e+00, v61;
	v33 =	vmul.f32 v19, v12;
	v17 =	vmul.f32 v17, v21  }
0x105: {  	v35 =	vsub.f32 $1.500000000e+00, v23;
	vm7 =	vge.f32 v37, $4.000000000e+00;
	vm8 =	vge.f32 v37, $1.600000000e+01  }
0x106: {  	vm9 =	vge.f32 v37, $6.400000000e+01;
	v36 =	vmul.f32 v33, v19;
	v39 =	vmul.f32 v17, v20  }
0x107: {  	vm10 =	vge.f32 v37, $2.560000000e+02;
	vm11 =	vge.f32 v37, $1.024000000e+03;
	v41 =	vsel vm7, $0x3E800000, v2  }
0x108: {  	v38 =	vmul.f32 v35, v15;
	v9 =	vsub.f32 $1.500000000e+00, v36;
	v15 =	vmul.f32 v39, v17  }
0x109: {  	vm12 =	vge.f32 v37, $4.096000000e+03;
	vm13 =	vge.f32 v37, $1.638400000e+04;
	v42 =	vsel vm8, $0x3E000000, v41  }
0x10a: {  	v19 =	vmul.f32 v9, v19;
	v15 =	vsub.f32 $1.500000000e+00, v15;
	v9 =	vsel vm9, $0x3D800000, v42  }
0x10b: {  	vm14 =	vge.f32 v37, $6.553600000e+04;
	vm15 =	vge.f32 v37, $2.621440000e+05;
	v9 =	vsel vm10, $0x3D000000, v9  }
0x10c: {  	v18 =	vmul.f32 v29, v16;
	v17 =	vmul.f32 v15, v17;
	v9 =	vsel vm11, $0x3C800000, v9  }
0x10d: {  	vm4 =	vge.f32 v63, $2.560000000e+02;
	v43 =	vmul.f32 v19, v12;
	v9 =	vsel vm12, $0x3C000000, v9  }
0x10e: {  	v32 =	vsub.f32 $1.500000000e+00, v18;
	v44 =	vmul.f32 v17, v20;
	v9 =	vsel vm13, $0x3B800000, v9  }
0x10f: {  	v15 =	vmul.f32 $5.000000000e-01, v37;
	v23 =	vmul.f32 v43, v19;
	v9 =	vsel vm14, $0x3B000000, v9  }
0x110: {  	v16 =	vmul.f32 v32, v16;
	v24 =	vmul.f32 v44, v17;
	v25 =	vsel vm15, $0x3A800000, v9  }
0x111: {  	vm7 =	vge.f32 v14, $2.560000000e+02;
	v23 =	vsub.f32 $1.500000000e+00, v23;
	v26 =	vmul.f32 v25, v15  }
0x112: {  	v10 =	vmul.f32 v38, v10;
	v40 =	vmul.f32 v16, v11;
	v47 =	vsub.f32 $1.500000000e+00, v24  }
0x113: {  	vm8 =	vge.f32 v14, $1.024000000e+03;
	v46 =	vmul.f32 v23, v19;
	v49 =	vmul.f32 v26, v25  }
0x114: {  	v18 =	vsub.f32 $1.500000000e+00, v34;
	v10 =	vmul.f32 v10, v38;
	v17 =	vmul.f32 v47, v17  }
0x115: {  	v22 =	vmul.f32 v40, v16;
	v23 =	vmul.f32 v46, v12;
	v50 =	vsub.f32 $1.500000000e+00, v49  }
0x116: {  	vm9 =	vge.f32 v14, $4.096000000e+03;
	v9 =	vmul.f32 v18, v13;
	v52 =	vmul.f32 v17, v20  }
0x117: {  	v51 =	vmul.f32 v23, v46;
	v23 =	vsel vm5, $0x3E000000, v53;
	v18 =	vmul.f32 v50, v25  }
0x118: {  	v48 =	vsub.f32 $1.500000000e+00, v22;
	v23 =	vsel vm6, $0x3D800000, v23;
	v22 =	vmul.f32 v52, v17  }
0x119: {  	vm10 =	vge.f32 v14, $1.638400000e+04;
	v23 =	vsel vm7, $0x3D000000, v23;
	v54 =	vmul.f32 v18, v15  }
0x11a: {  	vm11 =	vge.f32 v14, $6.553600000e+04;
	v23 =	vsel vm8, $0x3C800000, v23;
	v22 =	vsub.f32 $1.500000000e+00, v22  }
0x11b: {  	vm12 =	vge.f32 v14, $2.621440000e+05;
	v55 =	vsel vm9, $0x3C000000, v23;
	v24 =	vmul.f32 v54, v18  }
0x11c: {  	v16 =	vmul.f32 v48, v16;
	v17 =	vmul.f32 v22, v17;
	v22 =	vsel vm10, $0x3B800000, v55  }
0x11d: {  	v14 =	vmul.f32 $5.000000000e-01, v14;
	v56 =	vsub.f32 $1.500000000e+00, v24;
	v22 =	vsel vm11, $0x3B000000, v22  }
0x11e: {  	v10 =	vsub.f32 $1.500000000e+00, v10;
	v11 =	vmul.f32 v16, v11;
	v22 =	vsel vm12, $0x3A800000, v22  }
0x11f: {  	vm13 =	vge.f32 v63, $4.000000000e+00;
	v18 =	vmul.f32 v56, v18;
	v58 =	vmul.f32 v22, v14  }
0x120: {  	v10 =	vmul.f32 v10, v38;
	v27 =	vsel vm13, $0x3E800000, v2;
	v11 =	vmul.f32 v11, v16  }
0x121: {  	v19 =	vsub.f32 $1.500000000e+00, v51;
	v59 =	vmul.f32 v18, v15;
	v60 =	vmul.f32 v58, v22  }
0x122: {  	vm14 =	vge.f32 v63, $1.600000000e+01;
	v11 =	vsub.f32 $1.500000000e+00, v11;
	v57 =	vmul.f32 v17, v20  }
0x123: {  	v13 =	vmul.f32 v19, v46;
	v25 =	vmul.f32 v59, v18;
	v19 =	vsub.f32 $1.500000000e+00, v60  }
0x124: {  	vm15 =	vge.f32 v63, $6.400000000e+01;
	v11 =	vmul.f32 v11, v16;
	v24 =	vmul.f32 v57, v17  }
0x125: {  	vm5 =	vge.f32 v63, $1.024000000e+03;
	v62 =	vsub.f32 $1.500000000e+00, v25;
	v19 =	vmul.f32 v19, v22  }
0x126: {  	vm6 =	vge.f32 v63, $4.096000000e+03;
	vm7 =	vge.f32 v63, $1.638400000e+04;
	v24 =	vsub.f32 $1.500000000e+00, v24  }
0x127: {  	vm8 =	vge.f32 v63, $6.553600000e+04;
	v18 =	vmul.f32 v62, v18;
	v25 =	vmul.f32 v19, v14  }
0x128: {  	v23 =	vsel vm14, $0x3E000000, v27;
	v27 =	vld [tilespmem:$0x11480];
	v12 =	vmul.f32 v13, v12;
	v17 =	vmul.f32 v24, v17  }
0x129: {  	vm9 =	vge.f32 v63, $2.621440000e+05;
	v26 =	vmul.f32 v18, v15;
	v16 =	vmul.f32 v25, v19  }
0x12a: {  	v23 =	vsel vm15, $0x3D800000, v23;
	v12 =	vmul.f32 v12, v13;
	v20 =	vmul.f32 v17, v20  }
0x12b: {  	v29 =	vld [tilespmem:$0x11460];
	v23 =	vsel vm4, $0x3D000000, v23;
	v22 =	vmul.f32 v26, v18;
	v16 =	vsub.f32 $1.500000000e+00, v16  }
0x12c: {  	v28 =	vsel vm5, $0x3C800000, v23;
	v12 =	vsub.f32 $1.500000000e+00, v12;
	v20 =	vmul.f32 v20, v17  }
0x12d: {  	v27 =	vadd.f32 $1.000000000e+00, v27;
	v22 =	vsub.f32 $1.500000000e+00, v22;
	v19 =	vmul.f32 v16, v19  }
0x12e: {  	v12 =	vmul.f32 v12, v13;
	v33 =	vsub.f32 $1.500000000e+00, v20;
	v16 =	vsel vm6, $0x3C000000, v28  }
0x12f: {  	v16 =	vsel vm7, $0x3B800000, v16;
	v18 =	vmul.f32 v22, v18;
	v30 =	vmul.f32 v19, v14  }
0x130: {  	v31 =	vsel vm8, $0x3B000000, v16;
	v16 =	vmul.f32 $5.000000000e-01, v63;
	v22 =	vadd.f32 $1.000000000e+00, v29  }
0x131: {  	v13 =	vmul.f32 v33, v17;
	v24 =	vsel vm9, $0x3A800000, v31;
	v32 =	vmul.f32 v18, v15  }
0x132: {  	v23 =	vmul.f32 v30, v19;
	v34 =	vmul.f32 v24, v16;
	vm10 =	vge.f32 v22, $4.000000000e+00  }
0x133: {  	vm11 =	vge.f32 v22, $1.600000000e+01;
	vm12 =	vge.f32 v22, $6.400000000e+01;
	vm13 =	vge.f32 v22, $2.560000000e+02  }
0x134: {  	vm14 =	vge.f32 v22, $1.024000000e+03;
	vm15 =	vge.f32 v22, $4.096000000e+03;
	v30 =	vld [tilespmem:$0x11490];
	v23 =	vsub.f32 $1.500000000e+00, v23  }
0x135: {  	vm4 =	vge.f32 v22, $1.638400000e+04;
	v21 =	vmul.f32 v32, v18;
	v35 =	vmul.f32 v34, v24  }
0x136: {  	v40 =	vld [tilespmem:$0x11470];
	vm5 =	vge.f32 v22, $6.553600000e+04;
	v37 =	vsel vm10, $0x3E800000, v2;
	v19 =	vmul.f32 v23, v19  }
0x137: {  	v36 =	vsub.f32 $1.500000000e+00, v21;
	v17 =	vsub.f32 $1.500000000e+00, v35;
	v21 =	vsel vm11, $0x3E000000, v37  }
0x138: {  	vm6 =	vge.f32 v22, $2.621440000e+05;
	v38 =	vsel vm12, $0x3D800000, v21;
	v23 =	vmul.f32 v19, v14  }
0x139: {  	v37 =	vadd.f32 $1.000000000e+00, v30;
	v24 =	vmul.f32 v17, v24;
	v17 =	vsel vm13, $0x3D000000, v38  }
0x13a: {  	v18 =	vmul.f32 v36, v18;
	v17 =	vsel vm14, $0x3C800000, v17;
	v39 =	vmul.f32 v23, v19  }
0x13b: {  	v41 =	vmul.f32 v24, v16;
	v17 =	vsel vm15, $0x3C000000, v17;
	v23 =	vadd.f32 $1.000000000e+00, v40  }
0x13c: {  	v15 =	vmul.f32 v18, v15;
	v17 =	vsel vm4, $0x3B800000, v17;
	vm4 =	vge.f32 v27, $4.000000000e+00  }
0x13d: {  	v21 =	vsub.f32 $1.500000000e+00, v39;
	v25 =	vmul.f32 v41, v24;
	v42 =	vsel vm5, $0x3B000000, v17  }
0x13e: {  	v17 =	vmul.f32 $5.000000000e-01, v22;
	vm7 =	vge.f32 v23, $4.000000000e+00;
	vm8 =	vge.f32 v23, $1.600000000e+01  }
0x13f: {  	vm9 =	vge.f32 v23, $6.400000000e+01;
	vm10 =	vge.f32 v23, $2.560000000e+02;
	vm11 =	vge.f32 v23, $1.024000000e+03  }
0x140: {  	vm12 =	vge.f32 v23, $4.096000000e+03;
	vm13 =	vge.f32 v23, $1.638400000e+04;
	vm14 =	vge.f32 v23, $6.553600000e+04  }
0x141: {  	vm15 =	vge.f32 v23, $2.621440000e+05;
	v23 =	vmul.f32 $5.000000000e-01, v23;
	v15 =	vmul.f32 v15, v18  }
0x142: {  	v57 =	vsel vm4, $0x3E800000, v2;
	v44 =	vsel vm6, $0x3A800000, v42;
	v47 =	vsel vm7, $0x3E800000, v2  }
0x143: {  	vm5 =	vge.f32 v27, $1.600000000e+01;
	v45 =	vmul.f32 v44, v17;
	v22 =	vsel vm8, $0x3E000000, v47  }
0x144: {  	vm4 =	vge.f32 v37, $2.560000000e+02;
	v43 =	vsub.f32 $1.500000000e+00, v25;
	v22 =	vsel vm9, $0x3D800000, v22  }
0x145: {  	vm6 =	vge.f32 v27, $6.400000000e+01;
	v20 =	vmul.f32 v45, v44;
	v22 =	vsel vm10, $0x3D000000, v22  }
0x146: {  	vm7 =	vge.f32 v27, $2.560000000e+02;
	v46 =	vmul.f32 v43, v24;
	v22 =	vsel vm11, $0x3C800000, v22  }
0x147: {  	v19 =	vmul.f32 v21, v19;
	v20 =	vsub.f32 $1.500000000e+00, v20;
	v22 =	vsel vm12, $0x3C000000, v22  }
0x148: {  	vm8 =	vge.f32 v27, $1.024000000e+03;
	v24 =	vmul.f32 v46, v16;
	v22 =	vsel vm13, $0x3B800000, v22  }
0x149: {  	v15 =	vsub.f32 $1.500000000e+00, v15;
	v20 =	vmul.f32 v20, v44;
	v22 =	vsel vm14, $0x3B000000, v22  }
0x14a: {  	v49 =	vmul.f32 v19, v14;
	v24 =	vmul.f32 v24, v46;
	v22 =	vsel vm15, $0x3A800000, v22  }
0x14b: {  	vm9 =	vge.f32 v27, $4.096000000e+03;
	v25 =	vmul.f32 v20, v17;
	v50 =	vmul.f32 v22, v23  }
0x14c: {  	vm10 =	vge.f32 v27, $1.638400000e+04;
	vm11 =	vge.f32 v27, $6.553600000e+04;
	v24 =	vsub.f32 $1.500000000e+00, v24  }
0x14d: {  	vm13 =	vge.f32 v37, $4.000000000e+00;
	v48 =	vmul.f32 v25, v20;
	v26 =	vmul.f32 v50, v22  }
0x14e: {  	vm12 =	vge.f32 v27, $2.621440000e+05;
	v42 =	vsel vm13, $0x3E800000, v2;
	v21 =	vmul.f32 v24, v46  }
0x14f: {  	v25 =	vmul.f32 v49, v19;
	v24 =	vsub.f32 $1.500000000e+00, v48;
	v52 =	vsub.f32 $1.500000000e+00, v26  }
0x150: {  	vm14 =	vge.f32 v37, $1.600000000e+01;
	vm15 =	vge.f32 v37, $6.400000000e+01;
	v28 =	vmul.f32 v21, v16  }
0x151: {  	v51 =	vsub.f32 $1.500000000e+00, v25;
	v20 =	vmul.f32 v24, v20;
	v55 =	vmul.f32 v52, v22  }
0x152: {  	v26 =	vsel vm5, $0x3E000000, v57;
	vm5 =	vge.f32 v37, $1.024000000e+03;
	v28 =	vmul.f32 v28, v21  }
0x153: {  	v26 =	vsel vm6, $0x3D800000, v26;
	v54 =	vmul.f32 v20, v17;
	v25 =	vmul.f32 v55, v23  }
0x154: {  	v24 =	vmul.f32 v51, v19;
	v19 =	vmul.f32 $5.000000000e-01, v27;
	v51 =	vld [tilespmem:$0x114A0];
	v53 =	vsub.f32 $1.500000000e+00, v28  }
0x155: {  	vm6 =	vge.f32 v37, $4.096000000e+03;
	v56 =	vmul.f32 v54, v20;
	v25 =	vmul.f32 v25, v55  }
0x156: {  	v58 =	vsel vm7, $0x3D000000, v26;
	v31 =	vmul.f32 v24, v14;
	v21 =	vmul.f32 v53, v21  }
0x157: {  	v14 =	vmul.f32 v15, v18;
	v22 =	vsub.f32 $1.500000000e+00, v56;
	v25 =	vsub.f32 $1.500000000e+00, v25  }
0x158: {  	vm7 =	vge.f32 v37, $1.638400000e+04;
	v33 =	vmul.f32 v31, v24;
	v62 =	vmul.f32 v21, v16  }
0x159: {  	v56 =	vadd.f32 $1.000000000e+00, v51;
	v20 =	vmul.f32 v22, v20;
	v25 =	vmul.f32 v25, v55  }
0x15a: {  	v22 =	vsel vm8, $0x3C800000, v58;
	v28 =	vmul.f32 v62, v21;
	vm8 =	vge.f32 v37, $6.553600000e+04  }
0x15b: {  	vm13 =	vge.f32 v56, $2.560000000e+02;
	v22 =	vsel vm9, $0x3C000000, v22;
	v61 =	vmul.f32 v25, v23  }
0x15c: {  	vm9 =	vge.f32 v37, $2.621440000e+05;
	v59 =	vmul.f32 v20, v17;
	v60 =	vsel vm10, $0x3B800000, v22  }
0x15d: {  	v34 =	vsub.f32 $1.500000000e+00, v28;
	v22 =	vsel vm11, $0x3B000000, v60;
	v27 =	vmul.f32 v61, v25  }
0x15e: {  	vm10 =	vge.f32 v56, $4.000000000e+00;
	v26 =	vmul.f32 v59, v20;
	v22 =	vsel vm12, $0x3A800000, v22  }
0x15f: {  	v58 =	vsel vm10, $0x3E800000, v2;
	v29 =	vmul.f32 v22, v19;
	v32 =	vsub.f32 $1.500000000e+00, v27  }
0x160: {  	vm11 =	vge.f32 v56, $1.600000000e+01;
	v21 =	vmul.f32 v34, v21;
	v26 =	vsub.f32 $1.500000000e+00, v26  }
0x161: {  	v59 =	vsel vm11, $0x3E000000, v58;
	v29 =	vmul.f32 v29, v22;
	v18 =	vmul.f32 v32, v25  }
0x162: {  	vm12 =	vge.f32 v56, $6.400000000e+01;
	v16 =	vmul.f32 v21, v16;
	v63 =	vmul.f32 v26, v20  }
0x163: {  	v20 =	vmul.f32 $5.000000000e-01, v37;
	v35 =	vsub.f32 $1.500000000e+00, v29;
	v40 =	vmul.f32 v18, v23  }
0x164: {  	v26 =	vsub.f32 $1.500000000e+00, v33;
	v29 =	vsel vm14, $0x3E000000, v42;
	v36 =	vmul.f32 v63, v17  }
0x165: {  	v29 =	vsel vm15, $0x3D800000, v29;
	v38 =	vmul.f32 v35, v22;
	v27 =	vmul.f32 v40, v18  }
0x166: {  	v16 =	vmul.f32 v16, v21;
	v29 =	vsel vm4, $0x3D000000, v29;
	v39 =	vmul.f32 v36, v63  }
0x167: {  	v29 =	vsel vm5, $0x3C800000, v29;
	v41 =	vmul.f32 v38, v19;
	v27 =	vsub.f32 $1.500000000e+00, v27  }
0x168: {  	vm14 =	vge.f32 v56, $1.024000000e+03;
	v43 =	vsel vm6, $0x3C000000, v29;
	v22 =	vsub.f32 $1.500000000e+00, v39  }
0x169: {  	v44 =	vsel vm7, $0x3B800000, v43;
	v28 =	vmul.f32 v41, v38;
	v18 =	vmul.f32 v27, v18  }
0x16a: {  	v15 =	vmul.f32 v26, v24;
	v27 =	vsel vm8, $0x3B000000, v44;
	v22 =	vmul.f32 v22, v63  }
0x16b: {  	v28 =	vsub.f32 $1.500000000e+00, v28;
	v27 =	vsel vm9, $0x3A800000, v27;
	v45 =	vmul.f32 v18, v23  }
0x16c: {  	v16 =	vsub.f32 $1.500000000e+00, v16;
	v47 =	vmul.f32 v27, v20;
	v17 =	vmul.f32 v22, v17  }
0x16d: {  	vm15 =	vge.f32 v56, $4.096000000e+03;
	v28 =	vmul.f32 v28, v38;
	v25 =	vmul.f32 v45, v18  }
0x16e: {  	vm4 =	vge.f32 v56, $1.638400000e+04;
	v30 =	vmul.f32 v47, v27;
	v17 =	vmul.f32 v17, v22  }
0x16f: {  	v37 =	vld [tilespmem:$0x114C0];
	v16 =	vmul.f32 v16, v21;
	v46 =	vmul.f32 v28, v19;
	v48 =	vsub.f32 $1.500000000e+00, v25  }
0x170: {  	vm5 =	vge.f32 v56, $6.553600000e+04;
	v50 =	vsub.f32 $1.500000000e+00, v30;
	v17 =	vsub.f32 $1.500000000e+00, v17  }
0x171: {  	vm6 =	vge.f32 v56, $2.621440000e+05;
	v29 =	vmul.f32 v46, v28;
	v18 =	vmul.f32 v48, v18  }
0x172: {  	v53 =	vmul.f32 v50, v27;
	v17 =	vmul.f32 v17, v22;
	v22 =	vsel vm12, $0x3D800000, v59  }
0x173: {  	v49 =	vsub.f32 $1.500000000e+00, v29;
	v22 =	vsel vm13, $0x3D000000, v22;
	v23 =	vmul.f32 v18, v23  }
0x174: {  	v30 =	vadd.f32 $1.000000000e+00, v37;
	v55 =	vmul.f32 v53, v20;
	v22 =	vsel vm14, $0x3C800000, v22  }
0x175: {  	v52 =	vmul.f32 v49, v28;
	v22 =	vsel vm15, $0x3C000000, v22;
	v23 =	vmul.f32 v23, v18  }
0x176: {  	v61 =	vld [tilespmem:$0x114B0];
	v21 =	vmul.f32 v55, v53;
	v22 =	vsel vm4, $0x3B800000, v22;
	vm4 =	vge.f32 v30, $4.000000000e+00  }
0x177: {  	v54 =	vmul.f32 v52, v19;
	v63 =	vsel vm5, $0x3B000000, v22;
	v22 =	vmul.f32 $5.000000000e-01, v56  }
0x178: {  	v42 =	vsel vm4, $0x3E800000, v2;
	vm5 =	vge.f32 v30, $1.600000000e+01;
	v21 =	vsub.f32 $1.500000000e+00, v21  }
0x179: {  	v23 =	vsub.f32 $1.500000000e+00, v23;
	v33 =	vsel vm6, $0x3A800000, v63;
	v26 =	vmul.f32 v54, v52  }
0x17a: {  	v43 =	vsel vm5, $0x3E000000, v42;
	v34 =	vmul.f32 v33, v22;
	v21 =	vmul.f32 v21, v53  }
0x17b: {  	v18 =	vmul.f32 v23, v18;
	v57 =	vsub.f32 $1.500000000e+00, v26;
	v26 =	vadd.f32 $1.000000000e+00, v61  }
0x17c: {  	vm6 =	vge.f32 v30, $6.400000000e+01;
	v23 =	vmul.f32 v34, v33;
	v62 =	vmul.f32 v21, v20  }
0x17d: {  	v24 =	vmul.f32 v57, v52;
	vm7 =	vge.f32 v26, $4.000000000e+00;
	vm8 =	vge.f32 v26, $1.600000000e+01  }
0x17e: {  	vm9 =	vge.f32 v26, $6.400000000e+01;
	v23 =	vsub.f32 $1.500000000e+00, v23;
	vm10 =	vge.f32 v26, $2.560000000e+02  }
0x17f: {  	vm11 =	vge.f32 v26, $1.024000000e+03;
	v28 =	vmul.f32 v62, v21;
	v35 =	vsel vm7, $0x3E800000, v2  }
0x180: {  	vm12 =	vge.f32 v26, $4.096000000e+03;
	vm13 =	vge.f32 v26, $1.638400000e+04;
	v27 =	vsel vm8, $0x3E000000, v35  }
0x181: {  	v53 =	vld [tilespmem:$0x114D0];
	vm14 =	vge.f32 v26, $6.553600000e+04;
	v32 =	vsub.f32 $1.500000000e+00, v28;
	v27 =	vsel vm9, $0x3D800000, v27  }
0x182: {  	vm15 =	vge.f32 v26, $2.621440000e+05;
	v26 =	vmul.f32 $5.000000000e-01, v26;
	v27 =	vsel vm10, $0x3D000000, v27  }
0x183: {  	vm7 =	vge.f32 v30, $2.560000000e+02;
	v21 =	vmul.f32 v32, v21;
	v27 =	vsel vm11, $0x3C800000, v27  }
0x184: {  	v60 =	vmul.f32 v24, v19;
	v23 =	vmul.f32 v23, v33;
	v27 =	vsel vm12, $0x3C000000, v27  }
0x185: {  	vm8 =	vge.f32 v30, $1.024000000e+03;
	v36 =	vmul.f32 v21, v20;
	v27 =	vsel vm13, $0x3B800000, v27  }
0x186: {  	v61 =	vadd.f32 $1.000000000e+00, v53;
	v25 =	vmul.f32 v60, v24;
	v27 =	vsel vm14, $0x3B000000, v27  }
0x187: {  	v39 =	vmul.f32 v23, v22;
	v29 =	vmul.f32 v36, v21;
	v27 =	vsel vm15, $0x3A800000, v27  }
0x188: {  	vm9 =	vge.f32 v30, $4.096000000e+03;
	v25 =	vsub.f32 $1.500000000e+00, v25;
	v40 =	vmul.f32 v27, v26  }
0x189: {  	vm10 =	vge.f32 v30, $1.638400000e+04;
	v38 =	vsub.f32 $1.500000000e+00, v29;
	v29 =	vmul.f32 v39, v23  }
0x18a: {  	vm4 =	vge.f32 v61, $2.560000000e+02;
	v25 =	vmul.f32 v25, v24;
	v24 =	vmul.f32 v40, v27  }
0x18b: {  	vm5 =	vge.f32 v61, $1.024000000e+03;
	vm11 =	vge.f32 v30, $6.553600000e+04;
	v41 =	vsub.f32 $1.500000000e+00, v29  }
0x18c: {  	v28 =	vmul.f32 v38, v21;
	v21 =	vsel vm6, $0x3D800000, v43;
	v24 =	vsub.f32 $1.500000000e+00, v24  }
0x18d: {  	vm12 =	vge.f32 v30, $2.621440000e+05;
	v21 =	vsel vm7, $0x3D000000, v21;
	v23 =	vmul.f32 v41, v23  }
0x18e: {  	vm13 =	vge.f32 v61, $4.000000000e+00;
	v21 =	vsel vm8, $0x3C800000, v21;
	v24 =	vmul.f32 v24, v27  }
0x18f: {  	v19 =	vmul.f32 v25, v19;
	v21 =	vsel vm9, $0x3C000000, v21;
	v44 =	vmul.f32 v23, v22  }
0x190: {  	v49 =	vmul.f32 v28, v20;
	v21 =	vsel vm10, $0x3B800000, v21;
	v46 =	vmul.f32 v24, v26  }
0x191: {  	v47 =	vsel vm11, $0x3B000000, v21;
	v21 =	vmul.f32 $5.000000000e-01, v30;
	v45 =	vmul.f32 v44, v23  }
0x192: {  	v51 =	vmul.f32 v49, v28;
	v48 =	vsel vm12, $0x3A800000, v47;
	v29 =	vmul.f32 v46, v24  }
0x193: {  	v37 =	vsel vm13, $0x3E800000, v2;
	v32 =	vmul.f32 v48, v21;
	v27 =	vsub.f32 $1.500000000e+00, v45  }
0x194: {  	v19 =	vmul.f32 v19, v25;
	v54 =	vsub.f32 $1.500000000e+00, v51;
	v50 =	vsub.f32 $1.500000000e+00, v29  }
0x195: {  	vm14 =	vge.f32 v61, $1.600000000e+01;
	v52 =	vmul.f32 v32, v48;
	v23 =	vmul.f32 v27, v23  }
0x196: {  	vm15 =	vge.f32 v61, $6.400000000e+01;
	v27 =	vmul.f32 v54, v28;
	v24 =	vmul.f32 v50, v24  }
0x197: {  	v38 =	vsel vm14, $0x3E000000, v37;
	v55 =	vsub.f32 $1.500000000e+00, v52;
	v33 =	vmul.f32 v23, v22  }
0x198: {  	vm6 =	vge.f32 v61, $4.096000000e+03;
	v20 =	vmul.f32 v27, v20;
	v57 =	vmul.f32 v24, v26  }
0x199: {  	vm7 =	vge.f32 v61, $1.638400000e+04;
	v52 =	vld [tilespmem:$0x114E0];
	v58 =	vmul.f32 v55, v48;
	v56 =	vmul.f32 v33, v23  }
0x19a: {  	v19 =	vsub.f32 $1.500000000e+00, v19;
	vm8 =	vge.f32 v61, $6.553600000e+04;
	v60 =	vmul.f32 v57, v24  }
0x19b: {  	v20 =	vmul.f32 v20, v27;
	v62 =	vmul.f32 v58, v21;
	v59 =	vsub.f32 $1.500000000e+00, v56  }
0x19c: {  	vm9 =	vge.f32 v61, $2.621440000e+05;
	v19 =	vmul.f32 v19, v25;
	v63 =	vsub.f32 $1.500000000e+00, v60  }
0x19d: {  	v20 =	vsub.f32 $1.500000000e+00, v20;
	v36 =	vmul.f32 v62, v58;
	v23 =	vmul.f32 v59, v23  }
0x19e: {  	v59 =	vadd.f32 $1.000000000e+00, v52;
	v29 =	vmul.f32 v63, v24;
	v24 =	vsel vm15, $0x3D800000, v38  }
0x19f: {  	v20 =	vmul.f32 v20, v27;
	v30 =	vsub.f32 $1.500000000e+00, v36;
	v24 =	vsel vm4, $0x3D000000, v24  }
0x1a0: {  	v45 =	vmul.f32 v23, v22;
	vm10 =	vge.f32 v59, $4.000000000e+00;
	vm11 =	vge.f32 v59, $1.600000000e+01  }
0x1a1: {  	vm12 =	vge.f32 v59, $6.400000000e+01;
	vm13 =	vge.f32 v59, $2.560000000e+02;
	vm14 =	vge.f32 v59, $1.024000000e+03  }
0x1a2: {  	vm15 =	vge.f32 v59, $4.096000000e+03;
	v39 =	vmul.f32 v29, v26;
	v24 =	vsel vm5, $0x3C800000, v24  }
0x1a3: {  	vm4 =	vge.f32 v59, $1.638400000e+04;
	v28 =	vmul.f32 v30, v58;
	v24 =	vsel vm6, $0x3C000000, v24  }
0x1a4: {  	v62 =	vsel vm10, $0x3E800000, v2;
	v40 =	vmul.f32 v39, v29;
	v24 =	vsel vm7, $0x3B800000, v24  }
0x1a5: {  	v41 =	vmul.f32 v28, v21;
	v42 =	vsel vm8, $0x3B000000, v24;
	v24 =	vmul.f32 $5.000000000e-01, v61  }
0x1a6: {  	v47 =	vmul.f32 v45, v23;
	v30 =	vsub.f32 $1.500000000e+00, v40;
	v44 =	vsel vm9, $0x3A800000, v42  }
0x1a7: {  	vm5 =	vge.f32 v59, $6.553600000e+04;
	v43 =	vmul.f32 v41, v28;
	v34 =	vmul.f32 v44, v24  }
0x1a8: {  	v31 =	vsel vm11, $0x3E000000, v62;
	v50 =	vsub.f32 $1.500000000e+00, v47;
	v29 =	vmul.f32 v30, v29  }
0x1a9: {  	v35 =	vsel vm12, $0x3D800000, v31;
	v46 =	vsub.f32 $1.500000000e+00, v43;
	v48 =	vmul.f32 v34, v44  }
0x1aa: {  	v25 =	vsel vm13, $0x3D000000, v35;
	v23 =	vmul.f32 v50, v23;
	v49 =	vmul.f32 v29, v26  }
0x1ab: {  	v25 =	vsel vm14, $0x3C800000, v25;
	v28 =	vmul.f32 v46, v28;
	v51 =	vsub.f32 $1.500000000e+00, v48  }
0x1ac: {  	v37 =	vld [tilespmem:$0x114F0];
	v25 =	vsel vm15, $0x3C000000, v25;
	v22 =	vmul.f32 v23, v22;
	v53 =	vmul.f32 v49, v29  }
0x1ad: {  	v25 =	vsel vm4, $0x3B800000, v25;
	v54 =	vmul.f32 v28, v21;
	v55 =	vmul.f32 v51, v44  }
0x1ae: {  	v39 =	vsel vm5, $0x3B000000, v25;
	v25 =	vmul.f32 $5.000000000e-01, v59;
	v56 =	vsub.f32 $1.500000000e+00, v53  }
0x1af: {  	vm6 =	vge.f32 v59, $2.621440000e+05;
	v57 =	vmul.f32 v54, v28;
	v32 =	vmul.f32 v55, v24  }
0x1b0: {  	v41 =	vsel vm6, $0x3A800000, v39;
	v22 =	vmul.f32 v22, v23;
	v27 =	vmul.f32 v56, v29  }
0x1b1: {  	v58 =	vsub.f32 $1.500000000e+00, v57;
	v60 =	vmul.f32 v32, v55;
	v32 =	vadd.f32 $1.000000000e+00, v37  }
0x1b2: {  	v43 =	vmul.f32 v41, v25;
	v22 =	vsub.f32 $1.500000000e+00, v22;
	v26 =	vmul.f32 v27, v26  }
0x1b3: {  	v28 =	vmul.f32 v58, v28;
	v61 =	vsub.f32 $1.500000000e+00, v60;
	vm7 =	vge.f32 v32, $4.000000000e+00  }
0x1b4: {  	vm8 =	vge.f32 v32, $1.600000000e+01;
	vm9 =	vge.f32 v32, $6.400000000e+01;
	vm10 =	vge.f32 v32, $2.560000000e+02  }
0x1b5: {  	vm11 =	vge.f32 v32, $1.024000000e+03;
	vm12 =	vge.f32 v32, $4.096000000e+03;
	v63 =	vmul.f32 v28, v21  }
0x1b6: {  	vm13 =	vge.f32 v32, $1.638400000e+04;
	vm14 =	vge.f32 v32, $6.553600000e+04;
	v29 =	vmul.f32 v61, v55  }
0x1b7: {  	v42 =	vmul.f32 v26, v27;
	v44 =	vsel vm7, $0x3E800000, v2;
	v36 =	vmul.f32 v63, v28  }
0x1b8: {  	v26 =	vmul.f32 v43, v41;
	v30 =	vsel vm8, $0x3E000000, v44;
	v38 =	vmul.f32 v29, v24  }
0x1b9: {  	vm15 =	vge.f32 v32, $2.621440000e+05;
	v30 =	vsel vm9, $0x3D800000, v30;
	v31 =	vsub.f32 $1.500000000e+00, v36  }
0x1ba: {  	v26 =	vsub.f32 $1.500000000e+00, v26;
	v30 =	vsel vm10, $0x3D000000, v30;
	v33 =	vmul.f32 v38, v29  }
0x1bb: {  	v54 =	vsub.f32 $1.500000000e+00, v42;
	v46 =	vsel vm11, $0x3C800000, v30;
	v36 =	vld [tilespmem:$0x11500];
	v28 =	vmul.f32 v31, v28  }
0x1bc: {  	v40 =	vsub.f32 $1.500000000e+00, v33;
	v33 =	vmul.f32 v26, v41;
	v26 =	vsel vm12, $0x3C000000, v46  }
0x1bd: {  	v26 =	vsel vm13, $0x3B800000, v26;
	v51 =	vmul.f32 v28, v21;
	v21 =	vmul.f32 v22, v23  }
0x1be: {  	v29 =	vmul.f32 v40, v29;
	v35 =	vsel vm14, $0x3B000000, v26;
	v26 =	vmul.f32 $5.000000000e-01, v32  }
0x1bf: {  	v22 =	vmul.f32 v54, v27;
	v48 =	vmul.f32 v33, v25;
	v50 =	vsel vm15, $0x3A800000, v35  }
0x1c0: {  	v61 =	vadd.f32 $1.000000000e+00, v36;
	v45 =	vmul.f32 v29, v24;
	v35 =	vmul.f32 v50, v26  }
0x1c1: {  	v32 =	vmul.f32 v51, v28;
	v49 =	vmul.f32 v48, v33  }
0x1c2: {  	vm4 =	vge.f32 v61, $4.000000000e+00;
	v31 =	vmul.f32 v45, v29;
	v55 =	vmul.f32 v35, v50  }
0x1c3: {  	vm5 =	vge.f32 v61, $1.600000000e+01;
	vm6 =	vge.f32 v61, $6.400000000e+01;
	vm7 =	vge.f32 v61, $2.560000000e+02  }
0x1c4: {  	vm8 =	vge.f32 v61, $1.024000000e+03;
	v47 =	vsub.f32 $1.500000000e+00, v31;
	v58 =	vsub.f32 $1.500000000e+00, v55  }
0x1c5: {  	vm9 =	vge.f32 v61, $4.096000000e+03;
	vm10 =	vge.f32 v61, $1.638400000e+04;
	v53 =	vsub.f32 $1.500000000e+00, v49  }
0x1c6: {  	vm11 =	vge.f32 v61, $6.553600000e+04;
	v48 =	vld [tilespmem:$0x11520];
	v29 =	vmul.f32 v47, v29;
	v27 =	vmul.f32 v58, v50  }
0x1c7: {  	vm12 =	vge.f32 v61, $2.621440000e+05;
	v36 =	vsel vm4, $0x3E800000, v2;
	v33 =	vmul.f32 v53, v33  }
0x1c8: {  	v31 =	vsel vm5, $0x3E000000, v36;
	v52 =	vmul.f32 v29, v24;
	v35 =	vmul.f32 v27, v26  }
0x1c9: {  	v57 =	vsub.f32 $1.500000000e+00, v32;
	v31 =	vsel vm6, $0x3D800000, v31;
	v60 =	vmul.f32 v33, v25  }
0x1ca: {  	v31 =	vsel vm7, $0x3D000000, v31;
	v56 =	vmul.f32 v52, v29;
	v30 =	vmul.f32 v35, v27  }
0x1cb: {  	v36 =	vadd.f32 $1.000000000e+00, v48;
	v31 =	vsel vm8, $0x3C800000, v31;
	v63 =	vmul.f32 v60, v33  }
0x1cc: {  	v31 =	vsel vm9, $0x3C000000, v31;
	v59 =	vsub.f32 $1.500000000e+00, v56;
	v30 =	vsub.f32 $1.500000000e+00, v30  }
0x1cd: {  	v38 =	vld [tilespmem:$0x11510];
	v23 =	vmul.f32 v57, v28;
	v39 =	vsel vm10, $0x3B800000, v31;
	vm10 =	vge.f32 v36, $4.000000000e+00  }
0x1ce: {  	v62 =	vmul.f32 v59, v29;
	v29 =	vsub.f32 $1.500000000e+00, v63;
	v30 =	vmul.f32 v30, v27  }
0x1cf: {  	v31 =	vsel vm11, $0x3B000000, v39;
	v58 =	vsel vm10, $0x3E800000, v2;
	v27 =	vmul.f32 $5.000000000e-01, v61  }
0x1d0: {  	v31 =	vsel vm12, $0x3A800000, v31;
	v29 =	vmul.f32 v29, v33;
	v40 =	vmul.f32 v30, v26  }
0x1d1: {  	vm11 =	vge.f32 v36, $1.600000000e+01;
	v24 =	vmul.f32 v62, v24;
	v41 =	vmul.f32 v31, v27  }
0x1d2: {  	v33 =	vadd.f32 $1.000000000e+00, v38;
	v37 =	vmul.f32 v29, v25;
	v34 =	vmul.f32 v40, v30  }
0x1d3: {  	vm12 =	vge.f32 v36, $6.400000000e+01;
	v24 =	vmul.f32 v24, v62;
	v35 =	vmul.f32 v41, v31  }
0x1d4: {  	vm13 =	vge.f32 v33, $4.000000000e+00;
	vm14 =	vge.f32 v33, $1.600000000e+01;
	vm15 =	vge.f32 v33, $6.400000000e+01  }
0x1d5: {  	vm4 =	vge.f32 v33, $2.560000000e+02;
	vm5 =	vge.f32 v33, $1.024000000e+03;
	vm6 =	vge.f32 v33, $4.096000000e+03  }
0x1d6: {  	vm7 =	vge.f32 v33, $1.638400000e+04;
	vm8 =	vge.f32 v33, $6.553600000e+04;
	vm9 =	vge.f32 v33, $2.621440000e+05  }
0x1d7: {  	v33 =	vmul.f32 $5.000000000e-01, v33;
	v44 =	vsel vm13, $0x3E800000, v2;
	v32 =	vmul.f32 v37, v29  }
0x1d8: {  	vm13 =	vge.f32 v36, $2.560000000e+02;
	v43 =	vsub.f32 $1.500000000e+00, v35;
	v24 =	vsub.f32 $1.500000000e+00, v24  }
0x1d9: {  	v42 =	vsub.f32 $1.500000000e+00, v34;
	v45 =	vsel vm14, $0x3E000000, v44;
	v32 =	vsub.f32 $1.500000000e+00, v32  }
0x1da: {  	vm14 =	vge.f32 v36, $1.024000000e+03;
	v31 =	vmul.f32 v43, v31;
	v24 =	vmul.f32 v24, v62  }
0x1db: {  	v32 =	vmul.f32 v32, v29;
	v29 =	vmul.f32 v42, v30;
	v30 =	vsel vm15, $0x3D800000, v45  }
0x1dc: {  	v47 =	vmul.f32 v31, v27;
	vm15 =	vge.f32 v36, $4.096000000e+03;
	v30 =	vsel vm4, $0x3D000000, v30  }
0x1dd: {  	vm4 =	vge.f32 v36, $1.638400000e+04;
	v46 =	vmul.f32 v29, v26;
	v30 =	vsel vm5, $0x3C800000, v30  }
0x1de: {  	v35 =	vmul.f32 v47, v31;
	v37 =	vmul.f32 v32, v25;
	v30 =	vsel vm6, $0x3C000000, v30  }
0x1df: {  	v61 =	vld [tilespmem:$0x11530];
	vm5 =	vge.f32 v36, $6.553600000e+04;
	v34 =	vmul.f32 v46, v29;
	v30 =	vsel vm7, $0x3B800000, v30  }
0x1e0: {  	v35 =	vsub.f32 $1.500000000e+00, v35;
	v50 =	vmul.f32 v37, v32;
	v30 =	vsel vm8, $0x3B000000, v30  }
0x1e1: {  	vm6 =	vge.f32 v36, $2.621440000e+05;
	v34 =	vsub.f32 $1.500000000e+00, v34;
	v30 =	vsel vm9, $0x3A800000, v30  }
0x1e2: {  	v49 =	vmul.f32 v35, v31;
	v54 =	vsub.f32 $1.500000000e+00, v50;
	v31 =	vsel vm11, $0x3E000000, v58  }
0x1e3: {  	v38 =	vmul.f32 v30, v33;
	v31 =	vsel vm12, $0x3D800000, v31;
	v34 =	vmul.f32 v34, v29  }
0x1e4: {  	v53 =	vmul.f32 v49, v27;
	v60 =	vsel vm13, $0x3D000000, v31;
	v31 =	vadd.f32 $1.000000000e+00, v61  }
0x1e5: {  	v28 =	vmul.f32 v54, v32;
	v51 =	vmul.f32 v38, v30;
	v29 =	vsel vm14, $0x3C800000, v60  }
0x1e6: {  	v52 =	vmul.f32 v34, v26;
	v57 =	vmul.f32 v53, v49;
	v29 =	vsel vm15, $0x3C000000, v29  }
0x1e7: {  	vm7 =	vge.f32 v31, $4.000000000e+00;
	vm8 =	vge.f32 v31, $1.600000000e+01;
	vm9 =	vge.f32 v31, $6.400000000e+01  }
0x1e8: {  	vm10 =	vge.f32 v31, $2.560000000e+02;
	vm11 =	vge.f32 v31, $1.024000000e+03;
	v55 =	vsub.f32 $1.500000000e+00, v51  }
0x1e9: {  	vm12 =	vge.f32 v31, $4.096000000e+03;
	vm13 =	vge.f32 v31, $1.638400000e+04;
	vm14 =	vge.f32 v31, $6.553600000e+04  }
0x1ea: {  	vm15 =	vge.f32 v31, $2.621440000e+05;
	v29 =	vsel vm4, $0x3B800000, v29;
	v30 =	vmul.f32 v55, v30  }
0x1eb: {  	v25 =	vmul.f32 v28, v25;
	v46 =	vsel vm7, $0x3E800000, v2;
	v40 =	vsel vm5, $0x3B000000, v29  }
0x1ec: {  	v62 =	vsel vm6, $0x3A800000, v40;
	v40 =	vsel vm8, $0x3E000000, v46;
	v59 =	vmul.f32 v30, v33  }
0x1ed: {  	v56 =	vmul.f32 v52, v34;
	v37 =	vsub.f32 $1.500000000e+00, v57;
	v40 =	vsel vm9, $0x3D800000, v40  }
0x1ee: {  	v29 =	vmul.f32 $5.000000000e-01, v36;
	v40 =	vsel vm10, $0x3D000000, v40;
	v38 =	vmul.f32 v59, v30  }
0x1ef: {  	v25 =	vmul.f32 v25, v28;
	v37 =	vmul.f32 v37, v49;
	v47 =	vsel vm11, $0x3C800000, v40  }
0x1f0: {  	v63 =	vsub.f32 $1.500000000e+00, v56;
	v36 =	vsel vm12, $0x3C000000, v47;
	v38 =	vsub.f32 $1.500000000e+00, v38  }
0x1f1: {  	v43 =	vmul.f32 v62, v29;
	v39 =	vmul.f32 v37, v27;
	v36 =	vsel vm13, $0x3B800000, v36  }
0x1f2: {  	v56 =	vld [tilespmem:$0x11540];
	v40 =	vmul.f32 $5.000000000e-01, v31;
	v36 =	vsel vm14, $0x3B000000, v36;
	v30 =	vmul.f32 v38, v30  }
0x1f3: {  	v35 =	vmul.f32 v43, v62;
	v44 =	vmul.f32 v39, v37;
	v36 =	vsel vm15, $0x3A800000, v36  }
0x1f4: {  	v41 =	vmul.f32 v36, v40;
	v45 =	vmul.f32 v30, v33  }
0x1f5: {  	v25 =	vsub.f32 $1.500000000e+00, v25;
	v32 =	vmul.f32 v63, v34;
	v35 =	vsub.f32 $1.500000000e+00, v35  }
0x1f6: {  	v38 =	vsub.f32 $1.500000000e+00, v44;
	v51 =	vmul.f32 v41, v36;
	v39 =	vmul.f32 v45, v30  }
0x1f7: {  	v26 =	vmul.f32 v32, v26;
	v61 =	vadd.f32 $1.000000000e+00, v56;
	v35 =	vmul.f32 v35, v62  }
0x1f8: {  	v37 =	vmul.f32 v38, v37;
	v38 =	vsub.f32 $1.500000000e+00, v51;
	v39 =	vsub.f32 $1.500000000e+00, v39  }
0x1f9: {  	v26 =	vmul.f32 v26, v32;
	vm4 =	vge.f32 v61, $4.000000000e+00;
	v48 =	vmul.f32 v35, v29  }
0x1fa: {  	vm5 =	vge.f32 v61, $1.600000000e+01;
	v36 =	vmul.f32 v38, v36;
	v30 =	vmul.f32 v39, v30  }
0x1fb: {  	vm6 =	vge.f32 v61, $6.400000000e+01;
	vm7 =	vge.f32 v61, $2.560000000e+02;
	v39 =	vmul.f32 v48, v35  }
0x1fc: {  	vm8 =	vge.f32 v61, $1.024000000e+03;
	v55 =	vmul.f32 v36, v40;
	v49 =	vmul.f32 v30, v33  }
0x1fd: {  	vm9 =	vge.f32 v61, $4.096000000e+03;
	v52 =	vmul.f32 v37, v27;
	v50 =	vsub.f32 $1.500000000e+00, v39  }
0x1fe: {  	vm10 =	vge.f32 v61, $1.638400000e+04;
	v57 =	vmul.f32 v55, v36;
	v31 =	vmul.f32 v49, v30  }
0x1ff: {  	v42 =	vsub.f32 $1.500000000e+00, v26;
	v34 =	vmul.f32 v50, v35;
	v35 =	vmul.f32 v52, v37  }
0x200: {  	v26 =	vmul.f32 v25, v28;
	v59 =	vsub.f32 $1.500000000e+00, v57;
	v31 =	vsub.f32 $1.500000000e+00, v31  }
0x201: {  	v46 =	vld [tilespmem:$0x11550];
	v25 =	vmul.f32 v42, v32;
	v53 =	vmul.f32 v34, v29;
	v35 =	vsub.f32 $1.500000000e+00, v35  }
0x202: {  	v62 =	vsel vm4, $0x3E800000, v2;
	v32 =	vmul.f32 v59, v36;
	v30 =	vmul.f32 v31, v30  }
0x203: {  	v31 =	vmul.f32 v53, v34;
	v35 =	vmul.f32 v35, v37;
	v37 =	vsel vm5, $0x3E000000, v62  }
0x204: {  	vm11 =	vge.f32 v61, $6.553600000e+04;
	v36 =	vmul.f32 v32, v40;
	v37 =	vsel vm6, $0x3D800000, v37  }
0x205: {  	v54 =	vmul.f32 v30, v33;
	v31 =	vsub.f32 $1.500000000e+00, v31;
	v27 =	vmul.f32 v35, v27  }
0x206: {  	v36 =	vmul.f32 v36, v32;
	v45 =	vsel vm7, $0x3D000000, v37;
	v37 =	vadd.f32 $1.000000000e+00, v46  }
0x207: {  	vm12 =	vge.f32 v61, $2.621440000e+05;
	v38 =	vmul.f32 v54, v30;
	v31 =	vmul.f32 v31, v34  }
0x208: {  	v27 =	vmul.f32 v27, v35;
	v47 =	vsub.f32 $1.500000000e+00, v36;
	vm13 =	vge.f32 v37, $4.000000000e+00  }
0x209: {  	vm14 =	vge.f32 v37, $1.600000000e+01;
	vm15 =	vge.f32 v37, $6.400000000e+01;
	vm4 =	vge.f32 v37, $2.560000000e+02  }
0x20a: {  	vm5 =	vge.f32 v37, $1.024000000e+03;
	vm6 =	vge.f32 v37, $4.096000000e+03;
	v60 =	vmul.f32 v31, v29  }
0x20b: {  	v51 =	vsel vm13, $0x3E800000, v2;
	v58 =	vsub.f32 $1.500000000e+00, v38;
	v32 =	vmul.f32 v47, v32  }
0x20c: {  	vm7 =	vge.f32 v37, $1.638400000e+04;
	v41 =	vsel vm14, $0x3E000000, v51;
	v28 =	vmul.f32 v60, v31  }
0x20d: {  	v43 =	vld [tilespmem:$0x11560];
	v41 =	vsel vm15, $0x3D800000, v41;
	v30 =	vmul.f32 v58, v30;
	v49 =	vmul.f32 v32, v40  }
0x20e: {  	v27 =	vsub.f32 $1.500000000e+00, v27;
	v52 =	vsel vm4, $0x3D000000, v41;
	v28 =	vsub.f32 $1.500000000e+00, v28  }
0x20f: {  	v53 =	vsel vm5, $0x3C800000, v52;
	v33 =	vmul.f32 v30, v33;
	v34 =	vmul.f32 v49, v32  }
0x210: {  	v63 =	vmul.f32 v28, v31;
	v28 =	vsel vm8, $0x3C800000, v45;
	v31 =	vmul.f32 $5.000000000e-01, v61  }
0x211: {  	v33 =	vmul.f32 v33, v30;
	v34 =	vsub.f32 $1.500000000e+00, v34;
	v28 =	vsel vm9, $0x3C000000, v28  }
0x212: {  	vm8 =	vge.f32 v37, $6.553600000e+04;
	v61 =	vadd.f32 $1.000000000e+00, v43;
	v28 =	vsel vm10, $0x3B800000, v28  }
0x213: {  	vm9 =	vge.f32 v37, $2.621440000e+05;
	v48 =	vmul.f32 v63, v29;
	v28 =	vsel vm11, $0x3B000000, v28  }
0x214: {  	v34 =	vmul.f32 v34, v32;
	v32 =	vmul.f32 $5.000000000e-01, v37;
	v28 =	vsel vm12, $0x3A800000, v28  }
0x215: {  	v47 =	vld [tilespmem:$0x11570];
	v33 =	vsub.f32 $1.500000000e+00, v33;
	vm10 =	vge.f32 v61, $4.000000000e+00;
	v50 =	vmul.f32 v28, v31  }
0x216: {  	vm13 =	vge.f32 v61, $2.560000000e+02;
	vm14 =	vge.f32 v61, $1.024000000e+03;
	vm15 =	vge.f32 v61, $4.096000000e+03  }
0x217: {  	vm4 =	vge.f32 v61, $1.638400000e+04;
	v54 =	vmul.f32 v34, v40;
	v39 =	vmul.f32 v50, v28  }
0x218: {  	vm5 =	vge.f32 v61, $6.553600000e+04;
	v45 =	vsel vm10, $0x3E800000, v2;
	v36 =	vmul.f32 v48, v63  }
0x219: {  	vm11 =	vge.f32 v61, $1.600000000e+01;
	v41 =	vmul.f32 v54, v34;
	v39 =	vsub.f32 $1.500000000e+00, v39  }
0x21a: {  	vm12 =	vge.f32 v61, $6.400000000e+01;
	v36 =	vsub.f32 $1.500000000e+00, v36;
	v50 =	vadd.f32 $1.000000000e+00, v47  }
0x21b: {  	v59 =	vsub.f32 $1.500000000e+00, v41;
	v39 =	vmul.f32 v39, v28;
	v28 =	vsel vm6, $0x3C000000, v53  }
0x21c: {  	vm10 =	vge.f32 v50, $2.560000000e+02;
	v28 =	vsel vm7, $0x3B800000, v28;
	vm7 =	vge.f32 v50, $4.000000000e+00  }
0x21d: {  	v55 =	vmul.f32 v39, v31;
	v28 =	vsel vm8, $0x3B000000, v28;
	v52 =	vsel vm7, $0x3E800000, v2  }
0x21e: {  	v57 =	vsel vm9, $0x3A800000, v28;
	v28 =	vmul.f32 v27, v35;
	v35 =	vmul.f32 v36, v63  }
0x21f: {  	vm8 =	vge.f32 v50, $1.600000000e+01;
	v56 =	vmul.f32 v55, v39;
	v44 =	vmul.f32 v57, v32  }
0x220: {  	v27 =	vmul.f32 v33, v30;
	v30 =	vmul.f32 v59, v34;
	v34 =	vsel vm8, $0x3E000000, v52  }
0x221: {  	vm9 =	vge.f32 v50, $6.400000000e+01;
	v58 =	vsub.f32 $1.500000000e+00, v56;
	v60 =	vmul.f32 v44, v57  }
0x222: {  	vm6 =	vge.f32 v61, $2.621440000e+05;
	v34 =	vsel vm9, $0x3D800000, v34;
	v29 =	vmul.f32 v35, v29  }
0x223: {  	v63 =	vmul.f32 v30, v40;
	v36 =	vmul.f32 v58, v39;
	v33 =	vsub.f32 $1.500000000e+00, v60  }
0x224: {  	v34 =	vsel vm10, $0x3D000000, v34;
	v29 =	vmul.f32 v29, v35;
	v39 =	vsel vm11, $0x3E000000, v45  }
0x225: {  	vm11 =	vge.f32 v50, $1.024000000e+03;
	v62 =	vmul.f32 v36, v31;
	v33 =	vmul.f32 v33, v57  }
0x226: {  	v38 =	vmul.f32 v63, v30;
	v39 =	vsel vm12, $0x3D800000, v39;
	v34 =	vsel vm11, $0x3C800000, v34  }
0x227: {  	v56 =	vld [tilespmem:$0x11580];
	vm12 =	vge.f32 v50, $4.096000000e+03;
	v37 =	vmul.f32 v62, v36;
	v46 =	vmul.f32 v33, v32  }
0x228: {  	v29 =	vsub.f32 $1.500000000e+00, v29;
	v39 =	vsel vm13, $0x3D000000, v39;
	v34 =	vsel vm12, $0x3C000000, v34  }
0x229: {  	vm13 =	vge.f32 v50, $1.638400000e+04;
	v37 =	vsub.f32 $1.500000000e+00, v37;
	v40 =	vmul.f32 v46, v33  }
0x22a: {  	v38 =	vsub.f32 $1.500000000e+00, v38;
	v48 =	vsel vm14, $0x3C800000, v39;
	v34 =	vsel vm13, $0x3B800000, v34  }
0x22b: {  	v36 =	vmul.f32 v37, v36;
	v49 =	vsub.f32 $1.500000000e+00, v40;
	v37 =	vsel vm15, $0x3C000000, v48  }
0x22c: {  	vm14 =	vge.f32 v50, $6.553600000e+04;
	v60 =	vadd.f32 $1.000000000e+00, v56;
	v37 =	vsel vm4, $0x3B800000, v37  }
0x22d: {  	v37 =	vsel vm5, $0x3B000000, v37;
	v39 =	vmul.f32 v49, v33;
	v33 =	vmul.f32 $5.000000000e-01, v61  }
0x22e: {  	v29 =	vmul.f32 v29, v35;
	v30 =	vmul.f32 v38, v30;
	v37 =	vsel vm6, $0x3A800000, v37  }
0x22f: {  	v63 =	vld [tilespmem:$0x11590];
	v34 =	vsel vm14, $0x3B000000, v34;
	vm7 =	vge.f32 v60, $2.560000000e+02;
	v54 =	vmul.f32 v37, v33  }
0x230: {  	vm8 =	vge.f32 v60, $1.024000000e+03;
	vm9 =	vge.f32 v60, $4.096000000e+03;
	v53 =	vmul.f32 v39, v32  }
0x231: {  	vm10 =	vge.f32 v60, $1.638400000e+04;
	vm11 =	vge.f32 v60, $6.553600000e+04;
	v43 =	vmul.f32 v54, v37  }
0x232: {  	vm15 =	vge.f32 v50, $2.621440000e+05;
	v40 =	vmul.f32 $5.000000000e-01, v50;
	v42 =	vmul.f32 v53, v39  }
0x233: {  	vm12 =	vge.f32 v60, $2.621440000e+05;
	v34 =	vsel vm15, $0x3A800000, v34;
	v43 =	vsub.f32 $1.500000000e+00, v43  }
0x234: {  	v48 =	vadd.f32 $1.000000000e+00, v63;
	v55 =	vmul.f32 v34, v40;
	v42 =	vsub.f32 $1.500000000e+00, v42  }
0x235: {  	vm4 =	vge.f32 v60, $4.000000000e+00;
	v51 =	vmul.f32 v36, v31;
	v37 =	vmul.f32 v43, v37  }
0x236: {  	v62 =	vsel vm4, $0x3E800000, v2;
	v39 =	vmul.f32 v42, v39;
	v42 =	vmul.f32 v55, v34  }
0x237: {  	vm5 =	vge.f32 v60, $1.600000000e+01;
	v41 =	vmul.f32 v51, v36;
	v43 =	vmul.f32 v37, v33  }
0x238: {  	vm13 =	vge.f32 v48, $4.000000000e+00;
	v45 =	vmul.f32 v39, v32;
	v42 =	vsub.f32 $1.500000000e+00, v42  }
0x239: {  	vm14 =	vge.f32 v48, $1.600000000e+01;
	v41 =	vsub.f32 $1.500000000e+00, v41;
	v57 =	vmul.f32 v43, v37  }
0x23a: {  	vm15 =	vge.f32 v48, $6.400000000e+01;
	v58 =	vmul.f32 v45, v39;
	v34 =	vmul.f32 v42, v34  }
0x23b: {  	vm4 =	vge.f32 v48, $2.560000000e+02;
	v36 =	vmul.f32 v41, v36;
	v41 =	vsub.f32 $1.500000000e+00, v57  }
0x23c: {  	vm6 =	vge.f32 v60, $6.400000000e+01;
	v35 =	vsub.f32 $1.500000000e+00, v58;
	v61 =	vmul.f32 v34, v40  }
0x23d: {  	v59 =	vmul.f32 v36, v31;
	v43 =	vsel vm5, $0x3E000000, v62;
	v37 =	vmul.f32 v41, v37  }
0x23e: {  	v43 =	vsel vm6, $0x3D800000, v43;
	v35 =	vmul.f32 v35, v39;
	v39 =	vmul.f32 v61, v34  }
0x23f: {  	v51 =	vsel vm13, $0x3E800000, v2;
	v38 =	vmul.f32 v59, v36;
	v43 =	vsel vm7, $0x3D000000, v43  }
0x240: {  	v43 =	vsel vm8, $0x3C800000, v43;
	v41 =	vmul.f32 v37, v33;
	v39 =	vsub.f32 $1.500000000e+00, v39  }
0x241: {  	v45 =	vsel vm14, $0x3E000000, v51;
	v42 =	vmul.f32 $5.000000000e-01, v60;
	v47 =	vsel vm9, $0x3C000000, v43  }
0x242: {  	v41 =	vmul.f32 v41, v37;
	v34 =	vmul.f32 v39, v34;
	v39 =	vsel vm10, $0x3B800000, v47  }
0x243: {  	vm5 =	vge.f32 v48, $1.024000000e+03;
	v38 =	vsub.f32 $1.500000000e+00, v38;
	v39 =	vsel vm11, $0x3B000000, v39  }
0x244: {  	v41 =	vsub.f32 $1.500000000e+00, v41;
	v49 =	vmul.f32 v34, v40;
	v39 =	vsel vm12, $0x3A800000, v39  }
0x245: {  	v45 =	vsel vm15, $0x3D800000, v45;
	vm6 =	vge.f32 v48, $4.096000000e+03;
	v46 =	vmul.f32 v39, v42  }
0x246: {  	v45 =	vsel vm4, $0x3D000000, v45;
	v37 =	vmul.f32 v41, v37;
	v41 =	vmul.f32 v49, v34  }
0x247: {  	vm7 =	vge.f32 v48, $1.638400000e+04;
	v36 =	vmul.f32 v38, v36;
	v45 =	vsel vm5, $0x3C800000, v45  }
0x248: {  	vm8 =	vge.f32 v48, $6.553600000e+04;
	v53 =	vmul.f32 v46, v39;
	v41 =	vsub.f32 $1.500000000e+00, v41  }
0x249: {  	v52 =	vsel vm6, $0x3C000000, v45;
	vm9 =	vge.f32 v48, $2.621440000e+05;
	v50 =	vmul.f32 v37, v33  }
0x24a: {  	v43 =	vmul.f32 $5.000000000e-01, v48;
	v45 =	vsub.f32 $1.500000000e+00, v53;
	v34 =	vmul.f32 v41, v34  }
0x24b: {  	v55 =	vmul.f32 v35, v32;
	v41 =	vsel vm7, $0x3B800000, v52;
	v44 =	vmul.f32 v50, v37  }
0x24c: {  	v41 =	vsel vm8, $0x3B000000, v41;
	v39 =	vmul.f32 v45, v39;
	v54 =	vmul.f32 v34, v40  }
0x24d: {  	v45 =	vmul.f32 v55, v35;
	v41 =	vsel vm9, $0x3A800000, v41;
	v44 =	vsub.f32 $1.500000000e+00, v44  }
0x24e: {  	v47 =	vmul.f32 v41, v43;
	v46 =	vmul.f32 v54, v34  }
0x24f: {  	v57 =	vmul.f32 v39, v42;
	v37 =	vmul.f32 v44, v37  }
0x250: {  	v31 =	vmul.f32 v36, v31;
	v47 =	vmul.f32 v47, v41;
	v56 =	vsub.f32 $1.500000000e+00, v46  }
0x251: {  	v45 =	vsub.f32 $1.500000000e+00, v45;
	v59 =	vmul.f32 v57, v39;
	v60 =	vmul.f32 v37, v33  }
0x252: {  	v31 =	vmul.f32 v31, v36;
	v58 =	vsub.f32 $1.500000000e+00, v47;
	v34 =	vmul.f32 v56, v34  }
0x253: {  	v35 =	vmul.f32 v45, v35;
	v38 =	vsub.f32 $1.500000000e+00, v59;
	v46 =	vmul.f32 v60, v37  }
0x254: {  	v41 =	vmul.f32 v58, v41;
	v61 =	vmul.f32 v34, v40  }
0x255: {  	v32 =	vmul.f32 v35, v32;
	v38 =	vmul.f32 v38, v39;
	v63 =	vsub.f32 $1.500000000e+00, v46  }
0x256: {  	v62 =	vmul.f32 v41, v43;
	v44 =	vmul.f32 v61, v34  }
0x257: {  	v31 =	vsub.f32 $1.500000000e+00, v31;
	v52 =	vld [tilespmem:$0x115A0];
	v49 =	vmul.f32 v38, v42;
	v37 =	vmul.f32 v63, v37  }
0x258: {  	v32 =	vmul.f32 v32, v35;
	v48 =	vmul.f32 v62, v41;
	v44 =	vsub.f32 $1.500000000e+00, v44  }
0x259: {  	v51 =	vmul.f32 v49, v38;
	v33 =	vmul.f32 v37, v33  }
0x25a: {  	v31 =	vmul.f32 v31, v36;
	v50 =	vsub.f32 $1.500000000e+00, v48;
	v44 =	vmul.f32 v44, v34  }
0x25b: {  	v32 =	vsub.f32 $1.500000000e+00, v32;
	v34 =	vsub.f32 $1.500000000e+00, v51;
	v33 =	vmul.f32 v33, v37  }
0x25c: {  	v39 =	vmul.f32 v50, v41;
	v41 =	vadd.f32 $1.000000000e+00, v52;
	v40 =	vmul.f32 v44, v40  }
0x25d: {  	v38 =	vmul.f32 v34, v38;
	v55 =	vsub.f32 $1.500000000e+00, v33;
	v33 =	vmul.f32 v32, v35  }
0x25e: {  	v53 =	vmul.f32 v39, v43;
	vm10 =	vge.f32 v41, $4.000000000e+00;
	vm11 =	vge.f32 v41, $1.600000000e+01  }
0x25f: {  	vm12 =	vge.f32 v41, $6.400000000e+01;
	vm13 =	vge.f32 v41, $2.560000000e+02;
	v56 =	vmul.f32 v38, v42  }
0x260: {  	vm14 =	vge.f32 v41, $1.024000000e+03;
	vm15 =	vge.f32 v41, $4.096000000e+03;
	v54 =	vmul.f32 v53, v39  }
0x261: {  	v60 =	vld [tilespmem:$0x115B0];
	vm4 =	vge.f32 v41, $1.638400000e+04;
	v40 =	vmul.f32 v40, v44;
	v58 =	vmul.f32 v56, v38  }
0x262: {  	v34 =	vmul.f32 v55, v37;
	v59 =	vsel vm10, $0x3E800000, v2;
	v57 =	vsub.f32 $1.500000000e+00, v54  }
0x263: {  	v37 =	vsel vm11, $0x3E000000, v59;
	v40 =	vsub.f32 $1.500000000e+00, v40;
	v36 =	vsub.f32 $1.500000000e+00, v58  }
0x264: {  	vm5 =	vge.f32 v41, $6.553600000e+04;
	v37 =	vsel vm12, $0x3D800000, v37;
	v35 =	vmul.f32 v57, v39  }
0x265: {  	v37 =	vsel vm13, $0x3D000000, v37;
	v32 =	vmul.f32 v40, v44;
	v36 =	vmul.f32 v36, v38  }
0x266: {  	v37 =	vsel vm14, $0x3C800000, v37;
	v40 =	vadd.f32 $1.000000000e+00, v60;
	v39 =	vmul.f32 v35, v43  }
0x267: {  	vm6 =	vge.f32 v41, $2.621440000e+05;
	v37 =	vsel vm15, $0x3C000000, v37;
	v62 =	vmul.f32 v36, v42  }
0x268: {  	v37 =	vsel vm4, $0x3B800000, v37;
	vm7 =	vge.f32 v40, $4.000000000e+00;
	v61 =	vmul.f32 v39, v35  }
0x269: {  	vm8 =	vge.f32 v40, $1.600000000e+01;
	vm9 =	vge.f32 v40, $6.400000000e+01;
	v39 =	vmul.f32 v62, v36  }
0x26a: {  	vm10 =	vge.f32 v40, $2.560000000e+02;
	vm11 =	vge.f32 v40, $1.024000000e+03;
	v38 =	vsub.f32 $1.500000000e+00, v61  }
0x26b: {  	v50 =	vld [tilespmem:$0x115C0];
	vm12 =	vge.f32 v40, $4.096000000e+03;
	v48 =	vsel vm7, $0x3E800000, v2;
	v63 =	vsub.f32 $1.500000000e+00, v39  }
0x26c: {  	vm13 =	vge.f32 v40, $1.638400000e+04;
	v35 =	vmul.f32 v38, v35;
	v38 =	vsel vm8, $0x3E000000, v48  }
0x26d: {  	v37 =	vsel vm5, $0x3B000000, v37;
	v36 =	vmul.f32 v63, v36;
	v51 =	vsel vm9, $0x3D800000, v38  }
0x26e: {  	vm14 =	vge.f32 v40, $6.553600000e+04;
	v44 =	vsel vm6, $0x3A800000, v37;
	v37 =	vsel vm10, $0x3D000000, v51  }
0x26f: {  	v49 =	vmul.f32 v35, v43;
	v53 =	vmul.f32 v36, v42;
	v37 =	vsel vm11, $0x3C800000, v37  }
0x270: {  	vm15 =	vge.f32 v40, $2.621440000e+05;
	v42 =	vadd.f32 $1.000000000e+00, v50;
	v37 =	vsel vm12, $0x3C000000, v37  }
0x271: {  	v52 =	vmul.f32 v49, v35;
	v37 =	vsel vm13, $0x3B800000, v37;
	v55 =	vmul.f32 v53, v36  }
0x272: {  	v58 =	vld [tilespmem:$0x115D0];
	vm4 =	vge.f32 v42, $4.000000000e+00;
	vm5 =	vge.f32 v42, $1.600000000e+01;
	vm6 =	vge.f32 v42, $6.400000000e+01  }
0x273: {  	v50 =	vld [tilespmem:$0x115E0];
	vm7 =	vge.f32 v42, $2.560000000e+02;
	vm8 =	vge.f32 v42, $1.024000000e+03;
	vm9 =	vge.f32 v42, $4.096000000e+03  }
0x274: {  	vm10 =	vge.f32 v42, $1.638400000e+04;
	vm11 =	vge.f32 v42, $6.553600000e+04;
	v38 =	vsub.f32 $1.500000000e+00, v52  }
0x275: {  	vm12 =	vge.f32 v42, $2.621440000e+05;
	v54 =	vsel vm14, $0x3B000000, v37;
	v37 =	vsub.f32 $1.500000000e+00, v55  }
0x276: {  	v57 =	vsel vm4, $0x3E800000, v2;
	v39 =	vsel vm15, $0x3A800000, v54;
	v38 =	vmul.f32 v38, v35  }
0x277: {  	v35 =	vmul.f32 v37, v36;
	v37 =	vmul.f32 $5.000000000e-01, v41;
	v41 =	vadd.f32 $1.000000000e+00, v58  }
0x278: {  	v46 =	vadd.f32 $1.000000000e+00, v50;
	v56 =	vmul.f32 v38, v43;
	v43 =	vsel vm5, $0x3E000000, v57  }
0x279: {  	v43 =	vsel vm6, $0x3D800000, v43;
	v62 =	vmul.f32 v44, v37;
	vm13 =	vge.f32 v41, $4.000000000e+00  }
0x27a: {  	vm14 =	vge.f32 v41, $1.600000000e+01;
	vm15 =	vge.f32 v41, $6.400000000e+01;
	vm4 =	vge.f32 v41, $2.560000000e+02  }
0x27b: {  	vm5 =	vge.f32 v41, $1.024000000e+03;
	vm6 =	vge.f32 v41, $4.096000000e+03;
	v59 =	vmul.f32 v56, v38  }
0x27c: {  	v57 =	vld [tilespmem:$0x115F0];
	v60 =	vsel vm7, $0x3D000000, v43;
	v48 =	vsel vm13, $0x3E800000, v2;
	vm7 =	vge.f32 v41, $1.638400000e+04  }
0x27d: {  	vm13 =	vge.f32 v46, $2.560000000e+02;
	v36 =	vsel vm8, $0x3C800000, v60;
	v45 =	vmul.f32 v62, v44  }
0x27e: {  	v49 =	vsel vm14, $0x3E000000, v48;
	vm8 =	vge.f32 v41, $6.553600000e+04;
	vm14 =	vge.f32 v46, $1.024000000e+03  }
0x27f: {  	v61 =	vsub.f32 $1.500000000e+00, v59;
	v36 =	vsel vm9, $0x3C000000, v36;
	vm9 =	vge.f32 v41, $2.621440000e+05  }
0x280: {  	v36 =	vsel vm10, $0x3B800000, v36;
	v45 =	vsub.f32 $1.500000000e+00, v45;
	vm10 =	vge.f32 v46, $4.000000000e+00  }
0x281: {  	v47 =	vadd.f32 $1.000000000e+00, v57;
	v63 =	vsel vm11, $0x3B000000, v36;
	v36 =	vmul.f32 v61, v38  }
0x282: {  	v38 =	vmul.f32 $5.000000000e-01, v40;
	v40 =	vsel vm15, $0x3D800000, v49;
	v55 =	vsel vm10, $0x3E800000, v2  }
0x283: {  	vm11 =	vge.f32 v46, $1.600000000e+01;
	vm15 =	vge.f32 v46, $4.096000000e+03;
	v43 =	vsel vm12, $0x3A800000, v63  }
0x284: {  	v40 =	vsel vm4, $0x3D000000, v40;
	v44 =	vmul.f32 v45, v44;
	v51 =	vmul.f32 v39, v38  }
0x285: {  	v56 =	vsel vm11, $0x3E000000, v55;
	vm12 =	vge.f32 v46, $6.400000000e+01;
	vm4 =	vge.f32 v46, $1.638400000e+04  }
0x286: {  	vm10 =	vge.f32 v47, $2.560000000e+02;
	vm11 =	vge.f32 v47, $1.024000000e+03;
	v52 =	vmul.f32 v51, v39  }
0x287: {  	v40 =	vsel vm5, $0x3C800000, v40;
	vm5 =	vge.f32 v46, $6.553600000e+04;
	v53 =	vmul.f32 v44, v37  }
0x288: {  	v40 =	vsel vm6, $0x3C000000, v40;
	vm6 =	vge.f32 v46, $2.621440000e+05;
	v45 =	vsub.f32 $1.500000000e+00, v52  }
0x289: {  	v40 =	vsel vm7, $0x3B800000, v40;
	vm7 =	vge.f32 v47, $4.000000000e+00;
	v54 =	vmul.f32 v53, v44  }
0x28a: {  	v40 =	vsel vm8, $0x3B000000, v40;
	v39 =	vmul.f32 v45, v39;
	v45 =	vsel vm12, $0x3D800000, v56  }
0x28b: {  	v48 =	vsel vm9, $0x3A800000, v40;
	v40 =	vsub.f32 $1.500000000e+00, v54;
	v45 =	vsel vm13, $0x3D000000, v45  }
0x28c: {  	v61 =	vsel vm7, $0x3E800000, v2;
	vm8 =	vge.f32 v47, $1.600000000e+01;
	v58 =	vsel vm14, $0x3C800000, v45  }
0x28d: {  	v44 =	vmul.f32 v40, v44;
	v49 =	vmul.f32 v39, v38;
	v40 =	vsel vm15, $0x3C000000, v58  }
0x28e: {  	vm9 =	vge.f32 v47, $6.400000000e+01;
	vm12 =	vge.f32 v47, $4.096000000e+03;
	v40 =	vsel vm4, $0x3B800000, v40  }
0x28f: {  	vm13 =	vge.f32 v47, $1.638400000e+04;
	v59 =	vmul.f32 v49, v39;
	v40 =	vsel vm5, $0x3B000000, v40  }
0x290: {  	vm14 =	vge.f32 v47, $6.553600000e+04;
	v50 =	vsel vm6, $0x3A800000, v40;
	v40 =	vsel vm8, $0x3E000000, v61  }
0x291: {  	v60 =	vmul.f32 v44, v37;
	v45 =	vsub.f32 $1.500000000e+00, v59;
	v62 =	vsel vm9, $0x3D800000, v40  }
0x292: {  	vm15 =	vge.f32 v47, $2.621440000e+05;
	v40 =	vmul.f32 $5.000000000e-01, v41;
	v63 =	vsel vm10, $0x3D000000, v62  }
0x293: {  	v45 =	vmul.f32 v45, v39;
	v39 =	vmul.f32 $5.000000000e-01, v42;
	v41 =	vsel vm11, $0x3C800000, v63  }
0x294: {  	v49 =	vmul.f32 v60, v44;
	v52 =	vmul.f32 v48, v40;
	v54 =	vsel vm12, $0x3C000000, v41  }
0x295: {  	v51 =	vmul.f32 v43, v39;
	v41 =	vmul.f32 $5.000000000e-01, v46;
	v42 =	vsel vm13, $0x3B800000, v54  }
0x296: {  	v52 =	vmul.f32 v52, v48;
	v55 =	vsel vm14, $0x3B000000, v42;
	v42 =	vmul.f32 $5.000000000e-01, v47  }
0x297: {  	v56 =	vmul.f32 v51, v43;
	v57 =	vmul.f32 v50, v41;
	v46 =	vsel vm15, $0x3A800000, v55  }
0x298: {  	v49 =	vsub.f32 $1.500000000e+00, v49;
	v52 =	vsub.f32 $1.500000000e+00, v52;
	v53 =	vmul.f32 v46, v42  }
0x299: {  	v54 =	vmul.f32 v45, v38;
	v47 =	vsub.f32 $1.500000000e+00, v56;
	v51 =	vmul.f32 v57, v50  }
0x29a: {  	v48 =	vmul.f32 v52, v48;
	v53 =	vmul.f32 v53, v46  }
0x29b: {  	v44 =	vmul.f32 v49, v44;
	v43 =	vmul.f32 v47, v43;
	v58 =	vsub.f32 $1.500000000e+00, v51  }
0x29c: {  	v59 =	vmul.f32 v54, v45;
	v62 =	vmul.f32 v48, v40;
	v60 =	vsub.f32 $1.500000000e+00, v53  }
0x29d: {  	v61 =	vmul.f32 v43, v39;
	v47 =	vmul.f32 v58, v50  }
0x29e: {  	v49 =	vsub.f32 $1.500000000e+00, v59;
	v50 =	vmul.f32 v62, v48;
	v46 =	vmul.f32 v60, v46  }
0x29f: {  	v63 =	vmul.f32 v61, v43;
	v56 =	vmul.f32 v47, v41  }
0x2a0: {  	v45 =	vmul.f32 v49, v45;
	v50 =	vsub.f32 $1.500000000e+00, v50;
	v57 =	vmul.f32 v46, v42  }
0x2a1: {  	v58 =	vmul.f32 v44, v37;
	v51 =	vsub.f32 $1.500000000e+00, v63;
	v52 =	vmul.f32 v56, v47  }
0x2a2: {  	[tilespmem:$0x11600] =	vst v3;
	v3 =	vmul.f32 v50, v48;
	v53 =	vmul.f32 v57, v46  }
0x2a3: {  	[tilespmem:$0x11610] =	vst v4;
	v60 =	vmul.f32 v58, v44;
	v43 =	vmul.f32 v51, v43;
	v59 =	vsub.f32 $1.500000000e+00, v52  }
0x2a4: {  	[tilespmem:$0x11620] =	vst v5;
	v56 =	vmul.f32 v45, v38;
	v50 =	vmul.f32 v3, v40;
	v61 =	vsub.f32 $1.500000000e+00, v53  }
0x2a5: {  	[tilespmem:$0x11630] =	vst v6;
	v62 =	vmul.f32 v59, v47;
	v63 =	vmul.f32 v43, v39  }
0x2a6: {  	[tilespmem:$0x11640] =	vst v7;
	v53 =	vmul.f32 v50, v3;
	v49 =	vmul.f32 v61, v46  }
0x2a7: {  	[tilespmem:$0x11650] =	vst v8;
	v51 =	vmul.f32 v63, v43;
	v52 =	vmul.f32 v62, v41  }
0x2a8: {  	[tilespmem:$0x11670] =	vst v10;
	v55 =	vsub.f32 $1.500000000e+00, v60;
	v58 =	vmul.f32 v56, v45;
	v7 =	vsub.f32 $1.500000000e+00, v53  }
0x2a9: {  	[tilespmem:$0x11660] =	vst v9;
	v54 =	vmul.f32 v49, v42;
	v6 =	vsub.f32 $1.500000000e+00, v51;
	v47 =	vmul.f32 v52, v62  }
0x2aa: {  	[tilespmem:$0x11680] =	vst v11;
	v8 =	vmul.f32 v55, v44;
	v3 =	vmul.f32 v7, v3;
	v7 =	vsub.f32 $1.500000000e+00, v58  }
0x2ab: {  	[tilespmem:$0x11690] =	vst v12;
	v46 =	vmul.f32 v54, v49;
	v6 =	vmul.f32 v6, v43;
	v57 =	vsub.f32 $1.500000000e+00, v47  }
0x2ac: {  	[tilespmem:$0x116A0] =	vst v13;
	v61 =	vmul.f32 v3, v40;
	v7 =	vmul.f32 v7, v45  }
0x2ad: {  	[tilespmem:$0x116B0] =	vst v14;
	v59 =	vsub.f32 $1.500000000e+00, v46;
	v4 =	vmul.f32 v57, v62;
	v60 =	vmul.f32 v6, v39  }
0x2ae: {  	[tilespmem:$0x116C0] =	vst v15;
	v62 =	vmul.f32 v8, v37;
	v9 =	vmul.f32 v61, v3  }
0x2af: {  	[tilespmem:$0x116F0] =	vst v18;
	v18 =	vmul.f32 v7, v38;
	v5 =	vmul.f32 v59, v49  }
0x2b0: {  	[tilespmem:$0x116D0] =	vst v16;
	v10 =	vmul.f32 v60, v6;
	v63 =	vmul.f32 v4, v41  }
0x2b1: {  	[tilespmem:$0x116E0] =	vst v17;
	v9 =	vsub.f32 $1.500000000e+00, v9;
	v45 =	vmul.f32 v18, v7;
	v16 =	vmul.f32 v5, v42  }
0x2b2: {  	[tilespmem:$0x11700] =	vst v19;
	v44 =	vmul.f32 v62, v8;
	v10 =	vsub.f32 $1.500000000e+00, v10;
	v12 =	vmul.f32 v63, v4  }
0x2b3: {  	[tilespmem:$0x11710] =	vst v20;
	v3 =	vmul.f32 v9, v3;
	v11 =	vsub.f32 $1.500000000e+00, v45;
	v13 =	vmul.f32 v16, v5  }
0x2b4: {  	[tilespmem:$0x11720] =	vst v21;
	v6 =	vmul.f32 v10, v6;
	v43 =	vsub.f32 $1.500000000e+00, v12;
	v10 =	vsub.f32 $1.500000000e+00, v44  }
0x2b5: {  	[tilespmem:$0x11730] =	vst v22;
	v48 =	vmul.f32 v3, v40;
	v7 =	vmul.f32 v11, v7;
	v46 =	vsub.f32 $1.500000000e+00, v13  }
0x2b6: {  	[tilespmem:$0x11740] =	vst v23;
	v4 =	vmul.f32 v43, v4;
	v47 =	vmul.f32 v6, v39  }
0x2b7: {  	[tilespmem:$0x11750] =	vst v24;
	v8 =	vmul.f32 v10, v8;
	v5 =	vmul.f32 v46, v5  }
0x2b8: {  	[tilespmem:$0x11760] =	vst v26;
	v12 =	vmul.f32 v48, v3;
	v49 =	vmul.f32 v4, v41  }
0x2b9: {  	[tilespmem:$0x11770] =	vst v25;
	v9 =	vmul.f32 v47, v6;
	v50 =	vmul.f32 v5, v42  }
0x2ba: {  	[tilespmem:$0x11780] =	vst v28;
	v53 =	vmul.f32 v8, v37;
	v12 =	vsub.f32 $1.500000000e+00, v12;
	v13 =	vmul.f32 v49, v4  }
0x2bb: {  	[tilespmem:$0x11790] =	vst v27;
	v54 =	vmul.f32 v7, v38;
	v9 =	vsub.f32 $1.500000000e+00, v9;
	v14 =	vmul.f32 v50, v5  }
0x2bc: {  	[tilespmem:$0x117A0] =	vst v29;
	v10 =	vmul.f32 v53, v8;
	v3 =	vmul.f32 v12, v3;
	v51 =	vsub.f32 $1.500000000e+00, v13  }
0x2bd: {  	[tilespmem:$0x117B0] =	vst v30;
	v6 =	vmul.f32 v9, v6;
	v9 =	vmul.f32 v54, v7;
	v52 =	vsub.f32 $1.500000000e+00, v14  }
0x2be: {  	[tilespmem:$0x117C0] =	vst v31;
	v12 =	vmul.f32 v3, v40;
	v4 =	vmul.f32 v51, v4  }
0x2bf: {  	[tilespmem:$0x117D0] =	vst v33;
	v55 =	vmul.f32 v6, v39;
	v5 =	vmul.f32 v52, v5  }
0x2c0: {  	[tilespmem:$0x117E0] =	vst v34;
	v10 =	vsub.f32 $1.500000000e+00, v10;
	v12 =	vmul.f32 v12, v3;
	v56 =	vmul.f32 v4, v41  }
0x2c1: {  	[tilespmem:$0x117F0] =	vst v32;
	v9 =	vsub.f32 $1.500000000e+00, v9;
	v11 =	vmul.f32 v55, v6;
	v57 =	vmul.f32 v5, v42  }
0x2c2: {  	[tilespmem:$0x11800] =	vst v35;
	v8 =	vmul.f32 v10, v8;
	v60 =	vsub.f32 $1.500000000e+00, v12;
	v59 =	vmul.f32 v56, v4  }
0x2c3: {  	[tilespmem:$0x11810] =	vst v36;
	v7 =	vmul.f32 v9, v7;
	v58 =	vsub.f32 $1.500000000e+00, v11;
	v61 =	vmul.f32 v57, v5  }
0x2c4: {  	[tilespmem:$0x11820] =	vst v8;
	v3 =	vmul.f32 v60, v3;
	v62 =	vsub.f32 $1.500000000e+00, v59  }
0x2c5: {  	[tilespmem:$0x11830] =	vst v7;
	v6 =	vmul.f32 v58, v6;
	v63 =	vsub.f32 $1.500000000e+00, v61  }
0x2c6: {  	[tilespmem:$0x11850] =	vst v3;
	v4 =	vmul.f32 v62, v4  }
0x2c7: {  	[tilespmem:$0x11840] =	vst v6;
	v3 =	vmul.f32 v63, v5  }
0x2c8: {  	[tilespmem:$0x11860] =	vst v4  }
0x2c9: {  	[tilespmem:$0x11870] =	vst v3  }
0x2ca: {  	[spmem:s11] =	stream.linear.scatter [tilespmem:s22], [sflag:$0x4], $0x280, $0x38;
	[tilespmem:$0x12000] =	vst v63  }
0x2cb: {  	_ =	swait.ge [sflag:s18], $0x280  }
0x2cc: {  	[sflag:s18] =	ssyncset.done $0x0  }
0x2cd: {  	[sflag:s18] =	ssyncadd.s32 $0xFFFFFD80  }
0x2ce: {  	[bflag:$0x0] =	sbarrier.arrive $0xFFFF  }
0x2cf: {  	_ =	swait.ge [sflag:s23], $0x2710  }
0x2d0: {  	[sflag:s23] =	ssyncset.done $0x0  }
0x2d1: {  	[sflag:s23] =	ssyncadd.s32 $0xFFFFD8F0  }
0x2d2: {  	[tilespmem:s25], [sflag:$0x4] =	stream.indirect.gather [spmem:s4], $0x1, s15, s24, $0xb8;
	[tilespmem:$0x12000] =	vst v63  }
0x2d3: {  	_ =	swait.ge [sflag:s18], $0x2710  }
0x2d4: {  	[sflag:s18] =	ssyncset.done $0x0  }
0x2d5: {  	[sflag:s18] =	ssyncadd.s32 $0xFFFFD8F0  }
0x2d6: {  	_ =	swait.ge [sflag:s26], $0x2710  }
0x2d7: {  	[sflag:s26] =	ssyncset.done $0x0  }
0x2d8: {  	[sflag:s26] =	ssyncadd.s32 $0xFFFFD8F0  }
0x2d9: {  	[spmem:s3] =	stream.indirect.scatter.add.f32 [tilespmem:s25], [sflag:$0x4], $0x1, s16, s24, $0xb8;
	[tilespmem:$0x12000] =	vst v63  }
0x2da: {  	_ =	swait.ge [sflag:s18], $0x2710  }
0x2db: {  	[sflag:s18] =	ssyncset.done $0x0  }
0x2dc: {  	s31 =	sshll.u32 s2, $0x6;
	[sflag:s18] =	ssyncadd.s32 $0xFFFFD8F0  }
0x2dd: {  	s30 =	sshrl.u32 s10, $0x3;
	s29 =	sor.u32 $0x1C04, s31;
	[bflag:$0x0] =	sbarrier.arrive $0xFFFF  }
0x2de: {  	[hbm:s12], [sflag:s29] =	dma.local [spmem:s30], $0x50  }
0x2df: {  	s28 =	sadd.s32 $0x1, s28;
	_ =	swait.ge [sflag:s18], $0x50  }
0x2e0: {  	p1 =	sne.s32 s28, s14;
	[sflag:s18] =	ssyncset.done $0x0  }
0x2e1: {  	s29 =	simm.s32 @!p0 $0x0;
	s30 =	simm.s32 @!p0 $0x11600;
	[sflag:s18] =	ssyncadd.s32 $0xFFFFFFB0  }
0x2e2: {  	[hbm4b:s13+s29] =	stream.linear.scatter @!p0 [tilespmem:s30], [sflag:$0x4], $0x280, $0x38;
	[tilespmem:$0x12000] =	vst v63  }
.Ltmp1:
0x2e3: {  	_ = 	snop;
	(pc) =	sbr.rel @p1 .LBB2_1-.Ltmp1, $4  }
0x2e4: {  	s29 =	simm.s32 @!p0 $0x4  }
0x2e5: {  	_ =	swait.ge @!p0 [sflag:s29], $0x280  }
0x2e6: {  	[sflag:s29] =	ssyncset.done @!p0 $0x0  }
0x2e7: {  	[sflag:s29] =	ssyncadd.s32 @!p0 $0xFFFFFD80  }
0x2e8: {  	_ =	sfence.sel $0x180000  }
0x2e9: {  	[bflag:$0x0] =	sbarrier.arrive $0xFFFF  }
0x2ea: {  	p0 =	sne.s32 s2, $0x0;
	_ =	strace $0x90000047  }
0x2eb: {  	s0 =	sadd.s32 @!p0 $0x100000, s1;
	[bflag:$0x2] =	sbarrier.arrive $0xFFFF  }
0x2ec: {  	[sflag:s0] =	ssyncadd.tile.s32 @!p0 $0x1;
	_ =	shalt  }
.Lfunc_end2:
_tile_overlayer_lowered:
.L_overlay_start_2:
0x2ed: {  	(tag) =	ssettag $0x2  }
0x2ee: {  	s0 =	rddreg [dreg:$0x0];
	s2 =	stileid.u32  }
0x2ef: {  	s1 =	rddreg [dreg:$0x1];
	p0 =	sne.s32 s2, $0x0  }
0x2f0: {  	s3 =	rddreg [dreg:$0x2];
	[bflag:$0x3] =	sbarrier.arrive $0xFFFF;
	s2 =	simm.s32 @!p0 $0x1C04  }
0x2f1: {  	[timem:s3], [sflag:s2] =	dma.local @!p0 [hbm:s0], s1  }
0x2f2: {  	s0 =	simm.s32 @!p0 $0x4  }
0x2f3: {  	_ =	swait.ge @!p0 [sflag:s0], s1  }
0x2f4: {  	s1 =	ssub.s32 @!p0 $0x0, s1;
	[sflag:s0] =	ssyncset.done @!p0 $0x0  }
0x2f5: {  	[sflag:s0] =	ssyncadd.s32 @!p0 s1  }
0x2f6: {  	[bflag:$0x3] =	sbarrier.arrive $0xFFFF  }
0x2f7: {  	_ =	shalt  }

</sc_bundles>
